<compile_context>
chip_gen: v7x
topology: tpu7x:2x2x1
jax: 0.10.2.dev20260603
libtpu: 0.0.44.dev20260713+nightly
codegen_flags: <defaults>
</compile_context>

<pallas_src>
import functools

import jax
import jax.numpy as jnp
from jax import lax
from jax.experimental import pallas as pl
from jax.experimental.pallas import tpu as pltpu
from jax.experimental.pallas import tpu_sc as plsc

N_NODES = 50000
D = 256
M = 50000
F = 10000
G = 256

NC, NS, L = 2, 16, 16
NW = NC * NS
B = 8
NBUF = 7
NB = 196
CHUNK = B * NB
APAD = 1792
M_PAD = CHUNK * NW
FR = 640
F_PAD = FR * NS


def _iota():
    return lax.iota(jnp.int32, L)


def _bsearch(ref, size, v, upper):
    lo = jnp.zeros((L,), jnp.int32)
    hi = jnp.full((L,), size, jnp.int32)

    def step(_, lh):
        lo, hi = lh
        active = lo < hi
        mid = (lo + hi) // 2
        val = plsc.load_gather(ref, [jnp.minimum(mid, size - 1)])
        pred = (val <= v) if upper else (val < v)
        lo2 = jnp.where(active & pred, mid + 1, lo)
        hi2 = jnp.where(active & (~pred), mid, hi)
        return (lo2, hi2)

    lo, hi = lax.fori_loop(0, size.bit_length(), step, (lo, hi))
    return lo


def _prep_body(seg_hbm, bids_hbm, w_hbm, g_hbm, gcnt_hbm,
               seg_v, bids_v, fcnt_v, fct_v, w_v, gx_v, gcnt_v, fragsh):
    cid = lax.axis_index("c")
    sid = lax.axis_index("s")
    wid = sid * NC + cid
    base = wid * CHUNK

    pltpu.sync_copy(seg_hbm, seg_v)
    pltpu.sync_copy(bids_hbm, bids_v)

    fb = FR * sid

    def fc_body(g, _):
        f16 = jnp.minimum(fb + g * L + _iota(), F - 1)
        lb = _bsearch(seg_v, M_PAD, f16, upper=False)
        ub = _bsearch(seg_v, M_PAD, f16, upper=True)
        fcnt_v[pl.ds(g * L, L)] = (ub - lb).astype(jnp.float32)
        return 0

    lax.fori_loop(0, FR // L, fc_body, 0)
    pltpu.sync_copy(fcnt_v, fragsh.at[pl.ds(fb, FR)])

    gv16 = sid * L + _iota()
    glb = _bsearch(bids_v, F, gv16, upper=False)
    gub = _bsearch(bids_v, F, gv16, upper=True)
    gcnt_v[...] = (gub - glb).astype(jnp.float32)
    pltpu.sync_copy(gcnt_v, gcnt_hbm.at[cid, pl.ds(sid * L, L)])

    plsc.subcore_barrier()
    pltpu.sync_copy(fragsh, fct_v)

    def wg_body(k, _):
        seg16 = seg_v[pl.ds(base + k * L, L)]
        segc = jnp.minimum(seg16, F - 1)
        cnt = plsc.load_gather(fct_v, [segc])
        w = 1.0 / cnt
        pos = base + k * L + _iota()
        w_v[pl.ds(k * L, L)] = jnp.where(pos < M, w, 0.0)
        gi = plsc.load_gather(bids_v, [segc])
        gx_v[pl.ds(k * L, L)] = gi * D
        return 0

    lax.fori_loop(0, CHUNK // L, wg_body, 0)
    pltpu.sync_copy(w_v, w_hbm.at[pl.ds(base, CHUNK)])
    pltpu.sync_copy(gx_v, g_hbm.at[pl.ds(base, CHUNK)])


def _main_body(node_hbm, atom_hbm, w_hbm, g_hbm, part_hbm,
               acc_v, w_v, gx_v, atom_v, *rest):
    bufs = rest[:NBUF]
    sems = rest[NBUF:2 * NBUF]
    cid = lax.axis_index("c")
    sid = lax.axis_index("s")
    wid = sid * NC + cid
    base = wid * CHUNK

    pltpu.sync_copy(atom_hbm.at[wid], atom_v)
    pltpu.sync_copy(w_hbm.at[pl.ds(base, CHUNK)], w_v)
    pltpu.sync_copy(g_hbm.at[pl.ds(base, CHUNK)], gx_v)

    def fire(b, i):
        pltpu.async_copy(node_hbm.at[atom_v.at[b]], bufs[i], sems[i])

    def drain(i):
        pltpu.make_async_copy(node_hbm.at[atom_v.at[0]], bufs[i],
                              sems[i]).wait()

    for i in range(NBUF):
        fire(i, i)

    zv = jnp.zeros((L,), jnp.float32)

    def z_body(i, _):
        acc_v[pl.ds(i * L, L)] = zv
        return 0

    lax.fori_loop(0, (G * D) // L, z_body, 0)

    def process(b, buf):
        def row(r, _):
            e = b * B + r
            g16 = plsc.load_gather(gx_v, [jnp.broadcast_to(e, (L,))])
            w16 = plsc.load_gather(w_v, [jnp.broadcast_to(e, (L,))])
            idx0 = g16 + _iota()
            for q in range(D // 32):
                v = buf[r, pl.ds(q * L, L)]
                lo = plsc.bitcast(v << 16, jnp.float32)
                hi = plsc.bitcast(v & jnp.int32(-65536), jnp.float32)
                col0 = q * L
                plsc.addupdate_scatter(acc_v, [idx0 + col0], lo * w16)
                plsc.addupdate_scatter(acc_v, [idx0 + (col0 + 128)], hi * w16)
            return 0

        lax.fori_loop(0, B, row, 0)

    def ring(t, _):
        for i in range(NBUF):
            b = t * NBUF + i
            drain(i)
            process(b, bufs[i])
            fire(b + NBUF, i)
        return 0

    lax.fori_loop(0, NB // NBUF, ring, 0)
    for i in range(NBUF):
        drain(i)

    pltpu.sync_copy(acc_v, part_hbm.at[wid])


@functools.lru_cache(maxsize=None)
def _build_prep():
    return functools.partial(
        pl.kernel,
        out_type=[
            jax.ShapeDtypeStruct((M_PAD,), jnp.float32),
            jax.ShapeDtypeStruct((M_PAD,), jnp.int32),
            jax.ShapeDtypeStruct((NC, G), jnp.float32),
        ],
        mesh=plsc.VectorSubcoreMesh(core_axis_name="c", subcore_axis_name="s",
                                    num_cores=NC, num_subcores=NS),
        compiler_params=pltpu.CompilerParams(needs_layout_passes=False),
        scratch_types=[
            pltpu.VMEM((M_PAD,), jnp.int32),
            pltpu.VMEM((F,), jnp.int32),
            pltpu.VMEM((FR,), jnp.float32),
            pltpu.VMEM((F_PAD,), jnp.float32),
            pltpu.VMEM((CHUNK,), jnp.float32),
            pltpu.VMEM((CHUNK,), jnp.int32),
            pltpu.VMEM((L,), jnp.float32),
            pltpu.VMEM_SHARED((F_PAD,), jnp.float32),
        ],
    )(_prep_body)


@functools.lru_cache(maxsize=None)
def _build_main():
    return functools.partial(
        pl.kernel,
        out_type=jax.ShapeDtypeStruct((NW, G * D), jnp.float32),
        mesh=plsc.VectorSubcoreMesh(core_axis_name="c", subcore_axis_name="s",
                                    num_cores=NC, num_subcores=NS),
        compiler_params=pltpu.CompilerParams(needs_layout_passes=False),
        scratch_types=(
            [
                pltpu.VMEM((G * D,), jnp.float32),
                pltpu.VMEM((CHUNK,), jnp.float32),
                pltpu.VMEM((CHUNK,), jnp.int32),
                pltpu.VMEM((NB + NBUF, B), jnp.int32),
            ]
            + [pltpu.VMEM((B, D // 2), jnp.int32) for _ in range(NBUF)]
            + [pltpu.SemaphoreType.DMA for _ in range(NBUF)]
        ),
    )(_main_body)


def _cast_body(x_ref, o_ref):
    lobits = lax.bitcast_convert_type(
        x_ref[:, :128].astype(jnp.bfloat16).astype(jnp.float32), jnp.uint32)
    hibits = lax.bitcast_convert_type(
        x_ref[:, 128:].astype(jnp.bfloat16).astype(jnp.float32), jnp.uint32)
    o_ref[...] = ((lobits >> 16) | (hibits & jnp.uint32(0xFFFF0000))
                  ).astype(jnp.int32)


_CAST_ROWS = 2000
_cast = pl.pallas_call(
    _cast_body,
    grid=(N_NODES // _CAST_ROWS,),
    in_specs=[pl.BlockSpec((_CAST_ROWS, D), lambda i: (i, 0))],
    out_specs=pl.BlockSpec((_CAST_ROWS, D // 2), lambda i: (i, 0)),
    out_shape=jax.ShapeDtypeStruct((N_NODES, D // 2), jnp.int32),
)


def _combine_body(part_ref, gcnt_ref, out_ref):
    cnt = jnp.maximum(gcnt_ref[0], 1.0)
    out_ref[...] = jnp.sum(part_ref[...], axis=0) / cnt[:, None]


_combine = pl.pallas_call(
    _combine_body,
    out_shape=jax.ShapeDtypeStruct((G, D), jnp.float32),
)


def kernel(node_feature, group_atom_idxs_1d, macro_node_scatter_idxs,
           fragment_batch_ids):
    seg = jnp.pad(macro_node_scatter_idxs.astype(jnp.int32),
                  (0, M_PAD - M), constant_values=F)
    atom = jnp.pad(group_atom_idxs_1d.astype(jnp.int32),
                   (0, M_PAD - M)).reshape(NW, NB, B)
    atom = jnp.concatenate(
        [atom, jnp.zeros((NW, NBUF, B), jnp.int32)], axis=1)
    bids = fragment_batch_ids.astype(jnp.int32)

    w, gx, gcnt = _build_prep()(seg, bids)
    node_i32 = _cast(node_feature)
    part = _build_main()(node_i32, atom, w, gx)
    return _combine(part.reshape(NW, G, D), gcnt)

# --- scband reference (transcript-rebuilt; emitter-appended) ---
"""Pipeline reference for scband-fragment-pooling-read-out-80633716015125 (READ-ONLY COPY).

The authoritative reference and input builder live on the scoring server;
editing this copy changes nothing except your own understanding.
"""

import jax, jax.numpy as jnp
import numpy as np

N_NODES = 50000
D_MODEL = 256
M_IDX = 50000
N_FRAGS = 10000
N_GRAPHS = 256


def setup_inputs(seed: int = 0) -> dict:
    key = jax.random.key(seed)
    k1, k2, k3, k4 = jax.random.split(key, 4)
    node_feature = jax.random.normal(k1, (N_NODES, D_MODEL), dtype=jnp.float32)
    group_atom_idxs_1d = jax.random.randint(k2, (M_IDX,), 0, N_NODES)
    macro_node_scatter_idxs = jnp.sort(jax.random.randint(k3, (M_IDX,), 0, N_FRAGS))
    fragment_batch_ids = jnp.sort(jax.random.randint(k4, (N_FRAGS,), 0, N_GRAPHS))
    return {
        "node_feature": node_feature,
        "group_atom_idxs_1d": group_atom_idxs_1d,
        "macro_node_scatter_idxs": macro_node_scatter_idxs,
        "fragment_batch_ids": fragment_batch_ids,
    }


def reference(node_feature, group_atom_idxs_1d, macro_node_scatter_idxs, fragment_batch_ids):
    # SubgraphPooling: scatter-mean of gathered node features into fragments
    gathered = jnp.take(node_feature, group_atom_idxs_1d, axis=0)
    frag_sum = jax.ops.segment_sum(gathered, macro_node_scatter_idxs, num_segments=N_FRAGS)
    frag_cnt = jax.ops.segment_sum(
        jnp.ones((gathered.shape[0],), dtype=jnp.float32),
        macro_node_scatter_idxs,
        num_segments=N_FRAGS,
    )
    fragment_feature = frag_sum / jnp.maximum(frag_cnt, 1.0)[:, None]
    # dgl.readout_nodes(fragment_graph, '_pool_h', op='mean'): per-graph mean over fragments
    g_sum = jax.ops.segment_sum(fragment_feature, fragment_batch_ids, num_segments=N_GRAPHS)
    g_cnt = jax.ops.segment_sum(
        jnp.ones((N_FRAGS,), dtype=jnp.float32),
        fragment_batch_ids,
        num_segments=N_GRAPHS,
    )
    x = g_sum / jnp.maximum(g_cnt, 1.0)[:, None]
    return x

if __name__ == "__main__":
    import jax
    _d = setup_inputs()
    print(jax.jit(kernel)(*tuple(_d.values())))

</pallas_src>

<mosaic_0001>
#map = affine_map<(d0, d1) -> (0)>
#map1 = affine_map<(d0, d1) -> (0, 0)>
module attributes {stable_mosaic.version = 14 : i64} {
  func.func @_prep_body(%arg0: i32, %arg1: i32, %arg2: memref<50176xi32, #tpu.memory_space<hbm>>, %arg3: memref<10000xi32, #tpu.memory_space<hbm>>, %arg4: memref<50176xf32, #tpu.memory_space<hbm>>, %arg5: memref<50176xi32, #tpu.memory_space<hbm>>, %arg6: memref<2x256xf32, #tpu.memory_space<hbm>>, %arg7: memref<50176xi32, #tpu.memory_space<vmem>>, %arg8: memref<10000xi32, #tpu.memory_space<vmem>>, %arg9: memref<640xf32, #tpu.memory_space<vmem>>, %arg10: memref<10240xf32, #tpu.memory_space<vmem>>, %arg11: memref<1568xf32, #tpu.memory_space<vmem>>, %arg12: memref<1568xi32, #tpu.memory_space<vmem>>, %arg13: memref<16xf32, #tpu.memory_space<vmem>>, %arg14: memref<10240xf32, #tpu.memory_space<vmem_shared>>) attributes {dimension_semantics = [#tpu.dimension_semantics<core_parallel>, #tpu.dimension_semantics<subcore_parallel>], iteration_bounds = array<i64: 2, 16>, scalar_prefetch = 0 : i64, scratch_operands = 8 : i64, tpu.core_type = #tpu.core_type<sc_vector_subcore>, window_params = [{transform_indices = #map}, {transform_indices = #map}, {transform_indices = #map}, {transform_indices = #map}, {transform_indices = #map1}]} {
    %mul3A = arith.constant 2 : i32
    %mul3A_0 = arith.muli %arg1, %mul3A : i32
    %add3A = arith.addi %mul3A_0, %arg0 : i32
    %mul3A_1 = arith.constant 1568 : i32
    %mul3A_2 = arith.muli %add3A, %mul3A_1 : i32
    "tpu.region"() ({
      %run_scoped3A = tpu.sem_alloc : memref<!tpu.dma_semaphore, #tpu.memory_space<semaphore_mem>>
      tpu.enqueue_dma source(%arg2 : memref<50176xi32, #tpu.memory_space<hbm>>) target(%arg7 : memref<50176xi32, #tpu.memory_space<vmem>>) target_semaphore(%run_scoped3A : memref<!tpu.dma_semaphore, #tpu.memory_space<semaphore_mem>>)
      tpu.wait_dma2 semaphore(%run_scoped3A : memref<!tpu.dma_semaphore, #tpu.memory_space<semaphore_mem>>) src(%arg2 : memref<50176xi32, #tpu.memory_space<hbm>>) dst(%arg7 : memref<50176xi32, #tpu.memory_space<vmem>>)
      tpu.yield
    }) : () -> ()
    "tpu.region"() ({
      %run_scoped3A = tpu.sem_alloc : memref<!tpu.dma_semaphore, #tpu.memory_space<semaphore_mem>>
      tpu.enqueue_dma source(%arg3 : memref<10000xi32, #tpu.memory_space<hbm>>) target(%arg8 : memref<10000xi32, #tpu.memory_space<vmem>>) target_semaphore(%run_scoped3A : memref<!tpu.dma_semaphore, #tpu.memory_space<semaphore_mem>>)
      tpu.wait_dma2 semaphore(%run_scoped3A : memref<!tpu.dma_semaphore, #tpu.memory_space<semaphore_mem>>) src(%arg3 : memref<10000xi32, #tpu.memory_space<hbm>>) dst(%arg8 : memref<10000xi32, #tpu.memory_space<vmem>>)
      tpu.yield
    }) : () -> ()
    %mul3A_3 = arith.constant 640 : i32
    %mul3A_4 = arith.muli %mul3A_3, %arg1 : i32
    %scan3A = arith.constant 0 : i32
    %scan3A_5 = arith.constant 0 : i32
    %scan3A_6 = arith.constant 40 : i32
    %scan3A_7 = arith.addi %scan3A_5, %scan3A_6 : i32
    %scan3A_8 = arith.constant 1 : i32
    %scan3A_9 = scf.for %scan3A_44 = %scan3A_5 to %scan3A_7 step %scan3A_8 iter_args(%scan3A_45 = %scan3A) -> (i32)  : i32 {
      %mul3A_46 = arith.constant 16 : i32
      %mul3A_47 = arith.muli %scan3A_44, %mul3A_46 : i32
      %add3A_48 = arith.addi %mul3A_4, %mul3A_47 : i32
      %iota3A_49 = tpu.iota {dimensions = array<i32: 0>} : vector<16xi32>
      %add3A_50 = vector.broadcast %add3A_48 : i32 to vector<16xi32>
      %add3A_51 = arith.addi %add3A_50, %iota3A_49 : vector<16xi32>
      %min3A = arith.constant 9999 : i32
      %min3A_52 = vector.broadcast %min3A : i32 to vector<16xi32>
      %min3A_53 = arith.minsi %add3A_51, %min3A_52 : vector<16xi32>
      %broadcast_in_dim3A_54 = arith.constant 0 : i32
      %broadcast_in_dim3A_55 = vector.broadcast %broadcast_in_dim3A_54 : i32 to vector<16xi32>
      %broadcast_in_dim3A_56 = arith.constant 50176 : i32
      %broadcast_in_dim3A_57 = vector.broadcast %broadcast_in_dim3A_56 : i32 to vector<16xi32>
      %scan3A_58 = arith.constant 0 : i32
      %scan3A_59 = arith.constant 16 : i32
      %scan3A_60 = arith.addi %scan3A_58, %scan3A_59 : i32
      %scan3A_61 = arith.constant 1 : i32
      %scan3A_62:2 = scf.for %scan3A_81 = %scan3A_58 to %scan3A_60 step %scan3A_61 iter_args(%scan3A_82 = %broadcast_in_dim3A_55, %scan3A_83 = %broadcast_in_dim3A_57) -> (vector<16xi32>, vector<16xi32>)  : i32 {
        %lt3A = arith.cmpi slt, %scan3A_82, %scan3A_83 : vector<16xi32>
        %add3A_84 = arith.addi %scan3A_82, %scan3A_83 : vector<16xi32>
        %jit3A = arith.constant 2 : i32
        %div3A = vector.broadcast %jit3A : i32 to vector<16xi32>
        %div3A_85 = arith.divsi %add3A_84, %div3A : vector<16xi32>
        %sign3A = arith.constant 0 : i32
        %sign3A_86 = vector.broadcast %sign3A : i32 to vector<16xi32>
        %sign3A_87 = arith.cmpi sgt, %add3A_84, %sign3A_86 : vector<16xi32>
        %sign3A_88 = arith.extui %sign3A_87 : vector<16xi1> to vector<16xi32>
        %sign3A_89 = arith.constant 0 : i32
        %sign3A_90 = vector.broadcast %sign3A_89 : i32 to vector<16xi32>
        %sign3A_91 = arith.cmpi slt, %add3A_84, %sign3A_90 : vector<16xi32>
        %sign3A_92 = arith.extui %sign3A_91 : vector<16xi1> to vector<16xi32>
        %sign3A_93 = arith.subi %sign3A_88, %sign3A_92 : vector<16xi32>
        %sign3A_94 = arith.constant 0 : i32
        %sign3A_95 = arith.cmpi sgt, %jit3A, %sign3A_94 : i32
        %sign3A_96 = arith.extui %sign3A_95 : i1 to i32
        %sign3A_97 = arith.constant 0 : i32
        %sign3A_98 = arith.cmpi slt, %jit3A, %sign3A_97 : i32
        %sign3A_99 = arith.extui %sign3A_98 : i1 to i32
        %sign3A_100 = arith.subi %sign3A_96, %sign3A_99 : i32
        %ne3A = vector.broadcast %sign3A_100 : i32 to vector<16xi32>
        %ne3A_101 = arith.cmpi ne, %sign3A_93, %ne3A : vector<16xi32>
        %rem3A = vector.broadcast %jit3A : i32 to vector<16xi32>
        %rem3A_102 = arith.remsi %add3A_84, %rem3A : vector<16xi32>
        %ne3A_103 = arith.constant 0 : i32
        %ne3A_104 = vector.broadcast %ne3A_103 : i32 to vector<16xi32>
        %ne3A_105 = arith.cmpi ne, %rem3A_102, %ne3A_104 : vector<16xi32>
        %and3A = arith.andi %ne3A_101, %ne3A_105 : vector<16xi1>
        %sub3A_106 = arith.constant 1 : i32
        %sub3A_107 = vector.broadcast %sub3A_106 : i32 to vector<16xi32>
        %sub3A_108 = arith.subi %div3A_85, %sub3A_107 : vector<16xi32>
        %select_n3A = arith.select %and3A, %sub3A_108, %div3A_85 : vector<16xi1>, vector<16xi32>
        %min3A_109 = arith.constant 50175 : i32
        %min3A_110 = vector.broadcast %min3A_109 : i32 to vector<16xi32>
        %min3A_111 = arith.minsi %select_n3A, %min3A_110 : vector<16xi32>
        %gather3A = tpu.vector_load_idx %arg7[%min3A_111] : memref<50176xi32, #tpu.memory_space<vmem>>[vector<16xi32>], vector<16xi32>,
        %lt3A_112 = arith.cmpi slt, %gather3A, %min3A_53 : vector<16xi32>
        %and3A_113 = arith.andi %lt3A, %lt3A_112 : vector<16xi1>
        %add3A_114 = arith.constant 1 : i32
        %add3A_115 = vector.broadcast %add3A_114 : i32 to vector<16xi32>
        %add3A_116 = arith.addi %select_n3A, %add3A_115 : vector<16xi32>
        %select_n3A_117 = arith.select %and3A_113, %add3A_116, %scan3A_82 : vector<16xi1>, vector<16xi32>
        %not3A = arith.constant dense<true> : vector<16xi1>
        %not3A_118 = arith.xori %lt3A_112, %not3A : vector<16xi1>
        %and3A_119 = arith.andi %lt3A, %not3A_118 : vector<16xi1>
        %select_n3A_120 = arith.select %and3A_119, %select_n3A, %scan3A_83 : vector<16xi1>, vector<16xi32>
        scf.yield %select_n3A_117, %select_n3A_120 : vector<16xi32>, vector<16xi32>
      }
      %scan3A_63 = arith.constant 16 : i32
      %broadcast_in_dim3A_64 = arith.constant 0 : i32
      %broadcast_in_dim3A_65 = vector.broadcast %broadcast_in_dim3A_64 : i32 to vector<16xi32>
      %broadcast_in_dim3A_66 = arith.constant 50176 : i32
      %broadcast_in_dim3A_67 = vector.broadcast %broadcast_in_dim3A_66 : i32 to vector<16xi32>
      %scan3A_68 = arith.constant 0 : i32
      %scan3A_69 = arith.constant 16 : i32
      %scan3A_70 = arith.addi %scan3A_68, %scan3A_69 : i32
      %scan3A_71 = arith.constant 1 : i32
      %scan3A_72:2 = scf.for %scan3A_81 = %scan3A_68 to %scan3A_70 step %scan3A_71 iter_args(%scan3A_82 = %broadcast_in_dim3A_65, %scan3A_83 = %broadcast_in_dim3A_67) -> (vector<16xi32>, vector<16xi32>)  : i32 {
        %lt3A = arith.cmpi slt, %scan3A_82, %scan3A_83 : vector<16xi32>
        %add3A_84 = arith.addi %scan3A_82, %scan3A_83 : vector<16xi32>
        %jit3A = arith.constant 2 : i32
        %div3A = vector.broadcast %jit3A : i32 to vector<16xi32>
        %div3A_85 = arith.divsi %add3A_84, %div3A : vector<16xi32>
        %sign3A = arith.constant 0 : i32
        %sign3A_86 = vector.broadcast %sign3A : i32 to vector<16xi32>
        %sign3A_87 = arith.cmpi sgt, %add3A_84, %sign3A_86 : vector<16xi32>
        %sign3A_88 = arith.extui %sign3A_87 : vector<16xi1> to vector<16xi32>
        %sign3A_89 = arith.constant 0 : i32
        %sign3A_90 = vector.broadcast %sign3A_89 : i32 to vector<16xi32>
        %sign3A_91 = arith.cmpi slt, %add3A_84, %sign3A_90 : vector<16xi32>
        %sign3A_92 = arith.extui %sign3A_91 : vector<16xi1> to vector<16xi32>
        %sign3A_93 = arith.subi %sign3A_88, %sign3A_92 : vector<16xi32>
        %sign3A_94 = arith.constant 0 : i32
        %sign3A_95 = arith.cmpi sgt, %jit3A, %sign3A_94 : i32
        %sign3A_96 = arith.extui %sign3A_95 : i1 to i32
        %sign3A_97 = arith.constant 0 : i32
        %sign3A_98 = arith.cmpi slt, %jit3A, %sign3A_97 : i32
        %sign3A_99 = arith.extui %sign3A_98 : i1 to i32
        %sign3A_100 = arith.subi %sign3A_96, %sign3A_99 : i32
        %ne3A = vector.broadcast %sign3A_100 : i32 to vector<16xi32>
        %ne3A_101 = arith.cmpi ne, %sign3A_93, %ne3A : vector<16xi32>
        %rem3A = vector.broadcast %jit3A : i32 to vector<16xi32>
        %rem3A_102 = arith.remsi %add3A_84, %rem3A : vector<16xi32>
        %ne3A_103 = arith.constant 0 : i32
        %ne3A_104 = vector.broadcast %ne3A_103 : i32 to vector<16xi32>
        %ne3A_105 = arith.cmpi ne, %rem3A_102, %ne3A_104 : vector<16xi32>
        %and3A = arith.andi %ne3A_101, %ne3A_105 : vector<16xi1>
        %sub3A_106 = arith.constant 1 : i32
        %sub3A_107 = vector.broadcast %sub3A_106 : i32 to vector<16xi32>
        %sub3A_108 = arith.subi %div3A_85, %sub3A_107 : vector<16xi32>
        %select_n3A = arith.select %and3A, %sub3A_108, %div3A_85 : vector<16xi1>, vector<16xi32>
        %min3A_109 = arith.constant 50175 : i32
        %min3A_110 = vector.broadcast %min3A_109 : i32 to vector<16xi32>
        %min3A_111 = arith.minsi %select_n3A, %min3A_110 : vector<16xi32>
        %gather3A = tpu.vector_load_idx %arg7[%min3A_111] : memref<50176xi32, #tpu.memory_space<vmem>>[vector<16xi32>], vector<16xi32>,
        %le3A = arith.cmpi sle, %gather3A, %min3A_53 : vector<16xi32>
        %and3A_112 = arith.andi %lt3A, %le3A : vector<16xi1>
        %add3A_113 = arith.constant 1 : i32
        %add3A_114 = vector.broadcast %add3A_113 : i32 to vector<16xi32>
        %add3A_115 = arith.addi %select_n3A, %add3A_114 : vector<16xi32>
        %select_n3A_116 = arith.select %and3A_112, %add3A_115, %scan3A_82 : vector<16xi1>, vector<16xi32>
        %not3A = arith.constant dense<true> : vector<16xi1>
        %not3A_117 = arith.xori %le3A, %not3A : vector<16xi1>
        %and3A_118 = arith.andi %lt3A, %not3A_117 : vector<16xi1>
        %select_n3A_119 = arith.select %and3A_118, %select_n3A, %scan3A_83 : vector<16xi1>, vector<16xi32>
        scf.yield %select_n3A_116, %select_n3A_119 : vector<16xi32>, vector<16xi32>
      }
      %scan3A_73 = arith.constant 16 : i32
      %sub3A_74 = arith.subi %scan3A_72#0, %scan3A_62#0 : vector<16xi32>
      %convert_element_type3A_75 = arith.sitofp %sub3A_74 : vector<16xi32> to vector<16xf32>
      %mul3A_76 = arith.constant 16 : i32
      %mul3A_77 = arith.muli %scan3A_44, %mul3A_76 : i32
      %swap3A_78 = arith.index_cast %mul3A_77 : i32 to index
      %swap3A_79 = tpu.vector_load %arg9[%swap3A_78] {strides = array<i32>} : memref<640xf32, #tpu.memory_space<vmem>>, vector<16xf32>,
      tpu.vector_store %arg9[%swap3A_78], %convert_element_type3A_75 {strides = array<i32>} : memref<640xf32, #tpu.memory_space<vmem>>, vector<16xf32>,
      %scan3A_80 = arith.constant 0 : i32
      scf.yield %scan3A_80 : i32
    }
    %scan3A_10 = arith.constant 40 : i32
    "tpu.region"() ({
      %run_scoped3A = tpu.sem_alloc : memref<!tpu.dma_semaphore, #tpu.memory_space<semaphore_mem>>
      %dma_start3A = tpu.memref_slice %arg14[%mul3A_4] : memref<10240xf32, #tpu.memory_space<vmem_shared>> -> memref<640xf32, #tpu.memory_space<vmem_shared>>
      %dma_start3A_44 = tpu.memref_slice %arg14[%mul3A_4] : memref<10240xf32, #tpu.memory_space<vmem_shared>> -> memref<640xf32, #tpu.memory_space<vmem_shared>>
      tpu.enqueue_dma source(%arg9 : memref<640xf32, #tpu.memory_space<vmem>>) target(%dma_start3A_44 : memref<640xf32, #tpu.memory_space<vmem_shared>>) target_semaphore(%run_scoped3A : memref<!tpu.dma_semaphore, #tpu.memory_space<semaphore_mem>>)
      %dma_wait3A = tpu.memref_slice %arg14[%mul3A_4] : memref<10240xf32, #tpu.memory_space<vmem_shared>> -> memref<640xf32, #tpu.memory_space<vmem_shared>>
      %dma_wait3A_45 = tpu.memref_slice %arg14[%mul3A_4] : memref<10240xf32, #tpu.memory_space<vmem_shared>> -> memref<640xf32, #tpu.memory_space<vmem_shared>>
      tpu.wait_dma2 semaphore(%run_scoped3A : memref<!tpu.dma_semaphore, #tpu.memory_space<semaphore_mem>>) src(%arg9 : memref<640xf32, #tpu.memory_space<vmem>>) dst(%dma_wait3A_45 : memref<640xf32, #tpu.memory_space<vmem_shared>>)
      tpu.yield
    }) : () -> ()
    %mul3A_11 = arith.constant 16 : i32
    %mul3A_12 = arith.muli %arg1, %mul3A_11 : i32
    %iota3A = tpu.iota {dimensions = array<i32: 0>} : vector<16xi32>
    %add3A_13 = vector.broadcast %mul3A_12 : i32 to vector<16xi32>
    %add3A_14 = arith.addi %add3A_13, %iota3A : vector<16xi32>
    %broadcast_in_dim3A = arith.constant 0 : i32
    %broadcast_in_dim3A_15 = vector.broadcast %broadcast_in_dim3A : i32 to vector<16xi32>
    %broadcast_in_dim3A_16 = arith.constant 10000 : i32
    %broadcast_in_dim3A_17 = vector.broadcast %broadcast_in_dim3A_16 : i32 to vector<16xi32>
    %scan3A_18 = arith.constant 0 : i32
    %scan3A_19 = arith.constant 14 : i32
    %scan3A_20 = arith.addi %scan3A_18, %scan3A_19 : i32
    %scan3A_21 = arith.constant 1 : i32
    %scan3A_22:2 = scf.for %scan3A_44 = %scan3A_18 to %scan3A_20 step %scan3A_21 iter_args(%scan3A_45 = %broadcast_in_dim3A_15, %scan3A_46 = %broadcast_in_dim3A_17) -> (vector<16xi32>, vector<16xi32>)  : i32 {
      %lt3A = arith.cmpi slt, %scan3A_45, %scan3A_46 : vector<16xi32>
      %add3A_47 = arith.addi %scan3A_45, %scan3A_46 : vector<16xi32>
      %jit3A = arith.constant 2 : i32
      %div3A = vector.broadcast %jit3A : i32 to vector<16xi32>
      %div3A_48 = arith.divsi %add3A_47, %div3A : vector<16xi32>
      %sign3A = arith.constant 0 : i32
      %sign3A_49 = vector.broadcast %sign3A : i32 to vector<16xi32>
      %sign3A_50 = arith.cmpi sgt, %add3A_47, %sign3A_49 : vector<16xi32>
      %sign3A_51 = arith.extui %sign3A_50 : vector<16xi1> to vector<16xi32>
      %sign3A_52 = arith.constant 0 : i32
      %sign3A_53 = vector.broadcast %sign3A_52 : i32 to vector<16xi32>
      %sign3A_54 = arith.cmpi slt, %add3A_47, %sign3A_53 : vector<16xi32>
      %sign3A_55 = arith.extui %sign3A_54 : vector<16xi1> to vector<16xi32>
      %sign3A_56 = arith.subi %sign3A_51, %sign3A_55 : vector<16xi32>
      %sign3A_57 = arith.constant 0 : i32
      %sign3A_58 = arith.cmpi sgt, %jit3A, %sign3A_57 : i32
      %sign3A_59 = arith.extui %sign3A_58 : i1 to i32
      %sign3A_60 = arith.constant 0 : i32
      %sign3A_61 = arith.cmpi slt, %jit3A, %sign3A_60 : i32
      %sign3A_62 = arith.extui %sign3A_61 : i1 to i32
      %sign3A_63 = arith.subi %sign3A_59, %sign3A_62 : i32
      %ne3A = vector.broadcast %sign3A_63 : i32 to vector<16xi32>
      %ne3A_64 = arith.cmpi ne, %sign3A_56, %ne3A : vector<16xi32>
      %rem3A = vector.broadcast %jit3A : i32 to vector<16xi32>
      %rem3A_65 = arith.remsi %add3A_47, %rem3A : vector<16xi32>
      %ne3A_66 = arith.constant 0 : i32
      %ne3A_67 = vector.broadcast %ne3A_66 : i32 to vector<16xi32>
      %ne3A_68 = arith.cmpi ne, %rem3A_65, %ne3A_67 : vector<16xi32>
      %and3A = arith.andi %ne3A_64, %ne3A_68 : vector<16xi1>
      %sub3A_69 = arith.constant 1 : i32
      %sub3A_70 = vector.broadcast %sub3A_69 : i32 to vector<16xi32>
      %sub3A_71 = arith.subi %div3A_48, %sub3A_70 : vector<16xi32>
      %select_n3A = arith.select %and3A, %sub3A_71, %div3A_48 : vector<16xi1>, vector<16xi32>
      %min3A = arith.constant 9999 : i32
      %min3A_72 = vector.broadcast %min3A : i32 to vector<16xi32>
      %min3A_73 = arith.minsi %select_n3A, %min3A_72 : vector<16xi32>
      %gather3A = tpu.vector_load_idx %arg8[%min3A_73] : memref<10000xi32, #tpu.memory_space<vmem>>[vector<16xi32>], vector<16xi32>,
      %lt3A_74 = arith.cmpi slt, %gather3A, %add3A_14 : vector<16xi32>
      %and3A_75 = arith.andi %lt3A, %lt3A_74 : vector<16xi1>
      %add3A_76 = arith.constant 1 : i32
      %add3A_77 = vector.broadcast %add3A_76 : i32 to vector<16xi32>
      %add3A_78 = arith.addi %select_n3A, %add3A_77 : vector<16xi32>
      %select_n3A_79 = arith.select %and3A_75, %add3A_78, %scan3A_45 : vector<16xi1>, vector<16xi32>
      %not3A = arith.constant dense<true> : vector<16xi1>
      %not3A_80 = arith.xori %lt3A_74, %not3A : vector<16xi1>
      %and3A_81 = arith.andi %lt3A, %not3A_80 : vector<16xi1>
      %select_n3A_82 = arith.select %and3A_81, %select_n3A, %scan3A_46 : vector<16xi1>, vector<16xi32>
      scf.yield %select_n3A_79, %select_n3A_82 : vector<16xi32>, vector<16xi32>
    }
    %scan3A_23 = arith.constant 14 : i32
    %broadcast_in_dim3A_24 = arith.constant 0 : i32
    %broadcast_in_dim3A_25 = vector.broadcast %broadcast_in_dim3A_24 : i32 to vector<16xi32>
    %broadcast_in_dim3A_26 = arith.constant 10000 : i32
    %broadcast_in_dim3A_27 = vector.broadcast %broadcast_in_dim3A_26 : i32 to vector<16xi32>
    %scan3A_28 = arith.constant 0 : i32
    %scan3A_29 = arith.constant 14 : i32
    %scan3A_30 = arith.addi %scan3A_28, %scan3A_29 : i32
    %scan3A_31 = arith.constant 1 : i32
    %scan3A_32:2 = scf.for %scan3A_44 = %scan3A_28 to %scan3A_30 step %scan3A_31 iter_args(%scan3A_45 = %broadcast_in_dim3A_25, %scan3A_46 = %broadcast_in_dim3A_27) -> (vector<16xi32>, vector<16xi32>)  : i32 {
      %lt3A = arith.cmpi slt, %scan3A_45, %scan3A_46 : vector<16xi32>
      %add3A_47 = arith.addi %scan3A_45, %scan3A_46 : vector<16xi32>
      %jit3A = arith.constant 2 : i32
      %div3A = vector.broadcast %jit3A : i32 to vector<16xi32>
      %div3A_48 = arith.divsi %add3A_47, %div3A : vector<16xi32>
      %sign3A = arith.constant 0 : i32
      %sign3A_49 = vector.broadcast %sign3A : i32 to vector<16xi32>
      %sign3A_50 = arith.cmpi sgt, %add3A_47, %sign3A_49 : vector<16xi32>
      %sign3A_51 = arith.extui %sign3A_50 : vector<16xi1> to vector<16xi32>
      %sign3A_52 = arith.constant 0 : i32
      %sign3A_53 = vector.broadcast %sign3A_52 : i32 to vector<16xi32>
      %sign3A_54 = arith.cmpi slt, %add3A_47, %sign3A_53 : vector<16xi32>
      %sign3A_55 = arith.extui %sign3A_54 : vector<16xi1> to vector<16xi32>
      %sign3A_56 = arith.subi %sign3A_51, %sign3A_55 : vector<16xi32>
      %sign3A_57 = arith.constant 0 : i32
      %sign3A_58 = arith.cmpi sgt, %jit3A, %sign3A_57 : i32
      %sign3A_59 = arith.extui %sign3A_58 : i1 to i32
      %sign3A_60 = arith.constant 0 : i32
      %sign3A_61 = arith.cmpi slt, %jit3A, %sign3A_60 : i32
      %sign3A_62 = arith.extui %sign3A_61 : i1 to i32
      %sign3A_63 = arith.subi %sign3A_59, %sign3A_62 : i32
      %ne3A = vector.broadcast %sign3A_63 : i32 to vector<16xi32>
      %ne3A_64 = arith.cmpi ne, %sign3A_56, %ne3A : vector<16xi32>
      %rem3A = vector.broadcast %jit3A : i32 to vector<16xi32>
      %rem3A_65 = arith.remsi %add3A_47, %rem3A : vector<16xi32>
      %ne3A_66 = arith.constant 0 : i32
      %ne3A_67 = vector.broadcast %ne3A_66 : i32 to vector<16xi32>
      %ne3A_68 = arith.cmpi ne, %rem3A_65, %ne3A_67 : vector<16xi32>
      %and3A = arith.andi %ne3A_64, %ne3A_68 : vector<16xi1>
      %sub3A_69 = arith.constant 1 : i32
      %sub3A_70 = vector.broadcast %sub3A_69 : i32 to vector<16xi32>
      %sub3A_71 = arith.subi %div3A_48, %sub3A_70 : vector<16xi32>
      %select_n3A = arith.select %and3A, %sub3A_71, %div3A_48 : vector<16xi1>, vector<16xi32>
      %min3A = arith.constant 9999 : i32
      %min3A_72 = vector.broadcast %min3A : i32 to vector<16xi32>
      %min3A_73 = arith.minsi %select_n3A, %min3A_72 : vector<16xi32>
      %gather3A = tpu.vector_load_idx %arg8[%min3A_73] : memref<10000xi32, #tpu.memory_space<vmem>>[vector<16xi32>], vector<16xi32>,
      %le3A = arith.cmpi sle, %gather3A, %add3A_14 : vector<16xi32>
      %and3A_74 = arith.andi %lt3A, %le3A : vector<16xi1>
      %add3A_75 = arith.constant 1 : i32
      %add3A_76 = vector.broadcast %add3A_75 : i32 to vector<16xi32>
      %add3A_77 = arith.addi %select_n3A, %add3A_76 : vector<16xi32>
      %select_n3A_78 = arith.select %and3A_74, %add3A_77, %scan3A_45 : vector<16xi1>, vector<16xi32>
      %not3A = arith.constant dense<true> : vector<16xi1>
      %not3A_79 = arith.xori %le3A, %not3A : vector<16xi1>
      %and3A_80 = arith.andi %lt3A, %not3A_79 : vector<16xi1>
      %select_n3A_81 = arith.select %and3A_80, %select_n3A, %scan3A_46 : vector<16xi1>, vector<16xi32>
      scf.yield %select_n3A_78, %select_n3A_81 : vector<16xi32>, vector<16xi32>
    }
    %scan3A_33 = arith.constant 14 : i32
    %sub3A = arith.subi %scan3A_32#0, %scan3A_22#0 : vector<16xi32>
    %convert_element_type3A = arith.sitofp %sub3A : vector<16xi32> to vector<16xf32>
    %swap3A = arith.constant 0 : index
    %swap3A_34 = tpu.vector_load %arg13[%swap3A] {strides = array<i32>} : memref<16xf32, #tpu.memory_space<vmem>>, vector<16xf32>,
    tpu.vector_store %arg13[%swap3A], %convert_element_type3A {strides = array<i32>} : memref<16xf32, #tpu.memory_space<vmem>>, vector<16xf32>,
    %mul3A_35 = arith.constant 16 : i32
    %mul3A_36 = arith.muli %arg1, %mul3A_35 : i32
    "tpu.region"() ({
      %run_scoped3A = tpu.sem_alloc : memref<!tpu.dma_semaphore, #tpu.memory_space<semaphore_mem>>
      %dma_start3A = tpu.memref_slice %arg6[%arg0, %mul3A_36] : memref<2x256xf32, #tpu.memory_space<hbm>> -> memref<1x16xf32, #tpu.memory_space<hbm>>
      %dma_start3A_44 = tpu.memref_squeeze %dma_start3A : memref<1x16xf32, #tpu.memory_space<hbm>> -> memref<16xf32, #tpu.memory_space<hbm>>
      %dma_start3A_45 = tpu.memref_slice %arg6[%arg0, %mul3A_36] : memref<2x256xf32, #tpu.memory_space<hbm>> -> memref<1x16xf32, #tpu.memory_space<hbm>>
      %dma_start3A_46 = tpu.memref_squeeze %dma_start3A_45 : memref<1x16xf32, #tpu.memory_space<hbm>> -> memref<16xf32, #tpu.memory_space<hbm>>
      tpu.enqueue_dma source(%arg13 : memref<16xf32, #tpu.memory_space<vmem>>) target(%dma_start3A_46 : memref<16xf32, #tpu.memory_space<hbm>>) target_semaphore(%run_scoped3A : memref<!tpu.dma_semaphore, #tpu.memory_space<semaphore_mem>>)
      %dma_wait3A = tpu.memref_slice %arg6[%arg0, %mul3A_36] : memref<2x256xf32, #tpu.memory_space<hbm>> -> memref<1x16xf32, #tpu.memory_space<hbm>>
      %dma_wait3A_47 = tpu.memref_squeeze %dma_wait3A : memref<1x16xf32, #tpu.memory_space<hbm>> -> memref<16xf32, #tpu.memory_space<hbm>>
      %dma_wait3A_48 = tpu.memref_slice %arg6[%arg0, %mul3A_36] : memref<2x256xf32, #tpu.memory_space<hbm>> -> memref<1x16xf32, #tpu.memory_space<hbm>>
      %dma_wait3A_49 = tpu.memref_squeeze %dma_wait3A_48 : memref<1x16xf32, #tpu.memory_space<hbm>> -> memref<16xf32, #tpu.memory_space<hbm>>
      tpu.wait_dma2 semaphore(%run_scoped3A : memref<!tpu.dma_semaphore, #tpu.memory_space<semaphore_mem>>) src(%arg13 : memref<16xf32, #tpu.memory_space<vmem>>) dst(%dma_wait3A_49 : memref<16xf32, #tpu.memory_space<hbm>>)
      tpu.yield
    }) : () -> ()
    %barrier3A = arith.constant 0 : index
    tpu.barrier barrier_id(%barrier3A)
    "tpu.region"() ({
      %run_scoped3A = tpu.sem_alloc : memref<!tpu.dma_semaphore, #tpu.memory_space<semaphore_mem>>
      tpu.enqueue_dma source(%arg14 : memref<10240xf32, #tpu.memory_space<vmem_shared>>) target(%arg10 : memref<10240xf32, #tpu.memory_space<vmem>>) target_semaphore(%run_scoped3A : memref<!tpu.dma_semaphore, #tpu.memory_space<semaphore_mem>>)
      tpu.wait_dma2 semaphore(%run_scoped3A : memref<!tpu.dma_semaphore, #tpu.memory_space<semaphore_mem>>) src(%arg14 : memref<10240xf32, #tpu.memory_space<vmem_shared>>) dst(%arg10 : memref<10240xf32, #tpu.memory_space<vmem>>)
      tpu.yield
    }) : () -> ()
    %scan3A_37 = arith.constant 0 : i32
    %scan3A_38 = arith.constant 0 : i32
    %scan3A_39 = arith.constant 98 : i32
    %scan3A_40 = arith.addi %scan3A_38, %scan3A_39 : i32
    %scan3A_41 = arith.constant 1 : i32
    %scan3A_42 = scf.for %scan3A_44 = %scan3A_38 to %scan3A_40 step %scan3A_41 iter_args(%scan3A_45 = %scan3A_37) -> (i32)  : i32 {
      %mul3A_46 = arith.constant 16 : i32
      %mul3A_47 = arith.muli %scan3A_44, %mul3A_46 : i32
      %add3A_48 = arith.addi %mul3A_2, %mul3A_47 : i32
      %get3A = arith.index_cast %add3A_48 : i32 to index
      %get3A_49 = tpu.vector_load %arg7[%get3A] {strides = array<i32>} : memref<50176xi32, #tpu.memory_space<vmem>>, vector<16xi32>,
      %min3A = arith.constant 9999 : i32
      %min3A_50 = vector.broadcast %min3A : i32 to vector<16xi32>
      %min3A_51 = arith.minsi %get3A_49, %min3A_50 : vector<16xi32>
      %gather3A = tpu.vector_load_idx %arg10[%min3A_51] : memref<10240xf32, #tpu.memory_space<vmem>>[vector<16xi32>], vector<16xf32>,
      %div3A = arith.constant 1.000000e+00 : f32
      %div3A_52 = vector.broadcast %div3A : f32 to vector<16xf32>
      %div3A_53 = arith.divf %div3A_52, %gather3A : vector<16xf32>
      %mul3A_54 = arith.constant 16 : i32
      %mul3A_55 = arith.muli %scan3A_44, %mul3A_54 : i32
      %add3A_56 = arith.addi %mul3A_2, %mul3A_55 : i32
      %iota3A_57 = tpu.iota {dimensions = array<i32: 0>} : vector<16xi32>
      %add3A_58 = vector.broadcast %add3A_56 : i32 to vector<16xi32>
      %add3A_59 = arith.addi %add3A_58, %iota3A_57 : vector<16xi32>
      %lt3A = arith.constant 50000 : i32
      %lt3A_60 = vector.broadcast %lt3A : i32 to vector<16xi32>
      %lt3A_61 = arith.cmpi slt, %add3A_59, %lt3A_60 : vector<16xi32>
      %jit3A = arith.constant 0.000000e+00 : f32
      %broadcast_in_dim3A_62 = vector.broadcast %jit3A : f32 to vector<16xf32>
      %select_n3A = arith.select %lt3A_61, %div3A_53, %broadcast_in_dim3A_62 : vector<16xi1>, vector<16xf32>
      %mul3A_63 = arith.constant 16 : i32
      %mul3A_64 = arith.muli %scan3A_44, %mul3A_63 : i32
      %swap3A_65 = arith.index_cast %mul3A_64 : i32 to index
      %swap3A_66 = tpu.vector_load %arg11[%swap3A_65] {strides = array<i32>} : memref<1568xf32, #tpu.memory_space<vmem>>, vector<16xf32>,
      tpu.vector_store %arg11[%swap3A_65], %select_n3A {strides = array<i32>} : memref<1568xf32, #tpu.memory_space<vmem>>, vector<16xf32>,
      %gather3A_67 = tpu.vector_load_idx %arg8[%min3A_51] : memref<10000xi32, #tpu.memory_space<vmem>>[vector<16xi32>], vector<16xi32>,
      %mul3A_68 = arith.constant 256 : i32
      %mul3A_69 = vector.broadcast %mul3A_68 : i32 to vector<16xi32>
      %mul3A_70 = arith.muli %gather3A_67, %mul3A_69 : vector<16xi32>
      %mul3A_71 = arith.constant 16 : i32
      %mul3A_72 = arith.muli %scan3A_44, %mul3A_71 : i32
      %swap3A_73 = arith.index_cast %mul3A_72 : i32 to index
      %swap3A_74 = tpu.vector_load %arg12[%swap3A_73] {strides = array<i32>} : memref<1568xi32, #tpu.memory_space<vmem>>, vector<16xi32>,
      tpu.vector_store %arg12[%swap3A_73], %mul3A_70 {strides = array<i32>} : memref<1568xi32, #tpu.memory_space<vmem>>, vector<16xi32>,
      %scan3A_75 = arith.constant 0 : i32
      scf.yield %scan3A_75 : i32
    }
    %scan3A_43 = arith.constant 98 : i32
    "tpu.region"() ({
      %run_scoped3A = tpu.sem_alloc : memref<!tpu.dma_semaphore, #tpu.memory_space<semaphore_mem>>
      %dma_start3A = tpu.memref_slice %arg4[%mul3A_2] : memref<50176xf32, #tpu.memory_space<hbm>> -> memref<1568xf32, #tpu.memory_space<hbm>>
      %dma_start3A_44 = tpu.memref_slice %arg4[%mul3A_2] : memref<50176xf32, #tpu.memory_space<hbm>> -> memref<1568xf32, #tpu.memory_space<hbm>>
      tpu.enqueue_dma source(%arg11 : memref<1568xf32, #tpu.memory_space<vmem>>) target(%dma_start3A_44 : memref<1568xf32, #tpu.memory_space<hbm>>) target_semaphore(%run_scoped3A : memref<!tpu.dma_semaphore, #tpu.memory_space<semaphore_mem>>)
      %dma_wait3A = tpu.memref_slice %arg4[%mul3A_2] : memref<50176xf32, #tpu.memory_space<hbm>> -> memref<1568xf32, #tpu.memory_space<hbm>>
      %dma_wait3A_45 = tpu.memref_slice %arg4[%mul3A_2] : memref<50176xf32, #tpu.memory_space<hbm>> -> memref<1568xf32, #tpu.memory_space<hbm>>
      tpu.wait_dma2 semaphore(%run_scoped3A : memref<!tpu.dma_semaphore, #tpu.memory_space<semaphore_mem>>) src(%arg11 : memref<1568xf32, #tpu.memory_space<vmem>>) dst(%dma_wait3A_45 : memref<1568xf32, #tpu.memory_space<hbm>>)
      tpu.yield
    }) : () -> ()
    "tpu.region"() ({
      %run_scoped3A = tpu.sem_alloc : memref<!tpu.dma_semaphore, #tpu.memory_space<semaphore_mem>>
      %dma_start3A = tpu.memref_slice %arg5[%mul3A_2] : memref<50176xi32, #tpu.memory_space<hbm>> -> memref<1568xi32, #tpu.memory_space<hbm>>
      %dma_start3A_44 = tpu.memref_slice %arg5[%mul3A_2] : memref<50176xi32, #tpu.memory_space<hbm>> -> memref<1568xi32, #tpu.memory_space<hbm>>
      tpu.enqueue_dma source(%arg12 : memref<1568xi32, #tpu.memory_space<vmem>>) target(%dma_start3A_44 : memref<1568xi32, #tpu.memory_space<hbm>>) target_semaphore(%run_scoped3A : memref<!tpu.dma_semaphore, #tpu.memory_space<semaphore_mem>>)
      %dma_wait3A = tpu.memref_slice %arg5[%mul3A_2] : memref<50176xi32, #tpu.memory_space<hbm>> -> memref<1568xi32, #tpu.memory_space<hbm>>
      %dma_wait3A_45 = tpu.memref_slice %arg5[%mul3A_2] : memref<50176xi32, #tpu.memory_space<hbm>> -> memref<1568xi32, #tpu.memory_space<hbm>>
      tpu.wait_dma2 semaphore(%run_scoped3A : memref<!tpu.dma_semaphore, #tpu.memory_space<semaphore_mem>>) src(%arg12 : memref<1568xi32, #tpu.memory_space<vmem>>) dst(%dma_wait3A_45 : memref<1568xi32, #tpu.memory_space<hbm>>)
      tpu.yield
    }) : () -> ()
    return
  }
}

#map = affine_map<(d0, d1) -> (0, 0)>
#map1 = affine_map<(d0, d1) -> (0, 0, 0)>
#map2 = affine_map<(d0, d1) -> (0)>
module attributes {stable_mosaic.version = 14 : i64} {
  func.func @_main_body(%arg0: i32, %arg1: i32, %arg2: memref<50000x128xi32, #tpu.memory_space<hbm>>, %arg3: memref<32x203x8xi32, #tpu.memory_space<hbm>>, %arg4: memref<50176xf32, #tpu.memory_space<hbm>>, %arg5: memref<50176xi32, #tpu.memory_space<hbm>>, %arg6: memref<32x65536xf32, #tpu.memory_space<hbm>>, %arg7: memref<65536xf32, #tpu.memory_space<vmem>>, %arg8: memref<1568xf32, #tpu.memory_space<vmem>>, %arg9: memref<1568xi32, #tpu.memory_space<vmem>>, %arg10: memref<203x8xi32, #tpu.memory_space<vmem>>, %arg11: memref<8x128xi32, #tpu.memory_space<vmem>>, %arg12: memref<8x128xi32, #tpu.memory_space<vmem>>, %arg13: memref<8x128xi32, #tpu.memory_space<vmem>>, %arg14: memref<8x128xi32, #tpu.memory_space<vmem>>, %arg15: memref<8x128xi32, #tpu.memory_space<vmem>>, %arg16: memref<8x128xi32, #tpu.memory_space<vmem>>, %arg17: memref<8x128xi32, #tpu.memory_space<vmem>>, %arg18: memref<!tpu.dma_semaphore, #tpu.memory_space<semaphore_mem>>, %arg19: memref<!tpu.dma_semaphore, #tpu.memory_space<semaphore_mem>>, %arg20: memref<!tpu.dma_semaphore, #tpu.memory_space<semaphore_mem>>, %arg21: memref<!tpu.dma_semaphore, #tpu.memory_space<semaphore_mem>>, %arg22: memref<!tpu.dma_semaphore, #tpu.memory_space<semaphore_mem>>, %arg23: memref<!tpu.dma_semaphore, #tpu.memory_space<semaphore_mem>>, %arg24: memref<!tpu.dma_semaphore, #tpu.memory_space<semaphore_mem>>) attributes {dimension_semantics = [#tpu.dimension_semantics<core_parallel>, #tpu.dimension_semantics<subcore_parallel>], iteration_bounds = array<i64: 2, 16>, scalar_prefetch = 0 : i64, scratch_operands = 18 : i64, tpu.core_type = #tpu.core_type<sc_vector_subcore>, window_params = [{transform_indices = #map}, {transform_indices = #map1}, {transform_indices = #map2}, {transform_indices = #map2}, {transform_indices = #map}]} {
    %mul3A = arith.constant 2 : i32
    %mul3A_0 = arith.muli %arg1, %mul3A : i32
    %add3A = arith.addi %mul3A_0, %arg0 : i32
    %mul3A_1 = arith.constant 1568 : i32
    %mul3A_2 = arith.muli %add3A, %mul3A_1 : i32
    "tpu.region"() ({
      %run_scoped3A = tpu.sem_alloc : memref<!tpu.dma_semaphore, #tpu.memory_space<semaphore_mem>>
      %dma_start3A_113 = arith.constant 0 : i32
      %dma_start3A_114 = arith.constant 0 : i32
      %dma_start3A_115 = tpu.memref_slice %arg3[%add3A, %dma_start3A_113, %dma_start3A_114] : memref<32x203x8xi32, #tpu.memory_space<hbm>> -> memref<1x203x8xi32, #tpu.memory_space<hbm>>
      %dma_start3A_116 = tpu.memref_squeeze %dma_start3A_115 : memref<1x203x8xi32, #tpu.memory_space<hbm>> -> memref<203x8xi32, #tpu.memory_space<hbm>>
      %dma_start3A_117 = arith.constant 0 : i32
      %dma_start3A_118 = arith.constant 0 : i32
      %dma_start3A_119 = tpu.memref_slice %arg3[%add3A, %dma_start3A_117, %dma_start3A_118] : memref<32x203x8xi32, #tpu.memory_space<hbm>> -> memref<1x203x8xi32, #tpu.memory_space<hbm>>
      %dma_start3A_120 = tpu.memref_squeeze %dma_start3A_119 : memref<1x203x8xi32, #tpu.memory_space<hbm>> -> memref<203x8xi32, #tpu.memory_space<hbm>>
      tpu.enqueue_dma source(%dma_start3A_120 : memref<203x8xi32, #tpu.memory_space<hbm>>) target(%arg10 : memref<203x8xi32, #tpu.memory_space<vmem>>) target_semaphore(%run_scoped3A : memref<!tpu.dma_semaphore, #tpu.memory_space<semaphore_mem>>)
      %dma_wait3A_121 = arith.constant 0 : i32
      %dma_wait3A_122 = arith.constant 0 : i32
      %dma_wait3A_123 = tpu.memref_slice %arg3[%add3A, %dma_wait3A_121, %dma_wait3A_122] : memref<32x203x8xi32, #tpu.memory_space<hbm>> -> memref<1x203x8xi32, #tpu.memory_space<hbm>>
      %dma_wait3A_124 = tpu.memref_squeeze %dma_wait3A_123 : memref<1x203x8xi32, #tpu.memory_space<hbm>> -> memref<203x8xi32, #tpu.memory_space<hbm>>
      %dma_wait3A_125 = arith.constant 0 : i32
      %dma_wait3A_126 = arith.constant 0 : i32
      %dma_wait3A_127 = tpu.memref_slice %arg3[%add3A, %dma_wait3A_125, %dma_wait3A_126] : memref<32x203x8xi32, #tpu.memory_space<hbm>> -> memref<1x203x8xi32, #tpu.memory_space<hbm>>
      %dma_wait3A_128 = tpu.memref_squeeze %dma_wait3A_127 : memref<1x203x8xi32, #tpu.memory_space<hbm>> -> memref<203x8xi32, #tpu.memory_space<hbm>>
      tpu.wait_dma2 semaphore(%run_scoped3A : memref<!tpu.dma_semaphore, #tpu.memory_space<semaphore_mem>>) src(%dma_wait3A_128 : memref<203x8xi32, #tpu.memory_space<hbm>>) dst(%arg10 : memref<203x8xi32, #tpu.memory_space<vmem>>)
      tpu.yield
    }) : () -> ()
    "tpu.region"() ({
      %run_scoped3A = tpu.sem_alloc : memref<!tpu.dma_semaphore, #tpu.memory_space<semaphore_mem>>
      %dma_start3A_113 = tpu.memref_slice %arg4[%mul3A_2] : memref<50176xf32, #tpu.memory_space<hbm>> -> memref<1568xf32, #tpu.memory_space<hbm>>
      %dma_start3A_114 = tpu.memref_slice %arg4[%mul3A_2] : memref<50176xf32, #tpu.memory_space<hbm>> -> memref<1568xf32, #tpu.memory_space<hbm>>
      tpu.enqueue_dma source(%dma_start3A_114 : memref<1568xf32, #tpu.memory_space<hbm>>) target(%arg8 : memref<1568xf32, #tpu.memory_space<vmem>>) target_semaphore(%run_scoped3A : memref<!tpu.dma_semaphore, #tpu.memory_space<semaphore_mem>>)
      %dma_wait3A_115 = tpu.memref_slice %arg4[%mul3A_2] : memref<50176xf32, #tpu.memory_space<hbm>> -> memref<1568xf32, #tpu.memory_space<hbm>>
      %dma_wait3A_116 = tpu.memref_slice %arg4[%mul3A_2] : memref<50176xf32, #tpu.memory_space<hbm>> -> memref<1568xf32, #tpu.memory_space<hbm>>
      tpu.wait_dma2 semaphore(%run_scoped3A : memref<!tpu.dma_semaphore, #tpu.memory_space<semaphore_mem>>) src(%dma_wait3A_116 : memref<1568xf32, #tpu.memory_space<hbm>>) dst(%arg8 : memref<1568xf32, #tpu.memory_space<vmem>>)
      tpu.yield
    }) : () -> ()
    "tpu.region"() ({
      %run_scoped3A = tpu.sem_alloc : memref<!tpu.dma_semaphore, #tpu.memory_space<semaphore_mem>>
      %dma_start3A_113 = tpu.memref_slice %arg5[%mul3A_2] : memref<50176xi32, #tpu.memory_space<hbm>> -> memref<1568xi32, #tpu.memory_space<hbm>>
      %dma_start3A_114 = tpu.memref_slice %arg5[%mul3A_2] : memref<50176xi32, #tpu.memory_space<hbm>> -> memref<1568xi32, #tpu.memory_space<hbm>>
      tpu.enqueue_dma source(%dma_start3A_114 : memref<1568xi32, #tpu.memory_space<hbm>>) target(%arg9 : memref<1568xi32, #tpu.memory_space<vmem>>) target_semaphore(%run_scoped3A : memref<!tpu.dma_semaphore, #tpu.memory_space<semaphore_mem>>)
      %dma_wait3A_115 = tpu.memref_slice %arg5[%mul3A_2] : memref<50176xi32, #tpu.memory_space<hbm>> -> memref<1568xi32, #tpu.memory_space<hbm>>
      %dma_wait3A_116 = tpu.memref_slice %arg5[%mul3A_2] : memref<50176xi32, #tpu.memory_space<hbm>> -> memref<1568xi32, #tpu.memory_space<hbm>>
      tpu.wait_dma2 semaphore(%run_scoped3A : memref<!tpu.dma_semaphore, #tpu.memory_space<semaphore_mem>>) src(%dma_wait3A_116 : memref<1568xi32, #tpu.memory_space<hbm>>) dst(%arg9 : memref<1568xi32, #tpu.memory_space<vmem>>)
      tpu.yield
    }) : () -> ()
    %dma_start3A = arith.constant 0 : i32
    %dma_start3A_3 = arith.constant 0 : i32
    %dma_start3A_4 = tpu.memref_slice %arg10[%dma_start3A, %dma_start3A_3] : memref<203x8xi32, #tpu.memory_space<vmem>> -> memref<1x8xi32, #tpu.memory_space<vmem>>
    %dma_start3A_5 = tpu.memref_squeeze %dma_start3A_4 : memref<1x8xi32, #tpu.memory_space<vmem>> -> memref<8xi32, #tpu.memory_space<vmem>>
    %dma_start3A_6 = arith.constant 0 : i32
    %dma_start3A_7 = arith.constant 0 : i32
    %dma_start3A_8 = tpu.memref_slice %arg2[%dma_start3A_6, %dma_start3A_7] : memref<50000x128xi32, #tpu.memory_space<hbm>> -> memref<50000x128xi32, #tpu.memory_space<hbm>>
    tpu.enqueue_indirect_dma source(%dma_start3A_8 : memref<50000x128xi32, #tpu.memory_space<hbm>>) target(%arg11 : memref<8x128xi32, #tpu.memory_space<vmem>>) offsets(%dma_start3A_5 : memref<8xi32, #tpu.memory_space<vmem>>) semaphore(%arg18 : memref<!tpu.dma_semaphore, #tpu.memory_space<semaphore_mem>>)
    %dma_start3A_9 = arith.constant 1 : i32
    %dma_start3A_10 = arith.constant 0 : i32
    %dma_start3A_11 = tpu.memref_slice %arg10[%dma_start3A_9, %dma_start3A_10] : memref<203x8xi32, #tpu.memory_space<vmem>> -> memref<1x8xi32, #tpu.memory_space<vmem>>
    %dma_start3A_12 = tpu.memref_squeeze %dma_start3A_11 : memref<1x8xi32, #tpu.memory_space<vmem>> -> memref<8xi32, #tpu.memory_space<vmem>>
    %dma_start3A_13 = arith.constant 0 : i32
    %dma_start3A_14 = arith.constant 0 : i32
    %dma_start3A_15 = tpu.memref_slice %arg2[%dma_start3A_13, %dma_start3A_14] : memref<50000x128xi32, #tpu.memory_space<hbm>> -> memref<50000x128xi32, #tpu.memory_space<hbm>>
    tpu.enqueue_indirect_dma source(%dma_start3A_15 : memref<50000x128xi32, #tpu.memory_space<hbm>>) target(%arg12 : memref<8x128xi32, #tpu.memory_space<vmem>>) offsets(%dma_start3A_12 : memref<8xi32, #tpu.memory_space<vmem>>) semaphore(%arg19 : memref<!tpu.dma_semaphore, #tpu.memory_space<semaphore_mem>>)
    %dma_start3A_16 = arith.constant 2 : i32
    %dma_start3A_17 = arith.constant 0 : i32
    %dma_start3A_18 = tpu.memref_slice %arg10[%dma_start3A_16, %dma_start3A_17] : memref<203x8xi32, #tpu.memory_space<vmem>> -> memref<1x8xi32, #tpu.memory_space<vmem>>
    %dma_start3A_19 = tpu.memref_squeeze %dma_start3A_18 : memref<1x8xi32, #tpu.memory_space<vmem>> -> memref<8xi32, #tpu.memory_space<vmem>>
    %dma_start3A_20 = arith.constant 0 : i32
    %dma_start3A_21 = arith.constant 0 : i32
    %dma_start3A_22 = tpu.memref_slice %arg2[%dma_start3A_20, %dma_start3A_21] : memref<50000x128xi32, #tpu.memory_space<hbm>> -> memref<50000x128xi32, #tpu.memory_space<hbm>>
    tpu.enqueue_indirect_dma source(%dma_start3A_22 : memref<50000x128xi32, #tpu.memory_space<hbm>>) target(%arg13 : memref<8x128xi32, #tpu.memory_space<vmem>>) offsets(%dma_start3A_19 : memref<8xi32, #tpu.memory_space<vmem>>) semaphore(%arg20 : memref<!tpu.dma_semaphore, #tpu.memory_space<semaphore_mem>>)
    %dma_start3A_23 = arith.constant 3 : i32
    %dma_start3A_24 = arith.constant 0 : i32
    %dma_start3A_25 = tpu.memref_slice %arg10[%dma_start3A_23, %dma_start3A_24] : memref<203x8xi32, #tpu.memory_space<vmem>> -> memref<1x8xi32, #tpu.memory_space<vmem>>
    %dma_start3A_26 = tpu.memref_squeeze %dma_start3A_25 : memref<1x8xi32, #tpu.memory_space<vmem>> -> memref<8xi32, #tpu.memory_space<vmem>>
    %dma_start3A_27 = arith.constant 0 : i32
    %dma_start3A_28 = arith.constant 0 : i32
    %dma_start3A_29 = tpu.memref_slice %arg2[%dma_start3A_27, %dma_start3A_28] : memref<50000x128xi32, #tpu.memory_space<hbm>> -> memref<50000x128xi32, #tpu.memory_space<hbm>>
    tpu.enqueue_indirect_dma source(%dma_start3A_29 : memref<50000x128xi32, #tpu.memory_space<hbm>>) target(%arg14 : memref<8x128xi32, #tpu.memory_space<vmem>>) offsets(%dma_start3A_26 : memref<8xi32, #tpu.memory_space<vmem>>) semaphore(%arg21 : memref<!tpu.dma_semaphore, #tpu.memory_space<semaphore_mem>>)
    %dma_start3A_30 = arith.constant 4 : i32
    %dma_start3A_31 = arith.constant 0 : i32
    %dma_start3A_32 = tpu.memref_slice %arg10[%dma_start3A_30, %dma_start3A_31] : memref<203x8xi32, #tpu.memory_space<vmem>> -> memref<1x8xi32, #tpu.memory_space<vmem>>
    %dma_start3A_33 = tpu.memref_squeeze %dma_start3A_32 : memref<1x8xi32, #tpu.memory_space<vmem>> -> memref<8xi32, #tpu.memory_space<vmem>>
    %dma_start3A_34 = arith.constant 0 : i32
    %dma_start3A_35 = arith.constant 0 : i32
    %dma_start3A_36 = tpu.memref_slice %arg2[%dma_start3A_34, %dma_start3A_35] : memref<50000x128xi32, #tpu.memory_space<hbm>> -> memref<50000x128xi32, #tpu.memory_space<hbm>>
    tpu.enqueue_indirect_dma source(%dma_start3A_36 : memref<50000x128xi32, #tpu.memory_space<hbm>>) target(%arg15 : memref<8x128xi32, #tpu.memory_space<vmem>>) offsets(%dma_start3A_33 : memref<8xi32, #tpu.memory_space<vmem>>) semaphore(%arg22 : memref<!tpu.dma_semaphore, #tpu.memory_space<semaphore_mem>>)
    %dma_start3A_37 = arith.constant 5 : i32
    %dma_start3A_38 = arith.constant 0 : i32
    %dma_start3A_39 = tpu.memref_slice %arg10[%dma_start3A_37, %dma_start3A_38] : memref<203x8xi32, #tpu.memory_space<vmem>> -> memref<1x8xi32, #tpu.memory_space<vmem>>
    %dma_start3A_40 = tpu.memref_squeeze %dma_start3A_39 : memref<1x8xi32, #tpu.memory_space<vmem>> -> memref<8xi32, #tpu.memory_space<vmem>>
    %dma_start3A_41 = arith.constant 0 : i32
    %dma_start3A_42 = arith.constant 0 : i32
    %dma_start3A_43 = tpu.memref_slice %arg2[%dma_start3A_41, %dma_start3A_42] : memref<50000x128xi32, #tpu.memory_space<hbm>> -> memref<50000x128xi32, #tpu.memory_space<hbm>>
    tpu.enqueue_indirect_dma source(%dma_start3A_43 : memref<50000x128xi32, #tpu.memory_space<hbm>>) target(%arg16 : memref<8x128xi32, #tpu.memory_space<vmem>>) offsets(%dma_start3A_40 : memref<8xi32, #tpu.memory_space<vmem>>) semaphore(%arg23 : memref<!tpu.dma_semaphore, #tpu.memory_space<semaphore_mem>>)
    %dma_start3A_44 = arith.constant 6 : i32
    %dma_start3A_45 = arith.constant 0 : i32
    %dma_start3A_46 = tpu.memref_slice %arg10[%dma_start3A_44, %dma_start3A_45] : memref<203x8xi32, #tpu.memory_space<vmem>> -> memref<1x8xi32, #tpu.memory_space<vmem>>
    %dma_start3A_47 = tpu.memref_squeeze %dma_start3A_46 : memref<1x8xi32, #tpu.memory_space<vmem>> -> memref<8xi32, #tpu.memory_space<vmem>>
    %dma_start3A_48 = arith.constant 0 : i32
    %dma_start3A_49 = arith.constant 0 : i32
    %dma_start3A_50 = tpu.memref_slice %arg2[%dma_start3A_48, %dma_start3A_49] : memref<50000x128xi32, #tpu.memory_space<hbm>> -> memref<50000x128xi32, #tpu.memory_space<hbm>>
    tpu.enqueue_indirect_dma source(%dma_start3A_50 : memref<50000x128xi32, #tpu.memory_space<hbm>>) target(%arg17 : memref<8x128xi32, #tpu.memory_space<vmem>>) offsets(%dma_start3A_47 : memref<8xi32, #tpu.memory_space<vmem>>) semaphore(%arg24 : memref<!tpu.dma_semaphore, #tpu.memory_space<semaphore_mem>>)
    %broadcast_in_dim3A = arith.constant 0.000000e+00 : f32
    %broadcast_in_dim3A_51 = vector.broadcast %broadcast_in_dim3A : f32 to vector<16xf32>
    %scan3A = arith.constant 0 : i32
    %scan3A_52 = arith.constant 0 : i32
    %scan3A_53 = arith.constant 4096 : i32
    %scan3A_54 = arith.addi %scan3A_52, %scan3A_53 : i32
    %scan3A_55 = arith.constant 1 : i32
    %scan3A_56 = scf.for %scan3A_113 = %scan3A_52 to %scan3A_54 step %scan3A_55 iter_args(%scan3A_114 = %scan3A) -> (i32)  : i32 {
      %mul3A_115 = arith.constant 16 : i32
      %mul3A_116 = arith.muli %scan3A_113, %mul3A_115 : i32
      %swap3A = arith.index_cast %mul3A_116 : i32 to index
      %swap3A_117 = tpu.vector_load %arg7[%swap3A] {strides = array<i32>} : memref<65536xf32, #tpu.memory_space<vmem>>, vector<16xf32>,
      tpu.vector_store %arg7[%swap3A], %broadcast_in_dim3A_51 {strides = array<i32>} : memref<65536xf32, #tpu.memory_space<vmem>>, vector<16xf32>,
      %scan3A_118 = arith.constant 0 : i32
      scf.yield %scan3A_118 : i32
    }
    %scan3A_57 = arith.constant 4096 : i32
    %scan3A_58 = arith.constant 0 : i32
    %scan3A_59 = arith.constant 0 : i32
    %scan3A_60 = arith.constant 28 : i32
    %scan3A_61 = arith.addi %scan3A_59, %scan3A_60 : i32
    %scan3A_62 = arith.constant 1 : i32
    %scan3A_63 = scf.for %scan3A_113 = %scan3A_59 to %scan3A_61 step %scan3A_62 iter_args(%scan3A_114 = %scan3A_58) -> (i32)  : i32 {
      %mul3A_115 = arith.constant 7 : i32
      %mul3A_116 = arith.muli %scan3A_113, %mul3A_115 : i32
      %add3A_117 = arith.constant 0 : i32
      %add3A_118 = arith.addi %mul3A_116, %add3A_117 : i32
      %dma_wait3A_119 = arith.constant 0 : i32
      %dma_wait3A_120 = arith.constant 0 : i32
      %dma_wait3A_121 = tpu.memref_slice %arg10[%dma_wait3A_119, %dma_wait3A_120] : memref<203x8xi32, #tpu.memory_space<vmem>> -> memref<1x8xi32, #tpu.memory_space<vmem>>
      %dma_wait3A_122 = tpu.memref_squeeze %dma_wait3A_121 : memref<1x8xi32, #tpu.memory_space<vmem>> -> memref<8xi32, #tpu.memory_space<vmem>>
      %dma_wait3A_123 = arith.constant 0 : i32
      %dma_wait3A_124 = arith.constant 0 : i32
      %dma_wait3A_125 = tpu.memref_slice %arg2[%dma_wait3A_123, %dma_wait3A_124] : memref<50000x128xi32, #tpu.memory_space<hbm>> -> memref<50000x128xi32, #tpu.memory_space<hbm>>
      tpu.wait_indirect_dma semaphore(%arg18 : memref<!tpu.dma_semaphore, #tpu.memory_space<semaphore_mem>>) src(%dma_wait3A_125 : memref<50000x128xi32, #tpu.memory_space<hbm>>) dst(%arg11 : memref<8x128xi32, #tpu.memory_space<vmem>>)
      %scan3A_126 = arith.constant 0 : i32
      %scan3A_127 = arith.constant 0 : i32
      %scan3A_128 = arith.constant 8 : i32
      %scan3A_129 = arith.addi %scan3A_127, %scan3A_128 : i32
      %scan3A_130 = arith.constant 1 : i32
      %scan3A_131 = scf.for %scan3A_298 = %scan3A_127 to %scan3A_129 step %scan3A_130 iter_args(%scan3A_299 = %scan3A_126) -> (i32)  : i32 {
        %mul3A_300 = arith.constant 8 : i32
        %mul3A_301 = arith.muli %add3A_118, %mul3A_300 : i32
        %add3A_302 = arith.addi %mul3A_301, %scan3A_298 : i32
        %broadcast_in_dim3A_303 = vector.broadcast %add3A_302 : i32 to vector<16xi32>
        %gather3A = tpu.vector_load_idx %arg9[%broadcast_in_dim3A_303] : memref<1568xi32, #tpu.memory_space<vmem>>[vector<16xi32>], vector<16xi32>,
        %broadcast_in_dim3A_304 = vector.broadcast %add3A_302 : i32 to vector<16xi32>
        %gather3A_305 = tpu.vector_load_idx %arg8[%broadcast_in_dim3A_304] : memref<1568xf32, #tpu.memory_space<vmem>>[vector<16xi32>], vector<16xf32>,
        %iota3A = tpu.iota {dimensions = array<i32: 0>} : vector<16xi32>
        %add3A_306 = arith.addi %gather3A, %iota3A : vector<16xi32>
        %get3A = arith.index_cast %scan3A_298 : i32 to index
        %get3A_307 = arith.constant 0 : index
        %get3A_308 = tpu.vector_load %arg11[%get3A, %get3A_307] {strides = array<i32>} : memref<8x128xi32, #tpu.memory_space<vmem>>, vector<16xi32>,
        %shift_left3A = arith.constant 16 : i32
        %shift_left3A_309 = vector.broadcast %shift_left3A : i32 to vector<16xi32>
        %shift_left3A_310 = arith.shli %get3A_308, %shift_left3A_309 : vector<16xi32>
        %bitcast3A = vector.bitcast %shift_left3A_310 : vector<16xi32> to vector<16xf32>
        %and3A = arith.constant -65536 : i32
        %and3A_311 = vector.broadcast %and3A : i32 to vector<16xi32>
        %and3A_312 = arith.andi %get3A_308, %and3A_311 : vector<16xi32>
        %bitcast3A_313 = vector.bitcast %and3A_312 : vector<16xi32> to vector<16xf32>
        %add3A_314 = arith.constant 0 : i32
        %add3A_315 = vector.broadcast %add3A_314 : i32 to vector<16xi32>
        %add3A_316 = arith.addi %add3A_306, %add3A_315 : vector<16xi32>
        %mul3A_317 = arith.mulf %bitcast3A, %gather3A_305 : vector<16xf32>
        tpu.vector_store_idx %arg7[%add3A_316], %mul3A_317 {add = true} : memref<65536xf32, #tpu.memory_space<vmem>>[vector<16xi32>], vector<16xf32>,
        %add3A_318 = arith.constant 128 : i32
        %add3A_319 = vector.broadcast %add3A_318 : i32 to vector<16xi32>
        %add3A_320 = arith.addi %add3A_306, %add3A_319 : vector<16xi32>
        %mul3A_321 = arith.mulf %bitcast3A_313, %gather3A_305 : vector<16xf32>
        tpu.vector_store_idx %arg7[%add3A_320], %mul3A_321 {add = true} : memref<65536xf32, #tpu.memory_space<vmem>>[vector<16xi32>], vector<16xf32>,
        %get3A_322 = arith.index_cast %scan3A_298 : i32 to index
        %get3A_323 = arith.constant 16 : index
        %get3A_324 = tpu.vector_load %arg11[%get3A_322, %get3A_323] {strides = array<i32>} : memref<8x128xi32, #tpu.memory_space<vmem>>, vector<16xi32>,
        %shift_left3A_325 = arith.constant 16 : i32
        %shift_left3A_326 = vector.broadcast %shift_left3A_325 : i32 to vector<16xi32>
        %shift_left3A_327 = arith.shli %get3A_324, %shift_left3A_326 : vector<16xi32>
        %bitcast3A_328 = vector.bitcast %shift_left3A_327 : vector<16xi32> to vector<16xf32>
        %and3A_329 = arith.constant -65536 : i32
        %and3A_330 = vector.broadcast %and3A_329 : i32 to vector<16xi32>
        %and3A_331 = arith.andi %get3A_324, %and3A_330 : vector<16xi32>
        %bitcast3A_332 = vector.bitcast %and3A_331 : vector<16xi32> to vector<16xf32>
        %add3A_333 = arith.constant 16 : i32
        %add3A_334 = vector.broadcast %add3A_333 : i32 to vector<16xi32>
        %add3A_335 = arith.addi %add3A_306, %add3A_334 : vector<16xi32>
        %mul3A_336 = arith.mulf %bitcast3A_328, %gather3A_305 : vector<16xf32>
        tpu.vector_store_idx %arg7[%add3A_335], %mul3A_336 {add = true} : memref<65536xf32, #tpu.memory_space<vmem>>[vector<16xi32>], vector<16xf32>,
        %add3A_337 = arith.constant 144 : i32
        %add3A_338 = vector.broadcast %add3A_337 : i32 to vector<16xi32>
        %add3A_339 = arith.addi %add3A_306, %add3A_338 : vector<16xi32>
        %mul3A_340 = arith.mulf %bitcast3A_332, %gather3A_305 : vector<16xf32>
        tpu.vector_store_idx %arg7[%add3A_339], %mul3A_340 {add = true} : memref<65536xf32, #tpu.memory_space<vmem>>[vector<16xi32>], vector<16xf32>,
        %get3A_341 = arith.index_cast %scan3A_298 : i32 to index
        %get3A_342 = arith.constant 32 : index
        %get3A_343 = tpu.vector_load %arg11[%get3A_341, %get3A_342] {strides = array<i32>} : memref<8x128xi32, #tpu.memory_space<vmem>>, vector<16xi32>,
        %shift_left3A_344 = arith.constant 16 : i32
        %shift_left3A_345 = vector.broadcast %shift_left3A_344 : i32 to vector<16xi32>
        %shift_left3A_346 = arith.shli %get3A_343, %shift_left3A_345 : vector<16xi32>
        %bitcast3A_347 = vector.bitcast %shift_left3A_346 : vector<16xi32> to vector<16xf32>
        %and3A_348 = arith.constant -65536 : i32
        %and3A_349 = vector.broadcast %and3A_348 : i32 to vector<16xi32>
        %and3A_350 = arith.andi %get3A_343, %and3A_349 : vector<16xi32>
        %bitcast3A_351 = vector.bitcast %and3A_350 : vector<16xi32> to vector<16xf32>
        %add3A_352 = arith.constant 32 : i32
        %add3A_353 = vector.broadcast %add3A_352 : i32 to vector<16xi32>
        %add3A_354 = arith.addi %add3A_306, %add3A_353 : vector<16xi32>
        %mul3A_355 = arith.mulf %bitcast3A_347, %gather3A_305 : vector<16xf32>
        tpu.vector_store_idx %arg7[%add3A_354], %mul3A_355 {add = true} : memref<65536xf32, #tpu.memory_space<vmem>>[vector<16xi32>], vector<16xf32>,
        %add3A_356 = arith.constant 160 : i32
        %add3A_357 = vector.broadcast %add3A_356 : i32 to vector<16xi32>
        %add3A_358 = arith.addi %add3A_306, %add3A_357 : vector<16xi32>
        %mul3A_359 = arith.mulf %bitcast3A_351, %gather3A_305 : vector<16xf32>
        tpu.vector_store_idx %arg7[%add3A_358], %mul3A_359 {add = true} : memref<65536xf32, #tpu.memory_space<vmem>>[vector<16xi32>], vector<16xf32>,
        %get3A_360 = arith.index_cast %scan3A_298 : i32 to index
        %get3A_361 = arith.constant 48 : index
        %get3A_362 = tpu.vector_load %arg11[%get3A_360, %get3A_361] {strides = array<i32>} : memref<8x128xi32, #tpu.memory_space<vmem>>, vector<16xi32>,
        %shift_left3A_363 = arith.constant 16 : i32
        %shift_left3A_364 = vector.broadcast %shift_left3A_363 : i32 to vector<16xi32>
        %shift_left3A_365 = arith.shli %get3A_362, %shift_left3A_364 : vector<16xi32>
        %bitcast3A_366 = vector.bitcast %shift_left3A_365 : vector<16xi32> to vector<16xf32>
        %and3A_367 = arith.constant -65536 : i32
        %and3A_368 = vector.broadcast %and3A_367 : i32 to vector<16xi32>
        %and3A_369 = arith.andi %get3A_362, %and3A_368 : vector<16xi32>
        %bitcast3A_370 = vector.bitcast %and3A_369 : vector<16xi32> to vector<16xf32>
        %add3A_371 = arith.constant 48 : i32
        %add3A_372 = vector.broadcast %add3A_371 : i32 to vector<16xi32>
        %add3A_373 = arith.addi %add3A_306, %add3A_372 : vector<16xi32>
        %mul3A_374 = arith.mulf %bitcast3A_366, %gather3A_305 : vector<16xf32>
        tpu.vector_store_idx %arg7[%add3A_373], %mul3A_374 {add = true} : memref<65536xf32, #tpu.memory_space<vmem>>[vector<16xi32>], vector<16xf32>,
        %add3A_375 = arith.constant 176 : i32
        %add3A_376 = vector.broadcast %add3A_375 : i32 to vector<16xi32>
        %add3A_377 = arith.addi %add3A_306, %add3A_376 : vector<16xi32>
        %mul3A_378 = arith.mulf %bitcast3A_370, %gather3A_305 : vector<16xf32>
        tpu.vector_store_idx %arg7[%add3A_377], %mul3A_378 {add = true} : memref<65536xf32, #tpu.memory_space<vmem>>[vector<16xi32>], vector<16xf32>,
        %get3A_379 = arith.index_cast %scan3A_298 : i32 to index
        %get3A_380 = arith.constant 64 : index
        %get3A_381 = tpu.vector_load %arg11[%get3A_379, %get3A_380] {strides = array<i32>} : memref<8x128xi32, #tpu.memory_space<vmem>>, vector<16xi32>,
        %shift_left3A_382 = arith.constant 16 : i32
        %shift_left3A_383 = vector.broadcast %shift_left3A_382 : i32 to vector<16xi32>
        %shift_left3A_384 = arith.shli %get3A_381, %shift_left3A_383 : vector<16xi32>
        %bitcast3A_385 = vector.bitcast %shift_left3A_384 : vector<16xi32> to vector<16xf32>
        %and3A_386 = arith.constant -65536 : i32
        %and3A_387 = vector.broadcast %and3A_386 : i32 to vector<16xi32>
        %and3A_388 = arith.andi %get3A_381, %and3A_387 : vector<16xi32>
        %bitcast3A_389 = vector.bitcast %and3A_388 : vector<16xi32> to vector<16xf32>
        %add3A_390 = arith.constant 64 : i32
        %add3A_391 = vector.broadcast %add3A_390 : i32 to vector<16xi32>
        %add3A_392 = arith.addi %add3A_306, %add3A_391 : vector<16xi32>
        %mul3A_393 = arith.mulf %bitcast3A_385, %gather3A_305 : vector<16xf32>
        tpu.vector_store_idx %arg7[%add3A_392], %mul3A_393 {add = true} : memref<65536xf32, #tpu.memory_space<vmem>>[vector<16xi32>], vector<16xf32>,
        %add3A_394 = arith.constant 192 : i32
        %add3A_395 = vector.broadcast %add3A_394 : i32 to vector<16xi32>
        %add3A_396 = arith.addi %add3A_306, %add3A_395 : vector<16xi32>
        %mul3A_397 = arith.mulf %bitcast3A_389, %gather3A_305 : vector<16xf32>
        tpu.vector_store_idx %arg7[%add3A_396], %mul3A_397 {add = true} : memref<65536xf32, #tpu.memory_space<vmem>>[vector<16xi32>], vector<16xf32>,
        %get3A_398 = arith.index_cast %scan3A_298 : i32 to index
        %get3A_399 = arith.constant 80 : index
        %get3A_400 = tpu.vector_load %arg11[%get3A_398, %get3A_399] {strides = array<i32>} : memref<8x128xi32, #tpu.memory_space<vmem>>, vector<16xi32>,
        %shift_left3A_401 = arith.constant 16 : i32
        %shift_left3A_402 = vector.broadcast %shift_left3A_401 : i32 to vector<16xi32>
        %shift_left3A_403 = arith.shli %get3A_400, %shift_left3A_402 : vector<16xi32>
        %bitcast3A_404 = vector.bitcast %shift_left3A_403 : vector<16xi32> to vector<16xf32>
        %and3A_405 = arith.constant -65536 : i32
        %and3A_406 = vector.broadcast %and3A_405 : i32 to vector<16xi32>
        %and3A_407 = arith.andi %get3A_400, %and3A_406 : vector<16xi32>
        %bitcast3A_408 = vector.bitcast %and3A_407 : vector<16xi32> to vector<16xf32>
        %add3A_409 = arith.constant 80 : i32
        %add3A_410 = vector.broadcast %add3A_409 : i32 to vector<16xi32>
        %add3A_411 = arith.addi %add3A_306, %add3A_410 : vector<16xi32>
        %mul3A_412 = arith.mulf %bitcast3A_404, %gather3A_305 : vector<16xf32>
        tpu.vector_store_idx %arg7[%add3A_411], %mul3A_412 {add = true} : memref<65536xf32, #tpu.memory_space<vmem>>[vector<16xi32>], vector<16xf32>,
        %add3A_413 = arith.constant 208 : i32
        %add3A_414 = vector.broadcast %add3A_413 : i32 to vector<16xi32>
        %add3A_415 = arith.addi %add3A_306, %add3A_414 : vector<16xi32>
        %mul3A_416 = arith.mulf %bitcast3A_408, %gather3A_305 : vector<16xf32>
        tpu.vector_store_idx %arg7[%add3A_415], %mul3A_416 {add = true} : memref<65536xf32, #tpu.memory_space<vmem>>[vector<16xi32>], vector<16xf32>,
        %get3A_417 = arith.index_cast %scan3A_298 : i32 to index
        %get3A_418 = arith.constant 96 : index
        %get3A_419 = tpu.vector_load %arg11[%get3A_417, %get3A_418] {strides = array<i32>} : memref<8x128xi32, #tpu.memory_space<vmem>>, vector<16xi32>,
        %shift_left3A_420 = arith.constant 16 : i32
        %shift_left3A_421 = vector.broadcast %shift_left3A_420 : i32 to vector<16xi32>
        %shift_left3A_422 = arith.shli %get3A_419, %shift_left3A_421 : vector<16xi32>
        %bitcast3A_423 = vector.bitcast %shift_left3A_422 : vector<16xi32> to vector<16xf32>
        %and3A_424 = arith.constant -65536 : i32
        %and3A_425 = vector.broadcast %and3A_424 : i32 to vector<16xi32>
        %and3A_426 = arith.andi %get3A_419, %and3A_425 : vector<16xi32>
        %bitcast3A_427 = vector.bitcast %and3A_426 : vector<16xi32> to vector<16xf32>
        %add3A_428 = arith.constant 96 : i32
        %add3A_429 = vector.broadcast %add3A_428 : i32 to vector<16xi32>
        %add3A_430 = arith.addi %add3A_306, %add3A_429 : vector<16xi32>
        %mul3A_431 = arith.mulf %bitcast3A_423, %gather3A_305 : vector<16xf32>
        tpu.vector_store_idx %arg7[%add3A_430], %mul3A_431 {add = true} : memref<65536xf32, #tpu.memory_space<vmem>>[vector<16xi32>], vector<16xf32>,
        %add3A_432 = arith.constant 224 : i32
        %add3A_433 = vector.broadcast %add3A_432 : i32 to vector<16xi32>
        %add3A_434 = arith.addi %add3A_306, %add3A_433 : vector<16xi32>
        %mul3A_435 = arith.mulf %bitcast3A_427, %gather3A_305 : vector<16xf32>
        tpu.vector_store_idx %arg7[%add3A_434], %mul3A_435 {add = true} : memref<65536xf32, #tpu.memory_space<vmem>>[vector<16xi32>], vector<16xf32>,
        %get3A_436 = arith.index_cast %scan3A_298 : i32 to index
        %get3A_437 = arith.constant 112 : index
        %get3A_438 = tpu.vector_load %arg11[%get3A_436, %get3A_437] {strides = array<i32>} : memref<8x128xi32, #tpu.memory_space<vmem>>, vector<16xi32>,
        %shift_left3A_439 = arith.constant 16 : i32
        %shift_left3A_440 = vector.broadcast %shift_left3A_439 : i32 to vector<16xi32>
        %shift_left3A_441 = arith.shli %get3A_438, %shift_left3A_440 : vector<16xi32>
        %bitcast3A_442 = vector.bitcast %shift_left3A_441 : vector<16xi32> to vector<16xf32>
        %and3A_443 = arith.constant -65536 : i32
        %and3A_444 = vector.broadcast %and3A_443 : i32 to vector<16xi32>
        %and3A_445 = arith.andi %get3A_438, %and3A_444 : vector<16xi32>
        %bitcast3A_446 = vector.bitcast %and3A_445 : vector<16xi32> to vector<16xf32>
        %add3A_447 = arith.constant 112 : i32
        %add3A_448 = vector.broadcast %add3A_447 : i32 to vector<16xi32>
        %add3A_449 = arith.addi %add3A_306, %add3A_448 : vector<16xi32>
        %mul3A_450 = arith.mulf %bitcast3A_442, %gather3A_305 : vector<16xf32>
        tpu.vector_store_idx %arg7[%add3A_449], %mul3A_450 {add = true} : memref<65536xf32, #tpu.memory_space<vmem>>[vector<16xi32>], vector<16xf32>,
        %add3A_451 = arith.constant 240 : i32
        %add3A_452 = vector.broadcast %add3A_451 : i32 to vector<16xi32>
        %add3A_453 = arith.addi %add3A_306, %add3A_452 : vector<16xi32>
        %mul3A_454 = arith.mulf %bitcast3A_446, %gather3A_305 : vector<16xf32>
        tpu.vector_store_idx %arg7[%add3A_453], %mul3A_454 {add = true} : memref<65536xf32, #tpu.memory_space<vmem>>[vector<16xi32>], vector<16xf32>,
        %scan3A_455 = arith.constant 0 : i32
        scf.yield %scan3A_455 : i32
      }
      %scan3A_132 = arith.constant 8 : i32
      %add3A_133 = arith.constant 7 : i32
      %add3A_134 = arith.addi %add3A_118, %add3A_133 : i32
      %dma_start3A_135 = arith.constant 0 : i32
      %dma_start3A_136 = tpu.memref_slice %arg10[%add3A_134, %dma_start3A_135] : memref<203x8xi32, #tpu.memory_space<vmem>> -> memref<1x8xi32, #tpu.memory_space<vmem>>
      %dma_start3A_137 = tpu.memref_squeeze %dma_start3A_136 : memref<1x8xi32, #tpu.memory_space<vmem>> -> memref<8xi32, #tpu.memory_space<vmem>>
      %dma_start3A_138 = arith.constant 0 : i32
      %dma_start3A_139 = arith.constant 0 : i32
      %dma_start3A_140 = tpu.memref_slice %arg2[%dma_start3A_138, %dma_start3A_139] : memref<50000x128xi32, #tpu.memory_space<hbm>> -> memref<50000x128xi32, #tpu.memory_space<hbm>>
      tpu.enqueue_indirect_dma source(%dma_start3A_140 : memref<50000x128xi32, #tpu.memory_space<hbm>>) target(%arg11 : memref<8x128xi32, #tpu.memory_space<vmem>>) offsets(%dma_start3A_137 : memref<8xi32, #tpu.memory_space<vmem>>) semaphore(%arg18 : memref<!tpu.dma_semaphore, #tpu.memory_space<semaphore_mem>>)
      %mul3A_141 = arith.constant 7 : i32
      %mul3A_142 = arith.muli %scan3A_113, %mul3A_141 : i32
      %add3A_143 = arith.constant 1 : i32
      %add3A_144 = arith.addi %mul3A_142, %add3A_143 : i32
      %dma_wait3A_145 = arith.constant 0 : i32
      %dma_wait3A_146 = arith.constant 0 : i32
      %dma_wait3A_147 = tpu.memref_slice %arg10[%dma_wait3A_145, %dma_wait3A_146] : memref<203x8xi32, #tpu.memory_space<vmem>> -> memref<1x8xi32, #tpu.memory_space<vmem>>
      %dma_wait3A_148 = tpu.memref_squeeze %dma_wait3A_147 : memref<1x8xi32, #tpu.memory_space<vmem>> -> memref<8xi32, #tpu.memory_space<vmem>>
      %dma_wait3A_149 = arith.constant 0 : i32
      %dma_wait3A_150 = arith.constant 0 : i32
      %dma_wait3A_151 = tpu.memref_slice %arg2[%dma_wait3A_149, %dma_wait3A_150] : memref<50000x128xi32, #tpu.memory_space<hbm>> -> memref<50000x128xi32, #tpu.memory_space<hbm>>
      tpu.wait_indirect_dma semaphore(%arg19 : memref<!tpu.dma_semaphore, #tpu.memory_space<semaphore_mem>>) src(%dma_wait3A_151 : memref<50000x128xi32, #tpu.memory_space<hbm>>) dst(%arg12 : memref<8x128xi32, #tpu.memory_space<vmem>>)
      %scan3A_152 = arith.constant 0 : i32
      %scan3A_153 = arith.constant 0 : i32
      %scan3A_154 = arith.constant 8 : i32
      %scan3A_155 = arith.addi %scan3A_153, %scan3A_154 : i32
      %scan3A_156 = arith.constant 1 : i32
      %scan3A_157 = scf.for %scan3A_298 = %scan3A_153 to %scan3A_155 step %scan3A_156 iter_args(%scan3A_299 = %scan3A_152) -> (i32)  : i32 {
        %mul3A_300 = arith.constant 8 : i32
        %mul3A_301 = arith.muli %add3A_144, %mul3A_300 : i32
        %add3A_302 = arith.addi %mul3A_301, %scan3A_298 : i32
        %broadcast_in_dim3A_303 = vector.broadcast %add3A_302 : i32 to vector<16xi32>
        %gather3A = tpu.vector_load_idx %arg9[%broadcast_in_dim3A_303] : memref<1568xi32, #tpu.memory_space<vmem>>[vector<16xi32>], vector<16xi32>,
        %broadcast_in_dim3A_304 = vector.broadcast %add3A_302 : i32 to vector<16xi32>
        %gather3A_305 = tpu.vector_load_idx %arg8[%broadcast_in_dim3A_304] : memref<1568xf32, #tpu.memory_space<vmem>>[vector<16xi32>], vector<16xf32>,
        %iota3A = tpu.iota {dimensions = array<i32: 0>} : vector<16xi32>
        %add3A_306 = arith.addi %gather3A, %iota3A : vector<16xi32>
        %get3A = arith.index_cast %scan3A_298 : i32 to index
        %get3A_307 = arith.constant 0 : index
        %get3A_308 = tpu.vector_load %arg12[%get3A, %get3A_307] {strides = array<i32>} : memref<8x128xi32, #tpu.memory_space<vmem>>, vector<16xi32>,
        %shift_left3A = arith.constant 16 : i32
        %shift_left3A_309 = vector.broadcast %shift_left3A : i32 to vector<16xi32>
        %shift_left3A_310 = arith.shli %get3A_308, %shift_left3A_309 : vector<16xi32>
        %bitcast3A = vector.bitcast %shift_left3A_310 : vector<16xi32> to vector<16xf32>
        %and3A = arith.constant -65536 : i32
        %and3A_311 = vector.broadcast %and3A : i32 to vector<16xi32>
        %and3A_312 = arith.andi %get3A_308, %and3A_311 : vector<16xi32>
        %bitcast3A_313 = vector.bitcast %and3A_312 : vector<16xi32> to vector<16xf32>
        %add3A_314 = arith.constant 0 : i32
        %add3A_315 = vector.broadcast %add3A_314 : i32 to vector<16xi32>
        %add3A_316 = arith.addi %add3A_306, %add3A_315 : vector<16xi32>
        %mul3A_317 = arith.mulf %bitcast3A, %gather3A_305 : vector<16xf32>
        tpu.vector_store_idx %arg7[%add3A_316], %mul3A_317 {add = true} : memref<65536xf32, #tpu.memory_space<vmem>>[vector<16xi32>], vector<16xf32>,
        %add3A_318 = arith.constant 128 : i32
        %add3A_319 = vector.broadcast %add3A_318 : i32 to vector<16xi32>
        %add3A_320 = arith.addi %add3A_306, %add3A_319 : vector<16xi32>
        %mul3A_321 = arith.mulf %bitcast3A_313, %gather3A_305 : vector<16xf32>
        tpu.vector_store_idx %arg7[%add3A_320], %mul3A_321 {add = true} : memref<65536xf32, #tpu.memory_space<vmem>>[vector<16xi32>], vector<16xf32>,
        %get3A_322 = arith.index_cast %scan3A_298 : i32 to index
        %get3A_323 = arith.constant 16 : index
        %get3A_324 = tpu.vector_load %arg12[%get3A_322, %get3A_323] {strides = array<i32>} : memref<8x128xi32, #tpu.memory_space<vmem>>, vector<16xi32>,
        %shift_left3A_325 = arith.constant 16 : i32
        %shift_left3A_326 = vector.broadcast %shift_left3A_325 : i32 to vector<16xi32>
        %shift_left3A_327 = arith.shli %get3A_324, %shift_left3A_326 : vector<16xi32>
        %bitcast3A_328 = vector.bitcast %shift_left3A_327 : vector<16xi32> to vector<16xf32>
        %and3A_329 = arith.constant -65536 : i32
        %and3A_330 = vector.broadcast %and3A_329 : i32 to vector<16xi32>
        %and3A_331 = arith.andi %get3A_324, %and3A_330 : vector<16xi32>
        %bitcast3A_332 = vector.bitcast %and3A_331 : vector<16xi32> to vector<16xf32>
        %add3A_333 = arith.constant 16 : i32
        %add3A_334 = vector.broadcast %add3A_333 : i32 to vector<16xi32>
        %add3A_335 = arith.addi %add3A_306, %add3A_334 : vector<16xi32>
        %mul3A_336 = arith.mulf %bitcast3A_328, %gather3A_305 : vector<16xf32>
        tpu.vector_store_idx %arg7[%add3A_335], %mul3A_336 {add = true} : memref<65536xf32, #tpu.memory_space<vmem>>[vector<16xi32>], vector<16xf32>,
        %add3A_337 = arith.constant 144 : i32
        %add3A_338 = vector.broadcast %add3A_337 : i32 to vector<16xi32>
        %add3A_339 = arith.addi %add3A_306, %add3A_338 : vector<16xi32>
        %mul3A_340 = arith.mulf %bitcast3A_332, %gather3A_305 : vector<16xf32>
        tpu.vector_store_idx %arg7[%add3A_339], %mul3A_340 {add = true} : memref<65536xf32, #tpu.memory_space<vmem>>[vector<16xi32>], vector<16xf32>,
        %get3A_341 = arith.index_cast %scan3A_298 : i32 to index
        %get3A_342 = arith.constant 32 : index
        %get3A_343 = tpu.vector_load %arg12[%get3A_341, %get3A_342] {strides = array<i32>} : memref<8x128xi32, #tpu.memory_space<vmem>>, vector<16xi32>,
        %shift_left3A_344 = arith.constant 16 : i32
        %shift_left3A_345 = vector.broadcast %shift_left3A_344 : i32 to vector<16xi32>
        %shift_left3A_346 = arith.shli %get3A_343, %shift_left3A_345 : vector<16xi32>
        %bitcast3A_347 = vector.bitcast %shift_left3A_346 : vector<16xi32> to vector<16xf32>
        %and3A_348 = arith.constant -65536 : i32
        %and3A_349 = vector.broadcast %and3A_348 : i32 to vector<16xi32>
        %and3A_350 = arith.andi %get3A_343, %and3A_349 : vector<16xi32>
        %bitcast3A_351 = vector.bitcast %and3A_350 : vector<16xi32> to vector<16xf32>
        %add3A_352 = arith.constant 32 : i32
        %add3A_353 = vector.broadcast %add3A_352 : i32 to vector<16xi32>
        %add3A_354 = arith.addi %add3A_306, %add3A_353 : vector<16xi32>
        %mul3A_355 = arith.mulf %bitcast3A_347, %gather3A_305 : vector<16xf32>
        tpu.vector_store_idx %arg7[%add3A_354], %mul3A_355 {add = true} : memref<65536xf32, #tpu.memory_space<vmem>>[vector<16xi32>], vector<16xf32>,
        %add3A_356 = arith.constant 160 : i32
        %add3A_357 = vector.broadcast %add3A_356 : i32 to vector<16xi32>
        %add3A_358 = arith.addi %add3A_306, %add3A_357 : vector<16xi32>
        %mul3A_359 = arith.mulf %bitcast3A_351, %gather3A_305 : vector<16xf32>
        tpu.vector_store_idx %arg7[%add3A_358], %mul3A_359 {add = true} : memref<65536xf32, #tpu.memory_space<vmem>>[vector<16xi32>], vector<16xf32>,
        %get3A_360 = arith.index_cast %scan3A_298 : i32 to index
        %get3A_361 = arith.constant 48 : index
        %get3A_362 = tpu.vector_load %arg12[%get3A_360, %get3A_361] {strides = array<i32>} : memref<8x128xi32, #tpu.memory_space<vmem>>, vector<16xi32>,
        %shift_left3A_363 = arith.constant 16 : i32
        %shift_left3A_364 = vector.broadcast %shift_left3A_363 : i32 to vector<16xi32>
        %shift_left3A_365 = arith.shli %get3A_362, %shift_left3A_364 : vector<16xi32>
        %bitcast3A_366 = vector.bitcast %shift_left3A_365 : vector<16xi32> to vector<16xf32>
        %and3A_367 = arith.constant -65536 : i32
        %and3A_368 = vector.broadcast %and3A_367 : i32 to vector<16xi32>
        %and3A_369 = arith.andi %get3A_362, %and3A_368 : vector<16xi32>
        %bitcast3A_370 = vector.bitcast %and3A_369 : vector<16xi32> to vector<16xf32>
        %add3A_371 = arith.constant 48 : i32
        %add3A_372 = vector.broadcast %add3A_371 : i32 to vector<16xi32>
        %add3A_373 = arith.addi %add3A_306, %add3A_372 : vector<16xi32>
        %mul3A_374 = arith.mulf %bitcast3A_366, %gather3A_305 : vector<16xf32>
        tpu.vector_store_idx %arg7[%add3A_373], %mul3A_374 {add = true} : memref<65536xf32, #tpu.memory_space<vmem>>[vector<16xi32>], vector<16xf32>,
        %add3A_375 = arith.constant 176 : i32
        %add3A_376 = vector.broadcast %add3A_375 : i32 to vector<16xi32>
        %add3A_377 = arith.addi %add3A_306, %add3A_376 : vector<16xi32>
        %mul3A_378 = arith.mulf %bitcast3A_370, %gather3A_305 : vector<16xf32>
        tpu.vector_store_idx %arg7[%add3A_377], %mul3A_378 {add = true} : memref<65536xf32, #tpu.memory_space<vmem>>[vector<16xi32>], vector<16xf32>,
        %get3A_379 = arith.index_cast %scan3A_298 : i32 to index
        %get3A_380 = arith.constant 64 : index
        %get3A_381 = tpu.vector_load %arg12[%get3A_379, %get3A_380] {strides = array<i32>} : memref<8x128xi32, #tpu.memory_space<vmem>>, vector<16xi32>,
        %shift_left3A_382 = arith.constant 16 : i32
        %shift_left3A_383 = vector.broadcast %shift_left3A_382 : i32 to vector<16xi32>
        %shift_left3A_384 = arith.shli %get3A_381, %shift_left3A_383 : vector<16xi32>
        %bitcast3A_385 = vector.bitcast %shift_left3A_384 : vector<16xi32> to vector<16xf32>
        %and3A_386 = arith.constant -65536 : i32
        %and3A_387 = vector.broadcast %and3A_386 : i32 to vector<16xi32>
        %and3A_388 = arith.andi %get3A_381, %and3A_387 : vector<16xi32>
        %bitcast3A_389 = vector.bitcast %and3A_388 : vector<16xi32> to vector<16xf32>
        %add3A_390 = arith.constant 64 : i32
        %add3A_391 = vector.broadcast %add3A_390 : i32 to vector<16xi32>
        %add3A_392 = arith.addi %add3A_306, %add3A_391 : vector<16xi32>
        %mul3A_393 = arith.mulf %bitcast3A_385, %gather3A_305 : vector<16xf32>
        tpu.vector_store_idx %arg7[%add3A_392], %mul3A_393 {add = true} : memref<65536xf32, #tpu.memory_space<vmem>>[vector<16xi32>], vector<16xf32>,
        %add3A_394 = arith.constant 192 : i32
        %add3A_395 = vector.broadcast %add3A_394 : i32 to vector<16xi32>
        %add3A_396 = arith.addi %add3A_306, %add3A_395 : vector<16xi32>
        %mul3A_397 = arith.mulf %bitcast3A_389, %gather3A_305 : vector<16xf32>
        tpu.vector_store_idx %arg7[%add3A_396], %mul3A_397 {add = true} : memref<65536xf32, #tpu.memory_space<vmem>>[vector<16xi32>], vector<16xf32>,
        %get3A_398 = arith.index_cast %scan3A_298 : i32 to index
        %get3A_399 = arith.constant 80 : index
        %get3A_400 = tpu.vector_load %arg12[%get3A_398, %get3A_399] {strides = array<i32>} : memref<8x128xi32, #tpu.memory_space<vmem>>, vector<16xi32>,
        %shift_left3A_401 = arith.constant 16 : i32
        %shift_left3A_402 = vector.broadcast %shift_left3A_401 : i32 to vector<16xi32>
        %shift_left3A_403 = arith.shli %get3A_400, %shift_left3A_402 : vector<16xi32>
        %bitcast3A_404 = vector.bitcast %shift_left3A_403 : vector<16xi32> to vector<16xf32>
        %and3A_405 = arith.constant -65536 : i32
        %and3A_406 = vector.broadcast %and3A_405 : i32 to vector<16xi32>
        %and3A_407 = arith.andi %get3A_400, %and3A_406 : vector<16xi32>
        %bitcast3A_408 = vector.bitcast %and3A_407 : vector<16xi32> to vector<16xf32>
        %add3A_409 = arith.constant 80 : i32
        %add3A_410 = vector.broadcast %add3A_409 : i32 to vector<16xi32>
        %add3A_411 = arith.addi %add3A_306, %add3A_410 : vector<16xi32>
        %mul3A_412 = arith.mulf %bitcast3A_404, %gather3A_305 : vector<16xf32>
        tpu.vector_store_idx %arg7[%add3A_411], %mul3A_412 {add = true} : memref<65536xf32, #tpu.memory_space<vmem>>[vector<16xi32>], vector<16xf32>,
        %add3A_413 = arith.constant 208 : i32
        %add3A_414 = vector.broadcast %add3A_413 : i32 to vector<16xi32>
        %add3A_415 = arith.addi %add3A_306, %add3A_414 : vector<16xi32>
        %mul3A_416 = arith.mulf %bitcast3A_408, %gather3A_305 : vector<16xf32>
        tpu.vector_store_idx %arg7[%add3A_415], %mul3A_416 {add = true} : memref<65536xf32, #tpu.memory_space<vmem>>[vector<16xi32>], vector<16xf32>,
        %get3A_417 = arith.index_cast %scan3A_298 : i32 to index
        %get3A_418 = arith.constant 96 : index
        %get3A_419 = tpu.vector_load %arg12[%get3A_417, %get3A_418] {strides = array<i32>} : memref<8x128xi32, #tpu.memory_space<vmem>>, vector<16xi32>,
        %shift_left3A_420 = arith.constant 16 : i32
        %shift_left3A_421 = vector.broadcast %shift_left3A_420 : i32 to vector<16xi32>
        %shift_left3A_422 = arith.shli %get3A_419, %shift_left3A_421 : vector<16xi32>
        %bitcast3A_423 = vector.bitcast %shift_left3A_422 : vector<16xi32> to vector<16xf32>
        %and3A_424 = arith.constant -65536 : i32
        %and3A_425 = vector.broadcast %and3A_424 : i32 to vector<16xi32>
        %and3A_426 = arith.andi %get3A_419, %and3A_425 : vector<16xi32>
        %bitcast3A_427 = vector.bitcast %and3A_426 : vector<16xi32> to vector<16xf32>
        %add3A_428 = arith.constant 96 : i32
        %add3A_429 = vector.broadcast %add3A_428 : i32 to vector<16xi32>
        %add3A_430 = arith.addi %add3A_306, %add3A_429 : vector<16xi32>
        %mul3A_431 = arith.mulf %bitcast3A_423, %gather3A_305 : vector<16xf32>
        tpu.vector_store_idx %arg7[%add3A_430], %mul3A_431 {add = true} : memref<65536xf32, #tpu.memory_space<vmem>>[vector<16xi32>], vector<16xf32>,
        %add3A_432 = arith.constant 224 : i32
        %add3A_433 = vector.broadcast %add3A_432 : i32 to vector<16xi32>
        %add3A_434 = arith.addi %add3A_306, %add3A_433 : vector<16xi32>
        %mul3A_435 = arith.mulf %bitcast3A_427, %gather3A_305 : vector<16xf32>
        tpu.vector_store_idx %arg7[%add3A_434], %mul3A_435 {add = true} : memref<65536xf32, #tpu.memory_space<vmem>>[vector<16xi32>], vector<16xf32>,
        %get3A_436 = arith.index_cast %scan3A_298 : i32 to index
        %get3A_437 = arith.constant 112 : index
        %get3A_438 = tpu.vector_load %arg12[%get3A_436, %get3A_437] {strides = array<i32>} : memref<8x128xi32, #tpu.memory_space<vmem>>, vector<16xi32>,
        %shift_left3A_439 = arith.constant 16 : i32
        %shift_left3A_440 = vector.broadcast %shift_left3A_439 : i32 to vector<16xi32>
        %shift_left3A_441 = arith.shli %get3A_438, %shift_left3A_440 : vector<16xi32>
        %bitcast3A_442 = vector.bitcast %shift_left3A_441 : vector<16xi32> to vector<16xf32>
        %and3A_443 = arith.constant -65536 : i32
        %and3A_444 = vector.broadcast %and3A_443 : i32 to vector<16xi32>
        %and3A_445 = arith.andi %get3A_438, %and3A_444 : vector<16xi32>
        %bitcast3A_446 = vector.bitcast %and3A_445 : vector<16xi32> to vector<16xf32>
        %add3A_447 = arith.constant 112 : i32
        %add3A_448 = vector.broadcast %add3A_447 : i32 to vector<16xi32>
        %add3A_449 = arith.addi %add3A_306, %add3A_448 : vector<16xi32>
        %mul3A_450 = arith.mulf %bitcast3A_442, %gather3A_305 : vector<16xf32>
        tpu.vector_store_idx %arg7[%add3A_449], %mul3A_450 {add = true} : memref<65536xf32, #tpu.memory_space<vmem>>[vector<16xi32>], vector<16xf32>,
        %add3A_451 = arith.constant 240 : i32
        %add3A_452 = vector.broadcast %add3A_451 : i32 to vector<16xi32>
        %add3A_453 = arith.addi %add3A_306, %add3A_452 : vector<16xi32>
        %mul3A_454 = arith.mulf %bitcast3A_446, %gather3A_305 : vector<16xf32>
        tpu.vector_store_idx %arg7[%add3A_453], %mul3A_454 {add = true} : memref<65536xf32, #tpu.memory_space<vmem>>[vector<16xi32>], vector<16xf32>,
        %scan3A_455 = arith.constant 0 : i32
        scf.yield %scan3A_455 : i32
      }
      %scan3A_158 = arith.constant 8 : i32
      %add3A_159 = arith.constant 7 : i32
      %add3A_160 = arith.addi %add3A_144, %add3A_159 : i32
      %dma_start3A_161 = arith.constant 0 : i32
      %dma_start3A_162 = tpu.memref_slice %arg10[%add3A_160, %dma_start3A_161] : memref<203x8xi32, #tpu.memory_space<vmem>> -> memref<1x8xi32, #tpu.memory_space<vmem>>
      %dma_start3A_163 = tpu.memref_squeeze %dma_start3A_162 : memref<1x8xi32, #tpu.memory_space<vmem>> -> memref<8xi32, #tpu.memory_space<vmem>>
      %dma_start3A_164 = arith.constant 0 : i32
      %dma_start3A_165 = arith.constant 0 : i32
      %dma_start3A_166 = tpu.memref_slice %arg2[%dma_start3A_164, %dma_start3A_165] : memref<50000x128xi32, #tpu.memory_space<hbm>> -> memref<50000x128xi32, #tpu.memory_space<hbm>>
      tpu.enqueue_indirect_dma source(%dma_start3A_166 : memref<50000x128xi32, #tpu.memory_space<hbm>>) target(%arg12 : memref<8x128xi32, #tpu.memory_space<vmem>>) offsets(%dma_start3A_163 : memref<8xi32, #tpu.memory_space<vmem>>) semaphore(%arg19 : memref<!tpu.dma_semaphore, #tpu.memory_space<semaphore_mem>>)
      %mul3A_167 = arith.constant 7 : i32
      %mul3A_168 = arith.muli %scan3A_113, %mul3A_167 : i32
      %add3A_169 = arith.constant 2 : i32
      %add3A_170 = arith.addi %mul3A_168, %add3A_169 : i32
      %dma_wait3A_171 = arith.constant 0 : i32
      %dma_wait3A_172 = arith.constant 0 : i32
      %dma_wait3A_173 = tpu.memref_slice %arg10[%dma_wait3A_171, %dma_wait3A_172] : memref<203x8xi32, #tpu.memory_space<vmem>> -> memref<1x8xi32, #tpu.memory_space<vmem>>
      %dma_wait3A_174 = tpu.memref_squeeze %dma_wait3A_173 : memref<1x8xi32, #tpu.memory_space<vmem>> -> memref<8xi32, #tpu.memory_space<vmem>>
      %dma_wait3A_175 = arith.constant 0 : i32
      %dma_wait3A_176 = arith.constant 0 : i32
      %dma_wait3A_177 = tpu.memref_slice %arg2[%dma_wait3A_175, %dma_wait3A_176] : memref<50000x128xi32, #tpu.memory_space<hbm>> -> memref<50000x128xi32, #tpu.memory_space<hbm>>
      tpu.wait_indirect_dma semaphore(%arg20 : memref<!tpu.dma_semaphore, #tpu.memory_space<semaphore_mem>>) src(%dma_wait3A_177 : memref<50000x128xi32, #tpu.memory_space<hbm>>) dst(%arg13 : memref<8x128xi32, #tpu.memory_space<vmem>>)
      %scan3A_178 = arith.constant 0 : i32
      %scan3A_179 = arith.constant 0 : i32
      %scan3A_180 = arith.constant 8 : i32
      %scan3A_181 = arith.addi %scan3A_179, %scan3A_180 : i32
      %scan3A_182 = arith.constant 1 : i32
      %scan3A_183 = scf.for %scan3A_298 = %scan3A_179 to %scan3A_181 step %scan3A_182 iter_args(%scan3A_299 = %scan3A_178) -> (i32)  : i32 {
        %mul3A_300 = arith.constant 8 : i32
        %mul3A_301 = arith.muli %add3A_170, %mul3A_300 : i32
        %add3A_302 = arith.addi %mul3A_301, %scan3A_298 : i32
        %broadcast_in_dim3A_303 = vector.broadcast %add3A_302 : i32 to vector<16xi32>
        %gather3A = tpu.vector_load_idx %arg9[%broadcast_in_dim3A_303] : memref<1568xi32, #tpu.memory_space<vmem>>[vector<16xi32>], vector<16xi32>,
        %broadcast_in_dim3A_304 = vector.broadcast %add3A_302 : i32 to vector<16xi32>
        %gather3A_305 = tpu.vector_load_idx %arg8[%broadcast_in_dim3A_304] : memref<1568xf32, #tpu.memory_space<vmem>>[vector<16xi32>], vector<16xf32>,
        %iota3A = tpu.iota {dimensions = array<i32: 0>} : vector<16xi32>
        %add3A_306 = arith.addi %gather3A, %iota3A : vector<16xi32>
        %get3A = arith.index_cast %scan3A_298 : i32 to index
        %get3A_307 = arith.constant 0 : index
        %get3A_308 = tpu.vector_load %arg13[%get3A, %get3A_307] {strides = array<i32>} : memref<8x128xi32, #tpu.memory_space<vmem>>, vector<16xi32>,
        %shift_left3A = arith.constant 16 : i32
        %shift_left3A_309 = vector.broadcast %shift_left3A : i32 to vector<16xi32>
        %shift_left3A_310 = arith.shli %get3A_308, %shift_left3A_309 : vector<16xi32>
        %bitcast3A = vector.bitcast %shift_left3A_310 : vector<16xi32> to vector<16xf32>
        %and3A = arith.constant -65536 : i32
        %and3A_311 = vector.broadcast %and3A : i32 to vector<16xi32>
        %and3A_312 = arith.andi %get3A_308, %and3A_311 : vector<16xi32>
        %bitcast3A_313 = vector.bitcast %and3A_312 : vector<16xi32> to vector<16xf32>
        %add3A_314 = arith.constant 0 : i32
        %add3A_315 = vector.broadcast %add3A_314 : i32 to vector<16xi32>
        %add3A_316 = arith.addi %add3A_306, %add3A_315 : vector<16xi32>
        %mul3A_317 = arith.mulf %bitcast3A, %gather3A_305 : vector<16xf32>
        tpu.vector_store_idx %arg7[%add3A_316], %mul3A_317 {add = true} : memref<65536xf32, #tpu.memory_space<vmem>>[vector<16xi32>], vector<16xf32>,
        %add3A_318 = arith.constant 128 : i32
        %add3A_319 = vector.broadcast %add3A_318 : i32 to vector<16xi32>
        %add3A_320 = arith.addi %add3A_306, %add3A_319 : vector<16xi32>
        %mul3A_321 = arith.mulf %bitcast3A_313, %gather3A_305 : vector<16xf32>
        tpu.vector_store_idx %arg7[%add3A_320], %mul3A_321 {add = true} : memref<65536xf32, #tpu.memory_space<vmem>>[vector<16xi32>], vector<16xf32>,
        %get3A_322 = arith.index_cast %scan3A_298 : i32 to index
        %get3A_323 = arith.constant 16 : index
        %get3A_324 = tpu.vector_load %arg13[%get3A_322, %get3A_323] {strides = array<i32>} : memref<8x128xi32, #tpu.memory_space<vmem>>, vector<16xi32>,
        %shift_left3A_325 = arith.constant 16 : i32
        %shift_left3A_326 = vector.broadcast %shift_left3A_325 : i32 to vector<16xi32>
        %shift_left3A_327 = arith.shli %get3A_324, %shift_left3A_326 : vector<16xi32>
        %bitcast3A_328 = vector.bitcast %shift_left3A_327 : vector<16xi32> to vector<16xf32>
        %and3A_329 = arith.constant -65536 : i32
        %and3A_330 = vector.broadcast %and3A_329 : i32 to vector<16xi32>
        %and3A_331 = arith.andi %get3A_324, %and3A_330 : vector<16xi32>
        %bitcast3A_332 = vector.bitcast %and3A_331 : vector<16xi32> to vector<16xf32>
        %add3A_333 = arith.constant 16 : i32
        %add3A_334 = vector.broadcast %add3A_333 : i32 to vector<16xi32>
        %add3A_335 = arith.addi %add3A_306, %add3A_334 : vector<16xi32>
        %mul3A_336 = arith.mulf %bitcast3A_328, %gather3A_305 : vector<16xf32>
        tpu.vector_store_idx %arg7[%add3A_335], %mul3A_336 {add = true} : memref<65536xf32, #tpu.memory_space<vmem>>[vector<16xi32>], vector<16xf32>,
        %add3A_337 = arith.constant 144 : i32
        %add3A_338 = vector.broadcast %add3A_337 : i32 to vector<16xi32>
        %add3A_339 = arith.addi %add3A_306, %add3A_338 : vector<16xi32>
        %mul3A_340 = arith.mulf %bitcast3A_332, %gather3A_305 : vector<16xf32>
        tpu.vector_store_idx %arg7[%add3A_339], %mul3A_340 {add = true} : memref<65536xf32, #tpu.memory_space<vmem>>[vector<16xi32>], vector<16xf32>,
        %get3A_341 = arith.index_cast %scan3A_298 : i32 to index
        %get3A_342 = arith.constant 32 : index
        %get3A_343 = tpu.vector_load %arg13[%get3A_341, %get3A_342] {strides = array<i32>} : memref<8x128xi32, #tpu.memory_space<vmem>>, vector<16xi32>,
        %shift_left3A_344 = arith.constant 16 : i32
        %shift_left3A_345 = vector.broadcast %shift_left3A_344 : i32 to vector<16xi32>
        %shift_left3A_346 = arith.shli %get3A_343, %shift_left3A_345 : vector<16xi32>
        %bitcast3A_347 = vector.bitcast %shift_left3A_346 : vector<16xi32> to vector<16xf32>
        %and3A_348 = arith.constant -65536 : i32
        %and3A_349 = vector.broadcast %and3A_348 : i32 to vector<16xi32>
        %and3A_350 = arith.andi %get3A_343, %and3A_349 : vector<16xi32>
        %bitcast3A_351 = vector.bitcast %and3A_350 : vector<16xi32> to vector<16xf32>
        %add3A_352 = arith.constant 32 : i32
        %add3A_353 = vector.broadcast %add3A_352 : i32 to vector<16xi32>
        %add3A_354 = arith.addi %add3A_306, %add3A_353 : vector<16xi32>
        %mul3A_355 = arith.mulf %bitcast3A_347, %gather3A_305 : vector<16xf32>
        tpu.vector_store_idx %arg7[%add3A_354], %mul3A_355 {add = true} : memref<65536xf32, #tpu.memory_space<vmem>>[vector<16xi32>], vector<16xf32>,
        %add3A_356 = arith.constant 160 : i32
        %add3A_357 = vector.broadcast %add3A_356 : i32 to vector<16xi32>
        %add3A_358 = arith.addi %add3A_306, %add3A_357 : vector<16xi32>
        %mul3A_359 = arith.mulf %bitcast3A_351, %gather3A_305 : vector<16xf32>
        tpu.vector_store_idx %arg7[%add3A_358], %mul3A_359 {add = true} : memref<65536xf32, #tpu.memory_space<vmem>>[vector<16xi32>], vector<16xf32>,
        %get3A_360 = arith.index_cast %scan3A_298 : i32 to index
        %get3A_361 = arith.constant 48 : index
        %get3A_362 = tpu.vector_load %arg13[%get3A_360, %get3A_361] {strides = array<i32>} : memref<8x128xi32, #tpu.memory_space<vmem>>, vector<16xi32>,
        %shift_left3A_363 = arith.constant 16 : i32
        %shift_left3A_364 = vector.broadcast %shift_left3A_363 : i32 to vector<16xi32>
        %shift_left3A_365 = arith.shli %get3A_362, %shift_left3A_364 : vector<16xi32>
        %bitcast3A_366 = vector.bitcast %shift_left3A_365 : vector<16xi32> to vector<16xf32>
        %and3A_367 = arith.constant -65536 : i32
        %and3A_368 = vector.broadcast %and3A_367 : i32 to vector<16xi32>
        %and3A_369 = arith.andi %get3A_362, %and3A_368 : vector<16xi32>
        %bitcast3A_370 = vector.bitcast %and3A_369 : vector<16xi32> to vector<16xf32>
        %add3A_371 = arith.constant 48 : i32
        %add3A_372 = vector.broadcast %add3A_371 : i32 to vector<16xi32>
        %add3A_373 = arith.addi %add3A_306, %add3A_372 : vector<16xi32>
        %mul3A_374 = arith.mulf %bitcast3A_366, %gather3A_305 : vector<16xf32>
        tpu.vector_store_idx %arg7[%add3A_373], %mul3A_374 {add = true} : memref<65536xf32, #tpu.memory_space<vmem>>[vector<16xi32>], vector<16xf32>,
        %add3A_375 = arith.constant 176 : i32
        %add3A_376 = vector.broadcast %add3A_375 : i32 to vector<16xi32>
        %add3A_377 = arith.addi %add3A_306, %add3A_376 : vector<16xi32>
        %mul3A_378 = arith.mulf %bitcast3A_370, %gather3A_305 : vector<16xf32>
        tpu.vector_store_idx %arg7[%add3A_377], %mul3A_378 {add = true} : memref<65536xf32, #tpu.memory_space<vmem>>[vector<16xi32>], vector<16xf32>,
        %get3A_379 = arith.index_cast %scan3A_298 : i32 to index
        %get3A_380 = arith.constant 64 : index
        %get3A_381 = tpu.vector_load %arg13[%get3A_379, %get3A_380] {strides = array<i32>} : memref<8x128xi32, #tpu.memory_space<vmem>>, vector<16xi32>,
        %shift_left3A_382 = arith.constant 16 : i32
        %shift_left3A_383 = vector.broadcast %shift_left3A_382 : i32 to vector<16xi32>
        %shift_left3A_384 = arith.shli %get3A_381, %shift_left3A_383 : vector<16xi32>
        %bitcast3A_385 = vector.bitcast %shift_left3A_384 : vector<16xi32> to vector<16xf32>
        %and3A_386 = arith.constant -65536 : i32
        %and3A_387 = vector.broadcast %and3A_386 : i32 to vector<16xi32>
        %and3A_388 = arith.andi %get3A_381, %and3A_387 : vector<16xi32>
        %bitcast3A_389 = vector.bitcast %and3A_388 : vector<16xi32> to vector<16xf32>
        %add3A_390 = arith.constant 64 : i32
        %add3A_391 = vector.broadcast %add3A_390 : i32 to vector<16xi32>
        %add3A_392 = arith.addi %add3A_306, %add3A_391 : vector<16xi32>
        %mul3A_393 = arith.mulf %bitcast3A_385, %gather3A_305 : vector<16xf32>
        tpu.vector_store_idx %arg7[%add3A_392], %mul3A_393 {add = true} : memref<65536xf32, #tpu.memory_space<vmem>>[vector<16xi32>], vector<16xf32>,
        %add3A_394 = arith.constant 192 : i32
        %add3A_395 = vector.broadcast %add3A_394 : i32 to vector<16xi32>
        %add3A_396 = arith.addi %add3A_306, %add3A_395 : vector<16xi32>
        %mul3A_397 = arith.mulf %bitcast3A_389, %gather3A_305 : vector<16xf32>
        tpu.vector_store_idx %arg7[%add3A_396], %mul3A_397 {add = true} : memref<65536xf32, #tpu.memory_space<vmem>>[vector<16xi32>], vector<16xf32>,
        %get3A_398 = arith.index_cast %scan3A_298 : i32 to index
        %get3A_399 = arith.constant 80 : index
        %get3A_400 = tpu.vector_load %arg13[%get3A_398, %get3A_399] {strides = array<i32>} : memref<8x128xi32, #tpu.memory_space<vmem>>, vector<16xi32>,
        %shift_left3A_401 = arith.constant 16 : i32
        %shift_left3A_402 = vector.broadcast %shift_left3A_401 : i32 to vector<16xi32>
        %shift_left3A_403 = arith.shli %get3A_400, %shift_left3A_402 : vector<16xi32>
        %bitcast3A_404 = vector.bitcast %shift_left3A_403 : vector<16xi32> to vector<16xf32>
        %and3A_405 = arith.constant -65536 : i32
        %and3A_406 = vector.broadcast %and3A_405 : i32 to vector<16xi32>
        %and3A_407 = arith.andi %get3A_400, %and3A_406 : vector<16xi32>
        %bitcast3A_408 = vector.bitcast %and3A_407 : vector<16xi32> to vector<16xf32>
        %add3A_409 = arith.constant 80 : i32
        %add3A_410 = vector.broadcast %add3A_409 : i32 to vector<16xi32>
        %add3A_411 = arith.addi %add3A_306, %add3A_410 : vector<16xi32>
        %mul3A_412 = arith.mulf %bitcast3A_404, %gather3A_305 : vector<16xf32>
        tpu.vector_store_idx %arg7[%add3A_411], %mul3A_412 {add = true} : memref<65536xf32, #tpu.memory_space<vmem>>[vector<16xi32>], vector<16xf32>,
        %add3A_413 = arith.constant 208 : i32
        %add3A_414 = vector.broadcast %add3A_413 : i32 to vector<16xi32>
        %add3A_415 = arith.addi %add3A_306, %add3A_414 : vector<16xi32>
        %mul3A_416 = arith.mulf %bitcast3A_408, %gather3A_305 : vector<16xf32>
        tpu.vector_store_idx %arg7[%add3A_415], %mul3A_416 {add = true} : memref<65536xf32, #tpu.memory_space<vmem>>[vector<16xi32>], vector<16xf32>,
        %get3A_417 = arith.index_cast %scan3A_298 : i32 to index
        %get3A_418 = arith.constant 96 : index
        %get3A_419 = tpu.vector_load %arg13[%get3A_417, %get3A_418] {strides = array<i32>} : memref<8x128xi32, #tpu.memory_space<vmem>>, vector<16xi32>,
        %shift_left3A_420 = arith.constant 16 : i32
        %shift_left3A_421 = vector.broadcast %shift_left3A_420 : i32 to vector<16xi32>
        %shift_left3A_422 = arith.shli %get3A_419, %shift_left3A_421 : vector<16xi32>
        %bitcast3A_423 = vector.bitcast %shift_left3A_422 : vector<16xi32> to vector<16xf32>
        %and3A_424 = arith.constant -65536 : i32
        %and3A_425 = vector.broadcast %and3A_424 : i32 to vector<16xi32>
        %and3A_426 = arith.andi %get3A_419, %and3A_425 : vector<16xi32>
        %bitcast3A_427 = vector.bitcast %and3A_426 : vector<16xi32> to vector<16xf32>
        %add3A_428 = arith.constant 96 : i32
        %add3A_429 = vector.broadcast %add3A_428 : i32 to vector<16xi32>
        %add3A_430 = arith.addi %add3A_306, %add3A_429 : vector<16xi32>
        %mul3A_431 = arith.mulf %bitcast3A_423, %gather3A_305 : vector<16xf32>
        tpu.vector_store_idx %arg7[%add3A_430], %mul3A_431 {add = true} : memref<65536xf32, #tpu.memory_space<vmem>>[vector<16xi32>], vector<16xf32>,
        %add3A_432 = arith.constant 224 : i32
        %add3A_433 = vector.broadcast %add3A_432 : i32 to vector<16xi32>
        %add3A_434 = arith.addi %add3A_306, %add3A_433 : vector<16xi32>
        %mul3A_435 = arith.mulf %bitcast3A_427, %gather3A_305 : vector<16xf32>
        tpu.vector_store_idx %arg7[%add3A_434], %mul3A_435 {add = true} : memref<65536xf32, #tpu.memory_space<vmem>>[vector<16xi32>], vector<16xf32>,
        %get3A_436 = arith.index_cast %scan3A_298 : i32 to index
        %get3A_437 = arith.constant 112 : index
        %get3A_438 = tpu.vector_load %arg13[%get3A_436, %get3A_437] {strides = array<i32>} : memref<8x128xi32, #tpu.memory_space<vmem>>, vector<16xi32>,
        %shift_left3A_439 = arith.constant 16 : i32
        %shift_left3A_440 = vector.broadcast %shift_left3A_439 : i32 to vector<16xi32>
        %shift_left3A_441 = arith.shli %get3A_438, %shift_left3A_440 : vector<16xi32>
        %bitcast3A_442 = vector.bitcast %shift_left3A_441 : vector<16xi32> to vector<16xf32>
        %and3A_443 = arith.constant -65536 : i32
        %and3A_444 = vector.broadcast %and3A_443 : i32 to vector<16xi32>
        %and3A_445 = arith.andi %get3A_438, %and3A_444 : vector<16xi32>
        %bitcast3A_446 = vector.bitcast %and3A_445 : vector<16xi32> to vector<16xf32>
        %add3A_447 = arith.constant 112 : i32
        %add3A_448 = vector.broadcast %add3A_447 : i32 to vector<16xi32>
        %add3A_449 = arith.addi %add3A_306, %add3A_448 : vector<16xi32>
        %mul3A_450 = arith.mulf %bitcast3A_442, %gather3A_305 : vector<16xf32>
        tpu.vector_store_idx %arg7[%add3A_449], %mul3A_450 {add = true} : memref<65536xf32, #tpu.memory_space<vmem>>[vector<16xi32>], vector<16xf32>,
        %add3A_451 = arith.constant 240 : i32
        %add3A_452 = vector.broadcast %add3A_451 : i32 to vector<16xi32>
        %add3A_453 = arith.addi %add3A_306, %add3A_452 : vector<16xi32>
        %mul3A_454 = arith.mulf %bitcast3A_446, %gather3A_305 : vector<16xf32>
        tpu.vector_store_idx %arg7[%add3A_453], %mul3A_454 {add = true} : memref<65536xf32, #tpu.memory_space<vmem>>[vector<16xi32>], vector<16xf32>,
        %scan3A_455 = arith.constant 0 : i32
        scf.yield %scan3A_455 : i32
      }
      %scan3A_184 = arith.constant 8 : i32
      %add3A_185 = arith.constant 7 : i32
      %add3A_186 = arith.addi %add3A_170, %add3A_185 : i32
      %dma_start3A_187 = arith.constant 0 : i32
      %dma_start3A_188 = tpu.memref_slice %arg10[%add3A_186, %dma_start3A_187] : memref<203x8xi32, #tpu.memory_space<vmem>> -> memref<1x8xi32, #tpu.memory_space<vmem>>
      %dma_start3A_189 = tpu.memref_squeeze %dma_start3A_188 : memref<1x8xi32, #tpu.memory_space<vmem>> -> memref<8xi32, #tpu.memory_space<vmem>>
      %dma_start3A_190 = arith.constant 0 : i32
      %dma_start3A_191 = arith.constant 0 : i32
      %dma_start3A_192 = tpu.memref_slice %arg2[%dma_start3A_190, %dma_start3A_191] : memref<50000x128xi32, #tpu.memory_space<hbm>> -> memref<50000x128xi32, #tpu.memory_space<hbm>>
      tpu.enqueue_indirect_dma source(%dma_start3A_192 : memref<50000x128xi32, #tpu.memory_space<hbm>>) target(%arg13 : memref<8x128xi32, #tpu.memory_space<vmem>>) offsets(%dma_start3A_189 : memref<8xi32, #tpu.memory_space<vmem>>) semaphore(%arg20 : memref<!tpu.dma_semaphore, #tpu.memory_space<semaphore_mem>>)
      %mul3A_193 = arith.constant 7 : i32
      %mul3A_194 = arith.muli %scan3A_113, %mul3A_193 : i32
      %add3A_195 = arith.constant 3 : i32
      %add3A_196 = arith.addi %mul3A_194, %add3A_195 : i32
      %dma_wait3A_197 = arith.constant 0 : i32
      %dma_wait3A_198 = arith.constant 0 : i32
      %dma_wait3A_199 = tpu.memref_slice %arg10[%dma_wait3A_197, %dma_wait3A_198] : memref<203x8xi32, #tpu.memory_space<vmem>> -> memref<1x8xi32, #tpu.memory_space<vmem>>
      %dma_wait3A_200 = tpu.memref_squeeze %dma_wait3A_199 : memref<1x8xi32, #tpu.memory_space<vmem>> -> memref<8xi32, #tpu.memory_space<vmem>>
      %dma_wait3A_201 = arith.constant 0 : i32
      %dma_wait3A_202 = arith.constant 0 : i32
      %dma_wait3A_203 = tpu.memref_slice %arg2[%dma_wait3A_201, %dma_wait3A_202] : memref<50000x128xi32, #tpu.memory_space<hbm>> -> memref<50000x128xi32, #tpu.memory_space<hbm>>
      tpu.wait_indirect_dma semaphore(%arg21 : memref<!tpu.dma_semaphore, #tpu.memory_space<semaphore_mem>>) src(%dma_wait3A_203 : memref<50000x128xi32, #tpu.memory_space<hbm>>) dst(%arg14 : memref<8x128xi32, #tpu.memory_space<vmem>>)
      %scan3A_204 = arith.constant 0 : i32
      %scan3A_205 = arith.constant 0 : i32
      %scan3A_206 = arith.constant 8 : i32
      %scan3A_207 = arith.addi %scan3A_205, %scan3A_206 : i32
      %scan3A_208 = arith.constant 1 : i32
      %scan3A_209 = scf.for %scan3A_298 = %scan3A_205 to %scan3A_207 step %scan3A_208 iter_args(%scan3A_299 = %scan3A_204) -> (i32)  : i32 {
        %mul3A_300 = arith.constant 8 : i32
        %mul3A_301 = arith.muli %add3A_196, %mul3A_300 : i32
        %add3A_302 = arith.addi %mul3A_301, %scan3A_298 : i32
        %broadcast_in_dim3A_303 = vector.broadcast %add3A_302 : i32 to vector<16xi32>
        %gather3A = tpu.vector_load_idx %arg9[%broadcast_in_dim3A_303] : memref<1568xi32, #tpu.memory_space<vmem>>[vector<16xi32>], vector<16xi32>,
        %broadcast_in_dim3A_304 = vector.broadcast %add3A_302 : i32 to vector<16xi32>
        %gather3A_305 = tpu.vector_load_idx %arg8[%broadcast_in_dim3A_304] : memref<1568xf32, #tpu.memory_space<vmem>>[vector<16xi32>], vector<16xf32>,
        %iota3A = tpu.iota {dimensions = array<i32: 0>} : vector<16xi32>
        %add3A_306 = arith.addi %gather3A, %iota3A : vector<16xi32>
        %get3A = arith.index_cast %scan3A_298 : i32 to index
        %get3A_307 = arith.constant 0 : index
        %get3A_308 = tpu.vector_load %arg14[%get3A, %get3A_307] {strides = array<i32>} : memref<8x128xi32, #tpu.memory_space<vmem>>, vector<16xi32>,
        %shift_left3A = arith.constant 16 : i32
        %shift_left3A_309 = vector.broadcast %shift_left3A : i32 to vector<16xi32>
        %shift_left3A_310 = arith.shli %get3A_308, %shift_left3A_309 : vector<16xi32>
        %bitcast3A = vector.bitcast %shift_left3A_310 : vector<16xi32> to vector<16xf32>
        %and3A = arith.constant -65536 : i32
        %and3A_311 = vector.broadcast %and3A : i32 to vector<16xi32>
        %and3A_312 = arith.andi %get3A_308, %and3A_311 : vector<16xi32>
        %bitcast3A_313 = vector.bitcast %and3A_312 : vector<16xi32> to vector<16xf32>
        %add3A_314 = arith.constant 0 : i32
        %add3A_315 = vector.broadcast %add3A_314 : i32 to vector<16xi32>
        %add3A_316 = arith.addi %add3A_306, %add3A_315 : vector<16xi32>
        %mul3A_317 = arith.mulf %bitcast3A, %gather3A_305 : vector<16xf32>
        tpu.vector_store_idx %arg7[%add3A_316], %mul3A_317 {add = true} : memref<65536xf32, #tpu.memory_space<vmem>>[vector<16xi32>], vector<16xf32>,
        %add3A_318 = arith.constant 128 : i32
        %add3A_319 = vector.broadcast %add3A_318 : i32 to vector<16xi32>
        %add3A_320 = arith.addi %add3A_306, %add3A_319 : vector<16xi32>
        %mul3A_321 = arith.mulf %bitcast3A_313, %gather3A_305 : vector<16xf32>
        tpu.vector_store_idx %arg7[%add3A_320], %mul3A_321 {add = true} : memref<65536xf32, #tpu.memory_space<vmem>>[vector<16xi32>], vector<16xf32>,
        %get3A_322 = arith.index_cast %scan3A_298 : i32 to index
        %get3A_323 = arith.constant 16 : index
        %get3A_324 = tpu.vector_load %arg14[%get3A_322, %get3A_323] {strides = array<i32>} : memref<8x128xi32, #tpu.memory_space<vmem>>, vector<16xi32>,
        %shift_left3A_325 = arith.constant 16 : i32
        %shift_left3A_326 = vector.broadcast %shift_left3A_325 : i32 to vector<16xi32>
        %shift_left3A_327 = arith.shli %get3A_324, %shift_left3A_326 : vector<16xi32>
        %bitcast3A_328 = vector.bitcast %shift_left3A_327 : vector<16xi32> to vector<16xf32>
        %and3A_329 = arith.constant -65536 : i32
        %and3A_330 = vector.broadcast %and3A_329 : i32 to vector<16xi32>
        %and3A_331 = arith.andi %get3A_324, %and3A_330 : vector<16xi32>
        %bitcast3A_332 = vector.bitcast %and3A_331 : vector<16xi32> to vector<16xf32>
        %add3A_333 = arith.constant 16 : i32
        %add3A_334 = vector.broadcast %add3A_333 : i32 to vector<16xi32>
        %add3A_335 = arith.addi %add3A_306, %add3A_334 : vector<16xi32>
        %mul3A_336 = arith.mulf %bitcast3A_328, %gather3A_305 : vector<16xf32>
        tpu.vector_store_idx %arg7[%add3A_335], %mul3A_336 {add = true} : memref<65536xf32, #tpu.memory_space<vmem>>[vector<16xi32>], vector<16xf32>,
        %add3A_337 = arith.constant 144 : i32
        %add3A_338 = vector.broadcast %add3A_337 : i32 to vector<16xi32>
        %add3A_339 = arith.addi %add3A_306, %add3A_338 : vector<16xi32>
        %mul3A_340 = arith.mulf %bitcast3A_332, %gather3A_305 : vector<16xf32>
        tpu.vector_store_idx %arg7[%add3A_339], %mul3A_340 {add = true} : memref<65536xf32, #tpu.memory_space<vmem>>[vector<16xi32>], vector<16xf32>,
        %get3A_341 = arith.index_cast %scan3A_298 : i32 to index
        %get3A_342 = arith.constant 32 : index
        %get3A_343 = tpu.vector_load %arg14[%get3A_341, %get3A_342] {strides = array<i32>} : memref<8x128xi32, #tpu.memory_space<vmem>>, vector<16xi32>,
        %shift_left3A_344 = arith.constant 16 : i32
        %shift_left3A_345 = vector.broadcast %shift_left3A_344 : i32 to vector<16xi32>
        %shift_left3A_346 = arith.shli %get3A_343, %shift_left3A_345 : vector<16xi32>
        %bitcast3A_347 = vector.bitcast %shift_left3A_346 : vector<16xi32> to vector<16xf32>
        %and3A_348 = arith.constant -65536 : i32
        %and3A_349 = vector.broadcast %and3A_348 : i32 to vector<16xi32>
        %and3A_350 = arith.andi %get3A_343, %and3A_349 : vector<16xi32>
        %bitcast3A_351 = vector.bitcast %and3A_350 : vector<16xi32> to vector<16xf32>
        %add3A_352 = arith.constant 32 : i32
        %add3A_353 = vector.broadcast %add3A_352 : i32 to vector<16xi32>
        %add3A_354 = arith.addi %add3A_306, %add3A_353 : vector<16xi32>
        %mul3A_355 = arith.mulf %bitcast3A_347, %gather3A_305 : vector<16xf32>
        tpu.vector_store_idx %arg7[%add3A_354], %mul3A_355 {add = true} : memref<65536xf32, #tpu.memory_space<vmem>>[vector<16xi32>], vector<16xf32>,
        %add3A_356 = arith.constant 160 : i32
        %add3A_357 = vector.broadcast %add3A_356 : i32 to vector<16xi32>
        %add3A_358 = arith.addi %add3A_306, %add3A_357 : vector<16xi32>
        %mul3A_359 = arith.mulf %bitcast3A_351, %gather3A_305 : vector<16xf32>
        tpu.vector_store_idx %arg7[%add3A_358], %mul3A_359 {add = true} : memref<65536xf32, #tpu.memory_space<vmem>>[vector<16xi32>], vector<16xf32>,
        %get3A_360 = arith.index_cast %scan3A_298 : i32 to index
        %get3A_361 = arith.constant 48 : index
        %get3A_362 = tpu.vector_load %arg14[%get3A_360, %get3A_361] {strides = array<i32>} : memref<8x128xi32, #tpu.memory_space<vmem>>, vector<16xi32>,
        %shift_left3A_363 = arith.constant 16 : i32
        %shift_left3A_364 = vector.broadcast %shift_left3A_363 : i32 to vector<16xi32>
        %shift_left3A_365 = arith.shli %get3A_362, %shift_left3A_364 : vector<16xi32>
        %bitcast3A_366 = vector.bitcast %shift_left3A_365 : vector<16xi32> to vector<16xf32>
        %and3A_367 = arith.constant -65536 : i32
        %and3A_368 = vector.broadcast %and3A_367 : i32 to vector<16xi32>
        %and3A_369 = arith.andi %get3A_362, %and3A_368 : vector<16xi32>
        %bitcast3A_370 = vector.bitcast %and3A_369 : vector<16xi32> to vector<16xf32>
        %add3A_371 = arith.constant 48 : i32
        %add3A_372 = vector.broadcast %add3A_371 : i32 to vector<16xi32>
        %add3A_373 = arith.addi %add3A_306, %add3A_372 : vector<16xi32>
        %mul3A_374 = arith.mulf %bitcast3A_366, %gather3A_305 : vector<16xf32>
        tpu.vector_store_idx %arg7[%add3A_373], %mul3A_374 {add = true} : memref<65536xf32, #tpu.memory_space<vmem>>[vector<16xi32>], vector<16xf32>,
        %add3A_375 = arith.constant 176 : i32
        %add3A_376 = vector.broadcast %add3A_375 : i32 to vector<16xi32>
        %add3A_377 = arith.addi %add3A_306, %add3A_376 : vector<16xi32>
        %mul3A_378 = arith.mulf %bitcast3A_370, %gather3A_305 : vector<16xf32>
        tpu.vector_store_idx %arg7[%add3A_377], %mul3A_378 {add = true} : memref<65536xf32, #tpu.memory_space<vmem>>[vector<16xi32>], vector<16xf32>,
        %get3A_379 = arith.index_cast %scan3A_298 : i32 to index
        %get3A_380 = arith.constant 64 : index
        %get3A_381 = tpu.vector_load %arg14[%get3A_379, %get3A_380] {strides = array<i32>} : memref<8x128xi32, #tpu.memory_space<vmem>>, vector<16xi32>,
        %shift_left3A_382 = arith.constant 16 : i32
        %shift_left3A_383 = vector.broadcast %shift_left3A_382 : i32 to vector<16xi32>
        %shift_left3A_384 = arith.shli %get3A_381, %shift_left3A_383 : vector<16xi32>
        %bitcast3A_385 = vector.bitcast %shift_left3A_384 : vector<16xi32> to vector<16xf32>
        %and3A_386 = arith.constant -65536 : i32
        %and3A_387 = vector.broadcast %and3A_386 : i32 to vector<16xi32>
        %and3A_388 = arith.andi %get3A_381, %and3A_387 : vector<16xi32>
        %bitcast3A_389 = vector.bitcast %and3A_388 : vector<16xi32> to vector<16xf32>
        %add3A_390 = arith.constant 64 : i32
        %add3A_391 = vector.broadcast %add3A_390 : i32 to vector<16xi32>
        %add3A_392 = arith.addi %add3A_306, %add3A_391 : vector<16xi32>
        %mul3A_393 = arith.mulf %bitcast3A_385, %gather3A_305 : vector<16xf32>
        tpu.vector_store_idx %arg7[%add3A_392], %mul3A_393 {add = true} : memref<65536xf32, #tpu.memory_space<vmem>>[vector<16xi32>], vector<16xf32>,
        %add3A_394 = arith.constant 192 : i32
        %add3A_395 = vector.broadcast %add3A_394 : i32 to vector<16xi32>
        %add3A_396 = arith.addi %add3A_306, %add3A_395 : vector<16xi32>
        %mul3A_397 = arith.mulf %bitcast3A_389, %gather3A_305 : vector<16xf32>
        tpu.vector_store_idx %arg7[%add3A_396], %mul3A_397 {add = true} : memref<65536xf32, #tpu.memory_space<vmem>>[vector<16xi32>], vector<16xf32>,
        %get3A_398 = arith.index_cast %scan3A_298 : i32 to index
        %get3A_399 = arith.constant 80 : index
        %get3A_400 = tpu.vector_load %arg14[%get3A_398, %get3A_399] {strides = array<i32>} : memref<8x128xi32, #tpu.memory_space<vmem>>, vector<16xi32>,
        %shift_left3A_401 = arith.constant 16 : i32
        %shift_left3A_402 = vector.broadcast %shift_left3A_401 : i32 to vector<16xi32>
        %shift_left3A_403 = arith.shli %get3A_400, %shift_left3A_402 : vector<16xi32>
        %bitcast3A_404 = vector.bitcast %shift_left3A_403 : vector<16xi32> to vector<16xf32>
        %and3A_405 = arith.constant -65536 : i32
        %and3A_406 = vector.broadcast %and3A_405 : i32 to vector<16xi32>
        %and3A_407 = arith.andi %get3A_400, %and3A_406 : vector<16xi32>
        %bitcast3A_408 = vector.bitcast %and3A_407 : vector<16xi32> to vector<16xf32>
        %add3A_409 = arith.constant 80 : i32
        %add3A_410 = vector.broadcast %add3A_409 : i32 to vector<16xi32>
        %add3A_411 = arith.addi %add3A_306, %add3A_410 : vector<16xi32>
        %mul3A_412 = arith.mulf %bitcast3A_404, %gather3A_305 : vector<16xf32>
        tpu.vector_store_idx %arg7[%add3A_411], %mul3A_412 {add = true} : memref<65536xf32, #tpu.memory_space<vmem>>[vector<16xi32>], vector<16xf32>,
        %add3A_413 = arith.constant 208 : i32
        %add3A_414 = vector.broadcast %add3A_413 : i32 to vector<16xi32>
        %add3A_415 = arith.addi %add3A_306, %add3A_414 : vector<16xi32>
        %mul3A_416 = arith.mulf %bitcast3A_408, %gather3A_305 : vector<16xf32>
        tpu.vector_store_idx %arg7[%add3A_415], %mul3A_416 {add = true} : memref<65536xf32, #tpu.memory_space<vmem>>[vector<16xi32>], vector<16xf32>,
        %get3A_417 = arith.index_cast %scan3A_298 : i32 to index
        %get3A_418 = arith.constant 96 : index
        %get3A_419 = tpu.vector_load %arg14[%get3A_417, %get3A_418] {strides = array<i32>} : memref<8x128xi32, #tpu.memory_space<vmem>>, vector<16xi32>,
        %shift_left3A_420 = arith.constant 16 : i32
        %shift_left3A_421 = vector.broadcast %shift_left3A_420 : i32 to vector<16xi32>
        %shift_left3A_422 = arith.shli %get3A_419, %shift_left3A_421 : vector<16xi32>
        %bitcast3A_423 = vector.bitcast %shift_left3A_422 : vector<16xi32> to vector<16xf32>
        %and3A_424 = arith.constant -65536 : i32
        %and3A_425 = vector.broadcast %and3A_424 : i32 to vector<16xi32>
        %and3A_426 = arith.andi %get3A_419, %and3A_425 : vector<16xi32>
        %bitcast3A_427 = vector.bitcast %and3A_426 : vector<16xi32> to vector<16xf32>
        %add3A_428 = arith.constant 96 : i32
        %add3A_429 = vector.broadcast %add3A_428 : i32 to vector<16xi32>
        %add3A_430 = arith.addi %add3A_306, %add3A_429 : vector<16xi32>
        %mul3A_431 = arith.mulf %bitcast3A_423, %gather3A_305 : vector<16xf32>
        tpu.vector_store_idx %arg7[%add3A_430], %mul3A_431 {add = true} : memref<65536xf32, #tpu.memory_space<vmem>>[vector<16xi32>], vector<16xf32>,
        %add3A_432 = arith.constant 224 : i32
        %add3A_433 = vector.broadcast %add3A_432 : i32 to vector<16xi32>
        %add3A_434 = arith.addi %add3A_306, %add3A_433 : vector<16xi32>
        %mul3A_435 = arith.mulf %bitcast3A_427, %gather3A_305 : vector<16xf32>
        tpu.vector_store_idx %arg7[%add3A_434], %mul3A_435 {add = true} : memref<65536xf32, #tpu.memory_space<vmem>>[vector<16xi32>], vector<16xf32>,
        %get3A_436 = arith.index_cast %scan3A_298 : i32 to index
        %get3A_437 = arith.constant 112 : index
        %get3A_438 = tpu.vector_load %arg14[%get3A_436, %get3A_437] {strides = array<i32>} : memref<8x128xi32, #tpu.memory_space<vmem>>, vector<16xi32>,
        %shift_left3A_439 = arith.constant 16 : i32
        %shift_left3A_440 = vector.broadcast %shift_left3A_439 : i32 to vector<16xi32>
        %shift_left3A_441 = arith.shli %get3A_438, %shift_left3A_440 : vector<16xi32>
        %bitcast3A_442 = vector.bitcast %shift_left3A_441 : vector<16xi32> to vector<16xf32>
        %and3A_443 = arith.constant -65536 : i32
        %and3A_444 = vector.broadcast %and3A_443 : i32 to vector<16xi32>
        %and3A_445 = arith.andi %get3A_438, %and3A_444 : vector<16xi32>
        %bitcast3A_446 = vector.bitcast %and3A_445 : vector<16xi32> to vector<16xf32>
        %add3A_447 = arith.constant 112 : i32
        %add3A_448 = vector.broadcast %add3A_447 : i32 to vector<16xi32>
        %add3A_449 = arith.addi %add3A_306, %add3A_448 : vector<16xi32>
        %mul3A_450 = arith.mulf %bitcast3A_442, %gather3A_305 : vector<16xf32>
        tpu.vector_store_idx %arg7[%add3A_449], %mul3A_450 {add = true} : memref<65536xf32, #tpu.memory_space<vmem>>[vector<16xi32>], vector<16xf32>,
        %add3A_451 = arith.constant 240 : i32
        %add3A_452 = vector.broadcast %add3A_451 : i32 to vector<16xi32>
        %add3A_453 = arith.addi %add3A_306, %add3A_452 : vector<16xi32>
        %mul3A_454 = arith.mulf %bitcast3A_446, %gather3A_305 : vector<16xf32>
        tpu.vector_store_idx %arg7[%add3A_453], %mul3A_454 {add = true} : memref<65536xf32, #tpu.memory_space<vmem>>[vector<16xi32>], vector<16xf32>,
        %scan3A_455 = arith.constant 0 : i32
        scf.yield %scan3A_455 : i32
      }
      %scan3A_210 = arith.constant 8 : i32
      %add3A_211 = arith.constant 7 : i32
      %add3A_212 = arith.addi %add3A_196, %add3A_211 : i32
      %dma_start3A_213 = arith.constant 0 : i32
      %dma_start3A_214 = tpu.memref_slice %arg10[%add3A_212, %dma_start3A_213] : memref<203x8xi32, #tpu.memory_space<vmem>> -> memref<1x8xi32, #tpu.memory_space<vmem>>
      %dma_start3A_215 = tpu.memref_squeeze %dma_start3A_214 : memref<1x8xi32, #tpu.memory_space<vmem>> -> memref<8xi32, #tpu.memory_space<vmem>>
      %dma_start3A_216 = arith.constant 0 : i32
      %dma_start3A_217 = arith.constant 0 : i32
      %dma_start3A_218 = tpu.memref_slice %arg2[%dma_start3A_216, %dma_start3A_217] : memref<50000x128xi32, #tpu.memory_space<hbm>> -> memref<50000x128xi32, #tpu.memory_space<hbm>>
      tpu.enqueue_indirect_dma source(%dma_start3A_218 : memref<50000x128xi32, #tpu.memory_space<hbm>>) target(%arg14 : memref<8x128xi32, #tpu.memory_space<vmem>>) offsets(%dma_start3A_215 : memref<8xi32, #tpu.memory_space<vmem>>) semaphore(%arg21 : memref<!tpu.dma_semaphore, #tpu.memory_space<semaphore_mem>>)
      %mul3A_219 = arith.constant 7 : i32
      %mul3A_220 = arith.muli %scan3A_113, %mul3A_219 : i32
      %add3A_221 = arith.constant 4 : i32
      %add3A_222 = arith.addi %mul3A_220, %add3A_221 : i32
      %dma_wait3A_223 = arith.constant 0 : i32
      %dma_wait3A_224 = arith.constant 0 : i32
      %dma_wait3A_225 = tpu.memref_slice %arg10[%dma_wait3A_223, %dma_wait3A_224] : memref<203x8xi32, #tpu.memory_space<vmem>> -> memref<1x8xi32, #tpu.memory_space<vmem>>
      %dma_wait3A_226 = tpu.memref_squeeze %dma_wait3A_225 : memref<1x8xi32, #tpu.memory_space<vmem>> -> memref<8xi32, #tpu.memory_space<vmem>>
      %dma_wait3A_227 = arith.constant 0 : i32
      %dma_wait3A_228 = arith.constant 0 : i32
      %dma_wait3A_229 = tpu.memref_slice %arg2[%dma_wait3A_227, %dma_wait3A_228] : memref<50000x128xi32, #tpu.memory_space<hbm>> -> memref<50000x128xi32, #tpu.memory_space<hbm>>
      tpu.wait_indirect_dma semaphore(%arg22 : memref<!tpu.dma_semaphore, #tpu.memory_space<semaphore_mem>>) src(%dma_wait3A_229 : memref<50000x128xi32, #tpu.memory_space<hbm>>) dst(%arg15 : memref<8x128xi32, #tpu.memory_space<vmem>>)
      %scan3A_230 = arith.constant 0 : i32
      %scan3A_231 = arith.constant 0 : i32
      %scan3A_232 = arith.constant 8 : i32
      %scan3A_233 = arith.addi %scan3A_231, %scan3A_232 : i32
      %scan3A_234 = arith.constant 1 : i32
      %scan3A_235 = scf.for %scan3A_298 = %scan3A_231 to %scan3A_233 step %scan3A_234 iter_args(%scan3A_299 = %scan3A_230) -> (i32)  : i32 {
        %mul3A_300 = arith.constant 8 : i32
        %mul3A_301 = arith.muli %add3A_222, %mul3A_300 : i32
        %add3A_302 = arith.addi %mul3A_301, %scan3A_298 : i32
        %broadcast_in_dim3A_303 = vector.broadcast %add3A_302 : i32 to vector<16xi32>
        %gather3A = tpu.vector_load_idx %arg9[%broadcast_in_dim3A_303] : memref<1568xi32, #tpu.memory_space<vmem>>[vector<16xi32>], vector<16xi32>,
        %broadcast_in_dim3A_304 = vector.broadcast %add3A_302 : i32 to vector<16xi32>
        %gather3A_305 = tpu.vector_load_idx %arg8[%broadcast_in_dim3A_304] : memref<1568xf32, #tpu.memory_space<vmem>>[vector<16xi32>], vector<16xf32>,
        %iota3A = tpu.iota {dimensions = array<i32: 0>} : vector<16xi32>
        %add3A_306 = arith.addi %gather3A, %iota3A : vector<16xi32>
        %get3A = arith.index_cast %scan3A_298 : i32 to index
        %get3A_307 = arith.constant 0 : index
        %get3A_308 = tpu.vector_load %arg15[%get3A, %get3A_307] {strides = array<i32>} : memref<8x128xi32, #tpu.memory_space<vmem>>, vector<16xi32>,
        %shift_left3A = arith.constant 16 : i32
        %shift_left3A_309 = vector.broadcast %shift_left3A : i32 to vector<16xi32>
        %shift_left3A_310 = arith.shli %get3A_308, %shift_left3A_309 : vector<16xi32>
        %bitcast3A = vector.bitcast %shift_left3A_310 : vector<16xi32> to vector<16xf32>
        %and3A = arith.constant -65536 : i32
        %and3A_311 = vector.broadcast %and3A : i32 to vector<16xi32>
        %and3A_312 = arith.andi %get3A_308, %and3A_311 : vector<16xi32>
        %bitcast3A_313 = vector.bitcast %and3A_312 : vector<16xi32> to vector<16xf32>
        %add3A_314 = arith.constant 0 : i32
        %add3A_315 = vector.broadcast %add3A_314 : i32 to vector<16xi32>
        %add3A_316 = arith.addi %add3A_306, %add3A_315 : vector<16xi32>
        %mul3A_317 = arith.mulf %bitcast3A, %gather3A_305 : vector<16xf32>
        tpu.vector_store_idx %arg7[%add3A_316], %mul3A_317 {add = true} : memref<65536xf32, #tpu.memory_space<vmem>>[vector<16xi32>], vector<16xf32>,
        %add3A_318 = arith.constant 128 : i32
        %add3A_319 = vector.broadcast %add3A_318 : i32 to vector<16xi32>
        %add3A_320 = arith.addi %add3A_306, %add3A_319 : vector<16xi32>
        %mul3A_321 = arith.mulf %bitcast3A_313, %gather3A_305 : vector<16xf32>
        tpu.vector_store_idx %arg7[%add3A_320], %mul3A_321 {add = true} : memref<65536xf32, #tpu.memory_space<vmem>>[vector<16xi32>], vector<16xf32>,
        %get3A_322 = arith.index_cast %scan3A_298 : i32 to index
        %get3A_323 = arith.constant 16 : index
        %get3A_324 = tpu.vector_load %arg15[%get3A_322, %get3A_323] {strides = array<i32>} : memref<8x128xi32, #tpu.memory_space<vmem>>, vector<16xi32>,
        %shift_left3A_325 = arith.constant 16 : i32
        %shift_left3A_326 = vector.broadcast %shift_left3A_325 : i32 to vector<16xi32>
        %shift_left3A_327 = arith.shli %get3A_324, %shift_left3A_326 : vector<16xi32>
        %bitcast3A_328 = vector.bitcast %shift_left3A_327 : vector<16xi32> to vector<16xf32>
        %and3A_329 = arith.constant -65536 : i32
        %and3A_330 = vector.broadcast %and3A_329 : i32 to vector<16xi32>
        %and3A_331 = arith.andi %get3A_324, %and3A_330 : vector<16xi32>
        %bitcast3A_332 = vector.bitcast %and3A_331 : vector<16xi32> to vector<16xf32>
        %add3A_333 = arith.constant 16 : i32
        %add3A_334 = vector.broadcast %add3A_333 : i32 to vector<16xi32>
        %add3A_335 = arith.addi %add3A_306, %add3A_334 : vector<16xi32>
        %mul3A_336 = arith.mulf %bitcast3A_328, %gather3A_305 : vector<16xf32>
        tpu.vector_store_idx %arg7[%add3A_335], %mul3A_336 {add = true} : memref<65536xf32, #tpu.memory_space<vmem>>[vector<16xi32>], vector<16xf32>,
        %add3A_337 = arith.constant 144 : i32
        %add3A_338 = vector.broadcast %add3A_337 : i32 to vector<16xi32>
        %add3A_339 = arith.addi %add3A_306, %add3A_338 : vector<16xi32>
        %mul3A_340 = arith.mulf %bitcast3A_332, %gather3A_305 : vector<16xf32>
        tpu.vector_store_idx %arg7[%add3A_339], %mul3A_340 {add = true} : memref<65536xf32, #tpu.memory_space<vmem>>[vector<16xi32>], vector<16xf32>,
        %get3A_341 = arith.index_cast %scan3A_298 : i32 to index
        %get3A_342 = arith.constant 32 : index
        %get3A_343 = tpu.vector_load %arg15[%get3A_341, %get3A_342] {strides = array<i32>} : memref<8x128xi32, #tpu.memory_space<vmem>>, vector<16xi32>,
        %shift_left3A_344 = arith.constant 16 : i32
        %shift_left3A_345 = vector.broadcast %shift_left3A_344 : i32 to vector<16xi32>
        %shift_left3A_346 = arith.shli %get3A_343, %shift_left3A_345 : vector<16xi32>
        %bitcast3A_347 = vector.bitcast %shift_left3A_346 : vector<16xi32> to vector<16xf32>
        %and3A_348 = arith.constant -65536 : i32
        %and3A_349 = vector.broadcast %and3A_348 : i32 to vector<16xi32>
        %and3A_350 = arith.andi %get3A_343, %and3A_349 : vector<16xi32>
        %bitcast3A_351 = vector.bitcast %and3A_350 : vector<16xi32> to vector<16xf32>
        %add3A_352 = arith.constant 32 : i32
        %add3A_353 = vector.broadcast %add3A_352 : i32 to vector<16xi32>
        %add3A_354 = arith.addi %add3A_306, %add3A_353 : vector<16xi32>
        %mul3A_355 = arith.mulf %bitcast3A_347, %gather3A_305 : vector<16xf32>
        tpu.vector_store_idx %arg7[%add3A_354], %mul3A_355 {add = true} : memref<65536xf32, #tpu.memory_space<vmem>>[vector<16xi32>], vector<16xf32>,
        %add3A_356 = arith.constant 160 : i32
        %add3A_357 = vector.broadcast %add3A_356 : i32 to vector<16xi32>
        %add3A_358 = arith.addi %add3A_306, %add3A_357 : vector<16xi32>
        %mul3A_359 = arith.mulf %bitcast3A_351, %gather3A_305 : vector<16xf32>
        tpu.vector_store_idx %arg7[%add3A_358], %mul3A_359 {add = true} : memref<65536xf32, #tpu.memory_space<vmem>>[vector<16xi32>], vector<16xf32>,
        %get3A_360 = arith.index_cast %scan3A_298 : i32 to index
        %get3A_361 = arith.constant 48 : index
        %get3A_362 = tpu.vector_load %arg15[%get3A_360, %get3A_361] {strides = array<i32>} : memref<8x128xi32, #tpu.memory_space<vmem>>, vector<16xi32>,
        %shift_left3A_363 = arith.constant 16 : i32
        %shift_left3A_364 = vector.broadcast %shift_left3A_363 : i32 to vector<16xi32>
        %shift_left3A_365 = arith.shli %get3A_362, %shift_left3A_364 : vector<16xi32>
        %bitcast3A_366 = vector.bitcast %shift_left3A_365 : vector<16xi32> to vector<16xf32>
        %and3A_367 = arith.constant -65536 : i32
        %and3A_368 = vector.broadcast %and3A_367 : i32 to vector<16xi32>
        %and3A_369 = arith.andi %get3A_362, %and3A_368 : vector<16xi32>
        %bitcast3A_370 = vector.bitcast %and3A_369 : vector<16xi32> to vector<16xf32>
        %add3A_371 = arith.constant 48 : i32
        %add3A_372 = vector.broadcast %add3A_371 : i32 to vector<16xi32>
        %add3A_373 = arith.addi %add3A_306, %add3A_372 : vector<16xi32>
        %mul3A_374 = arith.mulf %bitcast3A_366, %gather3A_305 : vector<16xf32>
        tpu.vector_store_idx %arg7[%add3A_373], %mul3A_374 {add = true} : memref<65536xf32, #tpu.memory_space<vmem>>[vector<16xi32>], vector<16xf32>,
        %add3A_375 = arith.constant 176 : i32
        %add3A_376 = vector.broadcast %add3A_375 : i32 to vector<16xi32>
        %add3A_377 = arith.addi %add3A_306, %add3A_376 : vector<16xi32>
        %mul3A_378 = arith.mulf %bitcast3A_370, %gather3A_305 : vector<16xf32>
        tpu.vector_store_idx %arg7[%add3A_377], %mul3A_378 {add = true} : memref<65536xf32, #tpu.memory_space<vmem>>[vector<16xi32>], vector<16xf32>,
        %get3A_379 = arith.index_cast %scan3A_298 : i32 to index
        %get3A_380 = arith.constant 64 : index
        %get3A_381 = tpu.vector_load %arg15[%get3A_379, %get3A_380] {strides = array<i32>} : memref<8x128xi32, #tpu.memory_space<vmem>>, vector<16xi32>,
        %shift_left3A_382 = arith.constant 16 : i32
        %shift_left3A_383 = vector.broadcast %shift_left3A_382 : i32 to vector<16xi32>
        %shift_left3A_384 = arith.shli %get3A_381, %shift_left3A_383 : vector<16xi32>
        %bitcast3A_385 = vector.bitcast %shift_left3A_384 : vector<16xi32> to vector<16xf32>
        %and3A_386 = arith.constant -65536 : i32
        %and3A_387 = vector.broadcast %and3A_386 : i32 to vector<16xi32>
        %and3A_388 = arith.andi %get3A_381, %and3A_387 : vector<16xi32>
        %bitcast3A_389 = vector.bitcast %and3A_388 : vector<16xi32> to vector<16xf32>
        %add3A_390 = arith.constant 64 : i32
        %add3A_391 = vector.broadcast %add3A_390 : i32 to vector<16xi32>
        %add3A_392 = arith.addi %add3A_306, %add3A_391 : vector<16xi32>
        %mul3A_393 = arith.mulf %bitcast3A_385, %gather3A_305 : vector<16xf32>
        tpu.vector_store_idx %arg7[%add3A_392], %mul3A_393 {add = true} : memref<65536xf32, #tpu.memory_space<vmem>>[vector<16xi32>], vector<16xf32>,
        %add3A_394 = arith.constant 192 : i32
        %add3A_395 = vector.broadcast %add3A_394 : i32 to vector<16xi32>
        %add3A_396 = arith.addi %add3A_306, %add3A_395 : vector<16xi32>
        %mul3A_397 = arith.mulf %bitcast3A_389, %gather3A_305 : vector<16xf32>
        tpu.vector_store_idx %arg7[%add3A_396], %mul3A_397 {add = true} : memref<65536xf32, #tpu.memory_space<vmem>>[vector<16xi32>], vector<16xf32>,
        %get3A_398 = arith.index_cast %scan3A_298 : i32 to index
        %get3A_399 = arith.constant 80 : index
        %get3A_400 = tpu.vector_load %arg15[%get3A_398, %get3A_399] {strides = array<i32>} : memref<8x128xi32, #tpu.memory_space<vmem>>, vector<16xi32>,
        %shift_left3A_401 = arith.constant 16 : i32
        %shift_left3A_402 = vector.broadcast %shift_left3A_401 : i32 to vector<16xi32>
        %shift_left3A_403 = arith.shli %get3A_400, %shift_left3A_402 : vector<16xi32>
        %bitcast3A_404 = vector.bitcast %shift_left3A_403 : vector<16xi32> to vector<16xf32>
        %and3A_405 = arith.constant -65536 : i32
        %and3A_406 = vector.broadcast %and3A_405 : i32 to vector<16xi32>
        %and3A_407 = arith.andi %get3A_400, %and3A_406 : vector<16xi32>
        %bitcast3A_408 = vector.bitcast %and3A_407 : vector<16xi32> to vector<16xf32>
        %add3A_409 = arith.constant 80 : i32
        %add3A_410 = vector.broadcast %add3A_409 : i32 to vector<16xi32>
        %add3A_411 = arith.addi %add3A_306, %add3A_410 : vector<16xi32>
        %mul3A_412 = arith.mulf %bitcast3A_404, %gather3A_305 : vector<16xf32>
        tpu.vector_store_idx %arg7[%add3A_411], %mul3A_412 {add = true} : memref<65536xf32, #tpu.memory_space<vmem>>[vector<16xi32>], vector<16xf32>,
        %add3A_413 = arith.constant 208 : i32
        %add3A_414 = vector.broadcast %add3A_413 : i32 to vector<16xi32>
        %add3A_415 = arith.addi %add3A_306, %add3A_414 : vector<16xi32>
        %mul3A_416 = arith.mulf %bitcast3A_408, %gather3A_305 : vector<16xf32>
        tpu.vector_store_idx %arg7[%add3A_415], %mul3A_416 {add = true} : memref<65536xf32, #tpu.memory_space<vmem>>[vector<16xi32>], vector<16xf32>,
        %get3A_417 = arith.index_cast %scan3A_298 : i32 to index
        %get3A_418 = arith.constant 96 : index
        %get3A_419 = tpu.vector_load %arg15[%get3A_417, %get3A_418] {strides = array<i32>} : memref<8x128xi32, #tpu.memory_space<vmem>>, vector<16xi32>,
        %shift_left3A_420 = arith.constant 16 : i32
        %shift_left3A_421 = vector.broadcast %shift_left3A_420 : i32 to vector<16xi32>
        %shift_left3A_422 = arith.shli %get3A_419, %shift_left3A_421 : vector<16xi32>
        %bitcast3A_423 = vector.bitcast %shift_left3A_422 : vector<16xi32> to vector<16xf32>
        %and3A_424 = arith.constant -65536 : i32
        %and3A_425 = vector.broadcast %and3A_424 : i32 to vector<16xi32>
        %and3A_426 = arith.andi %get3A_419, %and3A_425 : vector<16xi32>
        %bitcast3A_427 = vector.bitcast %and3A_426 : vector<16xi32> to vector<16xf32>
        %add3A_428 = arith.constant 96 : i32
        %add3A_429 = vector.broadcast %add3A_428 : i32 to vector<16xi32>
        %add3A_430 = arith.addi %add3A_306, %add3A_429 : vector<16xi32>
        %mul3A_431 = arith.mulf %bitcast3A_423, %gather3A_305 : vector<16xf32>
        tpu.vector_store_idx %arg7[%add3A_430], %mul3A_431 {add = true} : memref<65536xf32, #tpu.memory_space<vmem>>[vector<16xi32>], vector<16xf32>,
        %add3A_432 = arith.constant 224 : i32
        %add3A_433 = vector.broadcast %add3A_432 : i32 to vector<16xi32>
        %add3A_434 = arith.addi %add3A_306, %add3A_433 : vector<16xi32>
        %mul3A_435 = arith.mulf %bitcast3A_427, %gather3A_305 : vector<16xf32>
        tpu.vector_store_idx %arg7[%add3A_434], %mul3A_435 {add = true} : memref<65536xf32, #tpu.memory_space<vmem>>[vector<16xi32>], vector<16xf32>,
        %get3A_436 = arith.index_cast %scan3A_298 : i32 to index
        %get3A_437 = arith.constant 112 : index
        %get3A_438 = tpu.vector_load %arg15[%get3A_436, %get3A_437] {strides = array<i32>} : memref<8x128xi32, #tpu.memory_space<vmem>>, vector<16xi32>,
        %shift_left3A_439 = arith.constant 16 : i32
        %shift_left3A_440 = vector.broadcast %shift_left3A_439 : i32 to vector<16xi32>
        %shift_left3A_441 = arith.shli %get3A_438, %shift_left3A_440 : vector<16xi32>
        %bitcast3A_442 = vector.bitcast %shift_left3A_441 : vector<16xi32> to vector<16xf32>
        %and3A_443 = arith.constant -65536 : i32
        %and3A_444 = vector.broadcast %and3A_443 : i32 to vector<16xi32>
        %and3A_445 = arith.andi %get3A_438, %and3A_444 : vector<16xi32>
        %bitcast3A_446 = vector.bitcast %and3A_445 : vector<16xi32> to vector<16xf32>
        %add3A_447 = arith.constant 112 : i32
        %add3A_448 = vector.broadcast %add3A_447 : i32 to vector<16xi32>
        %add3A_449 = arith.addi %add3A_306, %add3A_448 : vector<16xi32>
        %mul3A_450 = arith.mulf %bitcast3A_442, %gather3A_305 : vector<16xf32>
        tpu.vector_store_idx %arg7[%add3A_449], %mul3A_450 {add = true} : memref<65536xf32, #tpu.memory_space<vmem>>[vector<16xi32>], vector<16xf32>,
        %add3A_451 = arith.constant 240 : i32
        %add3A_452 = vector.broadcast %add3A_451 : i32 to vector<16xi32>
        %add3A_453 = arith.addi %add3A_306, %add3A_452 : vector<16xi32>
        %mul3A_454 = arith.mulf %bitcast3A_446, %gather3A_305 : vector<16xf32>
        tpu.vector_store_idx %arg7[%add3A_453], %mul3A_454 {add = true} : memref<65536xf32, #tpu.memory_space<vmem>>[vector<16xi32>], vector<16xf32>,
        %scan3A_455 = arith.constant 0 : i32
        scf.yield %scan3A_455 : i32
      }
      %scan3A_236 = arith.constant 8 : i32
      %add3A_237 = arith.constant 7 : i32
      %add3A_238 = arith.addi %add3A_222, %add3A_237 : i32
      %dma_start3A_239 = arith.constant 0 : i32
      %dma_start3A_240 = tpu.memref_slice %arg10[%add3A_238, %dma_start3A_239] : memref<203x8xi32, #tpu.memory_space<vmem>> -> memref<1x8xi32, #tpu.memory_space<vmem>>
      %dma_start3A_241 = tpu.memref_squeeze %dma_start3A_240 : memref<1x8xi32, #tpu.memory_space<vmem>> -> memref<8xi32, #tpu.memory_space<vmem>>
      %dma_start3A_242 = arith.constant 0 : i32
      %dma_start3A_243 = arith.constant 0 : i32
      %dma_start3A_244 = tpu.memref_slice %arg2[%dma_start3A_242, %dma_start3A_243] : memref<50000x128xi32, #tpu.memory_space<hbm>> -> memref<50000x128xi32, #tpu.memory_space<hbm>>
      tpu.enqueue_indirect_dma source(%dma_start3A_244 : memref<50000x128xi32, #tpu.memory_space<hbm>>) target(%arg15 : memref<8x128xi32, #tpu.memory_space<vmem>>) offsets(%dma_start3A_241 : memref<8xi32, #tpu.memory_space<vmem>>) semaphore(%arg22 : memref<!tpu.dma_semaphore, #tpu.memory_space<semaphore_mem>>)
      %mul3A_245 = arith.constant 7 : i32
      %mul3A_246 = arith.muli %scan3A_113, %mul3A_245 : i32
      %add3A_247 = arith.constant 5 : i32
      %add3A_248 = arith.addi %mul3A_246, %add3A_247 : i32
      %dma_wait3A_249 = arith.constant 0 : i32
      %dma_wait3A_250 = arith.constant 0 : i32
      %dma_wait3A_251 = tpu.memref_slice %arg10[%dma_wait3A_249, %dma_wait3A_250] : memref<203x8xi32, #tpu.memory_space<vmem>> -> memref<1x8xi32, #tpu.memory_space<vmem>>
      %dma_wait3A_252 = tpu.memref_squeeze %dma_wait3A_251 : memref<1x8xi32, #tpu.memory_space<vmem>> -> memref<8xi32, #tpu.memory_space<vmem>>
      %dma_wait3A_253 = arith.constant 0 : i32
      %dma_wait3A_254 = arith.constant 0 : i32
      %dma_wait3A_255 = tpu.memref_slice %arg2[%dma_wait3A_253, %dma_wait3A_254] : memref<50000x128xi32, #tpu.memory_space<hbm>> -> memref<50000x128xi32, #tpu.memory_space<hbm>>
      tpu.wait_indirect_dma semaphore(%arg23 : memref<!tpu.dma_semaphore, #tpu.memory_space<semaphore_mem>>) src(%dma_wait3A_255 : memref<50000x128xi32, #tpu.memory_space<hbm>>) dst(%arg16 : memref<8x128xi32, #tpu.memory_space<vmem>>)
      %scan3A_256 = arith.constant 0 : i32
      %scan3A_257 = arith.constant 0 : i32
      %scan3A_258 = arith.constant 8 : i32
      %scan3A_259 = arith.addi %scan3A_257, %scan3A_258 : i32
      %scan3A_260 = arith.constant 1 : i32
      %scan3A_261 = scf.for %scan3A_298 = %scan3A_257 to %scan3A_259 step %scan3A_260 iter_args(%scan3A_299 = %scan3A_256) -> (i32)  : i32 {
        %mul3A_300 = arith.constant 8 : i32
        %mul3A_301 = arith.muli %add3A_248, %mul3A_300 : i32
        %add3A_302 = arith.addi %mul3A_301, %scan3A_298 : i32
        %broadcast_in_dim3A_303 = vector.broadcast %add3A_302 : i32 to vector<16xi32>
        %gather3A = tpu.vector_load_idx %arg9[%broadcast_in_dim3A_303] : memref<1568xi32, #tpu.memory_space<vmem>>[vector<16xi32>], vector<16xi32>,
        %broadcast_in_dim3A_304 = vector.broadcast %add3A_302 : i32 to vector<16xi32>
        %gather3A_305 = tpu.vector_load_idx %arg8[%broadcast_in_dim3A_304] : memref<1568xf32, #tpu.memory_space<vmem>>[vector<16xi32>], vector<16xf32>,
        %iota3A = tpu.iota {dimensions = array<i32: 0>} : vector<16xi32>
        %add3A_306 = arith.addi %gather3A, %iota3A : vector<16xi32>
        %get3A = arith.index_cast %scan3A_298 : i32 to index
        %get3A_307 = arith.constant 0 : index
        %get3A_308 = tpu.vector_load %arg16[%get3A, %get3A_307] {strides = array<i32>} : memref<8x128xi32, #tpu.memory_space<vmem>>, vector<16xi32>,
        %shift_left3A = arith.constant 16 : i32
        %shift_left3A_309 = vector.broadcast %shift_left3A : i32 to vector<16xi32>
        %shift_left3A_310 = arith.shli %get3A_308, %shift_left3A_309 : vector<16xi32>
        %bitcast3A = vector.bitcast %shift_left3A_310 : vector<16xi32> to vector<16xf32>
        %and3A = arith.constant -65536 : i32
        %and3A_311 = vector.broadcast %and3A : i32 to vector<16xi32>
        %and3A_312 = arith.andi %get3A_308, %and3A_311 : vector<16xi32>
        %bitcast3A_313 = vector.bitcast %and3A_312 : vector<16xi32> to vector<16xf32>
        %add3A_314 = arith.constant 0 : i32
        %add3A_315 = vector.broadcast %add3A_314 : i32 to vector<16xi32>
        %add3A_316 = arith.addi %add3A_306, %add3A_315 : vector<16xi32>
        %mul3A_317 = arith.mulf %bitcast3A, %gather3A_305 : vector<16xf32>
        tpu.vector_store_idx %arg7[%add3A_316], %mul3A_317 {add = true} : memref<65536xf32, #tpu.memory_space<vmem>>[vector<16xi32>], vector<16xf32>,
        %add3A_318 = arith.constant 128 : i32
        %add3A_319 = vector.broadcast %add3A_318 : i32 to vector<16xi32>
        %add3A_320 = arith.addi %add3A_306, %add3A_319 : vector<16xi32>
        %mul3A_321 = arith.mulf %bitcast3A_313, %gather3A_305 : vector<16xf32>
        tpu.vector_store_idx %arg7[%add3A_320], %mul3A_321 {add = true} : memref<65536xf32, #tpu.memory_space<vmem>>[vector<16xi32>], vector<16xf32>,
        %get3A_322 = arith.index_cast %scan3A_298 : i32 to index
        %get3A_323 = arith.constant 16 : index
        %get3A_324 = tpu.vector_load %arg16[%get3A_322, %get3A_323] {strides = array<i32>} : memref<8x128xi32, #tpu.memory_space<vmem>>, vector<16xi32>,
        %shift_left3A_325 = arith.constant 16 : i32
        %shift_left3A_326 = vector.broadcast %shift_left3A_325 : i32 to vector<16xi32>
        %shift_left3A_327 = arith.shli %get3A_324, %shift_left3A_326 : vector<16xi32>
        %bitcast3A_328 = vector.bitcast %shift_left3A_327 : vector<16xi32> to vector<16xf32>
        %and3A_329 = arith.constant -65536 : i32
        %and3A_330 = vector.broadcast %and3A_329 : i32 to vector<16xi32>
        %and3A_331 = arith.andi %get3A_324, %and3A_330 : vector<16xi32>
        %bitcast3A_332 = vector.bitcast %and3A_331 : vector<16xi32> to vector<16xf32>
        %add3A_333 = arith.constant 16 : i32
        %add3A_334 = vector.broadcast %add3A_333 : i32 to vector<16xi32>
        %add3A_335 = arith.addi %add3A_306, %add3A_334 : vector<16xi32>
        %mul3A_336 = arith.mulf %bitcast3A_328, %gather3A_305 : vector<16xf32>
        tpu.vector_store_idx %arg7[%add3A_335], %mul3A_336 {add = true} : memref<65536xf32, #tpu.memory_space<vmem>>[vector<16xi32>], vector<16xf32>,
        %add3A_337 = arith.constant 144 : i32
        %add3A_338 = vector.broadcast %add3A_337 : i32 to vector<16xi32>
        %add3A_339 = arith.addi %add3A_306, %add3A_338 : vector<16xi32>
        %mul3A_340 = arith.mulf %bitcast3A_332, %gather3A_305 : vector<16xf32>
        tpu.vector_store_idx %arg7[%add3A_339], %mul3A_340 {add = true} : memref<65536xf32, #tpu.memory_space<vmem>>[vector<16xi32>], vector<16xf32>,
        %get3A_341 = arith.index_cast %scan3A_298 : i32 to index
        %get3A_342 = arith.constant 32 : index
        %get3A_343 = tpu.vector_load %arg16[%get3A_341, %get3A_342] {strides = array<i32>} : memref<8x128xi32, #tpu.memory_space<vmem>>, vector<16xi32>,
        %shift_left3A_344 = arith.constant 16 : i32
        %shift_left3A_345 = vector.broadcast %shift_left3A_344 : i32 to vector<16xi32>
        %shift_left3A_346 = arith.shli %get3A_343, %shift_left3A_345 : vector<16xi32>
        %bitcast3A_347 = vector.bitcast %shift_left3A_346 : vector<16xi32> to vector<16xf32>
        %and3A_348 = arith.constant -65536 : i32
        %and3A_349 = vector.broadcast %and3A_348 : i32 to vector<16xi32>
        %and3A_350 = arith.andi %get3A_343, %and3A_349 : vector<16xi32>
        %bitcast3A_351 = vector.bitcast %and3A_350 : vector<16xi32> to vector<16xf32>
        %add3A_352 = arith.constant 32 : i32
        %add3A_353 = vector.broadcast %add3A_352 : i32 to vector<16xi32>
        %add3A_354 = arith.addi %add3A_306, %add3A_353 : vector<16xi32>
        %mul3A_355 = arith.mulf %bitcast3A_347, %gather3A_305 : vector<16xf32>
        tpu.vector_store_idx %arg7[%add3A_354], %mul3A_355 {add = true} : memref<65536xf32, #tpu.memory_space<vmem>>[vector<16xi32>], vector<16xf32>,
        %add3A_356 = arith.constant 160 : i32
        %add3A_357 = vector.broadcast %add3A_356 : i32 to vector<16xi32>
        %add3A_358 = arith.addi %add3A_306, %add3A_357 : vector<16xi32>
        %mul3A_359 = arith.mulf %bitcast3A_351, %gather3A_305 : vector<16xf32>
        tpu.vector_store_idx %arg7[%add3A_358], %mul3A_359 {add = true} : memref<65536xf32, #tpu.memory_space<vmem>>[vector<16xi32>], vector<16xf32>,
        %get3A_360 = arith.index_cast %scan3A_298 : i32 to index
        %get3A_361 = arith.constant 48 : index
        %get3A_362 = tpu.vector_load %arg16[%get3A_360, %get3A_361] {strides = array<i32>} : memref<8x128xi32, #tpu.memory_space<vmem>>, vector<16xi32>,
        %shift_left3A_363 = arith.constant 16 : i32
        %shift_left3A_364 = vector.broadcast %shift_left3A_363 : i32 to vector<16xi32>
        %shift_left3A_365 = arith.shli %get3A_362, %shift_left3A_364 : vector<16xi32>
        %bitcast3A_366 = vector.bitcast %shift_left3A_365 : vector<16xi32> to vector<16xf32>
        %and3A_367 = arith.constant -65536 : i32
        %and3A_368 = vector.broadcast %and3A_367 : i32 to vector<16xi32>
        %and3A_369 = arith.andi %get3A_362, %and3A_368 : vector<16xi32>
        %bitcast3A_370 = vector.bitcast %and3A_369 : vector<16xi32> to vector<16xf32>
        %add3A_371 = arith.constant 48 : i32
        %add3A_372 = vector.broadcast %add3A_371 : i32 to vector<16xi32>
        %add3A_373 = arith.addi %add3A_306, %add3A_372 : vector<16xi32>
        %mul3A_374 = arith.mulf %bitcast3A_366, %gather3A_305 : vector<16xf32>
        tpu.vector_store_idx %arg7[%add3A_373], %mul3A_374 {add = true} : memref<65536xf32, #tpu.memory_space<vmem>>[vector<16xi32>], vector<16xf32>,
        %add3A_375 = arith.constant 176 : i32
        %add3A_376 = vector.broadcast %add3A_375 : i32 to vector<16xi32>
        %add3A_377 = arith.addi %add3A_306, %add3A_376 : vector<16xi32>
        %mul3A_378 = arith.mulf %bitcast3A_370, %gather3A_305 : vector<16xf32>
        tpu.vector_store_idx %arg7[%add3A_377], %mul3A_378 {add = true} : memref<65536xf32, #tpu.memory_space<vmem>>[vector<16xi32>], vector<16xf32>,
        %get3A_379 = arith.index_cast %scan3A_298 : i32 to index
        %get3A_380 = arith.constant 64 : index
        %get3A_381 = tpu.vector_load %arg16[%get3A_379, %get3A_380] {strides = array<i32>} : memref<8x128xi32, #tpu.memory_space<vmem>>, vector<16xi32>,
        %shift_left3A_382 = arith.constant 16 : i32
        %shift_left3A_383 = vector.broadcast %shift_left3A_382 : i32 to vector<16xi32>
        %shift_left3A_384 = arith.shli %get3A_381, %shift_left3A_383 : vector<16xi32>
        %bitcast3A_385 = vector.bitcast %shift_left3A_384 : vector<16xi32> to vector<16xf32>
        %and3A_386 = arith.constant -65536 : i32
        %and3A_387 = vector.broadcast %and3A_386 : i32 to vector<16xi32>
        %and3A_388 = arith.andi %get3A_381, %and3A_387 : vector<16xi32>
        %bitcast3A_389 = vector.bitcast %and3A_388 : vector<16xi32> to vector<16xf32>
        %add3A_390 = arith.constant 64 : i32
        %add3A_391 = vector.broadcast %add3A_390 : i32 to vector<16xi32>
        %add3A_392 = arith.addi %add3A_306, %add3A_391 : vector<16xi32>
        %mul3A_393 = arith.mulf %bitcast3A_385, %gather3A_305 : vector<16xf32>
        tpu.vector_store_idx %arg7[%add3A_392], %mul3A_393 {add = true} : memref<65536xf32, #tpu.memory_space<vmem>>[vector<16xi32>], vector<16xf32>,
        %add3A_394 = arith.constant 192 : i32
        %add3A_395 = vector.broadcast %add3A_394 : i32 to vector<16xi32>
        %add3A_396 = arith.addi %add3A_306, %add3A_395 : vector<16xi32>
        %mul3A_397 = arith.mulf %bitcast3A_389, %gather3A_305 : vector<16xf32>
        tpu.vector_store_idx %arg7[%add3A_396], %mul3A_397 {add = true} : memref<65536xf32, #tpu.memory_space<vmem>>[vector<16xi32>], vector<16xf32>,
        %get3A_398 = arith.index_cast %scan3A_298 : i32 to index
        %get3A_399 = arith.constant 80 : index
        %get3A_400 = tpu.vector_load %arg16[%get3A_398, %get3A_399] {strides = array<i32>} : memref<8x128xi32, #tpu.memory_space<vmem>>, vector<16xi32>,
        %shift_left3A_401 = arith.constant 16 : i32
        %shift_left3A_402 = vector.broadcast %shift_left3A_401 : i32 to vector<16xi32>
        %shift_left3A_403 = arith.shli %get3A_400, %shift_left3A_402 : vector<16xi32>
        %bitcast3A_404 = vector.bitcast %shift_left3A_403 : vector<16xi32> to vector<16xf32>
        %and3A_405 = arith.constant -65536 : i32
        %and3A_406 = vector.broadcast %and3A_405 : i32 to vector<16xi32>
        %and3A_407 = arith.andi %get3A_400, %and3A_406 : vector<16xi32>
        %bitcast3A_408 = vector.bitcast %and3A_407 : vector<16xi32> to vector<16xf32>
        %add3A_409 = arith.constant 80 : i32
        %add3A_410 = vector.broadcast %add3A_409 : i32 to vector<16xi32>
        %add3A_411 = arith.addi %add3A_306, %add3A_410 : vector<16xi32>
        %mul3A_412 = arith.mulf %bitcast3A_404, %gather3A_305 : vector<16xf32>
        tpu.vector_store_idx %arg7[%add3A_411], %mul3A_412 {add = true} : memref<65536xf32, #tpu.memory_space<vmem>>[vector<16xi32>], vector<16xf32>,
        %add3A_413 = arith.constant 208 : i32
        %add3A_414 = vector.broadcast %add3A_413 : i32 to vector<16xi32>
        %add3A_415 = arith.addi %add3A_306, %add3A_414 : vector<16xi32>
        %mul3A_416 = arith.mulf %bitcast3A_408, %gather3A_305 : vector<16xf32>
        tpu.vector_store_idx %arg7[%add3A_415], %mul3A_416 {add = true} : memref<65536xf32, #tpu.memory_space<vmem>>[vector<16xi32>], vector<16xf32>,
        %get3A_417 = arith.index_cast %scan3A_298 : i32 to index
        %get3A_418 = arith.constant 96 : index
        %get3A_419 = tpu.vector_load %arg16[%get3A_417, %get3A_418] {strides = array<i32>} : memref<8x128xi32, #tpu.memory_space<vmem>>, vector<16xi32>,
        %shift_left3A_420 = arith.constant 16 : i32
        %shift_left3A_421 = vector.broadcast %shift_left3A_420 : i32 to vector<16xi32>
        %shift_left3A_422 = arith.shli %get3A_419, %shift_left3A_421 : vector<16xi32>
        %bitcast3A_423 = vector.bitcast %shift_left3A_422 : vector<16xi32> to vector<16xf32>
        %and3A_424 = arith.constant -65536 : i32
        %and3A_425 = vector.broadcast %and3A_424 : i32 to vector<16xi32>
        %and3A_426 = arith.andi %get3A_419, %and3A_425 : vector<16xi32>
        %bitcast3A_427 = vector.bitcast %and3A_426 : vector<16xi32> to vector<16xf32>
        %add3A_428 = arith.constant 96 : i32
        %add3A_429 = vector.broadcast %add3A_428 : i32 to vector<16xi32>
        %add3A_430 = arith.addi %add3A_306, %add3A_429 : vector<16xi32>
        %mul3A_431 = arith.mulf %bitcast3A_423, %gather3A_305 : vector<16xf32>
        tpu.vector_store_idx %arg7[%add3A_430], %mul3A_431 {add = true} : memref<65536xf32, #tpu.memory_space<vmem>>[vector<16xi32>], vector<16xf32>,
        %add3A_432 = arith.constant 224 : i32
        %add3A_433 = vector.broadcast %add3A_432 : i32 to vector<16xi32>
        %add3A_434 = arith.addi %add3A_306, %add3A_433 : vector<16xi32>
        %mul3A_435 = arith.mulf %bitcast3A_427, %gather3A_305 : vector<16xf32>
        tpu.vector_store_idx %arg7[%add3A_434], %mul3A_435 {add = true} : memref<65536xf32, #tpu.memory_space<vmem>>[vector<16xi32>], vector<16xf32>,
        %get3A_436 = arith.index_cast %scan3A_298 : i32 to index
        %get3A_437 = arith.constant 112 : index
        %get3A_438 = tpu.vector_load %arg16[%get3A_436, %get3A_437] {strides = array<i32>} : memref<8x128xi32, #tpu.memory_space<vmem>>, vector<16xi32>,
        %shift_left3A_439 = arith.constant 16 : i32
        %shift_left3A_440 = vector.broadcast %shift_left3A_439 : i32 to vector<16xi32>
        %shift_left3A_441 = arith.shli %get3A_438, %shift_left3A_440 : vector<16xi32>
        %bitcast3A_442 = vector.bitcast %shift_left3A_441 : vector<16xi32> to vector<16xf32>
        %and3A_443 = arith.constant -65536 : i32
        %and3A_444 = vector.broadcast %and3A_443 : i32 to vector<16xi32>
        %and3A_445 = arith.andi %get3A_438, %and3A_444 : vector<16xi32>
        %bitcast3A_446 = vector.bitcast %and3A_445 : vector<16xi32> to vector<16xf32>
        %add3A_447 = arith.constant 112 : i32
        %add3A_448 = vector.broadcast %add3A_447 : i32 to vector<16xi32>
        %add3A_449 = arith.addi %add3A_306, %add3A_448 : vector<16xi32>
        %mul3A_450 = arith.mulf %bitcast3A_442, %gather3A_305 : vector<16xf32>
        tpu.vector_store_idx %arg7[%add3A_449], %mul3A_450 {add = true} : memref<65536xf32, #tpu.memory_space<vmem>>[vector<16xi32>], vector<16xf32>,
        %add3A_451 = arith.constant 240 : i32
        %add3A_452 = vector.broadcast %add3A_451 : i32 to vector<16xi32>
        %add3A_453 = arith.addi %add3A_306, %add3A_452 : vector<16xi32>
        %mul3A_454 = arith.mulf %bitcast3A_446, %gather3A_305 : vector<16xf32>
        tpu.vector_store_idx %arg7[%add3A_453], %mul3A_454 {add = true} : memref<65536xf32, #tpu.memory_space<vmem>>[vector<16xi32>], vector<16xf32>,
        %scan3A_455 = arith.constant 0 : i32
        scf.yield %scan3A_455 : i32
      }
      %scan3A_262 = arith.constant 8 : i32
      %add3A_263 = arith.constant 7 : i32
      %add3A_264 = arith.addi %add3A_248, %add3A_263 : i32
      %dma_start3A_265 = arith.constant 0 : i32
      %dma_start3A_266 = tpu.memref_slice %arg10[%add3A_264, %dma_start3A_265] : memref<203x8xi32, #tpu.memory_space<vmem>> -> memref<1x8xi32, #tpu.memory_space<vmem>>
      %dma_start3A_267 = tpu.memref_squeeze %dma_start3A_266 : memref<1x8xi32, #tpu.memory_space<vmem>> -> memref<8xi32, #tpu.memory_space<vmem>>
      %dma_start3A_268 = arith.constant 0 : i32
      %dma_start3A_269 = arith.constant 0 : i32
      %dma_start3A_270 = tpu.memref_slice %arg2[%dma_start3A_268, %dma_start3A_269] : memref<50000x128xi32, #tpu.memory_space<hbm>> -> memref<50000x128xi32, #tpu.memory_space<hbm>>
      tpu.enqueue_indirect_dma source(%dma_start3A_270 : memref<50000x128xi32, #tpu.memory_space<hbm>>) target(%arg16 : memref<8x128xi32, #tpu.memory_space<vmem>>) offsets(%dma_start3A_267 : memref<8xi32, #tpu.memory_space<vmem>>) semaphore(%arg23 : memref<!tpu.dma_semaphore, #tpu.memory_space<semaphore_mem>>)
      %mul3A_271 = arith.constant 7 : i32
      %mul3A_272 = arith.muli %scan3A_113, %mul3A_271 : i32
      %add3A_273 = arith.constant 6 : i32
      %add3A_274 = arith.addi %mul3A_272, %add3A_273 : i32
      %dma_wait3A_275 = arith.constant 0 : i32
      %dma_wait3A_276 = arith.constant 0 : i32
      %dma_wait3A_277 = tpu.memref_slice %arg10[%dma_wait3A_275, %dma_wait3A_276] : memref<203x8xi32, #tpu.memory_space<vmem>> -> memref<1x8xi32, #tpu.memory_space<vmem>>
      %dma_wait3A_278 = tpu.memref_squeeze %dma_wait3A_277 : memref<1x8xi32, #tpu.memory_space<vmem>> -> memref<8xi32, #tpu.memory_space<vmem>>
      %dma_wait3A_279 = arith.constant 0 : i32
      %dma_wait3A_280 = arith.constant 0 : i32
      %dma_wait3A_281 = tpu.memref_slice %arg2[%dma_wait3A_279, %dma_wait3A_280] : memref<50000x128xi32, #tpu.memory_space<hbm>> -> memref<50000x128xi32, #tpu.memory_space<hbm>>
      tpu.wait_indirect_dma semaphore(%arg24 : memref<!tpu.dma_semaphore, #tpu.memory_space<semaphore_mem>>) src(%dma_wait3A_281 : memref<50000x128xi32, #tpu.memory_space<hbm>>) dst(%arg17 : memref<8x128xi32, #tpu.memory_space<vmem>>)
      %scan3A_282 = arith.constant 0 : i32
      %scan3A_283 = arith.constant 0 : i32
      %scan3A_284 = arith.constant 8 : i32
      %scan3A_285 = arith.addi %scan3A_283, %scan3A_284 : i32
      %scan3A_286 = arith.constant 1 : i32
      %scan3A_287 = scf.for %scan3A_298 = %scan3A_283 to %scan3A_285 step %scan3A_286 iter_args(%scan3A_299 = %scan3A_282) -> (i32)  : i32 {
        %mul3A_300 = arith.constant 8 : i32
        %mul3A_301 = arith.muli %add3A_274, %mul3A_300 : i32
        %add3A_302 = arith.addi %mul3A_301, %scan3A_298 : i32
        %broadcast_in_dim3A_303 = vector.broadcast %add3A_302 : i32 to vector<16xi32>
        %gather3A = tpu.vector_load_idx %arg9[%broadcast_in_dim3A_303] : memref<1568xi32, #tpu.memory_space<vmem>>[vector<16xi32>], vector<16xi32>,
        %broadcast_in_dim3A_304 = vector.broadcast %add3A_302 : i32 to vector<16xi32>
        %gather3A_305 = tpu.vector_load_idx %arg8[%broadcast_in_dim3A_304] : memref<1568xf32, #tpu.memory_space<vmem>>[vector<16xi32>], vector<16xf32>,
        %iota3A = tpu.iota {dimensions = array<i32: 0>} : vector<16xi32>
        %add3A_306 = arith.addi %gather3A, %iota3A : vector<16xi32>
        %get3A = arith.index_cast %scan3A_298 : i32 to index
        %get3A_307 = arith.constant 0 : index
        %get3A_308 = tpu.vector_load %arg17[%get3A, %get3A_307] {strides = array<i32>} : memref<8x128xi32, #tpu.memory_space<vmem>>, vector<16xi32>,
        %shift_left3A = arith.constant 16 : i32
        %shift_left3A_309 = vector.broadcast %shift_left3A : i32 to vector<16xi32>
        %shift_left3A_310 = arith.shli %get3A_308, %shift_left3A_309 : vector<16xi32>
        %bitcast3A = vector.bitcast %shift_left3A_310 : vector<16xi32> to vector<16xf32>
        %and3A = arith.constant -65536 : i32
        %and3A_311 = vector.broadcast %and3A : i32 to vector<16xi32>
        %and3A_312 = arith.andi %get3A_308, %and3A_311 : vector<16xi32>
        %bitcast3A_313 = vector.bitcast %and3A_312 : vector<16xi32> to vector<16xf32>
        %add3A_314 = arith.constant 0 : i32
        %add3A_315 = vector.broadcast %add3A_314 : i32 to vector<16xi32>
        %add3A_316 = arith.addi %add3A_306, %add3A_315 : vector<16xi32>
        %mul3A_317 = arith.mulf %bitcast3A, %gather3A_305 : vector<16xf32>
        tpu.vector_store_idx %arg7[%add3A_316], %mul3A_317 {add = true} : memref<65536xf32, #tpu.memory_space<vmem>>[vector<16xi32>], vector<16xf32>,
        %add3A_318 = arith.constant 128 : i32
        %add3A_319 = vector.broadcast %add3A_318 : i32 to vector<16xi32>
        %add3A_320 = arith.addi %add3A_306, %add3A_319 : vector<16xi32>
        %mul3A_321 = arith.mulf %bitcast3A_313, %gather3A_305 : vector<16xf32>
        tpu.vector_store_idx %arg7[%add3A_320], %mul3A_321 {add = true} : memref<65536xf32, #tpu.memory_space<vmem>>[vector<16xi32>], vector<16xf32>,
        %get3A_322 = arith.index_cast %scan3A_298 : i32 to index
        %get3A_323 = arith.constant 16 : index
        %get3A_324 = tpu.vector_load %arg17[%get3A_322, %get3A_323] {strides = array<i32>} : memref<8x128xi32, #tpu.memory_space<vmem>>, vector<16xi32>,
        %shift_left3A_325 = arith.constant 16 : i32
        %shift_left3A_326 = vector.broadcast %shift_left3A_325 : i32 to vector<16xi32>
        %shift_left3A_327 = arith.shli %get3A_324, %shift_left3A_326 : vector<16xi32>
        %bitcast3A_328 = vector.bitcast %shift_left3A_327 : vector<16xi32> to vector<16xf32>
        %and3A_329 = arith.constant -65536 : i32
        %and3A_330 = vector.broadcast %and3A_329 : i32 to vector<16xi32>
        %and3A_331 = arith.andi %get3A_324, %and3A_330 : vector<16xi32>
        %bitcast3A_332 = vector.bitcast %and3A_331 : vector<16xi32> to vector<16xf32>
        %add3A_333 = arith.constant 16 : i32
        %add3A_334 = vector.broadcast %add3A_333 : i32 to vector<16xi32>
        %add3A_335 = arith.addi %add3A_306, %add3A_334 : vector<16xi32>
        %mul3A_336 = arith.mulf %bitcast3A_328, %gather3A_305 : vector<16xf32>
        tpu.vector_store_idx %arg7[%add3A_335], %mul3A_336 {add = true} : memref<65536xf32, #tpu.memory_space<vmem>>[vector<16xi32>], vector<16xf32>,
        %add3A_337 = arith.constant 144 : i32
        %add3A_338 = vector.broadcast %add3A_337 : i32 to vector<16xi32>
        %add3A_339 = arith.addi %add3A_306, %add3A_338 : vector<16xi32>
        %mul3A_340 = arith.mulf %bitcast3A_332, %gather3A_305 : vector<16xf32>
        tpu.vector_store_idx %arg7[%add3A_339], %mul3A_340 {add = true} : memref<65536xf32, #tpu.memory_space<vmem>>[vector<16xi32>], vector<16xf32>,
        %get3A_341 = arith.index_cast %scan3A_298 : i32 to index
        %get3A_342 = arith.constant 32 : index
        %get3A_343 = tpu.vector_load %arg17[%get3A_341, %get3A_342] {strides = array<i32>} : memref<8x128xi32, #tpu.memory_space<vmem>>, vector<16xi32>,
        %shift_left3A_344 = arith.constant 16 : i32
        %shift_left3A_345 = vector.broadcast %shift_left3A_344 : i32 to vector<16xi32>
        %shift_left3A_346 = arith.shli %get3A_343, %shift_left3A_345 : vector<16xi32>
        %bitcast3A_347 = vector.bitcast %shift_left3A_346 : vector<16xi32> to vector<16xf32>
        %and3A_348 = arith.constant -65536 : i32
        %and3A_349 = vector.broadcast %and3A_348 : i32 to vector<16xi32>
        %and3A_350 = arith.andi %get3A_343, %and3A_349 : vector<16xi32>
        %bitcast3A_351 = vector.bitcast %and3A_350 : vector<16xi32> to vector<16xf32>
        %add3A_352 = arith.constant 32 : i32
        %add3A_353 = vector.broadcast %add3A_352 : i32 to vector<16xi32>
        %add3A_354 = arith.addi %add3A_306, %add3A_353 : vector<16xi32>
        %mul3A_355 = arith.mulf %bitcast3A_347, %gather3A_305 : vector<16xf32>
        tpu.vector_store_idx %arg7[%add3A_354], %mul3A_355 {add = true} : memref<65536xf32, #tpu.memory_space<vmem>>[vector<16xi32>], vector<16xf32>,
        %add3A_356 = arith.constant 160 : i32
        %add3A_357 = vector.broadcast %add3A_356 : i32 to vector<16xi32>
        %add3A_358 = arith.addi %add3A_306, %add3A_357 : vector<16xi32>
        %mul3A_359 = arith.mulf %bitcast3A_351, %gather3A_305 : vector<16xf32>
        tpu.vector_store_idx %arg7[%add3A_358], %mul3A_359 {add = true} : memref<65536xf32, #tpu.memory_space<vmem>>[vector<16xi32>], vector<16xf32>,
        %get3A_360 = arith.index_cast %scan3A_298 : i32 to index
        %get3A_361 = arith.constant 48 : index
        %get3A_362 = tpu.vector_load %arg17[%get3A_360, %get3A_361] {strides = array<i32>} : memref<8x128xi32, #tpu.memory_space<vmem>>, vector<16xi32>,
        %shift_left3A_363 = arith.constant 16 : i32
        %shift_left3A_364 = vector.broadcast %shift_left3A_363 : i32 to vector<16xi32>
        %shift_left3A_365 = arith.shli %get3A_362, %shift_left3A_364 : vector<16xi32>
        %bitcast3A_366 = vector.bitcast %shift_left3A_365 : vector<16xi32> to vector<16xf32>
        %and3A_367 = arith.constant -65536 : i32
        %and3A_368 = vector.broadcast %and3A_367 : i32 to vector<16xi32>
        %and3A_369 = arith.andi %get3A_362, %and3A_368 : vector<16xi32>
        %bitcast3A_370 = vector.bitcast %and3A_369 : vector<16xi32> to vector<16xf32>
        %add3A_371 = arith.constant 48 : i32
        %add3A_372 = vector.broadcast %add3A_371 : i32 to vector<16xi32>
        %add3A_373 = arith.addi %add3A_306, %add3A_372 : vector<16xi32>
        %mul3A_374 = arith.mulf %bitcast3A_366, %gather3A_305 : vector<16xf32>
        tpu.vector_store_idx %arg7[%add3A_373], %mul3A_374 {add = true} : memref<65536xf32, #tpu.memory_space<vmem>>[vector<16xi32>], vector<16xf32>,
        %add3A_375 = arith.constant 176 : i32
        %add3A_376 = vector.broadcast %add3A_375 : i32 to vector<16xi32>
        %add3A_377 = arith.addi %add3A_306, %add3A_376 : vector<16xi32>
        %mul3A_378 = arith.mulf %bitcast3A_370, %gather3A_305 : vector<16xf32>
        tpu.vector_store_idx %arg7[%add3A_377], %mul3A_378 {add = true} : memref<65536xf32, #tpu.memory_space<vmem>>[vector<16xi32>], vector<16xf32>,
        %get3A_379 = arith.index_cast %scan3A_298 : i32 to index
        %get3A_380 = arith.constant 64 : index
        %get3A_381 = tpu.vector_load %arg17[%get3A_379, %get3A_380] {strides = array<i32>} : memref<8x128xi32, #tpu.memory_space<vmem>>, vector<16xi32>,
        %shift_left3A_382 = arith.constant 16 : i32
        %shift_left3A_383 = vector.broadcast %shift_left3A_382 : i32 to vector<16xi32>
        %shift_left3A_384 = arith.shli %get3A_381, %shift_left3A_383 : vector<16xi32>
        %bitcast3A_385 = vector.bitcast %shift_left3A_384 : vector<16xi32> to vector<16xf32>
        %and3A_386 = arith.constant -65536 : i32
        %and3A_387 = vector.broadcast %and3A_386 : i32 to vector<16xi32>
        %and3A_388 = arith.andi %get3A_381, %and3A_387 : vector<16xi32>
        %bitcast3A_389 = vector.bitcast %and3A_388 : vector<16xi32> to vector<16xf32>
        %add3A_390 = arith.constant 64 : i32
        %add3A_391 = vector.broadcast %add3A_390 : i32 to vector<16xi32>
        %add3A_392 = arith.addi %add3A_306, %add3A_391 : vector<16xi32>
        %mul3A_393 = arith.mulf %bitcast3A_385, %gather3A_305 : vector<16xf32>
        tpu.vector_store_idx %arg7[%add3A_392], %mul3A_393 {add = true} : memref<65536xf32, #tpu.memory_space<vmem>>[vector<16xi32>], vector<16xf32>,
        %add3A_394 = arith.constant 192 : i32
        %add3A_395 = vector.broadcast %add3A_394 : i32 to vector<16xi32>
        %add3A_396 = arith.addi %add3A_306, %add3A_395 : vector<16xi32>
        %mul3A_397 = arith.mulf %bitcast3A_389, %gather3A_305 : vector<16xf32>
        tpu.vector_store_idx %arg7[%add3A_396], %mul3A_397 {add = true} : memref<65536xf32, #tpu.memory_space<vmem>>[vector<16xi32>], vector<16xf32>,
        %get3A_398 = arith.index_cast %scan3A_298 : i32 to index
        %get3A_399 = arith.constant 80 : index
        %get3A_400 = tpu.vector_load %arg17[%get3A_398, %get3A_399] {strides = array<i32>} : memref<8x128xi32, #tpu.memory_space<vmem>>, vector<16xi32>,
        %shift_left3A_401 = arith.constant 16 : i32
        %shift_left3A_402 = vector.broadcast %shift_left3A_401 : i32 to vector<16xi32>
        %shift_left3A_403 = arith.shli %get3A_400, %shift_left3A_402 : vector<16xi32>
        %bitcast3A_404 = vector.bitcast %shift_left3A_403 : vector<16xi32> to vector<16xf32>
        %and3A_405 = arith.constant -65536 : i32
        %and3A_406 = vector.broadcast %and3A_405 : i32 to vector<16xi32>
        %and3A_407 = arith.andi %get3A_400, %and3A_406 : vector<16xi32>
        %bitcast3A_408 = vector.bitcast %and3A_407 : vector<16xi32> to vector<16xf32>
        %add3A_409 = arith.constant 80 : i32
        %add3A_410 = vector.broadcast %add3A_409 : i32 to vector<16xi32>
        %add3A_411 = arith.addi %add3A_306, %add3A_410 : vector<16xi32>
        %mul3A_412 = arith.mulf %bitcast3A_404, %gather3A_305 : vector<16xf32>
        tpu.vector_store_idx %arg7[%add3A_411], %mul3A_412 {add = true} : memref<65536xf32, #tpu.memory_space<vmem>>[vector<16xi32>], vector<16xf32>,
        %add3A_413 = arith.constant 208 : i32
        %add3A_414 = vector.broadcast %add3A_413 : i32 to vector<16xi32>
        %add3A_415 = arith.addi %add3A_306, %add3A_414 : vector<16xi32>
        %mul3A_416 = arith.mulf %bitcast3A_408, %gather3A_305 : vector<16xf32>
        tpu.vector_store_idx %arg7[%add3A_415], %mul3A_416 {add = true} : memref<65536xf32, #tpu.memory_space<vmem>>[vector<16xi32>], vector<16xf32>,
        %get3A_417 = arith.index_cast %scan3A_298 : i32 to index
        %get3A_418 = arith.constant 96 : index
        %get3A_419 = tpu.vector_load %arg17[%get3A_417, %get3A_418] {strides = array<i32>} : memref<8x128xi32, #tpu.memory_space<vmem>>, vector<16xi32>,
        %shift_left3A_420 = arith.constant 16 : i32
        %shift_left3A_421 = vector.broadcast %shift_left3A_420 : i32 to vector<16xi32>
        %shift_left3A_422 = arith.shli %get3A_419, %shift_left3A_421 : vector<16xi32>
        %bitcast3A_423 = vector.bitcast %shift_left3A_422 : vector<16xi32> to vector<16xf32>
        %and3A_424 = arith.constant -65536 : i32
        %and3A_425 = vector.broadcast %and3A_424 : i32 to vector<16xi32>
        %and3A_426 = arith.andi %get3A_419, %and3A_425 : vector<16xi32>
        %bitcast3A_427 = vector.bitcast %and3A_426 : vector<16xi32> to vector<16xf32>
        %add3A_428 = arith.constant 96 : i32
        %add3A_429 = vector.broadcast %add3A_428 : i32 to vector<16xi32>
        %add3A_430 = arith.addi %add3A_306, %add3A_429 : vector<16xi32>
        %mul3A_431 = arith.mulf %bitcast3A_423, %gather3A_305 : vector<16xf32>
        tpu.vector_store_idx %arg7[%add3A_430], %mul3A_431 {add = true} : memref<65536xf32, #tpu.memory_space<vmem>>[vector<16xi32>], vector<16xf32>,
        %add3A_432 = arith.constant 224 : i32
        %add3A_433 = vector.broadcast %add3A_432 : i32 to vector<16xi32>
        %add3A_434 = arith.addi %add3A_306, %add3A_433 : vector<16xi32>
        %mul3A_435 = arith.mulf %bitcast3A_427, %gather3A_305 : vector<16xf32>
        tpu.vector_store_idx %arg7[%add3A_434], %mul3A_435 {add = true} : memref<65536xf32, #tpu.memory_space<vmem>>[vector<16xi32>], vector<16xf32>,
        %get3A_436 = arith.index_cast %scan3A_298 : i32 to index
        %get3A_437 = arith.constant 112 : index
        %get3A_438 = tpu.vector_load %arg17[%get3A_436, %get3A_437] {strides = array<i32>} : memref<8x128xi32, #tpu.memory_space<vmem>>, vector<16xi32>,
        %shift_left3A_439 = arith.constant 16 : i32
        %shift_left3A_440 = vector.broadcast %shift_left3A_439 : i32 to vector<16xi32>
        %shift_left3A_441 = arith.shli %get3A_438, %shift_left3A_440 : vector<16xi32>
        %bitcast3A_442 = vector.bitcast %shift_left3A_441 : vector<16xi32> to vector<16xf32>
        %and3A_443 = arith.constant -65536 : i32
        %and3A_444 = vector.broadcast %and3A_443 : i32 to vector<16xi32>
        %and3A_445 = arith.andi %get3A_438, %and3A_444 : vector<16xi32>
        %bitcast3A_446 = vector.bitcast %and3A_445 : vector<16xi32> to vector<16xf32>
        %add3A_447 = arith.constant 112 : i32
        %add3A_448 = vector.broadcast %add3A_447 : i32 to vector<16xi32>
        %add3A_449 = arith.addi %add3A_306, %add3A_448 : vector<16xi32>
        %mul3A_450 = arith.mulf %bitcast3A_442, %gather3A_305 : vector<16xf32>
        tpu.vector_store_idx %arg7[%add3A_449], %mul3A_450 {add = true} : memref<65536xf32, #tpu.memory_space<vmem>>[vector<16xi32>], vector<16xf32>,
        %add3A_451 = arith.constant 240 : i32
        %add3A_452 = vector.broadcast %add3A_451 : i32 to vector<16xi32>
        %add3A_453 = arith.addi %add3A_306, %add3A_452 : vector<16xi32>
        %mul3A_454 = arith.mulf %bitcast3A_446, %gather3A_305 : vector<16xf32>
        tpu.vector_store_idx %arg7[%add3A_453], %mul3A_454 {add = true} : memref<65536xf32, #tpu.memory_space<vmem>>[vector<16xi32>], vector<16xf32>,
        %scan3A_455 = arith.constant 0 : i32
        scf.yield %scan3A_455 : i32
      }
      %scan3A_288 = arith.constant 8 : i32
      %add3A_289 = arith.constant 7 : i32
      %add3A_290 = arith.addi %add3A_274, %add3A_289 : i32
      %dma_start3A_291 = arith.constant 0 : i32
      %dma_start3A_292 = tpu.memref_slice %arg10[%add3A_290, %dma_start3A_291] : memref<203x8xi32, #tpu.memory_space<vmem>> -> memref<1x8xi32, #tpu.memory_space<vmem>>
      %dma_start3A_293 = tpu.memref_squeeze %dma_start3A_292 : memref<1x8xi32, #tpu.memory_space<vmem>> -> memref<8xi32, #tpu.memory_space<vmem>>
      %dma_start3A_294 = arith.constant 0 : i32
      %dma_start3A_295 = arith.constant 0 : i32
      %dma_start3A_296 = tpu.memref_slice %arg2[%dma_start3A_294, %dma_start3A_295] : memref<50000x128xi32, #tpu.memory_space<hbm>> -> memref<50000x128xi32, #tpu.memory_space<hbm>>
      tpu.enqueue_indirect_dma source(%dma_start3A_296 : memref<50000x128xi32, #tpu.memory_space<hbm>>) target(%arg17 : memref<8x128xi32, #tpu.memory_space<vmem>>) offsets(%dma_start3A_293 : memref<8xi32, #tpu.memory_space<vmem>>) semaphore(%arg24 : memref<!tpu.dma_semaphore, #tpu.memory_space<semaphore_mem>>)
      %scan3A_297 = arith.constant 0 : i32
      scf.yield %scan3A_297 : i32
    }
    %scan3A_64 = arith.constant 28 : i32
    %dma_wait3A = arith.constant 0 : i32
    %dma_wait3A_65 = arith.constant 0 : i32
    %dma_wait3A_66 = tpu.memref_slice %arg10[%dma_wait3A, %dma_wait3A_65] : memref<203x8xi32, #tpu.memory_space<vmem>> -> memref<1x8xi32, #tpu.memory_space<vmem>>
    %dma_wait3A_67 = tpu.memref_squeeze %dma_wait3A_66 : memref<1x8xi32, #tpu.memory_space<vmem>> -> memref<8xi32, #tpu.memory_space<vmem>>
    %dma_wait3A_68 = arith.constant 0 : i32
    %dma_wait3A_69 = arith.constant 0 : i32
    %dma_wait3A_70 = tpu.memref_slice %arg2[%dma_wait3A_68, %dma_wait3A_69] : memref<50000x128xi32, #tpu.memory_space<hbm>> -> memref<50000x128xi32, #tpu.memory_space<hbm>>
    tpu.wait_indirect_dma semaphore(%arg18 : memref<!tpu.dma_semaphore, #tpu.memory_space<semaphore_mem>>) src(%dma_wait3A_70 : memref<50000x128xi32, #tpu.memory_space<hbm>>) dst(%arg11 : memref<8x128xi32, #tpu.memory_space<vmem>>)
    %dma_wait3A_71 = arith.constant 0 : i32
    %dma_wait3A_72 = arith.constant 0 : i32
    %dma_wait3A_73 = tpu.memref_slice %arg10[%dma_wait3A_71, %dma_wait3A_72] : memref<203x8xi32, #tpu.memory_space<vmem>> -> memref<1x8xi32, #tpu.memory_space<vmem>>
    %dma_wait3A_74 = tpu.memref_squeeze %dma_wait3A_73 : memref<1x8xi32, #tpu.memory_space<vmem>> -> memref<8xi32, #tpu.memory_space<vmem>>
    %dma_wait3A_75 = arith.constant 0 : i32
    %dma_wait3A_76 = arith.constant 0 : i32
    %dma_wait3A_77 = tpu.memref_slice %arg2[%dma_wait3A_75, %dma_wait3A_76] : memref<50000x128xi32, #tpu.memory_space<hbm>> -> memref<50000x128xi32, #tpu.memory_space<hbm>>
    tpu.wait_indirect_dma semaphore(%arg19 : memref<!tpu.dma_semaphore, #tpu.memory_space<semaphore_mem>>) src(%dma_wait3A_77 : memref<50000x128xi32, #tpu.memory_space<hbm>>) dst(%arg12 : memref<8x128xi32, #tpu.memory_space<vmem>>)
    %dma_wait3A_78 = arith.constant 0 : i32
    %dma_wait3A_79 = arith.constant 0 : i32
    %dma_wait3A_80 = tpu.memref_slice %arg10[%dma_wait3A_78, %dma_wait3A_79] : memref<203x8xi32, #tpu.memory_space<vmem>> -> memref<1x8xi32, #tpu.memory_space<vmem>>
    %dma_wait3A_81 = tpu.memref_squeeze %dma_wait3A_80 : memref<1x8xi32, #tpu.memory_space<vmem>> -> memref<8xi32, #tpu.memory_space<vmem>>
    %dma_wait3A_82 = arith.constant 0 : i32
    %dma_wait3A_83 = arith.constant 0 : i32
    %dma_wait3A_84 = tpu.memref_slice %arg2[%dma_wait3A_82, %dma_wait3A_83] : memref<50000x128xi32, #tpu.memory_space<hbm>> -> memref<50000x128xi32, #tpu.memory_space<hbm>>
    tpu.wait_indirect_dma semaphore(%arg20 : memref<!tpu.dma_semaphore, #tpu.memory_space<semaphore_mem>>) src(%dma_wait3A_84 : memref<50000x128xi32, #tpu.memory_space<hbm>>) dst(%arg13 : memref<8x128xi32, #tpu.memory_space<vmem>>)
    %dma_wait3A_85 = arith.constant 0 : i32
    %dma_wait3A_86 = arith.constant 0 : i32
    %dma_wait3A_87 = tpu.memref_slice %arg10[%dma_wait3A_85, %dma_wait3A_86] : memref<203x8xi32, #tpu.memory_space<vmem>> -> memref<1x8xi32, #tpu.memory_space<vmem>>
    %dma_wait3A_88 = tpu.memref_squeeze %dma_wait3A_87 : memref<1x8xi32, #tpu.memory_space<vmem>> -> memref<8xi32, #tpu.memory_space<vmem>>
    %dma_wait3A_89 = arith.constant 0 : i32
    %dma_wait3A_90 = arith.constant 0 : i32
    %dma_wait3A_91 = tpu.memref_slice %arg2[%dma_wait3A_89, %dma_wait3A_90] : memref<50000x128xi32, #tpu.memory_space<hbm>> -> memref<50000x128xi32, #tpu.memory_space<hbm>>
    tpu.wait_indirect_dma semaphore(%arg21 : memref<!tpu.dma_semaphore, #tpu.memory_space<semaphore_mem>>) src(%dma_wait3A_91 : memref<50000x128xi32, #tpu.memory_space<hbm>>) dst(%arg14 : memref<8x128xi32, #tpu.memory_space<vmem>>)
    %dma_wait3A_92 = arith.constant 0 : i32
    %dma_wait3A_93 = arith.constant 0 : i32
    %dma_wait3A_94 = tpu.memref_slice %arg10[%dma_wait3A_92, %dma_wait3A_93] : memref<203x8xi32, #tpu.memory_space<vmem>> -> memref<1x8xi32, #tpu.memory_space<vmem>>
    %dma_wait3A_95 = tpu.memref_squeeze %dma_wait3A_94 : memref<1x8xi32, #tpu.memory_space<vmem>> -> memref<8xi32, #tpu.memory_space<vmem>>
    %dma_wait3A_96 = arith.constant 0 : i32
    %dma_wait3A_97 = arith.constant 0 : i32
    %dma_wait3A_98 = tpu.memref_slice %arg2[%dma_wait3A_96, %dma_wait3A_97] : memref<50000x128xi32, #tpu.memory_space<hbm>> -> memref<50000x128xi32, #tpu.memory_space<hbm>>
    tpu.wait_indirect_dma semaphore(%arg22 : memref<!tpu.dma_semaphore, #tpu.memory_space<semaphore_mem>>) src(%dma_wait3A_98 : memref<50000x128xi32, #tpu.memory_space<hbm>>) dst(%arg15 : memref<8x128xi32, #tpu.memory_space<vmem>>)
    %dma_wait3A_99 = arith.constant 0 : i32
    %dma_wait3A_100 = arith.constant 0 : i32
    %dma_wait3A_101 = tpu.memref_slice %arg10[%dma_wait3A_99, %dma_wait3A_100] : memref<203x8xi32, #tpu.memory_space<vmem>> -> memref<1x8xi32, #tpu.memory_space<vmem>>
    %dma_wait3A_102 = tpu.memref_squeeze %dma_wait3A_101 : memref<1x8xi32, #tpu.memory_space<vmem>> -> memref<8xi32, #tpu.memory_space<vmem>>
    %dma_wait3A_103 = arith.constant 0 : i32
    %dma_wait3A_104 = arith.constant 0 : i32
    %dma_wait3A_105 = tpu.memref_slice %arg2[%dma_wait3A_103, %dma_wait3A_104] : memref<50000x128xi32, #tpu.memory_space<hbm>> -> memref<50000x128xi32, #tpu.memory_space<hbm>>
    tpu.wait_indirect_dma semaphore(%arg23 : memref<!tpu.dma_semaphore, #tpu.memory_space<semaphore_mem>>) src(%dma_wait3A_105 : memref<50000x128xi32, #tpu.memory_space<hbm>>) dst(%arg16 : memref<8x128xi32, #tpu.memory_space<vmem>>)
    %dma_wait3A_106 = arith.constant 0 : i32
    %dma_wait3A_107 = arith.constant 0 : i32
    %dma_wait3A_108 = tpu.memref_slice %arg10[%dma_wait3A_106, %dma_wait3A_107] : memref<203x8xi32, #tpu.memory_space<vmem>> -> memref<1x8xi32, #tpu.memory_space<vmem>>
    %dma_wait3A_109 = tpu.memref_squeeze %dma_wait3A_108 : memref<1x8xi32, #tpu.memory_space<vmem>> -> memref<8xi32, #tpu.memory_space<vmem>>
    %dma_wait3A_110 = arith.constant 0 : i32
    %dma_wait3A_111 = arith.constant 0 : i32
    %dma_wait3A_112 = tpu.memref_slice %arg2[%dma_wait3A_110, %dma_wait3A_111] : memref<50000x128xi32, #tpu.memory_space<hbm>> -> memref<50000x128xi32, #tpu.memory_space<hbm>>
    tpu.wait_indirect_dma semaphore(%arg24 : memref<!tpu.dma_semaphore, #tpu.memory_space<semaphore_mem>>) src(%dma_wait3A_112 : memref<50000x128xi32, #tpu.memory_space<hbm>>) dst(%arg17 : memref<8x128xi32, #tpu.memory_space<vmem>>)
    "tpu.region"() ({
      %run_scoped3A = tpu.sem_alloc : memref<!tpu.dma_semaphore, #tpu.memory_space<semaphore_mem>>
      %dma_start3A_113 = arith.constant 0 : i32
      %dma_start3A_114 = tpu.memref_slice %arg6[%add3A, %dma_start3A_113] : memref<32x65536xf32, #tpu.memory_space<hbm>> -> memref<1x65536xf32, #tpu.memory_space<hbm>>
      %dma_start3A_115 = tpu.memref_squeeze %dma_start3A_114 : memref<1x65536xf32, #tpu.memory_space<hbm>> -> memref<65536xf32, #tpu.memory_space<hbm>>
      %dma_start3A_116 = arith.constant 0 : i32
      %dma_start3A_117 = tpu.memref_slice %arg6[%add3A, %dma_start3A_116] : memref<32x65536xf32, #tpu.memory_space<hbm>> -> memref<1x65536xf32, #tpu.memory_space<hbm>>
      %dma_start3A_118 = tpu.memref_squeeze %dma_start3A_117 : memref<1x65536xf32, #tpu.memory_space<hbm>> -> memref<65536xf32, #tpu.memory_space<hbm>>
      tpu.enqueue_dma source(%arg7 : memref<65536xf32, #tpu.memory_space<vmem>>) target(%dma_start3A_118 : memref<65536xf32, #tpu.memory_space<hbm>>) target_semaphore(%run_scoped3A : memref<!tpu.dma_semaphore, #tpu.memory_space<semaphore_mem>>)
      %dma_wait3A_119 = arith.constant 0 : i32
      %dma_wait3A_120 = tpu.memref_slice %arg6[%add3A, %dma_wait3A_119] : memref<32x65536xf32, #tpu.memory_space<hbm>> -> memref<1x65536xf32, #tpu.memory_space<hbm>>
      %dma_wait3A_121 = tpu.memref_squeeze %dma_wait3A_120 : memref<1x65536xf32, #tpu.memory_space<hbm>> -> memref<65536xf32, #tpu.memory_space<hbm>>
      %dma_wait3A_122 = arith.constant 0 : i32
      %dma_wait3A_123 = tpu.memref_slice %arg6[%add3A, %dma_wait3A_122] : memref<32x65536xf32, #tpu.memory_space<hbm>> -> memref<1x65536xf32, #tpu.memory_space<hbm>>
      %dma_wait3A_124 = tpu.memref_squeeze %dma_wait3A_123 : memref<1x65536xf32, #tpu.memory_space<hbm>> -> memref<65536xf32, #tpu.memory_space<hbm>>
      tpu.wait_dma2 semaphore(%run_scoped3A : memref<!tpu.dma_semaphore, #tpu.memory_space<semaphore_mem>>) src(%arg7 : memref<65536xf32, #tpu.memory_space<vmem>>) dst(%dma_wait3A_124 : memref<65536xf32, #tpu.memory_space<hbm>>)
      tpu.yield
    }) : () -> ()
    return
  }
}

module attributes {stable_mosaic.version = 14 : i64} {
  func.func @_cast_body(%arg0: i32, %arg1: memref<2000x256xf32, #tpu.memory_space<vmem>>, %arg2: memref<2000x128xi32, #tpu.memory_space<vmem>>) attributes {dimension_semantics = [#tpu.dimension_semantics<arbitrary>], iteration_bounds = array<i64: 25>, scalar_prefetch = 0 : i64, scratch_operands = 0 : i64, tpu.core_type = #tpu.core_type<tc>, window_params = [{transform_indices = @transform_0, window_bounds = array<i64: 2000, 256>}, {transform_indices = @transform_1, window_bounds = array<i64: 2000, 128>}]} {
    %get3A = arith.constant 0 : index
    %get3A_0 = arith.constant 0 : index
    %get3A_1 = vector.load %arg1[%get3A, %get3A_0] : memref<2000x256xf32, #tpu.memory_space<vmem>>, vector<2000x128xf32>
    %convert_element_type3A = arith.truncf %get3A_1 : vector<2000x128xf32> to vector<2000x128xbf16>
    %convert_element_type3A_2 = arith.extf %convert_element_type3A : vector<2000x128xbf16> to vector<2000x128xf32>
    %bitcast_convert_type3A = tpu.bitcast %convert_element_type3A_2 : vector<2000x128xf32> -> vector<2000x128xi32>
    %get3A_3 = arith.constant 0 : index
    %get3A_4 = arith.constant 128 : index
    %get3A_5 = vector.load %arg1[%get3A_3, %get3A_4] : memref<2000x256xf32, #tpu.memory_space<vmem>>, vector<2000x128xf32>
    %convert_element_type3A_6 = arith.truncf %get3A_5 : vector<2000x128xf32> to vector<2000x128xbf16>
    %convert_element_type3A_7 = arith.extf %convert_element_type3A_6 : vector<2000x128xbf16> to vector<2000x128xf32>
    %bitcast_convert_type3A_8 = tpu.bitcast %convert_element_type3A_7 : vector<2000x128xf32> -> vector<2000x128xi32>
    %shift_right_logical3A = arith.constant 16 : i32
    %shift_right_logical3A_9 = vector.broadcast %shift_right_logical3A : i32 to vector<2000x128xi32>
    %shift_right_logical3A_10 = arith.shrui %bitcast_convert_type3A, %shift_right_logical3A_9 : vector<2000x128xi32>
    %and3A = arith.constant -65536 : i32
    %and3A_11 = vector.broadcast %and3A : i32 to vector<2000x128xi32>
    %and3A_12 = arith.andi %bitcast_convert_type3A_8, %and3A_11 : vector<2000x128xi32>
    %or3A = arith.ori %shift_right_logical3A_10, %and3A_12 : vector<2000x128xi32>
    %swap3A = arith.constant 0 : index
    %swap3A_13 = arith.constant 0 : index
    %swap3A_14 = vector.load %arg2[%swap3A, %swap3A_13] : memref<2000x128xi32, #tpu.memory_space<vmem>>, vector<2000x128xi32>
    tpu.vector_store %arg2[%swap3A, %swap3A_13], %or3A {strides = array<i32>} : memref<2000x128xi32, #tpu.memory_space<vmem>>, vector<2000x128xi32>,
    return
  }
  func.func @transform_0(%arg0: i32) -> (i32, i32) {
    %c0_i32 = arith.constant 0 : i32
    %c0_i32_0 = arith.constant 0 : i32
    return %arg0, %c0_i32 : i32, i32
  }
  func.func @transform_1(%arg0: i32) -> (i32, i32) {
    %c0_i32 = arith.constant 0 : i32
    %c0_i32_0 = arith.constant 0 : i32
    return %arg0, %c0_i32 : i32, i32
  }
}

module attributes {stable_mosaic.version = 14 : i64} {
  func.func @_combine_body(%arg0: memref<32x256x256xf32, #tpu.memory_space<vmem>>, %arg1: memref<2x256xf32, #tpu.memory_space<vmem>>, %arg2: memref<256x256xf32, #tpu.memory_space<vmem>>) attributes {dimension_semantics = [], scalar_prefetch = 0 : i64, scratch_operands = 0 : i64, tpu.core_type = #tpu.core_type<tc>} {
    %get3A = arith.constant 0 : index
    %get3A_0 = arith.constant 0 : index
    %get3A_1 = vector.load %arg1[%get3A, %get3A_0] : memref<2x256xf32, #tpu.memory_space<vmem>>, vector<1x256xf32>
    %get3A_2 = vector.shape_cast %get3A_1 : vector<1x256xf32> to vector<256xf32>
    %max3A = arith.constant 1.000000e+00 : f32
    %max3A_3 = vector.broadcast %max3A : f32 to vector<256xf32>
    %max3A_4 = arith.maximumf %get3A_2, %max3A_3 : vector<256xf32>
    %get3A_5 = arith.constant 0 : index
    %get3A_6 = arith.constant 0 : index
    %get3A_7 = arith.constant 0 : index
    %get3A_8 = vector.load %arg0[%get3A_5, %get3A_6, %get3A_7] : memref<32x256x256xf32, #tpu.memory_space<vmem>>, vector<32x256x256xf32>
    %reduce_sum3A = arith.constant dense<0.000000e+00> : vector<256x256xf32>
    %reduce_sum3A_9 = vector.multi_reduction <add>, %get3A_8, %reduce_sum3A [0] : vector<32x256x256xf32> to vector<256x256xf32>
    %broadcast_in_dim3A = vector.shape_cast %max3A_4 : vector<256xf32> to vector<256x1xf32>
    %div3A = vector.broadcast %broadcast_in_dim3A : vector<256x1xf32> to vector<256x256xf32>
    %div3A_10 = arith.divf %reduce_sum3A_9, %div3A : vector<256x256xf32>
    %swap3A = arith.constant 0 : index
    %swap3A_11 = arith.constant 0 : index
    %swap3A_12 = vector.load %arg2[%swap3A, %swap3A_11] : memref<256x256xf32, #tpu.memory_space<vmem>>, vector<256x256xf32>
    tpu.vector_store %arg2[%swap3A, %swap3A_11], %div3A_10 {strides = array<i32>} : memref<256x256xf32, #tpu.memory_space<vmem>>, vector<256x256xf32>,
    return
  }
}

</mosaic_0001>

<sc_bundles>
// kernel: kernel.6.cloned.1.call-start
scs
__scs_entry_jumppad:
0x0: {  	(pc) =	sbr.rel $0x88, $3  }
0x1: {  	(tag) =	ssettag $0x0;
	lr =	simm.s32 $0x1  }
0x2: {  	[smem:$0x3F9D] =	sst lr;
	_ =	strace $0xD0000000  }
0x3: {  	_ = 	snop  }
0x4: {  	_ = 	snop  }
0x5: {  	_ = 	snop  }
0x6: {  	_ = 	snop  }
0x7: {  	_ = 	snop  }
__scs_overlays_trampoline_lowered:
0x8: {  	[smem:$0x3FAC] =	sst s0  }
0x9: {  	[smem:$0x3FAD] =	sst s1  }
0xa: {  	[smem:$0x3FAE] =	sst s2  }
0xb: {  	[smem:$0x3FAF] =	sst s3  }
0xc: {  	[smem:$0x3FB0] =	sst s4  }
0xd: {  	[smem:$0x3FB1] =	sst s5  }
0xe: {  	[smem:$0x3FB2] =	sst s6  }
0xf: {  	[smem:$0x3FB3] =	sst s7  }
0x10: {  	[smem:$0x3FB4] =	sst s8  }
0x11: {  	[smem:$0x3FB5] =	sst s9;
	s0 =	simm.s32 @!p0 $0x0  }
0x12: {  	s1 =	sld [smem:$0x3F9B];
	s0 =	simm.s32 @p0 $0x1  }
0x13: {  	[smem:$0x3FB6] =	sst s0;
	s0 =	simm.s32 @!p1 $0x0  }
0x14: {  	s2 =	sld [smem:$0x3F9A];
	s0 =	simm.s32 @p1 $0x1  }
0x15: {  	[smem:$0x3FB7] =	sst s0;
	s0 =	simm.s32 @!p2 $0x0  }
0x16: {  	s3 =	sld [smem:$0x3FDB];
	s0 =	simm.s32 @p2 $0x1  }
0x17: {  	s4 =	simm.s32 $0x1BF5;
	[smem:$0x3FB9] =	sst s0  }
0x18: {  	s0 =	sld [smem:$0x3F9C];
	_ =	swait.ge [sflag:s4], $0x0  }
0x19: {  	s7 =	sld [smem:$0x3F9D]  }
0x1a: {  	s8 =	sadd.s32 $0xFFFFE003, lr  }
0x1b: {  	s9 =	sadd.s32 $0xFFFFFEF7, lr;
	s5 =	simm.s32 $0xFFFFFFFF;
	p2 =	slt.u32 s8, $0xFFFFF086  }
0x1c: {  	p1 =	slt.u32 s9, $0xF7A;
	s5 =	simm.s32 @!p2 $0x0  }
0x1d: {  	s5 =	simm.s32 @p1 $0x1;
	p0 =	seq.s32 s7, s2  }
0x1e: {  	s7 =	smul.u32 @!p0 $0xF7A, s2;
	p2 =	seq.s32 @!p0 s5, $0x0  }
0x1f: {  	s9 =	smul.u32 $0xF7A, s1;
	s8 =	simm.s32 @!p0 $0x1BF5;
	p2 =	por !p2, p0  }
0x20: {  	[sflag:s8] =	ssyncset.s32 @!p0 $0xFFFFF086;
	s6 =	sadd.s32 @!p0 s3, s7;
	s7 =	simm.s32 @!p0 $0x108  }
0x21: {  	s3 =	sadd.s32 s3, s9;
	s6 =	sadd.s32 @!p0 $0x88, s6;
	s7 =	simm.s32 @p2 $0x1082  }
0x22: {  	[simem:s7], [sflag:s8] =	dma.local @!p0 [hbm:s6], $0xF7A  }
0x23: {  	s9 =	sor.u32 $0xD0000000, s2;
	s6 =	simm.s32 $0x108;
	_ =	swait.ge @!p0 [sflag:s8], $0x0  }
0x24: {  	s3 =	sadd.s32 $0x88, s3;
	s6 =	simm.s32 @!p1 $0x1082;
	[sflag:s4] =	ssyncset.s32 $0xFFFFF086  }
0x25: {  	[simem:s6], [sflag:s4] =	dma.local [hbm:s3], $0xF7A  }
0x26: {  	[smem:$0x3F9D] =	sst s1;
	(tag) =	ssettag s2;
	_ =	strace s9  }
0x27: {  	s1 =	sld [smem:$0x3FAD]  }
0x28: {  	s2 =	sld [smem:$0x3FAE]  }
0x29: {  	s4 =	sld [smem:$0x3FB0]  }
0x2a: {  	p0 =	seq.s32 s5, $0x0;
	s5 =	sld [smem:$0x3FB1]  }
0x2b: {  	s6 =	sld [smem:$0x3FB2]  }
0x2c: {  	s7 =	sld [smem:$0x3FB3]  }
0x2d: {  	s3 =	simm.s32 $0x108;
	s8 =	sld [smem:$0x3FB4]  }
0x2e: {  	s3 =	simm.s32 @!p0 $0x1082;
	s9 =	sld [smem:$0x3FB5]  }
0x2f: {  	lr =	sadd.s32 s0, s3;
	s0 =	sld [smem:$0x3FAC]  }
0x30: {  	s3 =	sld [smem:$0x3FAF]  }
0x31: {  	[smem:$0x3FB8] =	sst s10  }
0x32: {  	s10 =	sld [smem:$0x3FB6];
	_ =	sdelay $0x3  }
0x33: {  	p0 =	seq.s32 s10, $0x1;
	s10 =	sld [smem:$0x3FB8];
	_ =	sdelay $0x3  }
0x34: {  	[smem:$0x3FB8] =	sst s10  }
0x35: {  	s10 =	sld [smem:$0x3FB7];
	_ =	sdelay $0x3  }
0x36: {  	p1 =	seq.s32 s10, $0x1;
	s10 =	sld [smem:$0x3FB8];
	_ =	sdelay $0x3  }
0x37: {  	[smem:$0x3FB8] =	sst s10  }
0x38: {  	s10 =	sld [smem:$0x3FB9]  }
0x39: {  	_ = 	snop;
	(pc) =	sbr.ind lr, $3  }
0x3a: {  	_ = 	snop  }
0x3b: {  	_ = 	snop  }
0x3c: {  	p2 =	seq.s32 s10, $0x1;
	s10 =	sld [smem:$0x3FB8]  }
0x3d: {  	_ =	shalt  }
0x3e: {  	_ =	shalt  }
0x3f: {  	_ =	shalt  }
0x40: {  	_ =	shalt  }
0x41: {  	_ =	shalt  }
0x42: {  	_ =	shalt  }
0x43: {  	_ =	shalt  }
0x44: {  	_ =	shalt  }
0x45: {  	_ =	shalt  }
0x46: {  	_ =	shalt  }
0x47: {  	_ =	shalt  }
0x48: {  	_ =	shalt  }
0x49: {  	_ =	shalt  }
0x4a: {  	_ =	shalt  }
0x4b: {  	_ =	shalt  }
0x4c: {  	_ =	shalt  }
0x4d: {  	_ =	shalt  }
0x4e: {  	_ =	shalt  }
0x4f: {  	_ =	shalt  }
0x50: {  	_ =	shalt  }
0x51: {  	_ =	shalt  }
0x52: {  	_ =	shalt  }
0x53: {  	_ =	shalt  }
0x54: {  	_ =	shalt  }
0x55: {  	_ =	shalt  }
0x56: {  	_ =	shalt  }
0x57: {  	_ =	shalt  }
0x58: {  	_ =	shalt  }
0x59: {  	_ =	shalt  }
0x5a: {  	_ =	shalt  }
0x5b: {  	_ =	shalt  }
0x5c: {  	_ =	shalt  }
0x5d: {  	_ =	shalt  }
0x5e: {  	_ =	shalt  }
0x5f: {  	_ =	shalt  }
0x60: {  	_ =	shalt  }
0x61: {  	_ =	shalt  }
0x62: {  	_ =	shalt  }
0x63: {  	_ =	shalt  }
0x64: {  	_ =	shalt  }
0x65: {  	_ =	shalt  }
0x66: {  	_ =	shalt  }
0x67: {  	_ =	shalt  }
0x68: {  	_ =	shalt  }
0x69: {  	_ =	shalt  }
0x6a: {  	_ =	shalt  }
0x6b: {  	_ =	shalt  }
0x6c: {  	_ =	shalt  }
0x6d: {  	_ =	shalt  }
0x6e: {  	_ =	shalt  }
0x6f: {  	_ =	shalt  }
0x70: {  	_ =	shalt  }
0x71: {  	_ =	shalt  }
0x72: {  	_ =	shalt  }
0x73: {  	_ =	shalt  }
0x74: {  	_ =	shalt  }
0x75: {  	_ =	shalt  }
0x76: {  	_ =	shalt  }
0x77: {  	_ =	shalt  }
0x78: {  	_ =	shalt  }
0x79: {  	_ =	shalt  }
0x7a: {  	_ =	shalt  }
0x7b: {  	_ =	shalt  }
0x7c: {  	_ =	shalt  }
0x7d: {  	_ =	shalt  }
0x7e: {  	_ =	shalt  }
0x7f: {  	_ =	shalt  }
0x80: {  	_ =	shalt  }
0x81: {  	_ =	shalt  }
0x82: {  	_ =	shalt  }
0x83: {  	_ =	shalt  }
0x84: {  	_ =	shalt  }
0x85: {  	_ =	shalt  }
0x86: {  	_ =	shalt  }
0x87: {  	_ =	shalt  }
.Lfunc_end0:
.L_simem_size_0:
called_computation_lowered:
.L_overlay_start_0:
0x88: {  	s2 =	sld [smem:$0x3FD9]  }
0x89: {  	s3 =	sld [smem:$0x3FFE];
	_ =	sdelay $0x1  }
0x8a: {  	s1 =	srdreg.scid  }
0x8b: {  	s0 =	sand.u32 $0x1, s1  }
0x8c: {  	s17 =	sshll.u32 s0, $0xA;
	s2 =	sadd.s32 s3, s2  }
0x8d: {  	s2 =	sadd.s32 s2, s17  }
0x8e: {  	[smem:$0x3FC4] =	sst s2  }
0x8f: {  	_ = 	snop  }
0x90: {  	s2 =	sld [smem:$0x3FC6]  }
0x91: {  	s18 =	sld [smem:$0x3FD0];
	(tm) =	ssettm $0x1  }
0x92: {  	s4 =	sld [smem:$0x3FFB];
	_ =	sdelay $0x3  }
0x93: {  	_ =	strace s4  }
0x94: {  	s4 =	sld [smem:$0x3FFC];
	_ =	sdelay $0x3  }
0x95: {  	_ =	strace s4  }
0x96: {  	s4 =	sld [smem:$0x3FFD];
	_ =	sdelay $0x3  }
0x97: {  	_ =	strace s4  }
0x98: {  	_ =	strace $0x8FFFFFFF  }
0x99: {  	s19 =	sld [smem:$0x3FDB];
	_ =	sdelay $0x1  }
0x9a: {  	s5 =	simm.s32 $_scs_section_size  }
0x9b: {  	s6 =	simm.s32 $_size__tile_overlayer_lowered;
	s7 =	simm.s32 $_tile_overlayer_lowered  }
0x9c: {  	s22 =	simm.s32 $0x1BFF;
	s21 =	sshll.u32 s7, $0x1;
	s4 =	sadd.s32 s5, s19  }
0x9d: {  	s8 =	simm.s32 $0x0;
	s20 =	sshll.u32 s6, $0x1;
	s6 =	sadd.s32 s21, s4  }
0x9e: {  	[timem:s8], [sflag:s22] =	dma.local [hbm:s6], s20  }
0x9f: {  	_ =	swait.ge [sflag:s22], s20  }
0xa0: {  	s5 =	ssub.s32 $0x0, s20;
	[sflag:s22] =	ssyncset.done $0x0  }
0xa1: {  	[sflag:s22] =	ssyncadd.s32 s5;
	_ =	sdelay $0x1  }
0xa2: {  	s23 =	simm.s32 $0x1B8B  }
0xa3: {  	_ =	swait.ge [sflag:s23], $0x1  }
0xa4: {  	[sflag:s23] =	ssyncset.done $0x0  }
0xa5: {  	s25 =	simm.s32 $0x1B8E;
	s24 =	sld [smem:$0x3FFE];
	[sflag:s23] =	ssyncadd.s32 $0xFFFFFFFF  }
0xa6: {  	s26 =	simm.s32 $execute0_lowered;
	[smem:$0x3FD2] =	sst s25  }
0xa7: {  	s6 =	sshll.u32 s26, $0x1;
	_ =	strace $0x80000046;
	[dreg:$0x1] =	wrdreg $0xFFFFFFFF  }
0xa8: {  	s28 =	simm.s32 $_size_execute0_lowered;
	s4 =	sadd.s32 s4, s6;
	[dreg:$0x0] =	wrdreg $0x0  }
0xa9: {  	s6 =	sshll.u32 s28, $0x1;
	[dreg:$0x2] =	wrdreg s4  }
0xaa: {  	[dreg:$0x3] =	wrdreg s6  }
0xab: {  	[dreg:$0x4] =	wrdreg $0xC0  }
0xac: {  	_ =	task [dreg:s8], $0x5FFFF  }
0xad: {  	[dreg:$0x1] =	wrdreg $0xFFFFFFFF  }
0xae: {  	[dreg:$0x0] =	wrdreg $0x60  }
0xaf: {  	[dreg:$0x2] =	wrdreg s18  }
0xb0: {  	[dreg:$0x3] =	wrdreg s2  }
0xb1: {  	[dreg:$0x4] =	wrdreg s24  }
0xb2: {  	[dreg:$0x5] =	wrdreg $0x123800  }
0xb3: {  	[dreg:$0x6] =	wrdreg $0x9  }
0xb4: {  	_ =	task.clear_ibuf [dreg:s8], $0x7FFFF;
	_ =	strace $0x90000046  }
0xb5: {  	s29 =	simm.s32 $0x9;
	_ =	strace $0x80000048  }
0xb6: {  	_ =	swait.ge [sflag:s29], $0x1  }
0xb7: {  	[sflag:s29] =	ssyncadd.s32 $0xFFFFFFFF  }
0xb8: {  	_ =	strace $0x90000048  }
0xb9: {  	_ =	sfence  }
0xba: {  	s30 =	sld [smem:$0x0];
	_ =	sdelay $0x2  }
0xbb: {  	s31 =	sshll.u32 s1, $0xD;
	s1 =	sshrl.u32 s1, $0x2  }
0xbc: {  	s3 =	sand.u32 $0x4000, s31;
	s1 =	sadd.s32 s1, s30  }
0xbd: {  	s0 =	sor.u32 s3, s0;
	s1 =	sshll.u32 s1, $0x11  }
0xbe: {  	s0 =	sor.u32 s1, s0  }
0xbf: {  	s0 =	sadd.s32 $0x8F2B, s0  }
0xc0: {  	[sflag:s0] =	ssyncadd.remote.s32 $0x1  }
0xc1: {  	_ =	sfence.sel $0xFFFF  }
0xc2: {  	[dreg:$0x0] =	wrdreg $0xFFFFFFFF;
	(pc) =	sbr.abs _section_cstart, $3  }
0xc3: {  	[dreg:$0x1] =	wrdreg $0xFFFFFFFF  }
0xc4: {  	_ =	task.clear_ibuf [dreg:s8], $0x2FFFF;
	_ =	strace $0x9FFFFFFF  }
0xc5: {  	(tm) =	ssettm $0x7FFFFFFF  }
tec
execute0_lowered:
.L_overlay_start_1:
0x0: {  	(tag) =	ssettag $0x1  }
0x1: {  	s1 =	rddreg [dreg:$0x0]  }
0x2: {  	s2 =	rddreg [dreg:$0x1]  }
0x3: {  	s3 =	srdreg.scid;
	s7 =	rddreg [dreg:$0x2]  }
0x4: {  	s0 =	stileid.u32;
	s4 =	rddreg [dreg:$0x3];
	s5 =	simm.s32 $0x0  }
0x5: {  	s16 =	simm.s32 $0x12300;
	s17 =	simm.s32 $0xEE00;
	s19 =	simm.s32 $0x11C80  }
0x6: {  	s10 =	sand.u32 $0x1, s3;
	s26 =	sshll.u32 s0, $0x1;
	s3 =	rddreg [dreg:$0x4]  }
0x7: {  	[smem:$0x7FF] =	sst s5;
	s8 =	sshll.u32 s0, $0x5;
	s13 =	smul.u32 $0x3100, s0  }
0x8: {  	s18 =	sshll.u32 s0, $0x4;
	s15 =	smul.u32 $0xC40, s0;
	s6 =	sor.u32 s10, s26  }
0x9: {  	_ =	strace $0x80000047;
	s8 =	sand.u32 $0x100, s8;
	s14 =	smul.u32 $0x1880, s10  }
0xa: {  	v0 =	vlaneseq.u32;
	s9 =	sshll.u32 s10, $0x7;
	s29 =	sand.u32 $0x70, s18;
	s31 =	smul.u32 $0x620, s10  }
0xb: {  	s30 =	ssub.s32 $0x2, s10;
	v1 =	vor.u32 s18, v0;
	s18 =	simm.s32 $0x11600;
	s6 =	smul.u32 $0x620, s6  }
0xc: {  	s28 =	sor.u32 s9, s8;
	s12 =	sshrl.u32 s30, $0x1;
	s13 =	sadd.s32 s14, s13  }
0xd: {  	s8 =	sor.u32 s29, s28;
	s12 =	ssub.s32 s30, s12;
	s20 =	sshrl.u32 s13, $0x2  }
0xe: {  	s14 =	simm.s32 $0xC400;
	s6 =	sshrl.u32 s6, $0x3;
	s8 =	sshrl.u32 s8, $0x3;
	v3 =	vmov s20  }
0xf: {  	s13 =	simm.s32 $0x1;
	s11 =	sadd.s32 s6, s7;
	s8 =	sadd.s32 s8, s7  }
0x10: {  	s6 =	smul.u32 $0x280, s0;
	s20 =	simm.s32 $0x0;
	s8 =	sadd.s32 $0x4200, s8  }
0x11: {  	s9 =	sadd.s32 $0xE00, s11;
	s10 =	sadd.s32 $0x2800, s11;
	s11 =	smax.u32 s12, $0x1  }
0x12: {  	v2 =	vimm.s32 $0x0;
	s12 =	sadd.s32 s31, s15;
	s15 =	simm.s32 $0xEB80;
	s7 =	sadd.s32 s6, s4  }
.LBB2_1:
0x13: {  	[tilespmem:s5], [sflag:$0x1] =	stream.linear.gather [hbm4b:s1+s5], $0xC400, $0x38;
	[tilespmem:$0x12600] =	vst v63  }
0x14: {  	_ =	swait.ge [sflag:s13], $0xC400  }
0x15: {  	[sflag:s13] =	ssyncset.done $0x0  }
0x16: {  	[sflag:s13] =	ssyncadd.s32 $0xFFFF3C00  }
0x17: {  	[tilespmem:s14], [sflag:$0x1] =	stream.linear.gather [hbm4b:s2+s5], $0x2780, $0x38;
	[tilespmem:$0x12600] =	vst v63  }
0x18: {  	_ =	swait.ge [sflag:s13], $0x2780  }
0x19: {  	[sflag:s13] =	ssyncset.done $0x0  }
0x1a: {  	s21 =	simm.s32 $0x0;
	[sflag:s13] =	ssyncadd.s32 $0xFFFFD880  }
.LBB2_2:
0x1b: {  	s22 =	sshll.u32 s21, $0x4  }
0x1c: {  	s23 =	sadd.s32 s6, s22  }
0x1d: {  	v4 =	vor.u32 s23, v0  }
0x1e: {  	v6 =	vimm.s32 $0xC400;
	v5 =	vmin.u32 v4, $0x270F;
	v4 =	vimm.s32 $0x0  }
0x1f: {  	v7 =	vimm.s32 $0x0;
	v8 =	vimm.s32 $0xC400;
	s23 =	simm.s32 $0xF;
	v9 =	vadd.s32 v4, v6  }
.LBB2_3:
0x20: {  	p0 =	sne.s32 s23, $0x1;
	v10 =	vand.u32 $0x1, v9  }
0x21: {  	v11 =	vshrl.u32 v9, $0x1F;
	vm0 =	vlt.s32 v9, $0x1;
	vm1 =	veq.s32 v10, $0x1  }
0x22: {  	v9 =	vadd.s32 v11, v9;
	vm0 =	vmand vm0, vm1  }
0x23: {  	v9 =	vshra.s32 v9, $0x1;
	v10 =	vsel vm0, $0xFFFFFFFF, v2  }
0x24: {  	v9 =	vadd.s32 v10, v9  }
0x25: {  	vm0 =	vlt.s32 v9, $0xC3FF;
	v10 =	vadd.s32 $0x1, v9  }
0x26: {  	v11 =	vnsel vm0, $0xC3FF, v9;
	_ =	sdelay $0x4  }
0x27: {  	v11 =	vld.idx.msk [tilespmem:v11+s5+$0x0], $0xffff;
	_ =	sdelay $0x4  }
.Ltmp0:
0x28: {  	(pc) =	sbr.rel @p0 .LBB2_3-.Ltmp0, $4  }
0x29: {  	vm0 =	vlt.s32 v7, v8;
	vm1 =	vge.s32 v11, v5;
	vm2 =	vlt.s32 v11, v5  }
0x2a: {  	vm2 =	vmand vm0, vm2;
	vm0 =	vmand vm0, vm1  }
0x2b: {  	v7 =	vsel vm2, v10, v7;
	v8 =	vsel vm0, v9, v8  }
0x2c: {  	s23 =	sadd.s32 $0xFFFFFFFF, s23;
	v9 =	vadd.s32 v7, v8  }
0x2d: {  	v10 =	vand.u32 $0x1, v9  }
0x2e: {  	v11 =	vshrl.u32 v9, $0x1F;
	vm0 =	vlt.s32 v9, $0x1;
	vm1 =	veq.s32 v10, $0x1  }
0x2f: {  	v9 =	vadd.s32 v11, v9;
	vm0 =	vmand vm0, vm1  }
0x30: {  	v9 =	vshra.s32 v9, $0x1;
	v10 =	vsel vm0, $0xFFFFFFFF, v2  }
0x31: {  	v9 =	vadd.s32 v10, v9  }
0x32: {  	vm13 =	vlt.s32 v9, $0xC3FF  }
0x33: {  	v10 =	vnsel vm13, $0xC3FF, v9;
	_ =	sdelay $0x4  }
0x34: {  	v10 =	vld.idx.msk [tilespmem:v10+s5+$0x0], $0xffff;
	_ =	sdelay $0x4  }
0x35: {  	vm14 =	vlt.s32 v7, v8;
	vm15 =	vlt.s32 v10, v5  }
0x36: {  	v8 =	vadd.s32 $0x1, v9;
	vm0 =	vmand vm14, vm15  }
0x37: {  	s23 =	simm.s32 $0xF;
	v7 =	vsel vm0, v8, v7;
	v8 =	vadd.s32 v4, v6  }
.LBB2_5:
0x38: {  	p0 =	sne.s32 s23, $0x1;
	v9 =	vand.u32 $0x1, v8  }
0x39: {  	v10 =	vshrl.u32 v8, $0x1F;
	vm0 =	vlt.s32 v8, $0x1;
	vm1 =	veq.s32 v9, $0x1  }
0x3a: {  	v8 =	vadd.s32 v10, v8;
	vm0 =	vmand vm0, vm1  }
0x3b: {  	v8 =	vshra.s32 v8, $0x1;
	v9 =	vsel vm0, $0xFFFFFFFF, v2  }
0x3c: {  	v8 =	vadd.s32 v9, v8  }
0x3d: {  	vm0 =	vlt.s32 v8, $0xC3FF;
	v9 =	vadd.s32 $0x1, v8  }
0x3e: {  	v10 =	vnsel vm0, $0xC3FF, v8;
	_ =	sdelay $0x4  }
0x3f: {  	v10 =	vld.idx.msk [tilespmem:v10+s5+$0x0], $0xffff;
	_ =	sdelay $0x4  }
.Ltmp1:
0x40: {  	(pc) =	sbr.rel @p0 .LBB2_5-.Ltmp1, $4  }
0x41: {  	vm0 =	vlt.s32 v4, v6;
	vm1 =	vgt.s32 v10, v5;
	vm2 =	vle.s32 v10, v5  }
0x42: {  	vm2 =	vmand vm0, vm2;
	vm0 =	vmand vm0, vm1  }
0x43: {  	v4 =	vsel vm2, v9, v4;
	v6 =	vsel vm0, v8, v6  }
0x44: {  	s23 =	sadd.s32 $0xFFFFFFFF, s23;
	v8 =	vadd.s32 v4, v6  }
0x45: {  	v9 =	vand.u32 $0x1, v8  }
0x46: {  	v10 =	vshrl.u32 v8, $0x1F;
	vm0 =	vlt.s32 v8, $0x1;
	vm1 =	veq.s32 v9, $0x1  }
0x47: {  	v62 =	vadd.s32 v10, v8;
	vm0 =	vmand vm0, vm1  }
0x48: {  	v8 =	vshra.s32 v62, $0x1;
	v63 =	vsel vm0, $0xFFFFFFFF, v2  }
0x49: {  	v8 =	vadd.s32 v63, v8  }
0x4a: {  	vm13 =	vlt.s32 v8, $0xC3FF  }
0x4b: {  	v9 =	vnsel vm13, $0xC3FF, v8;
	_ =	sdelay $0x4  }
0x4c: {  	v9 =	vld.idx.msk [tilespmem:v9+s5+$0x0], $0xffff;
	_ =	sdelay $0x4  }
0x4d: {  	vm14 =	vlt.s32 v4, v6;
	s21 =	sadd.s32 $0x1, s21;
	vm15 =	vle.s32 v9, v5  }
0x4e: {  	p0 =	sne.s32 s21, $0x28;
	v5 =	vadd.s32 $0x1, v8;
	vm0 =	vmand vm14, vm15  }
.Ltmp2:
0x4f: {  	v4 =	vsel vm0, v5, v4;
	(pc) =	sbr.rel @p0 .LBB2_2-.Ltmp2, $3  }
0x50: {  	v4 =	vsub.s32 v4, v7  }
0x51: {  	v4 =	vcvt.s32.f32 v4;
	_ =	sdelay $0x1  }
0x52: {  	[tilespmem:s22+$0xEB80] =	vst v4  }
0x53: {  	[spmem:s7] =	stream.linear.scatter [tilespmem:s15], [sflag:$0x1], $0x280, $0x38;
	[tilespmem:$0x12600] =	vst v63  }
0x54: {  	_ =	swait.ge [sflag:s13], $0x280  }
0x55: {  	v4 =	vimm.s32 $0x0;
	v5 =	vimm.s32 $0x2710;
	[sflag:s13] =	ssyncset.done $0x0  }
0x56: {  	s21 =	simm.s32 $0xD;
	v6 =	vimm.s32 $0x0;
	v7 =	vimm.s32 $0x2710;
	v8 =	vadd.s32 v4, v5;
	[sflag:s13] =	ssyncadd.s32 $0xFFFFFD80  }
.LBB2_8:
0x57: {  	p0 =	sne.s32 s21, $0x1;
	v9 =	vand.u32 $0x1, v8  }
0x58: {  	v10 =	vshrl.u32 v8, $0x1F;
	vm0 =	vlt.s32 v8, $0x1;
	vm1 =	veq.s32 v9, $0x1  }
0x59: {  	v8 =	vadd.s32 v10, v8;
	vm0 =	vmand vm0, vm1  }
0x5a: {  	v8 =	vshra.s32 v8, $0x1;
	v9 =	vsel vm0, $0xFFFFFFFF, v2  }
0x5b: {  	v8 =	vadd.s32 v9, v8  }
0x5c: {  	vm0 =	vlt.s32 v8, $0x270F;
	v9 =	vadd.s32 $0x1, v8  }
0x5d: {  	v10 =	vnsel vm0, $0x270F, v8;
	_ =	sdelay $0x4  }
0x5e: {  	v10 =	vld.idx.msk [tilespmem:v10+s14+$0x0], $0xffff;
	_ =	sdelay $0x4  }
.Ltmp3:
0x5f: {  	(pc) =	sbr.rel @p0 .LBB2_8-.Ltmp3, $4  }
0x60: {  	vm0 =	vlt.s32 v6, v7;
	vm1 =	vge.s32 v10, v1;
	vm2 =	vlt.s32 v10, v1  }
0x61: {  	vm2 =	vmand vm0, vm2;
	vm0 =	vmand vm0, vm1  }
0x62: {  	v6 =	vsel vm2, v9, v6;
	v7 =	vsel vm0, v8, v7  }
0x63: {  	s21 =	sadd.s32 $0xFFFFFFFF, s21;
	v8 =	vadd.s32 v6, v7  }
0x64: {  	v9 =	vand.u32 $0x1, v8  }
0x65: {  	v10 =	vshrl.u32 v8, $0x1F;
	vm0 =	vlt.s32 v8, $0x1;
	vm1 =	veq.s32 v9, $0x1  }
0x66: {  	v8 =	vadd.s32 v10, v8;
	vm0 =	vmand vm0, vm1  }
0x67: {  	v8 =	vshra.s32 v8, $0x1;
	v63 =	vsel vm0, $0xFFFFFFFF, v2  }
0x68: {  	v8 =	vadd.s32 v63, v8  }
0x69: {  	vm13 =	vlt.s32 v8, $0x270F  }
0x6a: {  	v9 =	vnsel vm13, $0x270F, v8;
	_ =	sdelay $0x4  }
0x6b: {  	v9 =	vld.idx.msk [tilespmem:v9+s14+$0x0], $0xffff;
	_ =	sdelay $0x4  }
0x6c: {  	vm14 =	vlt.s32 v6, v7;
	vm15 =	vlt.s32 v9, v1  }
0x6d: {  	v7 =	vadd.s32 $0x1, v8;
	vm0 =	vmand vm14, vm15  }
0x6e: {  	s21 =	simm.s32 $0xD;
	v6 =	vsel vm0, v7, v6;
	v7 =	vadd.s32 v4, v5  }
.LBB2_10:
0x6f: {  	p0 =	sne.s32 s21, $0x1;
	v8 =	vand.u32 $0x1, v7  }
0x70: {  	v9 =	vshrl.u32 v7, $0x1F;
	vm0 =	vlt.s32 v7, $0x1;
	vm1 =	veq.s32 v8, $0x1  }
0x71: {  	v7 =	vadd.s32 v9, v7;
	vm0 =	vmand vm0, vm1  }
0x72: {  	v7 =	vshra.s32 v7, $0x1;
	v8 =	vsel vm0, $0xFFFFFFFF, v2  }
0x73: {  	v7 =	vadd.s32 v8, v7  }
0x74: {  	vm0 =	vlt.s32 v7, $0x270F;
	v8 =	vadd.s32 $0x1, v7  }
0x75: {  	v9 =	vnsel vm0, $0x270F, v7;
	_ =	sdelay $0x4  }
0x76: {  	v9 =	vld.idx.msk [tilespmem:v9+s14+$0x0], $0xffff;
	_ =	sdelay $0x4  }
.Ltmp4:
0x77: {  	(pc) =	sbr.rel @p0 .LBB2_10-.Ltmp4, $4  }
0x78: {  	vm0 =	vlt.s32 v4, v5;
	vm1 =	vgt.s32 v9, v1;
	vm2 =	vle.s32 v9, v1  }
0x79: {  	vm2 =	vmand vm0, vm2;
	vm0 =	vmand vm0, vm1  }
0x7a: {  	v4 =	vsel vm2, v8, v4;
	v5 =	vsel vm0, v7, v5  }
0x7b: {  	s21 =	sadd.s32 $0xFFFFFFFF, s21;
	v7 =	vadd.s32 v4, v5  }
0x7c: {  	v8 =	vand.u32 $0x1, v7  }
0x7d: {  	v9 =	vshrl.u32 v7, $0x1F;
	vm0 =	vlt.s32 v7, $0x1;
	vm1 =	veq.s32 v8, $0x1  }
0x7e: {  	v62 =	vadd.s32 v9, v7;
	vm0 =	vmand vm0, vm1  }
0x7f: {  	v7 =	vshra.s32 v62, $0x1;
	v63 =	vsel vm0, $0xFFFFFFFF, v2  }
0x80: {  	v7 =	vadd.s32 v63, v7  }
0x81: {  	vm12 =	vlt.s32 v7, $0x270F  }
0x82: {  	v8 =	vnsel vm12, $0x270F, v7;
	_ =	sdelay $0x4  }
0x83: {  	v8 =	vld.idx.msk [tilespmem:v8+s14+$0x0], $0xffff;
	_ =	sdelay $0x4  }
0x84: {  	vm13 =	vlt.s32 v4, v5;
	vm14 =	vle.s32 v8, v1  }
0x85: {  	v5 =	vadd.s32 $0x1, v7;
	vm0 =	vmand vm13, vm14  }
0x86: {  	v4 =	vsel vm0, v5, v4  }
0x87: {  	v4 =	vsub.s32 v4, v6  }
0x88: {  	v4 =	vcvt.s32.f32 v4;
	_ =	sdelay $0x1  }
0x89: {  	s21 =	simm.s32 $0x0;
	[tilespmem:$0x12300] =	vst v4  }
0x8a: {  	[hbm4b:s8+s21] =	stream.linear.scatter [tilespmem:s16], [sflag:$0x1], $0x10, $0x38;
	[tilespmem:$0x12600] =	vst v63  }
0x8b: {  	_ =	swait.ge [sflag:s13], $0x10  }
0x8c: {  	[sflag:s13] =	ssyncset.done $0x0  }
0x8d: {  	[sflag:s13] =	ssyncadd.s32 $0xFFFFFFF0  }
0x8e: {  	[bflag:$0x0] =	sbarrier.arrive $0xFFFF  }
0x8f: {  	[tilespmem:s17], [sflag:$0x1] =	stream.linear.gather [spmem:s4], $0x2800, $0x38;
	[tilespmem:$0x12600] =	vst v63  }
0x90: {  	_ =	swait.ge [sflag:s13], $0x2800  }
0x91: {  	[sflag:s13] =	ssyncset.done $0x0  }
0x92: {  	s22 =	simm.s32 $0x0;
	[sflag:s13] =	ssyncadd.s32 $0xFFFFD800  }
0x93: {  	v4 =	vld.idx.msk [tilespmem:v3+s22+$0x0 ss:$0x1], $0xffff;
	_ =	sdelay $0x4  }
0x94: {  	vm15 =	vlt.s32 v4, $0x270F  }
0x95: {  	v4 =	vnsel vm15, $0x270F, v4;
	_ =	sdelay $0x4  }
0x96: {  	v5 =	vld.idx.msk [tilespmem:v4+s17+$0x0], $0xffff;
	_ =	sdelay $0x4  }
0x97: {  	(erf) = vrcp.f32 v5;
	_ =	sdelay $0x8  }
0x98: {  	p0 =	slt.u32 s12, $0xC350;
	v5 =	vpop (erf)  }
0x99: {  	v5 =	vpsel !p0, $0x0, v5  }
0x9a: {  	[tilespmem:s22+$0x11600] =	vst v5  }
0x9b: {  	v4 =	vld.idx.msk [tilespmem:v4+s14+$0x0], $0xffff;
	_ =	sdelay $0x4  }
0x9c: {  	v4 =	vshll.u32 v4, $0x8  }
0x9d: {  	s23 =	simm.s32 $0x80;
	s21 =	simm.s32 $0x10;
	[tilespmem:s22+$0x11C80] =	vst v4;
	s22 =	smov.u32 s12  }
.LBB2_12:
0x9e: {  	p0 =	sne.s32 s23, $0x1840;
	v4 =	vld.idx.msk [tilespmem:v3+s21+$0x0 ss:$0x1], $0xffff;
	_ =	sdelay $0x5  }
0x9f: {  	vm0 =	vlt.s32 v4, $0x270F  }
0xa0: {  	v4 =	vnsel vm0, $0x270F, v4;
	_ =	sdelay $0x4  }
0xa1: {  	v5 =	vld.idx.msk [tilespmem:v4+s17+$0x0], $0xffff;
	_ =	sdelay $0x5  }
0xa2: {  	(erf) = vrcp.f32 v5;
	_ =	sdelay $0x7  }
0xa3: {  	s22 =	sadd.s32 $0x10, s22  }
0xa4: {  	p1 =	slt.u32 s22, $0xC350;
	v5 =	vpop (erf)  }
0xa5: {  	v5 =	vpsel !p1, $0x0, v5  }
0xa6: {  	[tilespmem:s21+$0x11600] =	vst v5  }
0xa7: {  	v4 =	vld.idx.msk [tilespmem:v4+s14+$0x0], $0xffff;
	_ =	sdelay $0x2  }
.Ltmp5:
0xa8: {  	(pc) =	sbr.rel @p0 .LBB2_12-.Ltmp5, $3  }
0xa9: {  	_ =	sdelay $0x1  }
0xaa: {  	v4 =	vshll.u32 v4, $0x8  }
0xab: {  	[tilespmem:s21+$0x11C80] =	vst v4;
	s21 =	sshra.s32 s23, $0x2;
	s23 =	sadd.s32 $0x40, s23  }
0xac: {  	_ =	sdelay $0x3  }
0xad: {  	v4 =	vld.idx.msk [tilespmem:v3+s21+$0x0 ss:$0x1], $0xffff;
	_ =	sdelay $0x4  }
0xae: {  	vm0 =	vlt.s32 v4, $0x270F  }
0xaf: {  	v4 =	vnsel vm0, $0x270F, v4;
	_ =	sdelay $0x4  }
0xb0: {  	v5 =	vld.idx.msk [tilespmem:v4+s17+$0x0], $0xffff;
	_ =	sdelay $0x4  }
0xb1: {  	(erf) = vrcp.f32 v5;
	_ =	sdelay $0x7  }
0xb2: {  	s22 =	sadd.s32 $0x10, s22  }
0xb3: {  	p0 =	slt.u32 s22, $0xC350;
	v5 =	vpop (erf)  }
0xb4: {  	v5 =	vpsel !p0, $0x0, v5  }
0xb5: {  	[tilespmem:s21+$0x11600] =	vst v5  }
0xb6: {  	v4 =	vld.idx.msk [tilespmem:v4+s14+$0x0], $0xffff;
	_ =	sdelay $0x4  }
0xb7: {  	v4 =	vshll.u32 v4, $0x8  }
0xb8: {  	[tilespmem:s21+$0x11C80] =	vst v4  }
0xb9: {  	[hbm4b:s9+s5] =	stream.linear.scatter [tilespmem:s18], [sflag:$0x1], $0x620, $0x38;
	[tilespmem:$0x12600] =	vst v63  }
0xba: {  	s20 =	sadd.s32 $0x1, s20;
	_ =	swait.ge [sflag:s13], $0x620  }
0xbb: {  	p0 =	sne.s32 s20, s11;
	[sflag:s13] =	ssyncset.done $0x0  }
.Ltmp6:
0xbc: {  	[sflag:s13] =	ssyncadd.s32 $0xFFFFF9E0;
	(pc) =	sbr.rel @p0 .LBB2_1-.Ltmp6, $4  }
0xbd: {  	[hbm4b:s10+s5] =	stream.linear.scatter [tilespmem:s19], [sflag:$0x1], $0x620, $0x38;
	[tilespmem:$0x12600] =	vst v63  }
0xbe: {  	_ =	swait.ge [sflag:s13], $0x620  }
0xbf: {  	[sflag:s13] =	ssyncset.done $0x0  }
0xc0: {  	[sflag:s13] =	ssyncadd.s32 $0xFFFFF9E0  }
0xc1: {  	_ =	sfence.sel $0x180000  }
0xc2: {  	[bflag:$0x0] =	sbarrier.arrive $0xFFFF  }
0xc3: {  	p0 =	sne.s32 s0, $0x0;
	_ =	strace $0x90000047  }
0xc4: {  	s0 =	sadd.s32 @!p0 $0x100000, s3;
	[bflag:$0x2] =	sbarrier.arrive $0xFFFF  }
0xc5: {  	[sflag:s0] =	ssyncadd.tile.s32 @!p0 $0x1;
	_ =	shalt  }
.Lfunc_end2:
_tile_overlayer_lowered:
.L_overlay_start_2:
0xc6: {  	(tag) =	ssettag $0x2  }
0xc7: {  	s0 =	rddreg [dreg:$0x0];
	s2 =	stileid.u32  }
0xc8: {  	s1 =	rddreg [dreg:$0x1];
	p0 =	sne.s32 s2, $0x0  }
0xc9: {  	s3 =	rddreg [dreg:$0x2];
	[bflag:$0x3] =	sbarrier.arrive $0xFFFF;
	s2 =	simm.s32 @!p0 $0x1C01  }
0xca: {  	[timem:s3], [sflag:s2] =	dma.local @!p0 [hbm:s0], s1  }
0xcb: {  	s0 =	simm.s32 @!p0 $0x1  }
0xcc: {  	_ =	swait.ge @!p0 [sflag:s0], s1  }
0xcd: {  	s1 =	ssub.s32 @!p0 $0x0, s1;
	[sflag:s0] =	ssyncset.done @!p0 $0x0  }
0xce: {  	[sflag:s0] =	ssyncadd.s32 @!p0 s1  }
0xcf: {  	[bflag:$0x3] =	sbarrier.arrive $0xFFFF  }
0xd0: {  	_ =	shalt  }

// kernel: kernel.9.cloned.1.call-start
scs
__scs_entry_jumppad:
0x0: {  	(pc) =	sbr.rel $0x88, $3  }
0x1: {  	(tag) =	ssettag $0x0;
	lr =	simm.s32 $0x1  }
0x2: {  	[smem:$0x3F9D] =	sst lr;
	_ =	strace $0xD0000000  }
0x3: {  	_ = 	snop  }
0x4: {  	_ = 	snop  }
0x5: {  	_ = 	snop  }
0x6: {  	_ = 	snop  }
0x7: {  	_ = 	snop  }
__scs_overlays_trampoline_lowered:
0x8: {  	[smem:$0x3FAC] =	sst s0  }
0x9: {  	[smem:$0x3FAD] =	sst s1  }
0xa: {  	[smem:$0x3FAE] =	sst s2  }
0xb: {  	[smem:$0x3FAF] =	sst s3  }
0xc: {  	[smem:$0x3FB0] =	sst s4  }
0xd: {  	[smem:$0x3FB1] =	sst s5  }
0xe: {  	[smem:$0x3FB2] =	sst s6  }
0xf: {  	[smem:$0x3FB3] =	sst s7  }
0x10: {  	[smem:$0x3FB4] =	sst s8  }
0x11: {  	[smem:$0x3FB5] =	sst s9;
	s0 =	simm.s32 @!p0 $0x0  }
0x12: {  	s1 =	sld [smem:$0x3F9B];
	s0 =	simm.s32 @p0 $0x1  }
0x13: {  	[smem:$0x3FB6] =	sst s0;
	s0 =	simm.s32 @!p1 $0x0  }
0x14: {  	s2 =	sld [smem:$0x3F9A];
	s0 =	simm.s32 @p1 $0x1  }
0x15: {  	[smem:$0x3FB7] =	sst s0;
	s0 =	simm.s32 @!p2 $0x0  }
0x16: {  	s3 =	sld [smem:$0x3FDB];
	s0 =	simm.s32 @p2 $0x1  }
0x17: {  	s4 =	simm.s32 $0x1BF5;
	[smem:$0x3FB9] =	sst s0  }
0x18: {  	s0 =	sld [smem:$0x3F9C];
	_ =	swait.ge [sflag:s4], $0x0  }
0x19: {  	s7 =	sld [smem:$0x3F9D]  }
0x1a: {  	s8 =	sadd.s32 $0xFFFFE003, lr  }
0x1b: {  	s9 =	sadd.s32 $0xFFFFFEF7, lr;
	s5 =	simm.s32 $0xFFFFFFFF;
	p2 =	slt.u32 s8, $0xFFFFF086  }
0x1c: {  	p1 =	slt.u32 s9, $0xF7A;
	s5 =	simm.s32 @!p2 $0x0  }
0x1d: {  	s5 =	simm.s32 @p1 $0x1;
	p0 =	seq.s32 s7, s2  }
0x1e: {  	s7 =	smul.u32 @!p0 $0xF7A, s2;
	p2 =	seq.s32 @!p0 s5, $0x0  }
0x1f: {  	s9 =	smul.u32 $0xF7A, s1;
	s8 =	simm.s32 @!p0 $0x1BF5;
	p2 =	por !p2, p0  }
0x20: {  	[sflag:s8] =	ssyncset.s32 @!p0 $0xFFFFF086;
	s6 =	sadd.s32 @!p0 s3, s7;
	s7 =	simm.s32 @!p0 $0x108  }
0x21: {  	s3 =	sadd.s32 s3, s9;
	s6 =	sadd.s32 @!p0 $0x88, s6;
	s7 =	simm.s32 @p2 $0x1082  }
0x22: {  	[simem:s7], [sflag:s8] =	dma.local @!p0 [hbm:s6], $0xF7A  }
0x23: {  	s9 =	sor.u32 $0xD0000000, s2;
	s6 =	simm.s32 $0x108;
	_ =	swait.ge @!p0 [sflag:s8], $0x0  }
0x24: {  	s3 =	sadd.s32 $0x88, s3;
	s6 =	simm.s32 @!p1 $0x1082;
	[sflag:s4] =	ssyncset.s32 $0xFFFFF086  }
0x25: {  	[simem:s6], [sflag:s4] =	dma.local [hbm:s3], $0xF7A  }
0x26: {  	[smem:$0x3F9D] =	sst s1;
	(tag) =	ssettag s2;
	_ =	strace s9  }
0x27: {  	s1 =	sld [smem:$0x3FAD]  }
0x28: {  	s2 =	sld [smem:$0x3FAE]  }
0x29: {  	s4 =	sld [smem:$0x3FB0]  }
0x2a: {  	p0 =	seq.s32 s5, $0x0;
	s5 =	sld [smem:$0x3FB1]  }
0x2b: {  	s6 =	sld [smem:$0x3FB2]  }
0x2c: {  	s7 =	sld [smem:$0x3FB3]  }
0x2d: {  	s3 =	simm.s32 $0x108;
	s8 =	sld [smem:$0x3FB4]  }
0x2e: {  	s3 =	simm.s32 @!p0 $0x1082;
	s9 =	sld [smem:$0x3FB5]  }
0x2f: {  	lr =	sadd.s32 s0, s3;
	s0 =	sld [smem:$0x3FAC]  }
0x30: {  	s3 =	sld [smem:$0x3FAF]  }
0x31: {  	[smem:$0x3FB8] =	sst s10  }
0x32: {  	s10 =	sld [smem:$0x3FB6];
	_ =	sdelay $0x3  }
0x33: {  	p0 =	seq.s32 s10, $0x1;
	s10 =	sld [smem:$0x3FB8];
	_ =	sdelay $0x3  }
0x34: {  	[smem:$0x3FB8] =	sst s10  }
0x35: {  	s10 =	sld [smem:$0x3FB7];
	_ =	sdelay $0x3  }
0x36: {  	p1 =	seq.s32 s10, $0x1;
	s10 =	sld [smem:$0x3FB8];
	_ =	sdelay $0x3  }
0x37: {  	[smem:$0x3FB8] =	sst s10  }
0x38: {  	s10 =	sld [smem:$0x3FB9]  }
0x39: {  	_ = 	snop;
	(pc) =	sbr.ind lr, $3  }
0x3a: {  	_ = 	snop  }
0x3b: {  	_ = 	snop  }
0x3c: {  	p2 =	seq.s32 s10, $0x1;
	s10 =	sld [smem:$0x3FB8]  }
0x3d: {  	_ =	shalt  }
0x3e: {  	_ =	shalt  }
0x3f: {  	_ =	shalt  }
0x40: {  	_ =	shalt  }
0x41: {  	_ =	shalt  }
0x42: {  	_ =	shalt  }
0x43: {  	_ =	shalt  }
0x44: {  	_ =	shalt  }
0x45: {  	_ =	shalt  }
0x46: {  	_ =	shalt  }
0x47: {  	_ =	shalt  }
0x48: {  	_ =	shalt  }
0x49: {  	_ =	shalt  }
0x4a: {  	_ =	shalt  }
0x4b: {  	_ =	shalt  }
0x4c: {  	_ =	shalt  }
0x4d: {  	_ =	shalt  }
0x4e: {  	_ =	shalt  }
0x4f: {  	_ =	shalt  }
0x50: {  	_ =	shalt  }
0x51: {  	_ =	shalt  }
0x52: {  	_ =	shalt  }
0x53: {  	_ =	shalt  }
0x54: {  	_ =	shalt  }
0x55: {  	_ =	shalt  }
0x56: {  	_ =	shalt  }
0x57: {  	_ =	shalt  }
0x58: {  	_ =	shalt  }
0x59: {  	_ =	shalt  }
0x5a: {  	_ =	shalt  }
0x5b: {  	_ =	shalt  }
0x5c: {  	_ =	shalt  }
0x5d: {  	_ =	shalt  }
0x5e: {  	_ =	shalt  }
0x5f: {  	_ =	shalt  }
0x60: {  	_ =	shalt  }
0x61: {  	_ =	shalt  }
0x62: {  	_ =	shalt  }
0x63: {  	_ =	shalt  }
0x64: {  	_ =	shalt  }
0x65: {  	_ =	shalt  }
0x66: {  	_ =	shalt  }
0x67: {  	_ =	shalt  }
0x68: {  	_ =	shalt  }
0x69: {  	_ =	shalt  }
0x6a: {  	_ =	shalt  }
0x6b: {  	_ =	shalt  }
0x6c: {  	_ =	shalt  }
0x6d: {  	_ =	shalt  }
0x6e: {  	_ =	shalt  }
0x6f: {  	_ =	shalt  }
0x70: {  	_ =	shalt  }
0x71: {  	_ =	shalt  }
0x72: {  	_ =	shalt  }
0x73: {  	_ =	shalt  }
0x74: {  	_ =	shalt  }
0x75: {  	_ =	shalt  }
0x76: {  	_ =	shalt  }
0x77: {  	_ =	shalt  }
0x78: {  	_ =	shalt  }
0x79: {  	_ =	shalt  }
0x7a: {  	_ =	shalt  }
0x7b: {  	_ =	shalt  }
0x7c: {  	_ =	shalt  }
0x7d: {  	_ =	shalt  }
0x7e: {  	_ =	shalt  }
0x7f: {  	_ =	shalt  }
0x80: {  	_ =	shalt  }
0x81: {  	_ =	shalt  }
0x82: {  	_ =	shalt  }
0x83: {  	_ =	shalt  }
0x84: {  	_ =	shalt  }
0x85: {  	_ =	shalt  }
0x86: {  	_ =	shalt  }
0x87: {  	_ =	shalt  }
.Lfunc_end0:
.L_simem_size_0:
called_computation.1_lowered:
.L_overlay_start_0:
0x88: {  	s2 =	sld [smem:$0x3FD9]  }
0x89: {  	s3 =	sld [smem:$0x3FFE];
	_ =	sdelay $0x1  }
0x8a: {  	s1 =	srdreg.scid  }
0x8b: {  	s0 =	sand.u32 $0x1, s1  }
0x8c: {  	s16 =	sshll.u32 s0, $0xA;
	s2 =	sadd.s32 s3, s2  }
0x8d: {  	s2 =	sadd.s32 s2, s16  }
0x8e: {  	[smem:$0x3FC4] =	sst s2  }
0x8f: {  	_ = 	snop  }
0x90: {  	(tm) =	ssettm $0x1  }
0x91: {  	s17 =	sld [smem:$0x3FFB];
	_ =	sdelay $0x3  }
0x92: {  	_ =	strace s17  }
0x93: {  	s2 =	sld [smem:$0x3FFC];
	_ =	sdelay $0x3  }
0x94: {  	_ =	strace s2  }
0x95: {  	s2 =	sld [smem:$0x3FFD];
	_ =	sdelay $0x3  }
0x96: {  	_ =	strace s2  }
0x97: {  	_ =	strace $0x8FFFFFFF  }
0x98: {  	s18 =	sld [smem:$0x3FDB];
	_ =	sdelay $0x1  }
0x99: {  	s19 =	simm.s32 $_scs_section_size  }
0x9a: {  	s4 =	simm.s32 $_size__tile_overlayer_lowered;
	s5 =	simm.s32 $_tile_overlayer_lowered  }
0x9b: {  	s22 =	simm.s32 $0x1BFF;
	s21 =	sshll.u32 s5, $0x1;
	s2 =	sadd.s32 s19, s18  }
0x9c: {  	s6 =	simm.s32 $0x0;
	s20 =	sshll.u32 s4, $0x1;
	s4 =	sadd.s32 s21, s2  }
0x9d: {  	[timem:s6], [sflag:s22] =	dma.local [hbm:s4], s20  }
0x9e: {  	_ =	swait.ge [sflag:s22], s20  }
0x9f: {  	s3 =	ssub.s32 $0x0, s20;
	[sflag:s22] =	ssyncset.done $0x0  }
0xa0: {  	[sflag:s22] =	ssyncadd.s32 s3;
	_ =	sdelay $0x1  }
0xa1: {  	s23 =	simm.s32 $0x1B8B  }
0xa2: {  	_ =	swait.ge [sflag:s23], $0x1  }
0xa3: {  	[sflag:s23] =	ssyncset.done $0x0  }
0xa4: {  	s25 =	simm.s32 $0x1B8E;
	s24 =	sld [smem:$0x3FFE];
	[sflag:s23] =	ssyncadd.s32 $0xFFFFFFFF  }
0xa5: {  	s26 =	simm.s32 $execute0_lowered;
	[smem:$0x3FD2] =	sst s25  }
0xa6: {  	s4 =	sshll.u32 s26, $0x1;
	_ =	strace $0x80000049;
	[dreg:$0x1] =	wrdreg $0xFFFFFFFF  }
0xa7: {  	s28 =	simm.s32 $_size_execute0_lowered;
	s2 =	sadd.s32 s2, s4;
	[dreg:$0x0] =	wrdreg $0x0  }
0xa8: {  	s4 =	sshll.u32 s28, $0x1;
	[dreg:$0x2] =	wrdreg s2  }
0xa9: {  	[dreg:$0x3] =	wrdreg s4  }
0xaa: {  	[dreg:$0x4] =	wrdreg $0xC0  }
0xab: {  	_ =	task [dreg:s6], $0x5FFFF  }
0xac: {  	[dreg:$0x1] =	wrdreg $0xFFFFFFFF  }
0xad: {  	[dreg:$0x0] =	wrdreg $0x60  }
0xae: {  	[dreg:$0x2] =	wrdreg s24  }
0xaf: {  	[dreg:$0x3] =	wrdreg $0x9  }
0xb0: {  	_ =	task.clear_ibuf [dreg:s6], $0x4FFFF;
	_ =	strace $0x90000049  }
0xb1: {  	s29 =	simm.s32 $0x9;
	_ =	strace $0x8000004B  }
0xb2: {  	_ =	swait.ge [sflag:s29], $0x1  }
0xb3: {  	[sflag:s29] =	ssyncadd.s32 $0xFFFFFFFF  }
0xb4: {  	_ =	strace $0x9000004B  }
0xb5: {  	_ =	sfence  }
0xb6: {  	s30 =	sld [smem:$0x0];
	_ =	sdelay $0x2  }
0xb7: {  	s31 =	sshll.u32 s1, $0xD;
	s1 =	sshrl.u32 s1, $0x2  }
0xb8: {  	s3 =	sand.u32 $0x4000, s31;
	s1 =	sadd.s32 s1, s30  }
0xb9: {  	s0 =	sor.u32 s3, s0;
	s1 =	sshll.u32 s1, $0x11  }
0xba: {  	s0 =	sor.u32 s1, s0  }
0xbb: {  	s0 =	sadd.s32 $0x8F2B, s0  }
0xbc: {  	[sflag:s0] =	ssyncadd.remote.s32 $0x1  }
0xbd: {  	_ =	sfence.sel $0xFFFF  }
0xbe: {  	[dreg:$0x0] =	wrdreg $0xFFFFFFFF;
	(pc) =	sbr.abs _section_cstart, $3  }
0xbf: {  	[dreg:$0x1] =	wrdreg $0xFFFFFFFF  }
0xc0: {  	_ =	task.clear_ibuf [dreg:s6], $0x2FFFF;
	_ =	strace $0x9FFFFFFF  }
0xc1: {  	(tm) =	ssettm $0x7FFFFFFF  }
tec
execute0_lowered:
.L_overlay_start_1:
0x0: {  	(tag) =	ssettag $0x1  }
0x1: {  	s0 =	srdreg.scid  }
0x2: {  	s7 =	stileid.u32;
	s4 =	rddreg [dreg:$0x0]  }
0x3: {  	s2 =	simm.s32 $0x0;
	s10 =	simm.s32 $0x8;
	s11 =	simm.s32 $0x10000  }
0x4: {  	s12 =	simm.s32 $0x10680;
	s13 =	simm.s32 $0x17500;
	s15 =	simm.s32 $0x17900  }
0x5: {  	s17 =	simm.s32 $0x17D00;
	s19 =	simm.s32 $0x18100;
	s21 =	simm.s32 $0x18500  }
0x6: {  	s23 =	simm.s32 $0x18900;
	s28 =	simm.s32 $0x2;
	s29 =	simm.s32 $0x3  }
0x7: {  	s30 =	simm.s32 $0x4;
	s31 =	simm.s32 $0x5;
	s0 =	sand.u32 $0x1, s0  }
0x8: {  	s1 =	sshll.u32 s7, $0x1;
	[smem:$0x7FF] =	sst s2;
	s3 =	sadd.s32 $0x1E400, s4  }
0x9: {  	s7 =	sshll.u32 s7, $0xE;
	s1 =	sor.u32 s0, s1;
	s0 =	ssub.s32 $0x2, s0  }
0xa: {  	_ =	strace $0x8000004A;
	s5 =	smul.u32 $0xD00, s1;
	s8 =	sshrl.u32 s0, $0x1  }
0xb: {  	s7 =	sand.u32 $0x30000, s7;
	s6 =	smul.u32 $0xC4, s1;
	s0 =	ssub.s32 s0, s8  }
0xc: {  	s1 =	sshll.u32 s1, $0x4;
	s5 =	sadd.s32 s5, s4;
	s0 =	smax.u32 s0, $0x1  }
0xd: {  	v0 =	vimm.f32 $0.0e+00;
	v1 =	vlaneseq.u32;
	s6 =	sadd.s32 s6, s4;
	s5 =	sadd.s32 $0x4400, s5;
	[dreg:$0x6] =	wrdreg s0  }
0xe: {  	v2 =	vor.u32 $0x80, v1;
	v3 =	vor.u32 $0x10, v1;
	v4 =	vor.u32 $0x90, v1;
	s1 =	sand.u32 $0x70, s1;
	s25 =	sadd.s32 $0xE00, s6;
	[dreg:$0x2] =	wrdreg s5  }
0xf: {  	v5 =	vor.u32 $0x20, v1;
	v6 =	vor.u32 $0xA0, v1;
	v7 =	vor.u32 $0x30, v1;
	s4 =	sadd.s32 s7, s4;
	s26 =	sadd.s32 $0x2800, s6;
	[dreg:$0x3] =	wrdreg s25  }
0x10: {  	v8 =	vor.u32 $0xB0, v1;
	v9 =	vor.u32 $0x40, v1;
	v10 =	vor.u32 $0xC0, v1;
	s1 =	sadd.s32 s1, s4;
	s0 =	simm.s32 $0x7;
	[dreg:$0x4] =	wrdreg s26  }
0x11: {  	v11 =	vor.u32 $0x50, v1;
	v12 =	vor.u32 $0xD0, v1;
	v13 =	vor.u32 $0x60, v1;
	s1 =	sadd.s32 $0xE1A00, s1;
	s25 =	simm.s32 $0x18D00;
	s26 =	simm.s32 $0x1  }
0x12: {  	v14 =	vor.u32 $0xE0, v1;
	v15 =	vor.u32 $0x70, v1;
	v16 =	vor.u32 $0xF0, v1;
	s5 =	simm.s32 $0x0;
	[dreg:$0x5] =	wrdreg s1;
	s1 =	simm.s32 $0x6  }
.LBB2_1:
0x13: {  	[dreg:$0x7] =	wrdreg s5  }
0x14: {  	s4 =	rddreg [dreg:$0x2];
	s7 =	simm.s32 $0x10D00  }
0x15: {  	[tilespmem:s7], [sflag:$0x8] =	stream.linear.gather [hbm4b:s4+s2], $0x6580, $0x38;
	[tilespmem:$0x19100] =	vst v63  }
0x16: {  	_ =	swait.ge [sflag:s10], $0x6580  }
0x17: {  	[sflag:s10] =	ssyncset.done $0x0  }
0x18: {  	s8 =	rddreg [dreg:$0x3];
	[sflag:s10] =	ssyncadd.s32 $0xFFFF9A80  }
0x19: {  	[tilespmem:s11], [sflag:$0x8] =	stream.linear.gather [hbm4b:s8+s2], $0x620, $0x38;
	[tilespmem:$0x19100] =	vst v63  }
0x1a: {  	_ =	swait.ge [sflag:s10], $0x620  }
0x1b: {  	[sflag:s10] =	ssyncset.done $0x0  }
0x1c: {  	s9 =	rddreg [dreg:$0x4];
	[sflag:s10] =	ssyncadd.s32 $0xFFFFF9E0  }
0x1d: {  	[tilespmem:s12], [sflag:$0x8] =	stream.linear.gather [hbm4b:s9+s2], $0x620, $0x38;
	[tilespmem:$0x19100] =	vst v63  }
0x1e: {  	_ =	swait.ge [sflag:s10], $0x620  }
0x1f: {  	[sflag:s10] =	ssyncset.done $0x0  }
0x20: {  	[sflag:s10] =	ssyncadd.s32 $0xFFFFF9E0  }
0x21: {  	[tilespmem:s13], [sflag:$0x1] =	stream.indirect.gather [hbm4b:s3+s10], $0x80, s7, s10, $0xb8;
	[tilespmem:$0x19100] =	vst v63  }
0x22: {  	s14 =	simm.s32 $0x10D80  }
0x23: {  	[tilespmem:s15], [sflag:$0x2] =	stream.indirect.gather [hbm4b:s3+s10], $0x80, s14, s10, $0xb8;
	[tilespmem:$0x19100] =	vst v63  }
0x24: {  	s16 =	simm.s32 $0x10E00  }
0x25: {  	[tilespmem:s17], [sflag:$0x3] =	stream.indirect.gather [hbm4b:s3+s10], $0x80, s16, s10, $0xb8;
	[tilespmem:$0x19100] =	vst v63  }
0x26: {  	s18 =	simm.s32 $0x10E80  }
0x27: {  	[tilespmem:s19], [sflag:$0x4] =	stream.indirect.gather [hbm4b:s3+s10], $0x80, s18, s10, $0xb8;
	[tilespmem:$0x19100] =	vst v63  }
0x28: {  	s20 =	simm.s32 $0x10F00  }
0x29: {  	[tilespmem:s21], [sflag:$0x5] =	stream.indirect.gather [hbm4b:s3+s10], $0x80, s20, s10, $0xb8;
	[tilespmem:$0x19100] =	vst v63  }
0x2a: {  	s22 =	simm.s32 $0x10F80  }
0x2b: {  	[tilespmem:s23], [sflag:$0x6] =	stream.indirect.gather [hbm4b:s3+s10], $0x80, s22, s10, $0xb8;
	[tilespmem:$0x19100] =	vst v63  }
0x2c: {  	s24 =	simm.s32 $0x11000;
	s4 =	simm.s32 $0x0  }
0x2d: {  	[tilespmem:s25], [sflag:$0x7] =	stream.indirect.gather [hbm4b:s3+s10], $0x80, s24, s10, $0xb8;
	[tilespmem:$0x19100] =	vst v63  }
.LBB2_2:
0x2e: {  	p0 =	sne.s32 s4, $0x3FFC0  }
.Ltmp0:
0x2f: {  	_ = 	snop;
	(pc) =	sbr.rel @p0 .LBB2_2-.Ltmp0, $3  }
0x30: {  	_ =	sdelay $0x1  }
0x31: {  	s5 =	sshra.s32 s4, $0x2  }
0x32: {  	s4 =	sadd.s32 $0x40, s4;
	[tilespmem:s5+$0x0] =	vst v0  }
0x33: {  	s20 =	simm.s32 $0x0;
	s22 =	simm.s32 $0x8  }
0x34: {  	s24 =	simm.s32 $0x10;
	s14 =	simm.s32 $0x18;
	s16 =	simm.s32 $0x20  }
0x35: {  	s9 =	simm.s32 $0x28;
	s4 =	simm.s32 $0x30;
	s5 =	simm.s32 $0x0  }
.LBB2_4:
0x36: {  	s6 =	sadd.s32 $0x0, s20  }
0x37: {  	v17 =	vmov s6;
	_ =	sdelay $0x1  }
0x38: {  	_ =	swait.ge [sflag:s26], $0x400  }
0x39: {  	[sflag:s26] =	ssyncset.done $0x0  }
0x3a: {  	[sflag:s26] =	ssyncadd.s32 $0xFFFFFC00  }
0x3b: {  	v18 =	vld.idx.msk [tilespmem:v17+s12+$0x0], $0xffff  }
0x3c: {  	s6 =	simm.s32 $0x17540  }
0x3d: {  	v19 =	vld [tilespmem:s6+$0xFFFFFFC0]  }
0x3e: {  	v17 =	vld.idx.msk [tilespmem:v17+s11+$0x0], $0xffff;
	_ =	sdelay $0x1  }
0x3f: {  	v20 =	vadd.s32 v1, v18  }
0x40: {  	v21 =	vadd.s32 v2, v18  }
0x41: {  	v22 =	vshll.u32 v19, $0x10  }
0x42: {  	v19 =	vand.u32 $0xFFFF0000, v19;
	v22 =	vmul.f32 v22, v17  }
0x43: {  	v19 =	vmul.f32 v19, v17  }
0x44: {  	[tilespmem:v20+s2+$0x0] =	vst.idx.add.f32.msk $0xffff, v22  }
0x45: {  	[tilespmem:v21+s2+$0x0] =	vst.idx.add.f32.msk $0xffff, v19  }
0x46: {  	v19 =	vld [tilespmem:s6+$0xFFFFFFD0];
	_ =	sdelay $0x2  }
0x47: {  	v20 =	vadd.s32 v3, v18  }
0x48: {  	v50 =	vadd.s32 v4, v18  }
0x49: {  	v51 =	vshll.u32 v19, $0x10  }
0x4a: {  	v19 =	vand.u32 $0xFFFF0000, v19;
	v22 =	vmul.f32 v51, v17  }
0x4b: {  	v19 =	vmul.f32 v19, v17  }
0x4c: {  	[tilespmem:v20+s2+$0x0] =	vst.idx.add.f32.msk $0xffff, v22  }
0x4d: {  	[tilespmem:v50+s2+$0x0] =	vst.idx.add.f32.msk $0xffff, v19  }
0x4e: {  	v19 =	vld [tilespmem:s6+$0xFFFFFFE0];
	_ =	sdelay $0x2  }
0x4f: {  	v20 =	vadd.s32 v5, v18  }
0x50: {  	v52 =	vadd.s32 v6, v18  }
0x51: {  	v53 =	vshll.u32 v19, $0x10  }
0x52: {  	v19 =	vand.u32 $0xFFFF0000, v19;
	v22 =	vmul.f32 v53, v17  }
0x53: {  	v19 =	vmul.f32 v19, v17  }
0x54: {  	[tilespmem:v20+s2+$0x0] =	vst.idx.add.f32.msk $0xffff, v22  }
0x55: {  	[tilespmem:v52+s2+$0x0] =	vst.idx.add.f32.msk $0xffff, v19  }
0x56: {  	v19 =	vld [tilespmem:s6+$0xFFFFFFF0];
	_ =	sdelay $0x2  }
0x57: {  	v20 =	vadd.s32 v7, v18  }
0x58: {  	v54 =	vadd.s32 v8, v18  }
0x59: {  	v55 =	vshll.u32 v19, $0x10  }
0x5a: {  	v19 =	vand.u32 $0xFFFF0000, v19;
	v22 =	vmul.f32 v55, v17  }
0x5b: {  	v19 =	vmul.f32 v19, v17  }
0x5c: {  	[tilespmem:v20+s2+$0x0] =	vst.idx.add.f32.msk $0xffff, v22  }
0x5d: {  	[tilespmem:v54+s2+$0x0] =	vst.idx.add.f32.msk $0xffff, v19  }
0x5e: {  	v19 =	vld [tilespmem:s6+$0x0];
	_ =	sdelay $0x2  }
0x5f: {  	v20 =	vadd.s32 v9, v18  }
0x60: {  	v56 =	vadd.s32 v10, v18  }
0x61: {  	v57 =	vshll.u32 v19, $0x10  }
0x62: {  	v19 =	vand.u32 $0xFFFF0000, v19;
	v22 =	vmul.f32 v57, v17  }
0x63: {  	v19 =	vmul.f32 v19, v17  }
0x64: {  	[tilespmem:v20+s2+$0x0] =	vst.idx.add.f32.msk $0xffff, v22  }
0x65: {  	[tilespmem:v56+s2+$0x0] =	vst.idx.add.f32.msk $0xffff, v19  }
0x66: {  	v19 =	vld [tilespmem:s6+$0x10];
	_ =	sdelay $0x2  }
0x67: {  	v20 =	vadd.s32 v11, v18  }
0x68: {  	v58 =	vadd.s32 v12, v18  }
0x69: {  	v59 =	vshll.u32 v19, $0x10  }
0x6a: {  	v19 =	vand.u32 $0xFFFF0000, v19;
	v22 =	vmul.f32 v59, v17  }
0x6b: {  	v19 =	vmul.f32 v19, v17  }
0x6c: {  	[tilespmem:v20+s2+$0x0] =	vst.idx.add.f32.msk $0xffff, v22  }
0x6d: {  	[tilespmem:v58+s2+$0x0] =	vst.idx.add.f32.msk $0xffff, v19  }
0x6e: {  	v19 =	vld [tilespmem:s6+$0x20];
	_ =	sdelay $0x2  }
0x6f: {  	v20 =	vadd.s32 v13, v18  }
0x70: {  	v60 =	vadd.s32 v14, v18  }
0x71: {  	v61 =	vshll.u32 v19, $0x10  }
0x72: {  	v19 =	vand.u32 $0xFFFF0000, v19;
	v22 =	vmul.f32 v61, v17  }
0x73: {  	v19 =	vmul.f32 v19, v17  }
0x74: {  	[tilespmem:v20+s2+$0x0] =	vst.idx.add.f32.msk $0xffff, v22  }
0x75: {  	[tilespmem:v60+s2+$0x0] =	vst.idx.add.f32.msk $0xffff, v19  }
0x76: {  	v19 =	vld [tilespmem:s6+$0x30];
	_ =	sdelay $0x2  }
0x77: {  	v20 =	vadd.s32 v15, v18;
	_ =	sdelay $0x1  }
0x78: {  	s8 =	sadd.s32 $0x1, s20;
	v18 =	vadd.s32 v16, v18;
	v62 =	vshll.u32 v19, $0x10  }
0x79: {  	v63 =	vand.u32 $0xFFFF0000, v19;
	v19 =	vmov s8;
	v21 =	vmul.f32 v62, v17;
	_ =	sdelay $0x1  }
0x7a: {  	s7 =	simm.s32 $0x2;
	v17 =	vmul.f32 v63, v17;
	[tilespmem:v20+s2+$0x0] =	vst.idx.add.f32.msk $0xffff, v21  }
.LBB2_5:
0x7b: {  	p0 =	sne.s32 s7, $0x7  }
0x7c: {  	[tilespmem:v18+s2+$0x0] =	vst.idx.add.f32.msk $0xffff, v17;
	s6 =	sadd.s32 $0x80, s6;
	s8 =	smov.u32 s7;
	s7 =	sadd.s32 $0x1, s7  }
0x7d: {  	v18 =	vld.idx.msk [tilespmem:v19+s12+$0x0], $0xffff;
	_ =	sdelay $0x1  }
0x7e: {  	v20 =	vld [tilespmem:s6+$0xFFFFFFC0]  }
0x7f: {  	v17 =	vld.idx.msk [tilespmem:v19+s11+$0x0], $0xffff;
	_ =	sdelay $0x2  }
0x80: {  	v19 =	vadd.s32 v1, v18  }
0x81: {  	v22 =	vadd.s32 v2, v18;
	v21 =	vshll.u32 v20, $0x10;
	v20 =	vand.u32 $0xFFFF0000, v20;
	_ =	sdelay $0x1  }
0x82: {  	v21 =	vmul.f32 v21, v17;
	v20 =	vmul.f32 v20, v17;
	_ =	sdelay $0x1  }
0x83: {  	[tilespmem:v19+s2+$0x0] =	vst.idx.add.f32.msk $0xffff, v21  }
0x84: {  	[tilespmem:v22+s2+$0x0] =	vst.idx.add.f32.msk $0xffff, v20  }
0x85: {  	v19 =	vld [tilespmem:s6+$0xFFFFFFD0];
	_ =	sdelay $0x2  }
0x86: {  	v20 =	vadd.s32 v3, v18  }
0x87: {  	v21 =	vadd.s32 v4, v18  }
0x88: {  	v22 =	vshll.u32 v19, $0x10;
	v19 =	vand.u32 $0xFFFF0000, v19  }
0x89: {  	v22 =	vmul.f32 v22, v17  }
0x8a: {  	v19 =	vmul.f32 v19, v17  }
0x8b: {  	[tilespmem:v20+s2+$0x0] =	vst.idx.add.f32.msk $0xffff, v22  }
0x8c: {  	[tilespmem:v21+s2+$0x0] =	vst.idx.add.f32.msk $0xffff, v19  }
0x8d: {  	v19 =	vld [tilespmem:s6+$0xFFFFFFE0];
	_ =	sdelay $0x2  }
0x8e: {  	v20 =	vadd.s32 v5, v18  }
0x8f: {  	v21 =	vadd.s32 v6, v18  }
0x90: {  	v22 =	vshll.u32 v19, $0x10;
	v19 =	vand.u32 $0xFFFF0000, v19  }
0x91: {  	v22 =	vmul.f32 v22, v17  }
0x92: {  	v19 =	vmul.f32 v19, v17  }
0x93: {  	[tilespmem:v20+s2+$0x0] =	vst.idx.add.f32.msk $0xffff, v22  }
0x94: {  	[tilespmem:v21+s2+$0x0] =	vst.idx.add.f32.msk $0xffff, v19  }
0x95: {  	v19 =	vld [tilespmem:s6+$0xFFFFFFF0];
	_ =	sdelay $0x2  }
0x96: {  	v20 =	vadd.s32 v7, v18  }
0x97: {  	v21 =	vadd.s32 v8, v18  }
0x98: {  	v22 =	vshll.u32 v19, $0x10;
	v19 =	vand.u32 $0xFFFF0000, v19  }
0x99: {  	v22 =	vmul.f32 v22, v17  }
0x9a: {  	v19 =	vmul.f32 v19, v17  }
0x9b: {  	[tilespmem:v20+s2+$0x0] =	vst.idx.add.f32.msk $0xffff, v22  }
0x9c: {  	[tilespmem:v21+s2+$0x0] =	vst.idx.add.f32.msk $0xffff, v19  }
0x9d: {  	v19 =	vld [tilespmem:s6+$0x0];
	_ =	sdelay $0x2  }
0x9e: {  	v20 =	vadd.s32 v9, v18  }
0x9f: {  	v21 =	vadd.s32 v10, v18  }
0xa0: {  	v22 =	vshll.u32 v19, $0x10;
	v19 =	vand.u32 $0xFFFF0000, v19  }
0xa1: {  	v22 =	vmul.f32 v22, v17  }
0xa2: {  	v19 =	vmul.f32 v19, v17  }
0xa3: {  	[tilespmem:v20+s2+$0x0] =	vst.idx.add.f32.msk $0xffff, v22  }
0xa4: {  	[tilespmem:v21+s2+$0x0] =	vst.idx.add.f32.msk $0xffff, v19  }
0xa5: {  	v19 =	vld [tilespmem:s6+$0x10];
	_ =	sdelay $0x2  }
0xa6: {  	v20 =	vadd.s32 v11, v18  }
0xa7: {  	v21 =	vadd.s32 v12, v18  }
0xa8: {  	v22 =	vshll.u32 v19, $0x10;
	v19 =	vand.u32 $0xFFFF0000, v19  }
0xa9: {  	v22 =	vmul.f32 v22, v17  }
0xaa: {  	v19 =	vmul.f32 v19, v17  }
0xab: {  	[tilespmem:v20+s2+$0x0] =	vst.idx.add.f32.msk $0xffff, v22  }
0xac: {  	[tilespmem:v21+s2+$0x0] =	vst.idx.add.f32.msk $0xffff, v19  }
0xad: {  	v19 =	vld [tilespmem:s6+$0x20];
	_ =	sdelay $0x2  }
0xae: {  	v20 =	vadd.s32 v13, v18  }
0xaf: {  	v21 =	vadd.s32 v14, v18  }
0xb0: {  	v22 =	vshll.u32 v19, $0x10;
	v19 =	vand.u32 $0xFFFF0000, v19  }
0xb1: {  	v22 =	vmul.f32 v22, v17  }
0xb2: {  	v19 =	vmul.f32 v19, v17  }
0xb3: {  	[tilespmem:v20+s2+$0x0] =	vst.idx.add.f32.msk $0xffff, v22  }
0xb4: {  	[tilespmem:v21+s2+$0x0] =	vst.idx.add.f32.msk $0xffff, v19  }
0xb5: {  	v20 =	vld [tilespmem:s6+$0x30];
	_ =	sdelay $0x2  }
0xb6: {  	v21 =	vadd.s32 v15, v18  }
.Ltmp1:
0xb7: {  	s8 =	sadd.s32 s8, s20;
	v18 =	vadd.s32 v16, v18;
	(pc) =	sbr.rel @p0 .LBB2_5-.Ltmp1, $4  }
0xb8: {  	v19 =	vmov s8;
	v22 =	vshll.u32 v20, $0x10;
	v20 =	vand.u32 $0xFFFF0000, v20  }
0xb9: {  	v22 =	vmul.f32 v22, v17  }
0xba: {  	v17 =	vmul.f32 v20, v17  }
0xbb: {  	[tilespmem:v21+s2+$0x0] =	vst.idx.add.f32.msk $0xffff, v22  }
0xbc: {  	_ =	sdelay $0x3  }
0xbd: {  	[tilespmem:v18+s2+$0x0] =	vst.idx.add.f32.msk $0xffff, v17  }
0xbe: {  	v17 =	vld.idx.msk [tilespmem:v19+s12+$0x0], $0xffff  }
0xbf: {  	s6 =	sadd.s32 $0x80, s6  }
0xc0: {  	v18 =	vld [tilespmem:s6+$0xFFFFFFC0]  }
0xc1: {  	v19 =	vld.idx.msk [tilespmem:v19+s11+$0x0], $0xffff;
	_ =	sdelay $0x1  }
0xc2: {  	v20 =	vadd.s32 v1, v17  }
0xc3: {  	v21 =	vadd.s32 v2, v17  }
0xc4: {  	v22 =	vshll.u32 v18, $0x10  }
0xc5: {  	v18 =	vand.u32 $0xFFFF0000, v18;
	v22 =	vmul.f32 v22, v19  }
0xc6: {  	v18 =	vmul.f32 v18, v19  }
0xc7: {  	[tilespmem:v20+s2+$0x0] =	vst.idx.add.f32.msk $0xffff, v22  }
0xc8: {  	[tilespmem:v21+s2+$0x0] =	vst.idx.add.f32.msk $0xffff, v18  }
0xc9: {  	v18 =	vld [tilespmem:s6+$0xFFFFFFD0];
	_ =	sdelay $0x2  }
0xca: {  	v20 =	vadd.s32 v3, v17  }
0xcb: {  	v35 =	vadd.s32 v4, v17  }
0xcc: {  	v36 =	vshll.u32 v18, $0x10  }
0xcd: {  	v18 =	vand.u32 $0xFFFF0000, v18;
	v22 =	vmul.f32 v36, v19  }
0xce: {  	v18 =	vmul.f32 v18, v19  }
0xcf: {  	[tilespmem:v20+s2+$0x0] =	vst.idx.add.f32.msk $0xffff, v22  }
0xd0: {  	[tilespmem:v35+s2+$0x0] =	vst.idx.add.f32.msk $0xffff, v18  }
0xd1: {  	v18 =	vld [tilespmem:s6+$0xFFFFFFE0];
	_ =	sdelay $0x2  }
0xd2: {  	v20 =	vadd.s32 v5, v17  }
0xd3: {  	v37 =	vadd.s32 v6, v17  }
0xd4: {  	v38 =	vshll.u32 v18, $0x10  }
0xd5: {  	v18 =	vand.u32 $0xFFFF0000, v18;
	v22 =	vmul.f32 v38, v19  }
0xd6: {  	v18 =	vmul.f32 v18, v19  }
0xd7: {  	[tilespmem:v20+s2+$0x0] =	vst.idx.add.f32.msk $0xffff, v22  }
0xd8: {  	[tilespmem:v37+s2+$0x0] =	vst.idx.add.f32.msk $0xffff, v18  }
0xd9: {  	v18 =	vld [tilespmem:s6+$0xFFFFFFF0];
	_ =	sdelay $0x2  }
0xda: {  	v20 =	vadd.s32 v7, v17  }
0xdb: {  	v39 =	vadd.s32 v8, v17  }
0xdc: {  	v40 =	vshll.u32 v18, $0x10  }
0xdd: {  	v18 =	vand.u32 $0xFFFF0000, v18;
	v22 =	vmul.f32 v40, v19  }
0xde: {  	v18 =	vmul.f32 v18, v19  }
0xdf: {  	[tilespmem:v20+s2+$0x0] =	vst.idx.add.f32.msk $0xffff, v22  }
0xe0: {  	[tilespmem:v39+s2+$0x0] =	vst.idx.add.f32.msk $0xffff, v18  }
0xe1: {  	v18 =	vld [tilespmem:s6+$0x0];
	_ =	sdelay $0x2  }
0xe2: {  	v20 =	vadd.s32 v9, v17  }
0xe3: {  	v41 =	vadd.s32 v10, v17  }
0xe4: {  	v42 =	vshll.u32 v18, $0x10  }
0xe5: {  	v18 =	vand.u32 $0xFFFF0000, v18;
	v22 =	vmul.f32 v42, v19  }
0xe6: {  	v18 =	vmul.f32 v18, v19  }
0xe7: {  	[tilespmem:v20+s2+$0x0] =	vst.idx.add.f32.msk $0xffff, v22  }
0xe8: {  	[tilespmem:v41+s2+$0x0] =	vst.idx.add.f32.msk $0xffff, v18  }
0xe9: {  	v18 =	vld [tilespmem:s6+$0x10];
	_ =	sdelay $0x2  }
0xea: {  	v20 =	vadd.s32 v11, v17  }
0xeb: {  	v43 =	vadd.s32 v12, v17  }
0xec: {  	v44 =	vshll.u32 v18, $0x10  }
0xed: {  	v18 =	vand.u32 $0xFFFF0000, v18;
	v22 =	vmul.f32 v44, v19  }
0xee: {  	v18 =	vmul.f32 v18, v19  }
0xef: {  	[tilespmem:v20+s2+$0x0] =	vst.idx.add.f32.msk $0xffff, v22  }
0xf0: {  	[tilespmem:v43+s2+$0x0] =	vst.idx.add.f32.msk $0xffff, v18  }
0xf1: {  	v18 =	vld [tilespmem:s6+$0x20];
	_ =	sdelay $0x2  }
0xf2: {  	v20 =	vadd.s32 v13, v17  }
0xf3: {  	v45 =	vadd.s32 v14, v17  }
0xf4: {  	v46 =	vshll.u32 v18, $0x10  }
0xf5: {  	v18 =	vand.u32 $0xFFFF0000, v18;
	v22 =	vmul.f32 v46, v19  }
0xf6: {  	v18 =	vmul.f32 v18, v19  }
0xf7: {  	[tilespmem:v20+s2+$0x0] =	vst.idx.add.f32.msk $0xffff, v22  }
0xf8: {  	[tilespmem:v45+s2+$0x0] =	vst.idx.add.f32.msk $0xffff, v18  }
0xf9: {  	v18 =	vld [tilespmem:s6+$0x30];
	_ =	sdelay $0x2  }
0xfa: {  	v20 =	vadd.s32 v15, v17  }
0xfb: {  	v17 =	vadd.s32 v16, v17  }
0xfc: {  	v47 =	vshll.u32 v18, $0x10  }
0xfd: {  	s18 =	smul.u32 $0xE00, s5;
	v18 =	vand.u32 $0xFFFF0000, v18;
	v21 =	vmul.f32 v47, v19  }
0xfe: {  	v18 =	vmul.f32 v18, v19  }
0xff: {  	s7 =	sadd.s32 $0x0, s22;
	s6 =	sshra.s32 s18, $0x2;
	[tilespmem:v20+s2+$0x0] =	vst.idx.add.f32.msk $0xffff, v21  }
0x100: {  	s8 =	sadd.s32 $0x11080, s6;
	[tilespmem:v17+s2+$0x0] =	vst.idx.add.f32.msk $0xffff, v18;
	v17 =	vmov s7  }
0x101: {  	[tilespmem:s13], [sflag:$0x1] =	stream.indirect.gather [hbm4b:s3+s10], $0x80, s8, s10, $0xb8;
	[tilespmem:$0x19100] =	vst v63  }
0x102: {  	_ =	swait.ge [sflag:s28], $0x400  }
0x103: {  	[sflag:s28] =	ssyncset.done $0x0  }
0x104: {  	[sflag:s28] =	ssyncadd.s32 $0xFFFFFC00  }
0x105: {  	v18 =	vld.idx.msk [tilespmem:v17+s12+$0x0], $0xffff  }
0x106: {  	s7 =	simm.s32 $0x17940  }
0x107: {  	v19 =	vld [tilespmem:s7+$0xFFFFFFC0]  }
0x108: {  	v17 =	vld.idx.msk [tilespmem:v17+s11+$0x0], $0xffff;
	_ =	sdelay $0x1  }
0x109: {  	v20 =	vadd.s32 v1, v18  }
0x10a: {  	v48 =	vadd.s32 v2, v18  }
0x10b: {  	v49 =	vshll.u32 v19, $0x10  }
0x10c: {  	v19 =	vand.u32 $0xFFFF0000, v19;
	v22 =	vmul.f32 v49, v17  }
0x10d: {  	v19 =	vmul.f32 v19, v17  }
0x10e: {  	[tilespmem:v20+s2+$0x0] =	vst.idx.add.f32.msk $0xffff, v22  }
0x10f: {  	[tilespmem:v48+s2+$0x0] =	vst.idx.add.f32.msk $0xffff, v19  }
0x110: {  	v19 =	vld [tilespmem:s7+$0xFFFFFFD0];
	_ =	sdelay $0x2  }
0x111: {  	v20 =	vadd.s32 v3, v18  }
0x112: {  	v50 =	vadd.s32 v4, v18  }
0x113: {  	v51 =	vshll.u32 v19, $0x10  }
0x114: {  	v19 =	vand.u32 $0xFFFF0000, v19;
	v22 =	vmul.f32 v51, v17  }
0x115: {  	v19 =	vmul.f32 v19, v17  }
0x116: {  	[tilespmem:v20+s2+$0x0] =	vst.idx.add.f32.msk $0xffff, v22  }
0x117: {  	[tilespmem:v50+s2+$0x0] =	vst.idx.add.f32.msk $0xffff, v19  }
0x118: {  	v19 =	vld [tilespmem:s7+$0xFFFFFFE0];
	_ =	sdelay $0x2  }
0x119: {  	v20 =	vadd.s32 v5, v18  }
0x11a: {  	v52 =	vadd.s32 v6, v18  }
0x11b: {  	v53 =	vshll.u32 v19, $0x10  }
0x11c: {  	v19 =	vand.u32 $0xFFFF0000, v19;
	v22 =	vmul.f32 v53, v17  }
0x11d: {  	v19 =	vmul.f32 v19, v17  }
0x11e: {  	[tilespmem:v20+s2+$0x0] =	vst.idx.add.f32.msk $0xffff, v22  }
0x11f: {  	[tilespmem:v52+s2+$0x0] =	vst.idx.add.f32.msk $0xffff, v19  }
0x120: {  	v19 =	vld [tilespmem:s7+$0xFFFFFFF0];
	_ =	sdelay $0x2  }
0x121: {  	v20 =	vadd.s32 v7, v18  }
0x122: {  	v54 =	vadd.s32 v8, v18  }
0x123: {  	v55 =	vshll.u32 v19, $0x10  }
0x124: {  	v19 =	vand.u32 $0xFFFF0000, v19;
	v22 =	vmul.f32 v55, v17  }
0x125: {  	v19 =	vmul.f32 v19, v17  }
0x126: {  	[tilespmem:v20+s2+$0x0] =	vst.idx.add.f32.msk $0xffff, v22  }
0x127: {  	[tilespmem:v54+s2+$0x0] =	vst.idx.add.f32.msk $0xffff, v19  }
0x128: {  	v19 =	vld [tilespmem:s7+$0x0];
	_ =	sdelay $0x2  }
0x129: {  	v20 =	vadd.s32 v9, v18  }
0x12a: {  	v56 =	vadd.s32 v10, v18  }
0x12b: {  	v57 =	vshll.u32 v19, $0x10  }
0x12c: {  	v19 =	vand.u32 $0xFFFF0000, v19;
	v22 =	vmul.f32 v57, v17  }
0x12d: {  	v19 =	vmul.f32 v19, v17  }
0x12e: {  	[tilespmem:v20+s2+$0x0] =	vst.idx.add.f32.msk $0xffff, v22  }
0x12f: {  	[tilespmem:v56+s2+$0x0] =	vst.idx.add.f32.msk $0xffff, v19  }
0x130: {  	v19 =	vld [tilespmem:s7+$0x10];
	_ =	sdelay $0x2  }
0x131: {  	v20 =	vadd.s32 v11, v18  }
0x132: {  	v58 =	vadd.s32 v12, v18  }
0x133: {  	v59 =	vshll.u32 v19, $0x10  }
0x134: {  	v19 =	vand.u32 $0xFFFF0000, v19;
	v22 =	vmul.f32 v59, v17  }
0x135: {  	v19 =	vmul.f32 v19, v17  }
0x136: {  	[tilespmem:v20+s2+$0x0] =	vst.idx.add.f32.msk $0xffff, v22  }
0x137: {  	[tilespmem:v58+s2+$0x0] =	vst.idx.add.f32.msk $0xffff, v19  }
0x138: {  	v19 =	vld [tilespmem:s7+$0x20];
	_ =	sdelay $0x2  }
0x139: {  	v20 =	vadd.s32 v13, v18  }
0x13a: {  	v60 =	vadd.s32 v14, v18  }
0x13b: {  	v61 =	vshll.u32 v19, $0x10  }
0x13c: {  	v19 =	vand.u32 $0xFFFF0000, v19;
	v22 =	vmul.f32 v61, v17  }
0x13d: {  	v19 =	vmul.f32 v19, v17  }
0x13e: {  	[tilespmem:v20+s2+$0x0] =	vst.idx.add.f32.msk $0xffff, v22  }
0x13f: {  	[tilespmem:v60+s2+$0x0] =	vst.idx.add.f32.msk $0xffff, v19  }
0x140: {  	v19 =	vld [tilespmem:s7+$0x30];
	_ =	sdelay $0x2  }
0x141: {  	v20 =	vadd.s32 v15, v18;
	_ =	sdelay $0x1  }
0x142: {  	s18 =	sadd.s32 $0x1, s22;
	v18 =	vadd.s32 v16, v18;
	v62 =	vshll.u32 v19, $0x10  }
0x143: {  	v63 =	vand.u32 $0xFFFF0000, v19;
	v19 =	vmov s18;
	v21 =	vmul.f32 v62, v17;
	_ =	sdelay $0x1  }
0x144: {  	s8 =	simm.s32 $0x2;
	v17 =	vmul.f32 v63, v17;
	[tilespmem:v20+s2+$0x0] =	vst.idx.add.f32.msk $0xffff, v21  }
.LBB2_7:
0x145: {  	p0 =	sne.s32 s8, $0x7  }
0x146: {  	[tilespmem:v18+s2+$0x0] =	vst.idx.add.f32.msk $0xffff, v17;
	s7 =	sadd.s32 $0x80, s7;
	s18 =	smov.u32 s8;
	s8 =	sadd.s32 $0x1, s8  }
0x147: {  	v18 =	vld.idx.msk [tilespmem:v19+s12+$0x0], $0xffff;
	_ =	sdelay $0x1  }
0x148: {  	v20 =	vld [tilespmem:s7+$0xFFFFFFC0]  }
0x149: {  	v17 =	vld.idx.msk [tilespmem:v19+s11+$0x0], $0xffff;
	_ =	sdelay $0x2  }
0x14a: {  	v19 =	vadd.s32 v1, v18  }
0x14b: {  	v22 =	vadd.s32 v2, v18;
	v21 =	vshll.u32 v20, $0x10;
	v20 =	vand.u32 $0xFFFF0000, v20;
	_ =	sdelay $0x1  }
0x14c: {  	v21 =	vmul.f32 v21, v17;
	v20 =	vmul.f32 v20, v17;
	_ =	sdelay $0x1  }
0x14d: {  	[tilespmem:v19+s2+$0x0] =	vst.idx.add.f32.msk $0xffff, v21  }
0x14e: {  	[tilespmem:v22+s2+$0x0] =	vst.idx.add.f32.msk $0xffff, v20  }
0x14f: {  	v19 =	vld [tilespmem:s7+$0xFFFFFFD0];
	_ =	sdelay $0x2  }
0x150: {  	v20 =	vadd.s32 v3, v18  }
0x151: {  	v21 =	vadd.s32 v4, v18  }
0x152: {  	v22 =	vshll.u32 v19, $0x10;
	v19 =	vand.u32 $0xFFFF0000, v19  }
0x153: {  	v22 =	vmul.f32 v22, v17  }
0x154: {  	v19 =	vmul.f32 v19, v17  }
0x155: {  	[tilespmem:v20+s2+$0x0] =	vst.idx.add.f32.msk $0xffff, v22  }
0x156: {  	[tilespmem:v21+s2+$0x0] =	vst.idx.add.f32.msk $0xffff, v19  }
0x157: {  	v19 =	vld [tilespmem:s7+$0xFFFFFFE0];
	_ =	sdelay $0x2  }
0x158: {  	v20 =	vadd.s32 v5, v18  }
0x159: {  	v21 =	vadd.s32 v6, v18  }
0x15a: {  	v22 =	vshll.u32 v19, $0x10;
	v19 =	vand.u32 $0xFFFF0000, v19  }
0x15b: {  	v22 =	vmul.f32 v22, v17  }
0x15c: {  	v19 =	vmul.f32 v19, v17  }
0x15d: {  	[tilespmem:v20+s2+$0x0] =	vst.idx.add.f32.msk $0xffff, v22  }
0x15e: {  	[tilespmem:v21+s2+$0x0] =	vst.idx.add.f32.msk $0xffff, v19  }
0x15f: {  	v19 =	vld [tilespmem:s7+$0xFFFFFFF0];
	_ =	sdelay $0x2  }
0x160: {  	v20 =	vadd.s32 v7, v18  }
0x161: {  	v21 =	vadd.s32 v8, v18  }
0x162: {  	v22 =	vshll.u32 v19, $0x10;
	v19 =	vand.u32 $0xFFFF0000, v19  }
0x163: {  	v22 =	vmul.f32 v22, v17  }
0x164: {  	v19 =	vmul.f32 v19, v17  }
0x165: {  	[tilespmem:v20+s2+$0x0] =	vst.idx.add.f32.msk $0xffff, v22  }
0x166: {  	[tilespmem:v21+s2+$0x0] =	vst.idx.add.f32.msk $0xffff, v19  }
0x167: {  	v19 =	vld [tilespmem:s7+$0x0];
	_ =	sdelay $0x2  }
0x168: {  	v20 =	vadd.s32 v9, v18  }
0x169: {  	v21 =	vadd.s32 v10, v18  }
0x16a: {  	v22 =	vshll.u32 v19, $0x10;
	v19 =	vand.u32 $0xFFFF0000, v19  }
0x16b: {  	v22 =	vmul.f32 v22, v17  }
0x16c: {  	v19 =	vmul.f32 v19, v17  }
0x16d: {  	[tilespmem:v20+s2+$0x0] =	vst.idx.add.f32.msk $0xffff, v22  }
0x16e: {  	[tilespmem:v21+s2+$0x0] =	vst.idx.add.f32.msk $0xffff, v19  }
0x16f: {  	v19 =	vld [tilespmem:s7+$0x10];
	_ =	sdelay $0x2  }
0x170: {  	v20 =	vadd.s32 v11, v18  }
0x171: {  	v21 =	vadd.s32 v12, v18  }
0x172: {  	v22 =	vshll.u32 v19, $0x10;
	v19 =	vand.u32 $0xFFFF0000, v19  }
0x173: {  	v22 =	vmul.f32 v22, v17  }
0x174: {  	v19 =	vmul.f32 v19, v17  }
0x175: {  	[tilespmem:v20+s2+$0x0] =	vst.idx.add.f32.msk $0xffff, v22  }
0x176: {  	[tilespmem:v21+s2+$0x0] =	vst.idx.add.f32.msk $0xffff, v19  }
0x177: {  	v19 =	vld [tilespmem:s7+$0x20];
	_ =	sdelay $0x2  }
0x178: {  	v20 =	vadd.s32 v13, v18  }
0x179: {  	v21 =	vadd.s32 v14, v18  }
0x17a: {  	v22 =	vshll.u32 v19, $0x10;
	v19 =	vand.u32 $0xFFFF0000, v19  }
0x17b: {  	v22 =	vmul.f32 v22, v17  }
0x17c: {  	v19 =	vmul.f32 v19, v17  }
0x17d: {  	[tilespmem:v20+s2+$0x0] =	vst.idx.add.f32.msk $0xffff, v22  }
0x17e: {  	[tilespmem:v21+s2+$0x0] =	vst.idx.add.f32.msk $0xffff, v19  }
0x17f: {  	v20 =	vld [tilespmem:s7+$0x30];
	_ =	sdelay $0x2  }
0x180: {  	v21 =	vadd.s32 v15, v18  }
.Ltmp2:
0x181: {  	s18 =	sadd.s32 s18, s22;
	v18 =	vadd.s32 v16, v18;
	(pc) =	sbr.rel @p0 .LBB2_7-.Ltmp2, $4  }
0x182: {  	v19 =	vmov s18;
	v22 =	vshll.u32 v20, $0x10;
	v20 =	vand.u32 $0xFFFF0000, v20  }
0x183: {  	v22 =	vmul.f32 v22, v17  }
0x184: {  	v17 =	vmul.f32 v20, v17  }
0x185: {  	[tilespmem:v21+s2+$0x0] =	vst.idx.add.f32.msk $0xffff, v22  }
0x186: {  	_ =	sdelay $0x3  }
0x187: {  	[tilespmem:v18+s2+$0x0] =	vst.idx.add.f32.msk $0xffff, v17  }
0x188: {  	v17 =	vld.idx.msk [tilespmem:v19+s12+$0x0], $0xffff  }
0x189: {  	s7 =	sadd.s32 $0x80, s7  }
0x18a: {  	v18 =	vld [tilespmem:s7+$0xFFFFFFC0]  }
0x18b: {  	v19 =	vld.idx.msk [tilespmem:v19+s11+$0x0], $0xffff;
	_ =	sdelay $0x1  }
0x18c: {  	v20 =	vadd.s32 v1, v17  }
0x18d: {  	v21 =	vadd.s32 v2, v17  }
0x18e: {  	v22 =	vshll.u32 v18, $0x10  }
0x18f: {  	v18 =	vand.u32 $0xFFFF0000, v18;
	v22 =	vmul.f32 v22, v19  }
0x190: {  	v18 =	vmul.f32 v18, v19  }
0x191: {  	[tilespmem:v20+s2+$0x0] =	vst.idx.add.f32.msk $0xffff, v22  }
0x192: {  	[tilespmem:v21+s2+$0x0] =	vst.idx.add.f32.msk $0xffff, v18  }
0x193: {  	v18 =	vld [tilespmem:s7+$0xFFFFFFD0];
	_ =	sdelay $0x2  }
0x194: {  	v20 =	vadd.s32 v3, v17  }
0x195: {  	v35 =	vadd.s32 v4, v17  }
0x196: {  	v36 =	vshll.u32 v18, $0x10  }
0x197: {  	v18 =	vand.u32 $0xFFFF0000, v18;
	v22 =	vmul.f32 v36, v19  }
0x198: {  	v18 =	vmul.f32 v18, v19  }
0x199: {  	[tilespmem:v20+s2+$0x0] =	vst.idx.add.f32.msk $0xffff, v22  }
0x19a: {  	[tilespmem:v35+s2+$0x0] =	vst.idx.add.f32.msk $0xffff, v18  }
0x19b: {  	v18 =	vld [tilespmem:s7+$0xFFFFFFE0];
	_ =	sdelay $0x2  }
0x19c: {  	v20 =	vadd.s32 v5, v17  }
0x19d: {  	v37 =	vadd.s32 v6, v17  }
0x19e: {  	v38 =	vshll.u32 v18, $0x10  }
0x19f: {  	v18 =	vand.u32 $0xFFFF0000, v18;
	v22 =	vmul.f32 v38, v19  }
0x1a0: {  	v18 =	vmul.f32 v18, v19  }
0x1a1: {  	[tilespmem:v20+s2+$0x0] =	vst.idx.add.f32.msk $0xffff, v22  }
0x1a2: {  	[tilespmem:v37+s2+$0x0] =	vst.idx.add.f32.msk $0xffff, v18  }
0x1a3: {  	v18 =	vld [tilespmem:s7+$0xFFFFFFF0];
	_ =	sdelay $0x2  }
0x1a4: {  	v20 =	vadd.s32 v7, v17  }
0x1a5: {  	v39 =	vadd.s32 v8, v17  }
0x1a6: {  	v40 =	vshll.u32 v18, $0x10  }
0x1a7: {  	v18 =	vand.u32 $0xFFFF0000, v18;
	v22 =	vmul.f32 v40, v19  }
0x1a8: {  	v18 =	vmul.f32 v18, v19  }
0x1a9: {  	[tilespmem:v20+s2+$0x0] =	vst.idx.add.f32.msk $0xffff, v22  }
0x1aa: {  	[tilespmem:v39+s2+$0x0] =	vst.idx.add.f32.msk $0xffff, v18  }
0x1ab: {  	v18 =	vld [tilespmem:s7+$0x0];
	_ =	sdelay $0x2  }
0x1ac: {  	v20 =	vadd.s32 v9, v17  }
0x1ad: {  	v41 =	vadd.s32 v10, v17  }
0x1ae: {  	v42 =	vshll.u32 v18, $0x10  }
0x1af: {  	v18 =	vand.u32 $0xFFFF0000, v18;
	v22 =	vmul.f32 v42, v19  }
0x1b0: {  	v18 =	vmul.f32 v18, v19  }
0x1b1: {  	[tilespmem:v20+s2+$0x0] =	vst.idx.add.f32.msk $0xffff, v22  }
0x1b2: {  	[tilespmem:v41+s2+$0x0] =	vst.idx.add.f32.msk $0xffff, v18  }
0x1b3: {  	v18 =	vld [tilespmem:s7+$0x10];
	_ =	sdelay $0x2  }
0x1b4: {  	v20 =	vadd.s32 v11, v17  }
0x1b5: {  	v43 =	vadd.s32 v12, v17  }
0x1b6: {  	v44 =	vshll.u32 v18, $0x10  }
0x1b7: {  	v18 =	vand.u32 $0xFFFF0000, v18;
	v22 =	vmul.f32 v44, v19  }
0x1b8: {  	v18 =	vmul.f32 v18, v19  }
0x1b9: {  	[tilespmem:v20+s2+$0x0] =	vst.idx.add.f32.msk $0xffff, v22  }
0x1ba: {  	[tilespmem:v43+s2+$0x0] =	vst.idx.add.f32.msk $0xffff, v18  }
0x1bb: {  	v18 =	vld [tilespmem:s7+$0x20];
	_ =	sdelay $0x2  }
0x1bc: {  	v20 =	vadd.s32 v13, v17  }
0x1bd: {  	v45 =	vadd.s32 v14, v17  }
0x1be: {  	v46 =	vshll.u32 v18, $0x10  }
0x1bf: {  	v18 =	vand.u32 $0xFFFF0000, v18;
	v22 =	vmul.f32 v46, v19  }
0x1c0: {  	v18 =	vmul.f32 v18, v19  }
0x1c1: {  	[tilespmem:v20+s2+$0x0] =	vst.idx.add.f32.msk $0xffff, v22  }
0x1c2: {  	[tilespmem:v45+s2+$0x0] =	vst.idx.add.f32.msk $0xffff, v18  }
0x1c3: {  	v18 =	vld [tilespmem:s7+$0x30];
	_ =	sdelay $0x2  }
0x1c4: {  	v20 =	vadd.s32 v15, v17  }
0x1c5: {  	v17 =	vadd.s32 v16, v17  }
0x1c6: {  	v47 =	vshll.u32 v18, $0x10  }
0x1c7: {  	v18 =	vand.u32 $0xFFFF0000, v18;
	v21 =	vmul.f32 v47, v19  }
0x1c8: {  	v18 =	vmul.f32 v18, v19  }
0x1c9: {  	s18 =	sadd.s32 $0x0, s24;
	[tilespmem:v20+s2+$0x0] =	vst.idx.add.f32.msk $0xffff, v21  }
0x1ca: {  	s8 =	sadd.s32 $0x11100, s6;
	[tilespmem:v17+s2+$0x0] =	vst.idx.add.f32.msk $0xffff, v18;
	v17 =	vmov s18  }
0x1cb: {  	[tilespmem:s15], [sflag:$0x2] =	stream.indirect.gather [hbm4b:s3+s10], $0x80, s8, s10, $0xb8;
	[tilespmem:$0x19100] =	vst v63  }
0x1cc: {  	_ =	swait.ge [sflag:s29], $0x400  }
0x1cd: {  	[sflag:s29] =	ssyncset.done $0x0  }
0x1ce: {  	[sflag:s29] =	ssyncadd.s32 $0xFFFFFC00  }
0x1cf: {  	v18 =	vld.idx.msk [tilespmem:v17+s12+$0x0], $0xffff  }
0x1d0: {  	s7 =	simm.s32 $0x17D40  }
0x1d1: {  	v19 =	vld [tilespmem:s7+$0xFFFFFFC0]  }
0x1d2: {  	v17 =	vld.idx.msk [tilespmem:v17+s11+$0x0], $0xffff;
	_ =	sdelay $0x1  }
0x1d3: {  	v20 =	vadd.s32 v1, v18  }
0x1d4: {  	v48 =	vadd.s32 v2, v18  }
0x1d5: {  	v49 =	vshll.u32 v19, $0x10  }
0x1d6: {  	v19 =	vand.u32 $0xFFFF0000, v19;
	v22 =	vmul.f32 v49, v17  }
0x1d7: {  	v19 =	vmul.f32 v19, v17  }
0x1d8: {  	[tilespmem:v20+s2+$0x0] =	vst.idx.add.f32.msk $0xffff, v22  }
0x1d9: {  	[tilespmem:v48+s2+$0x0] =	vst.idx.add.f32.msk $0xffff, v19  }
0x1da: {  	v19 =	vld [tilespmem:s7+$0xFFFFFFD0];
	_ =	sdelay $0x2  }
0x1db: {  	v20 =	vadd.s32 v3, v18  }
0x1dc: {  	v50 =	vadd.s32 v4, v18  }
0x1dd: {  	v51 =	vshll.u32 v19, $0x10  }
0x1de: {  	v19 =	vand.u32 $0xFFFF0000, v19;
	v22 =	vmul.f32 v51, v17  }
0x1df: {  	v19 =	vmul.f32 v19, v17  }
0x1e0: {  	[tilespmem:v20+s2+$0x0] =	vst.idx.add.f32.msk $0xffff, v22  }
0x1e1: {  	[tilespmem:v50+s2+$0x0] =	vst.idx.add.f32.msk $0xffff, v19  }
0x1e2: {  	v19 =	vld [tilespmem:s7+$0xFFFFFFE0];
	_ =	sdelay $0x2  }
0x1e3: {  	v20 =	vadd.s32 v5, v18  }
0x1e4: {  	v52 =	vadd.s32 v6, v18  }
0x1e5: {  	v53 =	vshll.u32 v19, $0x10  }
0x1e6: {  	v19 =	vand.u32 $0xFFFF0000, v19;
	v22 =	vmul.f32 v53, v17  }
0x1e7: {  	v19 =	vmul.f32 v19, v17  }
0x1e8: {  	[tilespmem:v20+s2+$0x0] =	vst.idx.add.f32.msk $0xffff, v22  }
0x1e9: {  	[tilespmem:v52+s2+$0x0] =	vst.idx.add.f32.msk $0xffff, v19  }
0x1ea: {  	v19 =	vld [tilespmem:s7+$0xFFFFFFF0];
	_ =	sdelay $0x2  }
0x1eb: {  	v20 =	vadd.s32 v7, v18  }
0x1ec: {  	v54 =	vadd.s32 v8, v18  }
0x1ed: {  	v55 =	vshll.u32 v19, $0x10  }
0x1ee: {  	v19 =	vand.u32 $0xFFFF0000, v19;
	v22 =	vmul.f32 v55, v17  }
0x1ef: {  	v19 =	vmul.f32 v19, v17  }
0x1f0: {  	[tilespmem:v20+s2+$0x0] =	vst.idx.add.f32.msk $0xffff, v22  }
0x1f1: {  	[tilespmem:v54+s2+$0x0] =	vst.idx.add.f32.msk $0xffff, v19  }
0x1f2: {  	v19 =	vld [tilespmem:s7+$0x0];
	_ =	sdelay $0x2  }
0x1f3: {  	v20 =	vadd.s32 v9, v18  }
0x1f4: {  	v56 =	vadd.s32 v10, v18  }
0x1f5: {  	v57 =	vshll.u32 v19, $0x10  }
0x1f6: {  	v19 =	vand.u32 $0xFFFF0000, v19;
	v22 =	vmul.f32 v57, v17  }
0x1f7: {  	v19 =	vmul.f32 v19, v17  }
0x1f8: {  	[tilespmem:v20+s2+$0x0] =	vst.idx.add.f32.msk $0xffff, v22  }
0x1f9: {  	[tilespmem:v56+s2+$0x0] =	vst.idx.add.f32.msk $0xffff, v19  }
0x1fa: {  	v19 =	vld [tilespmem:s7+$0x10];
	_ =	sdelay $0x2  }
0x1fb: {  	v20 =	vadd.s32 v11, v18  }
0x1fc: {  	v58 =	vadd.s32 v12, v18  }
0x1fd: {  	v59 =	vshll.u32 v19, $0x10  }
0x1fe: {  	v19 =	vand.u32 $0xFFFF0000, v19;
	v22 =	vmul.f32 v59, v17  }
0x1ff: {  	v19 =	vmul.f32 v19, v17  }
0x200: {  	[tilespmem:v20+s2+$0x0] =	vst.idx.add.f32.msk $0xffff, v22  }
0x201: {  	[tilespmem:v58+s2+$0x0] =	vst.idx.add.f32.msk $0xffff, v19  }
0x202: {  	v19 =	vld [tilespmem:s7+$0x20];
	_ =	sdelay $0x2  }
0x203: {  	v20 =	vadd.s32 v13, v18  }
0x204: {  	v60 =	vadd.s32 v14, v18  }
0x205: {  	v61 =	vshll.u32 v19, $0x10  }
0x206: {  	v19 =	vand.u32 $0xFFFF0000, v19;
	v22 =	vmul.f32 v61, v17  }
0x207: {  	v19 =	vmul.f32 v19, v17  }
0x208: {  	[tilespmem:v20+s2+$0x0] =	vst.idx.add.f32.msk $0xffff, v22  }
0x209: {  	[tilespmem:v60+s2+$0x0] =	vst.idx.add.f32.msk $0xffff, v19  }
0x20a: {  	v19 =	vld [tilespmem:s7+$0x30];
	_ =	sdelay $0x2  }
0x20b: {  	v20 =	vadd.s32 v15, v18;
	_ =	sdelay $0x1  }
0x20c: {  	s18 =	sadd.s32 $0x1, s24;
	v18 =	vadd.s32 v16, v18;
	v62 =	vshll.u32 v19, $0x10  }
0x20d: {  	v63 =	vand.u32 $0xFFFF0000, v19;
	v19 =	vmov s18;
	v21 =	vmul.f32 v62, v17;
	_ =	sdelay $0x1  }
0x20e: {  	s8 =	simm.s32 $0x2;
	v17 =	vmul.f32 v63, v17;
	[tilespmem:v20+s2+$0x0] =	vst.idx.add.f32.msk $0xffff, v21  }
.LBB2_9:
0x20f: {  	p0 =	sne.s32 s8, $0x7  }
0x210: {  	[tilespmem:v18+s2+$0x0] =	vst.idx.add.f32.msk $0xffff, v17;
	s7 =	sadd.s32 $0x80, s7;
	s18 =	smov.u32 s8;
	s8 =	sadd.s32 $0x1, s8  }
0x211: {  	v18 =	vld.idx.msk [tilespmem:v19+s12+$0x0], $0xffff;
	_ =	sdelay $0x1  }
0x212: {  	v20 =	vld [tilespmem:s7+$0xFFFFFFC0]  }
0x213: {  	v17 =	vld.idx.msk [tilespmem:v19+s11+$0x0], $0xffff;
	_ =	sdelay $0x2  }
0x214: {  	v19 =	vadd.s32 v1, v18  }
0x215: {  	v22 =	vadd.s32 v2, v18;
	v21 =	vshll.u32 v20, $0x10;
	v20 =	vand.u32 $0xFFFF0000, v20;
	_ =	sdelay $0x1  }
0x216: {  	v21 =	vmul.f32 v21, v17;
	v20 =	vmul.f32 v20, v17;
	_ =	sdelay $0x1  }
0x217: {  	[tilespmem:v19+s2+$0x0] =	vst.idx.add.f32.msk $0xffff, v21  }
0x218: {  	[tilespmem:v22+s2+$0x0] =	vst.idx.add.f32.msk $0xffff, v20  }
0x219: {  	v19 =	vld [tilespmem:s7+$0xFFFFFFD0];
	_ =	sdelay $0x2  }
0x21a: {  	v20 =	vadd.s32 v3, v18  }
0x21b: {  	v21 =	vadd.s32 v4, v18  }
0x21c: {  	v22 =	vshll.u32 v19, $0x10;
	v19 =	vand.u32 $0xFFFF0000, v19  }
0x21d: {  	v22 =	vmul.f32 v22, v17  }
0x21e: {  	v19 =	vmul.f32 v19, v17  }
0x21f: {  	[tilespmem:v20+s2+$0x0] =	vst.idx.add.f32.msk $0xffff, v22  }
0x220: {  	[tilespmem:v21+s2+$0x0] =	vst.idx.add.f32.msk $0xffff, v19  }
0x221: {  	v19 =	vld [tilespmem:s7+$0xFFFFFFE0];
	_ =	sdelay $0x2  }
0x222: {  	v20 =	vadd.s32 v5, v18  }
0x223: {  	v21 =	vadd.s32 v6, v18  }
0x224: {  	v22 =	vshll.u32 v19, $0x10;
	v19 =	vand.u32 $0xFFFF0000, v19  }
0x225: {  	v22 =	vmul.f32 v22, v17  }
0x226: {  	v19 =	vmul.f32 v19, v17  }
0x227: {  	[tilespmem:v20+s2+$0x0] =	vst.idx.add.f32.msk $0xffff, v22  }
0x228: {  	[tilespmem:v21+s2+$0x0] =	vst.idx.add.f32.msk $0xffff, v19  }
0x229: {  	v19 =	vld [tilespmem:s7+$0xFFFFFFF0];
	_ =	sdelay $0x2  }
0x22a: {  	v20 =	vadd.s32 v7, v18  }
0x22b: {  	v21 =	vadd.s32 v8, v18  }
0x22c: {  	v22 =	vshll.u32 v19, $0x10;
	v19 =	vand.u32 $0xFFFF0000, v19  }
0x22d: {  	v22 =	vmul.f32 v22, v17  }
0x22e: {  	v19 =	vmul.f32 v19, v17  }
0x22f: {  	[tilespmem:v20+s2+$0x0] =	vst.idx.add.f32.msk $0xffff, v22  }
0x230: {  	[tilespmem:v21+s2+$0x0] =	vst.idx.add.f32.msk $0xffff, v19  }
0x231: {  	v19 =	vld [tilespmem:s7+$0x0];
	_ =	sdelay $0x2  }
0x232: {  	v20 =	vadd.s32 v9, v18  }
0x233: {  	v21 =	vadd.s32 v10, v18  }
0x234: {  	v22 =	vshll.u32 v19, $0x10;
	v19 =	vand.u32 $0xFFFF0000, v19  }
0x235: {  	v22 =	vmul.f32 v22, v17  }
0x236: {  	v19 =	vmul.f32 v19, v17  }
0x237: {  	[tilespmem:v20+s2+$0x0] =	vst.idx.add.f32.msk $0xffff, v22  }
0x238: {  	[tilespmem:v21+s2+$0x0] =	vst.idx.add.f32.msk $0xffff, v19  }
0x239: {  	v19 =	vld [tilespmem:s7+$0x10];
	_ =	sdelay $0x2  }
0x23a: {  	v20 =	vadd.s32 v11, v18  }
0x23b: {  	v21 =	vadd.s32 v12, v18  }
0x23c: {  	v22 =	vshll.u32 v19, $0x10;
	v19 =	vand.u32 $0xFFFF0000, v19  }
0x23d: {  	v22 =	vmul.f32 v22, v17  }
0x23e: {  	v19 =	vmul.f32 v19, v17  }
0x23f: {  	[tilespmem:v20+s2+$0x0] =	vst.idx.add.f32.msk $0xffff, v22  }
0x240: {  	[tilespmem:v21+s2+$0x0] =	vst.idx.add.f32.msk $0xffff, v19  }
0x241: {  	v19 =	vld [tilespmem:s7+$0x20];
	_ =	sdelay $0x2  }
0x242: {  	v20 =	vadd.s32 v13, v18  }
0x243: {  	v21 =	vadd.s32 v14, v18  }
0x244: {  	v22 =	vshll.u32 v19, $0x10;
	v19 =	vand.u32 $0xFFFF0000, v19  }
0x245: {  	v22 =	vmul.f32 v22, v17  }
0x246: {  	v19 =	vmul.f32 v19, v17  }
0x247: {  	[tilespmem:v20+s2+$0x0] =	vst.idx.add.f32.msk $0xffff, v22  }
0x248: {  	[tilespmem:v21+s2+$0x0] =	vst.idx.add.f32.msk $0xffff, v19  }
0x249: {  	v20 =	vld [tilespmem:s7+$0x30];
	_ =	sdelay $0x2  }
0x24a: {  	v21 =	vadd.s32 v15, v18  }
.Ltmp3:
0x24b: {  	s18 =	sadd.s32 s18, s24;
	v18 =	vadd.s32 v16, v18;
	(pc) =	sbr.rel @p0 .LBB2_9-.Ltmp3, $4  }
0x24c: {  	v19 =	vmov s18;
	v22 =	vshll.u32 v20, $0x10;
	v20 =	vand.u32 $0xFFFF0000, v20  }
0x24d: {  	v22 =	vmul.f32 v22, v17  }
0x24e: {  	v17 =	vmul.f32 v20, v17  }
0x24f: {  	[tilespmem:v21+s2+$0x0] =	vst.idx.add.f32.msk $0xffff, v22  }
0x250: {  	_ =	sdelay $0x3  }
0x251: {  	[tilespmem:v18+s2+$0x0] =	vst.idx.add.f32.msk $0xffff, v17  }
0x252: {  	v17 =	vld.idx.msk [tilespmem:v19+s12+$0x0], $0xffff  }
0x253: {  	s7 =	sadd.s32 $0x80, s7  }
0x254: {  	v18 =	vld [tilespmem:s7+$0xFFFFFFC0]  }
0x255: {  	v19 =	vld.idx.msk [tilespmem:v19+s11+$0x0], $0xffff;
	_ =	sdelay $0x1  }
0x256: {  	v20 =	vadd.s32 v1, v17  }
0x257: {  	v21 =	vadd.s32 v2, v17  }
0x258: {  	v22 =	vshll.u32 v18, $0x10  }
0x259: {  	v18 =	vand.u32 $0xFFFF0000, v18;
	v22 =	vmul.f32 v22, v19  }
0x25a: {  	v18 =	vmul.f32 v18, v19  }
0x25b: {  	[tilespmem:v20+s2+$0x0] =	vst.idx.add.f32.msk $0xffff, v22  }
0x25c: {  	[tilespmem:v21+s2+$0x0] =	vst.idx.add.f32.msk $0xffff, v18  }
0x25d: {  	v18 =	vld [tilespmem:s7+$0xFFFFFFD0];
	_ =	sdelay $0x2  }
0x25e: {  	v20 =	vadd.s32 v3, v17  }
0x25f: {  	v35 =	vadd.s32 v4, v17  }
0x260: {  	v36 =	vshll.u32 v18, $0x10  }
0x261: {  	v18 =	vand.u32 $0xFFFF0000, v18;
	v22 =	vmul.f32 v36, v19  }
0x262: {  	v18 =	vmul.f32 v18, v19  }
0x263: {  	[tilespmem:v20+s2+$0x0] =	vst.idx.add.f32.msk $0xffff, v22  }
0x264: {  	[tilespmem:v35+s2+$0x0] =	vst.idx.add.f32.msk $0xffff, v18  }
0x265: {  	v18 =	vld [tilespmem:s7+$0xFFFFFFE0];
	_ =	sdelay $0x2  }
0x266: {  	v20 =	vadd.s32 v5, v17  }
0x267: {  	v37 =	vadd.s32 v6, v17  }
0x268: {  	v38 =	vshll.u32 v18, $0x10  }
0x269: {  	v18 =	vand.u32 $0xFFFF0000, v18;
	v22 =	vmul.f32 v38, v19  }
0x26a: {  	v18 =	vmul.f32 v18, v19  }
0x26b: {  	[tilespmem:v20+s2+$0x0] =	vst.idx.add.f32.msk $0xffff, v22  }
0x26c: {  	[tilespmem:v37+s2+$0x0] =	vst.idx.add.f32.msk $0xffff, v18  }
0x26d: {  	v18 =	vld [tilespmem:s7+$0xFFFFFFF0];
	_ =	sdelay $0x2  }
0x26e: {  	v20 =	vadd.s32 v7, v17  }
0x26f: {  	v39 =	vadd.s32 v8, v17  }
0x270: {  	v40 =	vshll.u32 v18, $0x10  }
0x271: {  	v18 =	vand.u32 $0xFFFF0000, v18;
	v22 =	vmul.f32 v40, v19  }
0x272: {  	v18 =	vmul.f32 v18, v19  }
0x273: {  	[tilespmem:v20+s2+$0x0] =	vst.idx.add.f32.msk $0xffff, v22  }
0x274: {  	[tilespmem:v39+s2+$0x0] =	vst.idx.add.f32.msk $0xffff, v18  }
0x275: {  	v18 =	vld [tilespmem:s7+$0x0];
	_ =	sdelay $0x2  }
0x276: {  	v20 =	vadd.s32 v9, v17  }
0x277: {  	v41 =	vadd.s32 v10, v17  }
0x278: {  	v42 =	vshll.u32 v18, $0x10  }
0x279: {  	v18 =	vand.u32 $0xFFFF0000, v18;
	v22 =	vmul.f32 v42, v19  }
0x27a: {  	v18 =	vmul.f32 v18, v19  }
0x27b: {  	[tilespmem:v20+s2+$0x0] =	vst.idx.add.f32.msk $0xffff, v22  }
0x27c: {  	[tilespmem:v41+s2+$0x0] =	vst.idx.add.f32.msk $0xffff, v18  }
0x27d: {  	v18 =	vld [tilespmem:s7+$0x10];
	_ =	sdelay $0x2  }
0x27e: {  	v20 =	vadd.s32 v11, v17  }
0x27f: {  	v43 =	vadd.s32 v12, v17  }
0x280: {  	v44 =	vshll.u32 v18, $0x10  }
0x281: {  	v18 =	vand.u32 $0xFFFF0000, v18;
	v22 =	vmul.f32 v44, v19  }
0x282: {  	v18 =	vmul.f32 v18, v19  }
0x283: {  	[tilespmem:v20+s2+$0x0] =	vst.idx.add.f32.msk $0xffff, v22  }
0x284: {  	[tilespmem:v43+s2+$0x0] =	vst.idx.add.f32.msk $0xffff, v18  }
0x285: {  	v18 =	vld [tilespmem:s7+$0x20];
	_ =	sdelay $0x2  }
0x286: {  	v20 =	vadd.s32 v13, v17  }
0x287: {  	v45 =	vadd.s32 v14, v17  }
0x288: {  	v46 =	vshll.u32 v18, $0x10  }
0x289: {  	v18 =	vand.u32 $0xFFFF0000, v18;
	v22 =	vmul.f32 v46, v19  }
0x28a: {  	v18 =	vmul.f32 v18, v19  }
0x28b: {  	[tilespmem:v20+s2+$0x0] =	vst.idx.add.f32.msk $0xffff, v22  }
0x28c: {  	[tilespmem:v45+s2+$0x0] =	vst.idx.add.f32.msk $0xffff, v18  }
0x28d: {  	v18 =	vld [tilespmem:s7+$0x30];
	_ =	sdelay $0x2  }
0x28e: {  	v20 =	vadd.s32 v15, v17  }
0x28f: {  	v17 =	vadd.s32 v16, v17  }
0x290: {  	v47 =	vshll.u32 v18, $0x10  }
0x291: {  	v18 =	vand.u32 $0xFFFF0000, v18;
	v21 =	vmul.f32 v47, v19  }
0x292: {  	v18 =	vmul.f32 v18, v19  }
0x293: {  	s18 =	sadd.s32 $0x0, s14;
	[tilespmem:v20+s2+$0x0] =	vst.idx.add.f32.msk $0xffff, v21  }
0x294: {  	s8 =	sadd.s32 $0x11180, s6;
	[tilespmem:v17+s2+$0x0] =	vst.idx.add.f32.msk $0xffff, v18;
	v17 =	vmov s18  }
0x295: {  	[tilespmem:s17], [sflag:$0x3] =	stream.indirect.gather [hbm4b:s3+s10], $0x80, s8, s10, $0xb8;
	[tilespmem:$0x19100] =	vst v63  }
0x296: {  	_ =	swait.ge [sflag:s30], $0x400  }
0x297: {  	[sflag:s30] =	ssyncset.done $0x0  }
0x298: {  	[sflag:s30] =	ssyncadd.s32 $0xFFFFFC00  }
0x299: {  	v18 =	vld.idx.msk [tilespmem:v17+s12+$0x0], $0xffff  }
0x29a: {  	s7 =	simm.s32 $0x18140  }
0x29b: {  	v19 =	vld [tilespmem:s7+$0xFFFFFFC0]  }
0x29c: {  	v17 =	vld.idx.msk [tilespmem:v17+s11+$0x0], $0xffff;
	_ =	sdelay $0x1  }
0x29d: {  	v20 =	vadd.s32 v1, v18  }
0x29e: {  	v48 =	vadd.s32 v2, v18  }
0x29f: {  	v49 =	vshll.u32 v19, $0x10  }
0x2a0: {  	v19 =	vand.u32 $0xFFFF0000, v19;
	v22 =	vmul.f32 v49, v17  }
0x2a1: {  	v19 =	vmul.f32 v19, v17  }
0x2a2: {  	[tilespmem:v20+s2+$0x0] =	vst.idx.add.f32.msk $0xffff, v22  }
0x2a3: {  	[tilespmem:v48+s2+$0x0] =	vst.idx.add.f32.msk $0xffff, v19  }
0x2a4: {  	v19 =	vld [tilespmem:s7+$0xFFFFFFD0];
	_ =	sdelay $0x2  }
0x2a5: {  	v20 =	vadd.s32 v3, v18  }
0x2a6: {  	v50 =	vadd.s32 v4, v18  }
0x2a7: {  	v51 =	vshll.u32 v19, $0x10  }
0x2a8: {  	v19 =	vand.u32 $0xFFFF0000, v19;
	v22 =	vmul.f32 v51, v17  }
0x2a9: {  	v19 =	vmul.f32 v19, v17  }
0x2aa: {  	[tilespmem:v20+s2+$0x0] =	vst.idx.add.f32.msk $0xffff, v22  }
0x2ab: {  	[tilespmem:v50+s2+$0x0] =	vst.idx.add.f32.msk $0xffff, v19  }
0x2ac: {  	v19 =	vld [tilespmem:s7+$0xFFFFFFE0];
	_ =	sdelay $0x2  }
0x2ad: {  	v20 =	vadd.s32 v5, v18  }
0x2ae: {  	v52 =	vadd.s32 v6, v18  }
0x2af: {  	v53 =	vshll.u32 v19, $0x10  }
0x2b0: {  	v19 =	vand.u32 $0xFFFF0000, v19;
	v22 =	vmul.f32 v53, v17  }
0x2b1: {  	v19 =	vmul.f32 v19, v17  }
0x2b2: {  	[tilespmem:v20+s2+$0x0] =	vst.idx.add.f32.msk $0xffff, v22  }
0x2b3: {  	[tilespmem:v52+s2+$0x0] =	vst.idx.add.f32.msk $0xffff, v19  }
0x2b4: {  	v19 =	vld [tilespmem:s7+$0xFFFFFFF0];
	_ =	sdelay $0x2  }
0x2b5: {  	v20 =	vadd.s32 v7, v18  }
0x2b6: {  	v54 =	vadd.s32 v8, v18  }
0x2b7: {  	v55 =	vshll.u32 v19, $0x10  }
0x2b8: {  	v19 =	vand.u32 $0xFFFF0000, v19;
	v22 =	vmul.f32 v55, v17  }
0x2b9: {  	v19 =	vmul.f32 v19, v17  }
0x2ba: {  	[tilespmem:v20+s2+$0x0] =	vst.idx.add.f32.msk $0xffff, v22  }
0x2bb: {  	[tilespmem:v54+s2+$0x0] =	vst.idx.add.f32.msk $0xffff, v19  }
0x2bc: {  	v19 =	vld [tilespmem:s7+$0x0];
	_ =	sdelay $0x2  }
0x2bd: {  	v20 =	vadd.s32 v9, v18  }
0x2be: {  	v56 =	vadd.s32 v10, v18  }
0x2bf: {  	v57 =	vshll.u32 v19, $0x10  }
0x2c0: {  	v19 =	vand.u32 $0xFFFF0000, v19;
	v22 =	vmul.f32 v57, v17  }
0x2c1: {  	v19 =	vmul.f32 v19, v17  }
0x2c2: {  	[tilespmem:v20+s2+$0x0] =	vst.idx.add.f32.msk $0xffff, v22  }
0x2c3: {  	[tilespmem:v56+s2+$0x0] =	vst.idx.add.f32.msk $0xffff, v19  }
0x2c4: {  	v19 =	vld [tilespmem:s7+$0x10];
	_ =	sdelay $0x2  }
0x2c5: {  	v20 =	vadd.s32 v11, v18  }
0x2c6: {  	v58 =	vadd.s32 v12, v18  }
0x2c7: {  	v59 =	vshll.u32 v19, $0x10  }
0x2c8: {  	v19 =	vand.u32 $0xFFFF0000, v19;
	v22 =	vmul.f32 v59, v17  }
0x2c9: {  	v19 =	vmul.f32 v19, v17  }
0x2ca: {  	[tilespmem:v20+s2+$0x0] =	vst.idx.add.f32.msk $0xffff, v22  }
0x2cb: {  	[tilespmem:v58+s2+$0x0] =	vst.idx.add.f32.msk $0xffff, v19  }
0x2cc: {  	v19 =	vld [tilespmem:s7+$0x20];
	_ =	sdelay $0x2  }
0x2cd: {  	v20 =	vadd.s32 v13, v18  }
0x2ce: {  	v60 =	vadd.s32 v14, v18  }
0x2cf: {  	v61 =	vshll.u32 v19, $0x10  }
0x2d0: {  	v19 =	vand.u32 $0xFFFF0000, v19;
	v22 =	vmul.f32 v61, v17  }
0x2d1: {  	v19 =	vmul.f32 v19, v17  }
0x2d2: {  	[tilespmem:v20+s2+$0x0] =	vst.idx.add.f32.msk $0xffff, v22  }
0x2d3: {  	[tilespmem:v60+s2+$0x0] =	vst.idx.add.f32.msk $0xffff, v19  }
0x2d4: {  	v19 =	vld [tilespmem:s7+$0x30];
	_ =	sdelay $0x2  }
0x2d5: {  	v20 =	vadd.s32 v15, v18;
	_ =	sdelay $0x1  }
0x2d6: {  	s18 =	sadd.s32 $0x1, s14;
	v18 =	vadd.s32 v16, v18;
	v62 =	vshll.u32 v19, $0x10  }
0x2d7: {  	v63 =	vand.u32 $0xFFFF0000, v19;
	v19 =	vmov s18;
	v21 =	vmul.f32 v62, v17;
	_ =	sdelay $0x1  }
0x2d8: {  	s8 =	simm.s32 $0x2;
	v17 =	vmul.f32 v63, v17;
	[tilespmem:v20+s2+$0x0] =	vst.idx.add.f32.msk $0xffff, v21  }
.LBB2_11:
0x2d9: {  	p0 =	sne.s32 s8, $0x7  }
0x2da: {  	[tilespmem:v18+s2+$0x0] =	vst.idx.add.f32.msk $0xffff, v17;
	s7 =	sadd.s32 $0x80, s7;
	s18 =	smov.u32 s8;
	s8 =	sadd.s32 $0x1, s8  }
0x2db: {  	v18 =	vld.idx.msk [tilespmem:v19+s12+$0x0], $0xffff;
	_ =	sdelay $0x1  }
0x2dc: {  	v20 =	vld [tilespmem:s7+$0xFFFFFFC0]  }
0x2dd: {  	v17 =	vld.idx.msk [tilespmem:v19+s11+$0x0], $0xffff;
	_ =	sdelay $0x2  }
0x2de: {  	v19 =	vadd.s32 v1, v18  }
0x2df: {  	v22 =	vadd.s32 v2, v18;
	v21 =	vshll.u32 v20, $0x10;
	v20 =	vand.u32 $0xFFFF0000, v20;
	_ =	sdelay $0x1  }
0x2e0: {  	v21 =	vmul.f32 v21, v17;
	v20 =	vmul.f32 v20, v17;
	_ =	sdelay $0x1  }
0x2e1: {  	[tilespmem:v19+s2+$0x0] =	vst.idx.add.f32.msk $0xffff, v21  }
0x2e2: {  	[tilespmem:v22+s2+$0x0] =	vst.idx.add.f32.msk $0xffff, v20  }
0x2e3: {  	v19 =	vld [tilespmem:s7+$0xFFFFFFD0];
	_ =	sdelay $0x2  }
0x2e4: {  	v20 =	vadd.s32 v3, v18  }
0x2e5: {  	v21 =	vadd.s32 v4, v18  }
0x2e6: {  	v22 =	vshll.u32 v19, $0x10;
	v19 =	vand.u32 $0xFFFF0000, v19  }
0x2e7: {  	v22 =	vmul.f32 v22, v17  }
0x2e8: {  	v19 =	vmul.f32 v19, v17  }
0x2e9: {  	[tilespmem:v20+s2+$0x0] =	vst.idx.add.f32.msk $0xffff, v22  }
0x2ea: {  	[tilespmem:v21+s2+$0x0] =	vst.idx.add.f32.msk $0xffff, v19  }
0x2eb: {  	v19 =	vld [tilespmem:s7+$0xFFFFFFE0];
	_ =	sdelay $0x2  }
0x2ec: {  	v20 =	vadd.s32 v5, v18  }
0x2ed: {  	v21 =	vadd.s32 v6, v18  }
0x2ee: {  	v22 =	vshll.u32 v19, $0x10;
	v19 =	vand.u32 $0xFFFF0000, v19  }
0x2ef: {  	v22 =	vmul.f32 v22, v17  }
0x2f0: {  	v19 =	vmul.f32 v19, v17  }
0x2f1: {  	[tilespmem:v20+s2+$0x0] =	vst.idx.add.f32.msk $0xffff, v22  }
0x2f2: {  	[tilespmem:v21+s2+$0x0] =	vst.idx.add.f32.msk $0xffff, v19  }
0x2f3: {  	v19 =	vld [tilespmem:s7+$0xFFFFFFF0];
	_ =	sdelay $0x2  }
0x2f4: {  	v20 =	vadd.s32 v7, v18  }
0x2f5: {  	v21 =	vadd.s32 v8, v18  }
0x2f6: {  	v22 =	vshll.u32 v19, $0x10;
	v19 =	vand.u32 $0xFFFF0000, v19  }
0x2f7: {  	v22 =	vmul.f32 v22, v17  }
0x2f8: {  	v19 =	vmul.f32 v19, v17  }
0x2f9: {  	[tilespmem:v20+s2+$0x0] =	vst.idx.add.f32.msk $0xffff, v22  }
0x2fa: {  	[tilespmem:v21+s2+$0x0] =	vst.idx.add.f32.msk $0xffff, v19  }
0x2fb: {  	v19 =	vld [tilespmem:s7+$0x0];
	_ =	sdelay $0x2  }
0x2fc: {  	v20 =	vadd.s32 v9, v18  }
0x2fd: {  	v21 =	vadd.s32 v10, v18  }
0x2fe: {  	v22 =	vshll.u32 v19, $0x10;
	v19 =	vand.u32 $0xFFFF0000, v19  }
0x2ff: {  	v22 =	vmul.f32 v22, v17  }
0x300: {  	v19 =	vmul.f32 v19, v17  }
0x301: {  	[tilespmem:v20+s2+$0x0] =	vst.idx.add.f32.msk $0xffff, v22  }
0x302: {  	[tilespmem:v21+s2+$0x0] =	vst.idx.add.f32.msk $0xffff, v19  }
0x303: {  	v19 =	vld [tilespmem:s7+$0x10];
	_ =	sdelay $0x2  }
0x304: {  	v20 =	vadd.s32 v11, v18  }
0x305: {  	v21 =	vadd.s32 v12, v18  }
0x306: {  	v22 =	vshll.u32 v19, $0x10;
	v19 =	vand.u32 $0xFFFF0000, v19  }
0x307: {  	v22 =	vmul.f32 v22, v17  }
0x308: {  	v19 =	vmul.f32 v19, v17  }
0x309: {  	[tilespmem:v20+s2+$0x0] =	vst.idx.add.f32.msk $0xffff, v22  }
0x30a: {  	[tilespmem:v21+s2+$0x0] =	vst.idx.add.f32.msk $0xffff, v19  }
0x30b: {  	v19 =	vld [tilespmem:s7+$0x20];
	_ =	sdelay $0x2  }
0x30c: {  	v20 =	vadd.s32 v13, v18  }
0x30d: {  	v21 =	vadd.s32 v14, v18  }
0x30e: {  	v22 =	vshll.u32 v19, $0x10;
	v19 =	vand.u32 $0xFFFF0000, v19  }
0x30f: {  	v22 =	vmul.f32 v22, v17  }
0x310: {  	v19 =	vmul.f32 v19, v17  }
0x311: {  	[tilespmem:v20+s2+$0x0] =	vst.idx.add.f32.msk $0xffff, v22  }
0x312: {  	[tilespmem:v21+s2+$0x0] =	vst.idx.add.f32.msk $0xffff, v19  }
0x313: {  	v20 =	vld [tilespmem:s7+$0x30];
	_ =	sdelay $0x2  }
0x314: {  	v21 =	vadd.s32 v15, v18  }
.Ltmp4:
0x315: {  	s18 =	sadd.s32 s18, s14;
	v18 =	vadd.s32 v16, v18;
	(pc) =	sbr.rel @p0 .LBB2_11-.Ltmp4, $4  }
0x316: {  	v19 =	vmov s18;
	v22 =	vshll.u32 v20, $0x10;
	v20 =	vand.u32 $0xFFFF0000, v20  }
0x317: {  	v22 =	vmul.f32 v22, v17  }
0x318: {  	v17 =	vmul.f32 v20, v17  }
0x319: {  	[tilespmem:v21+s2+$0x0] =	vst.idx.add.f32.msk $0xffff, v22  }
0x31a: {  	_ =	sdelay $0x3  }
0x31b: {  	[tilespmem:v18+s2+$0x0] =	vst.idx.add.f32.msk $0xffff, v17  }
0x31c: {  	v17 =	vld.idx.msk [tilespmem:v19+s12+$0x0], $0xffff  }
0x31d: {  	s7 =	sadd.s32 $0x80, s7  }
0x31e: {  	v18 =	vld [tilespmem:s7+$0xFFFFFFC0]  }
0x31f: {  	v19 =	vld.idx.msk [tilespmem:v19+s11+$0x0], $0xffff;
	_ =	sdelay $0x1  }
0x320: {  	v20 =	vadd.s32 v1, v17  }
0x321: {  	v21 =	vadd.s32 v2, v17  }
0x322: {  	v22 =	vshll.u32 v18, $0x10  }
0x323: {  	v18 =	vand.u32 $0xFFFF0000, v18;
	v22 =	vmul.f32 v22, v19  }
0x324: {  	v18 =	vmul.f32 v18, v19  }
0x325: {  	[tilespmem:v20+s2+$0x0] =	vst.idx.add.f32.msk $0xffff, v22  }
0x326: {  	[tilespmem:v21+s2+$0x0] =	vst.idx.add.f32.msk $0xffff, v18  }
0x327: {  	v18 =	vld [tilespmem:s7+$0xFFFFFFD0];
	_ =	sdelay $0x2  }
0x328: {  	v20 =	vadd.s32 v3, v17  }
0x329: {  	v35 =	vadd.s32 v4, v17  }
0x32a: {  	v36 =	vshll.u32 v18, $0x10  }
0x32b: {  	v18 =	vand.u32 $0xFFFF0000, v18;
	v22 =	vmul.f32 v36, v19  }
0x32c: {  	v18 =	vmul.f32 v18, v19  }
0x32d: {  	[tilespmem:v20+s2+$0x0] =	vst.idx.add.f32.msk $0xffff, v22  }
0x32e: {  	[tilespmem:v35+s2+$0x0] =	vst.idx.add.f32.msk $0xffff, v18  }
0x32f: {  	v18 =	vld [tilespmem:s7+$0xFFFFFFE0];
	_ =	sdelay $0x2  }
0x330: {  	v20 =	vadd.s32 v5, v17  }
0x331: {  	v37 =	vadd.s32 v6, v17  }
0x332: {  	v38 =	vshll.u32 v18, $0x10  }
0x333: {  	v18 =	vand.u32 $0xFFFF0000, v18;
	v22 =	vmul.f32 v38, v19  }
0x334: {  	v18 =	vmul.f32 v18, v19  }
0x335: {  	[tilespmem:v20+s2+$0x0] =	vst.idx.add.f32.msk $0xffff, v22  }
0x336: {  	[tilespmem:v37+s2+$0x0] =	vst.idx.add.f32.msk $0xffff, v18  }
0x337: {  	v18 =	vld [tilespmem:s7+$0xFFFFFFF0];
	_ =	sdelay $0x2  }
0x338: {  	v20 =	vadd.s32 v7, v17  }
0x339: {  	v39 =	vadd.s32 v8, v17  }
0x33a: {  	v40 =	vshll.u32 v18, $0x10  }
0x33b: {  	v18 =	vand.u32 $0xFFFF0000, v18;
	v22 =	vmul.f32 v40, v19  }
0x33c: {  	v18 =	vmul.f32 v18, v19  }
0x33d: {  	[tilespmem:v20+s2+$0x0] =	vst.idx.add.f32.msk $0xffff, v22  }
0x33e: {  	[tilespmem:v39+s2+$0x0] =	vst.idx.add.f32.msk $0xffff, v18  }
0x33f: {  	v18 =	vld [tilespmem:s7+$0x0];
	_ =	sdelay $0x2  }
0x340: {  	v20 =	vadd.s32 v9, v17  }
0x341: {  	v41 =	vadd.s32 v10, v17  }
0x342: {  	v42 =	vshll.u32 v18, $0x10  }
0x343: {  	v18 =	vand.u32 $0xFFFF0000, v18;
	v22 =	vmul.f32 v42, v19  }
0x344: {  	v18 =	vmul.f32 v18, v19  }
0x345: {  	[tilespmem:v20+s2+$0x0] =	vst.idx.add.f32.msk $0xffff, v22  }
0x346: {  	[tilespmem:v41+s2+$0x0] =	vst.idx.add.f32.msk $0xffff, v18  }
0x347: {  	v18 =	vld [tilespmem:s7+$0x10];
	_ =	sdelay $0x2  }
0x348: {  	v20 =	vadd.s32 v11, v17  }
0x349: {  	v43 =	vadd.s32 v12, v17  }
0x34a: {  	v44 =	vshll.u32 v18, $0x10  }
0x34b: {  	v18 =	vand.u32 $0xFFFF0000, v18;
	v22 =	vmul.f32 v44, v19  }
0x34c: {  	v18 =	vmul.f32 v18, v19  }
0x34d: {  	[tilespmem:v20+s2+$0x0] =	vst.idx.add.f32.msk $0xffff, v22  }
0x34e: {  	[tilespmem:v43+s2+$0x0] =	vst.idx.add.f32.msk $0xffff, v18  }
0x34f: {  	v18 =	vld [tilespmem:s7+$0x20];
	_ =	sdelay $0x2  }
0x350: {  	v20 =	vadd.s32 v13, v17  }
0x351: {  	v45 =	vadd.s32 v14, v17  }
0x352: {  	v46 =	vshll.u32 v18, $0x10  }
0x353: {  	v18 =	vand.u32 $0xFFFF0000, v18;
	v22 =	vmul.f32 v46, v19  }
0x354: {  	v18 =	vmul.f32 v18, v19  }
0x355: {  	[tilespmem:v20+s2+$0x0] =	vst.idx.add.f32.msk $0xffff, v22  }
0x356: {  	[tilespmem:v45+s2+$0x0] =	vst.idx.add.f32.msk $0xffff, v18  }
0x357: {  	v18 =	vld [tilespmem:s7+$0x30];
	_ =	sdelay $0x2  }
0x358: {  	v20 =	vadd.s32 v15, v17  }
0x359: {  	v17 =	vadd.s32 v16, v17  }
0x35a: {  	v47 =	vshll.u32 v18, $0x10  }
0x35b: {  	v18 =	vand.u32 $0xFFFF0000, v18;
	v21 =	vmul.f32 v47, v19  }
0x35c: {  	v18 =	vmul.f32 v18, v19  }
0x35d: {  	s18 =	sadd.s32 $0x0, s16;
	[tilespmem:v20+s2+$0x0] =	vst.idx.add.f32.msk $0xffff, v21  }
0x35e: {  	s8 =	sadd.s32 $0x11200, s6;
	[tilespmem:v17+s2+$0x0] =	vst.idx.add.f32.msk $0xffff, v18;
	v17 =	vmov s18  }
0x35f: {  	[tilespmem:s19], [sflag:$0x4] =	stream.indirect.gather [hbm4b:s3+s10], $0x80, s8, s10, $0xb8;
	[tilespmem:$0x19100] =	vst v63  }
0x360: {  	_ =	swait.ge [sflag:s31], $0x400  }
0x361: {  	[sflag:s31] =	ssyncset.done $0x0  }
0x362: {  	[sflag:s31] =	ssyncadd.s32 $0xFFFFFC00  }
0x363: {  	v18 =	vld.idx.msk [tilespmem:v17+s12+$0x0], $0xffff  }
0x364: {  	s7 =	simm.s32 $0x18540  }
0x365: {  	v19 =	vld [tilespmem:s7+$0xFFFFFFC0]  }
0x366: {  	v17 =	vld.idx.msk [tilespmem:v17+s11+$0x0], $0xffff;
	_ =	sdelay $0x1  }
0x367: {  	v20 =	vadd.s32 v1, v18  }
0x368: {  	v48 =	vadd.s32 v2, v18  }
0x369: {  	v49 =	vshll.u32 v19, $0x10  }
0x36a: {  	v19 =	vand.u32 $0xFFFF0000, v19;
	v22 =	vmul.f32 v49, v17  }
0x36b: {  	v19 =	vmul.f32 v19, v17  }
0x36c: {  	[tilespmem:v20+s2+$0x0] =	vst.idx.add.f32.msk $0xffff, v22  }
0x36d: {  	[tilespmem:v48+s2+$0x0] =	vst.idx.add.f32.msk $0xffff, v19  }
0x36e: {  	v19 =	vld [tilespmem:s7+$0xFFFFFFD0];
	_ =	sdelay $0x2  }
0x36f: {  	v20 =	vadd.s32 v3, v18  }
0x370: {  	v50 =	vadd.s32 v4, v18  }
0x371: {  	v51 =	vshll.u32 v19, $0x10  }
0x372: {  	v19 =	vand.u32 $0xFFFF0000, v19;
	v22 =	vmul.f32 v51, v17  }
0x373: {  	v19 =	vmul.f32 v19, v17  }
0x374: {  	[tilespmem:v20+s2+$0x0] =	vst.idx.add.f32.msk $0xffff, v22  }
0x375: {  	[tilespmem:v50+s2+$0x0] =	vst.idx.add.f32.msk $0xffff, v19  }
0x376: {  	v19 =	vld [tilespmem:s7+$0xFFFFFFE0];
	_ =	sdelay $0x2  }
0x377: {  	v20 =	vadd.s32 v5, v18  }
0x378: {  	v52 =	vadd.s32 v6, v18  }
0x379: {  	v53 =	vshll.u32 v19, $0x10  }
0x37a: {  	v19 =	vand.u32 $0xFFFF0000, v19;
	v22 =	vmul.f32 v53, v17  }
0x37b: {  	v19 =	vmul.f32 v19, v17  }
0x37c: {  	[tilespmem:v20+s2+$0x0] =	vst.idx.add.f32.msk $0xffff, v22  }
0x37d: {  	[tilespmem:v52+s2+$0x0] =	vst.idx.add.f32.msk $0xffff, v19  }
0x37e: {  	v19 =	vld [tilespmem:s7+$0xFFFFFFF0];
	_ =	sdelay $0x2  }
0x37f: {  	v20 =	vadd.s32 v7, v18  }
0x380: {  	v54 =	vadd.s32 v8, v18  }
0x381: {  	v55 =	vshll.u32 v19, $0x10  }
0x382: {  	v19 =	vand.u32 $0xFFFF0000, v19;
	v22 =	vmul.f32 v55, v17  }
0x383: {  	v19 =	vmul.f32 v19, v17  }
0x384: {  	[tilespmem:v20+s2+$0x0] =	vst.idx.add.f32.msk $0xffff, v22  }
0x385: {  	[tilespmem:v54+s2+$0x0] =	vst.idx.add.f32.msk $0xffff, v19  }
0x386: {  	v19 =	vld [tilespmem:s7+$0x0];
	_ =	sdelay $0x2  }
0x387: {  	v20 =	vadd.s32 v9, v18  }
0x388: {  	v56 =	vadd.s32 v10, v18  }
0x389: {  	v57 =	vshll.u32 v19, $0x10  }
0x38a: {  	v19 =	vand.u32 $0xFFFF0000, v19;
	v22 =	vmul.f32 v57, v17  }
0x38b: {  	v19 =	vmul.f32 v19, v17  }
0x38c: {  	[tilespmem:v20+s2+$0x0] =	vst.idx.add.f32.msk $0xffff, v22  }
0x38d: {  	[tilespmem:v56+s2+$0x0] =	vst.idx.add.f32.msk $0xffff, v19  }
0x38e: {  	v19 =	vld [tilespmem:s7+$0x10];
	_ =	sdelay $0x2  }
0x38f: {  	v20 =	vadd.s32 v11, v18  }
0x390: {  	v58 =	vadd.s32 v12, v18  }
0x391: {  	v59 =	vshll.u32 v19, $0x10  }
0x392: {  	v19 =	vand.u32 $0xFFFF0000, v19;
	v22 =	vmul.f32 v59, v17  }
0x393: {  	v19 =	vmul.f32 v19, v17  }
0x394: {  	[tilespmem:v20+s2+$0x0] =	vst.idx.add.f32.msk $0xffff, v22  }
0x395: {  	[tilespmem:v58+s2+$0x0] =	vst.idx.add.f32.msk $0xffff, v19  }
0x396: {  	v19 =	vld [tilespmem:s7+$0x20];
	_ =	sdelay $0x2  }
0x397: {  	v20 =	vadd.s32 v13, v18  }
0x398: {  	v60 =	vadd.s32 v14, v18  }
0x399: {  	v61 =	vshll.u32 v19, $0x10  }
0x39a: {  	v19 =	vand.u32 $0xFFFF0000, v19;
	v22 =	vmul.f32 v61, v17  }
0x39b: {  	v19 =	vmul.f32 v19, v17  }
0x39c: {  	[tilespmem:v20+s2+$0x0] =	vst.idx.add.f32.msk $0xffff, v22  }
0x39d: {  	[tilespmem:v60+s2+$0x0] =	vst.idx.add.f32.msk $0xffff, v19  }
0x39e: {  	v19 =	vld [tilespmem:s7+$0x30];
	_ =	sdelay $0x2  }
0x39f: {  	v20 =	vadd.s32 v15, v18;
	_ =	sdelay $0x1  }
0x3a0: {  	s18 =	sadd.s32 $0x1, s16;
	v18 =	vadd.s32 v16, v18;
	v62 =	vshll.u32 v19, $0x10  }
0x3a1: {  	v63 =	vand.u32 $0xFFFF0000, v19;
	v19 =	vmov s18;
	v21 =	vmul.f32 v62, v17;
	_ =	sdelay $0x1  }
0x3a2: {  	s8 =	simm.s32 $0x2;
	v17 =	vmul.f32 v63, v17;
	[tilespmem:v20+s2+$0x0] =	vst.idx.add.f32.msk $0xffff, v21  }
.LBB2_13:
0x3a3: {  	p0 =	sne.s32 s8, $0x7  }
0x3a4: {  	[tilespmem:v18+s2+$0x0] =	vst.idx.add.f32.msk $0xffff, v17;
	s7 =	sadd.s32 $0x80, s7;
	s18 =	smov.u32 s8;
	s8 =	sadd.s32 $0x1, s8  }
0x3a5: {  	v18 =	vld.idx.msk [tilespmem:v19+s12+$0x0], $0xffff;
	_ =	sdelay $0x1  }
0x3a6: {  	v20 =	vld [tilespmem:s7+$0xFFFFFFC0]  }
0x3a7: {  	v17 =	vld.idx.msk [tilespmem:v19+s11+$0x0], $0xffff;
	_ =	sdelay $0x2  }
0x3a8: {  	v19 =	vadd.s32 v1, v18  }
0x3a9: {  	v22 =	vadd.s32 v2, v18;
	v21 =	vshll.u32 v20, $0x10;
	v20 =	vand.u32 $0xFFFF0000, v20;
	_ =	sdelay $0x1  }
0x3aa: {  	v21 =	vmul.f32 v21, v17;
	v20 =	vmul.f32 v20, v17;
	_ =	sdelay $0x1  }
0x3ab: {  	[tilespmem:v19+s2+$0x0] =	vst.idx.add.f32.msk $0xffff, v21  }
0x3ac: {  	[tilespmem:v22+s2+$0x0] =	vst.idx.add.f32.msk $0xffff, v20  }
0x3ad: {  	v19 =	vld [tilespmem:s7+$0xFFFFFFD0];
	_ =	sdelay $0x2  }
0x3ae: {  	v20 =	vadd.s32 v3, v18  }
0x3af: {  	v21 =	vadd.s32 v4, v18  }
0x3b0: {  	v22 =	vshll.u32 v19, $0x10;
	v19 =	vand.u32 $0xFFFF0000, v19  }
0x3b1: {  	v22 =	vmul.f32 v22, v17  }
0x3b2: {  	v19 =	vmul.f32 v19, v17  }
0x3b3: {  	[tilespmem:v20+s2+$0x0] =	vst.idx.add.f32.msk $0xffff, v22  }
0x3b4: {  	[tilespmem:v21+s2+$0x0] =	vst.idx.add.f32.msk $0xffff, v19  }
0x3b5: {  	v19 =	vld [tilespmem:s7+$0xFFFFFFE0];
	_ =	sdelay $0x2  }
0x3b6: {  	v20 =	vadd.s32 v5, v18  }
0x3b7: {  	v21 =	vadd.s32 v6, v18  }
0x3b8: {  	v22 =	vshll.u32 v19, $0x10;
	v19 =	vand.u32 $0xFFFF0000, v19  }
0x3b9: {  	v22 =	vmul.f32 v22, v17  }
0x3ba: {  	v19 =	vmul.f32 v19, v17  }
0x3bb: {  	[tilespmem:v20+s2+$0x0] =	vst.idx.add.f32.msk $0xffff, v22  }
0x3bc: {  	[tilespmem:v21+s2+$0x0] =	vst.idx.add.f32.msk $0xffff, v19  }
0x3bd: {  	v19 =	vld [tilespmem:s7+$0xFFFFFFF0];
	_ =	sdelay $0x2  }
0x3be: {  	v20 =	vadd.s32 v7, v18  }
0x3bf: {  	v21 =	vadd.s32 v8, v18  }
0x3c0: {  	v22 =	vshll.u32 v19, $0x10;
	v19 =	vand.u32 $0xFFFF0000, v19  }
0x3c1: {  	v22 =	vmul.f32 v22, v17  }
0x3c2: {  	v19 =	vmul.f32 v19, v17  }
0x3c3: {  	[tilespmem:v20+s2+$0x0] =	vst.idx.add.f32.msk $0xffff, v22  }
0x3c4: {  	[tilespmem:v21+s2+$0x0] =	vst.idx.add.f32.msk $0xffff, v19  }
0x3c5: {  	v19 =	vld [tilespmem:s7+$0x0];
	_ =	sdelay $0x2  }
0x3c6: {  	v20 =	vadd.s32 v9, v18  }
0x3c7: {  	v21 =	vadd.s32 v10, v18  }
0x3c8: {  	v22 =	vshll.u32 v19, $0x10;
	v19 =	vand.u32 $0xFFFF0000, v19  }
0x3c9: {  	v22 =	vmul.f32 v22, v17  }
0x3ca: {  	v19 =	vmul.f32 v19, v17  }
0x3cb: {  	[tilespmem:v20+s2+$0x0] =	vst.idx.add.f32.msk $0xffff, v22  }
0x3cc: {  	[tilespmem:v21+s2+$0x0] =	vst.idx.add.f32.msk $0xffff, v19  }
0x3cd: {  	v19 =	vld [tilespmem:s7+$0x10];
	_ =	sdelay $0x2  }
0x3ce: {  	v20 =	vadd.s32 v11, v18  }
0x3cf: {  	v21 =	vadd.s32 v12, v18  }
0x3d0: {  	v22 =	vshll.u32 v19, $0x10;
	v19 =	vand.u32 $0xFFFF0000, v19  }
0x3d1: {  	v22 =	vmul.f32 v22, v17  }
0x3d2: {  	v19 =	vmul.f32 v19, v17  }
0x3d3: {  	[tilespmem:v20+s2+$0x0] =	vst.idx.add.f32.msk $0xffff, v22  }
0x3d4: {  	[tilespmem:v21+s2+$0x0] =	vst.idx.add.f32.msk $0xffff, v19  }
0x3d5: {  	v19 =	vld [tilespmem:s7+$0x20];
	_ =	sdelay $0x2  }
0x3d6: {  	v20 =	vadd.s32 v13, v18  }
0x3d7: {  	v21 =	vadd.s32 v14, v18  }
0x3d8: {  	v22 =	vshll.u32 v19, $0x10;
	v19 =	vand.u32 $0xFFFF0000, v19  }
0x3d9: {  	v22 =	vmul.f32 v22, v17  }
0x3da: {  	v19 =	vmul.f32 v19, v17  }
0x3db: {  	[tilespmem:v20+s2+$0x0] =	vst.idx.add.f32.msk $0xffff, v22  }
0x3dc: {  	[tilespmem:v21+s2+$0x0] =	vst.idx.add.f32.msk $0xffff, v19  }
0x3dd: {  	v20 =	vld [tilespmem:s7+$0x30];
	_ =	sdelay $0x2  }
0x3de: {  	v21 =	vadd.s32 v15, v18  }
.Ltmp5:
0x3df: {  	s18 =	sadd.s32 s18, s16;
	v18 =	vadd.s32 v16, v18;
	(pc) =	sbr.rel @p0 .LBB2_13-.Ltmp5, $4  }
0x3e0: {  	v19 =	vmov s18;
	v22 =	vshll.u32 v20, $0x10;
	v20 =	vand.u32 $0xFFFF0000, v20  }
0x3e1: {  	v22 =	vmul.f32 v22, v17  }
0x3e2: {  	v17 =	vmul.f32 v20, v17  }
0x3e3: {  	[tilespmem:v21+s2+$0x0] =	vst.idx.add.f32.msk $0xffff, v22  }
0x3e4: {  	_ =	sdelay $0x3  }
0x3e5: {  	[tilespmem:v18+s2+$0x0] =	vst.idx.add.f32.msk $0xffff, v17  }
0x3e6: {  	v17 =	vld.idx.msk [tilespmem:v19+s12+$0x0], $0xffff  }
0x3e7: {  	s7 =	sadd.s32 $0x80, s7  }
0x3e8: {  	v18 =	vld [tilespmem:s7+$0xFFFFFFC0]  }
0x3e9: {  	v19 =	vld.idx.msk [tilespmem:v19+s11+$0x0], $0xffff;
	_ =	sdelay $0x1  }
0x3ea: {  	v20 =	vadd.s32 v1, v17  }
0x3eb: {  	v21 =	vadd.s32 v2, v17  }
0x3ec: {  	v22 =	vshll.u32 v18, $0x10  }
0x3ed: {  	v18 =	vand.u32 $0xFFFF0000, v18;
	v22 =	vmul.f32 v22, v19  }
0x3ee: {  	v18 =	vmul.f32 v18, v19  }
0x3ef: {  	[tilespmem:v20+s2+$0x0] =	vst.idx.add.f32.msk $0xffff, v22  }
0x3f0: {  	[tilespmem:v21+s2+$0x0] =	vst.idx.add.f32.msk $0xffff, v18  }
0x3f1: {  	v18 =	vld [tilespmem:s7+$0xFFFFFFD0];
	_ =	sdelay $0x2  }
0x3f2: {  	v20 =	vadd.s32 v3, v17  }
0x3f3: {  	v35 =	vadd.s32 v4, v17  }
0x3f4: {  	v36 =	vshll.u32 v18, $0x10  }
0x3f5: {  	v18 =	vand.u32 $0xFFFF0000, v18;
	v22 =	vmul.f32 v36, v19  }
0x3f6: {  	v18 =	vmul.f32 v18, v19  }
0x3f7: {  	[tilespmem:v20+s2+$0x0] =	vst.idx.add.f32.msk $0xffff, v22  }
0x3f8: {  	[tilespmem:v35+s2+$0x0] =	vst.idx.add.f32.msk $0xffff, v18  }
0x3f9: {  	v18 =	vld [tilespmem:s7+$0xFFFFFFE0];
	_ =	sdelay $0x2  }
0x3fa: {  	v20 =	vadd.s32 v5, v17  }
0x3fb: {  	v37 =	vadd.s32 v6, v17  }
0x3fc: {  	v38 =	vshll.u32 v18, $0x10  }
0x3fd: {  	v18 =	vand.u32 $0xFFFF0000, v18;
	v22 =	vmul.f32 v38, v19  }
0x3fe: {  	v18 =	vmul.f32 v18, v19  }
0x3ff: {  	[tilespmem:v20+s2+$0x0] =	vst.idx.add.f32.msk $0xffff, v22  }
0x400: {  	[tilespmem:v37+s2+$0x0] =	vst.idx.add.f32.msk $0xffff, v18  }
0x401: {  	v18 =	vld [tilespmem:s7+$0xFFFFFFF0];
	_ =	sdelay $0x2  }
0x402: {  	v20 =	vadd.s32 v7, v17  }
0x403: {  	v39 =	vadd.s32 v8, v17  }
0x404: {  	v40 =	vshll.u32 v18, $0x10  }
0x405: {  	v18 =	vand.u32 $0xFFFF0000, v18;
	v22 =	vmul.f32 v40, v19  }
0x406: {  	v18 =	vmul.f32 v18, v19  }
0x407: {  	[tilespmem:v20+s2+$0x0] =	vst.idx.add.f32.msk $0xffff, v22  }
0x408: {  	[tilespmem:v39+s2+$0x0] =	vst.idx.add.f32.msk $0xffff, v18  }
0x409: {  	v18 =	vld [tilespmem:s7+$0x0];
	_ =	sdelay $0x2  }
0x40a: {  	v20 =	vadd.s32 v9, v17  }
0x40b: {  	v41 =	vadd.s32 v10, v17  }
0x40c: {  	v42 =	vshll.u32 v18, $0x10  }
0x40d: {  	v18 =	vand.u32 $0xFFFF0000, v18;
	v22 =	vmul.f32 v42, v19  }
0x40e: {  	v18 =	vmul.f32 v18, v19  }
0x40f: {  	[tilespmem:v20+s2+$0x0] =	vst.idx.add.f32.msk $0xffff, v22  }
0x410: {  	[tilespmem:v41+s2+$0x0] =	vst.idx.add.f32.msk $0xffff, v18  }
0x411: {  	v18 =	vld [tilespmem:s7+$0x10];
	_ =	sdelay $0x2  }
0x412: {  	v20 =	vadd.s32 v11, v17  }
0x413: {  	v43 =	vadd.s32 v12, v17  }
0x414: {  	v44 =	vshll.u32 v18, $0x10  }
0x415: {  	v18 =	vand.u32 $0xFFFF0000, v18;
	v22 =	vmul.f32 v44, v19  }
0x416: {  	v18 =	vmul.f32 v18, v19  }
0x417: {  	[tilespmem:v20+s2+$0x0] =	vst.idx.add.f32.msk $0xffff, v22  }
0x418: {  	[tilespmem:v43+s2+$0x0] =	vst.idx.add.f32.msk $0xffff, v18  }
0x419: {  	v18 =	vld [tilespmem:s7+$0x20];
	_ =	sdelay $0x2  }
0x41a: {  	v20 =	vadd.s32 v13, v17  }
0x41b: {  	v45 =	vadd.s32 v14, v17  }
0x41c: {  	v46 =	vshll.u32 v18, $0x10  }
0x41d: {  	v18 =	vand.u32 $0xFFFF0000, v18;
	v22 =	vmul.f32 v46, v19  }
0x41e: {  	v18 =	vmul.f32 v18, v19  }
0x41f: {  	[tilespmem:v20+s2+$0x0] =	vst.idx.add.f32.msk $0xffff, v22  }
0x420: {  	[tilespmem:v45+s2+$0x0] =	vst.idx.add.f32.msk $0xffff, v18  }
0x421: {  	v18 =	vld [tilespmem:s7+$0x30];
	_ =	sdelay $0x2  }
0x422: {  	v20 =	vadd.s32 v15, v17  }
0x423: {  	v17 =	vadd.s32 v16, v17  }
0x424: {  	v47 =	vshll.u32 v18, $0x10  }
0x425: {  	v18 =	vand.u32 $0xFFFF0000, v18;
	v21 =	vmul.f32 v47, v19  }
0x426: {  	v18 =	vmul.f32 v18, v19  }
0x427: {  	s18 =	sadd.s32 $0x0, s9;
	[tilespmem:v20+s2+$0x0] =	vst.idx.add.f32.msk $0xffff, v21  }
0x428: {  	s8 =	sadd.s32 $0x11280, s6;
	[tilespmem:v17+s2+$0x0] =	vst.idx.add.f32.msk $0xffff, v18;
	v17 =	vmov s18  }
0x429: {  	[tilespmem:s21], [sflag:$0x5] =	stream.indirect.gather [hbm4b:s3+s10], $0x80, s8, s10, $0xb8;
	[tilespmem:$0x19100] =	vst v63  }
0x42a: {  	_ =	swait.ge [sflag:s1], $0x400  }
0x42b: {  	[sflag:s1] =	ssyncset.done $0x0  }
0x42c: {  	[sflag:s1] =	ssyncadd.s32 $0xFFFFFC00  }
0x42d: {  	v18 =	vld.idx.msk [tilespmem:v17+s12+$0x0], $0xffff  }
0x42e: {  	s7 =	simm.s32 $0x18940  }
0x42f: {  	v19 =	vld [tilespmem:s7+$0xFFFFFFC0]  }
0x430: {  	v17 =	vld.idx.msk [tilespmem:v17+s11+$0x0], $0xffff;
	_ =	sdelay $0x1  }
0x431: {  	v20 =	vadd.s32 v1, v18  }
0x432: {  	v48 =	vadd.s32 v2, v18  }
0x433: {  	v49 =	vshll.u32 v19, $0x10  }
0x434: {  	v19 =	vand.u32 $0xFFFF0000, v19;
	v22 =	vmul.f32 v49, v17  }
0x435: {  	v19 =	vmul.f32 v19, v17  }
0x436: {  	[tilespmem:v20+s2+$0x0] =	vst.idx.add.f32.msk $0xffff, v22  }
0x437: {  	[tilespmem:v48+s2+$0x0] =	vst.idx.add.f32.msk $0xffff, v19  }
0x438: {  	v19 =	vld [tilespmem:s7+$0xFFFFFFD0];
	_ =	sdelay $0x2  }
0x439: {  	v20 =	vadd.s32 v3, v18  }
0x43a: {  	v50 =	vadd.s32 v4, v18  }
0x43b: {  	v51 =	vshll.u32 v19, $0x10  }
0x43c: {  	v19 =	vand.u32 $0xFFFF0000, v19;
	v22 =	vmul.f32 v51, v17  }
0x43d: {  	v19 =	vmul.f32 v19, v17  }
0x43e: {  	[tilespmem:v20+s2+$0x0] =	vst.idx.add.f32.msk $0xffff, v22  }
0x43f: {  	[tilespmem:v50+s2+$0x0] =	vst.idx.add.f32.msk $0xffff, v19  }
0x440: {  	v19 =	vld [tilespmem:s7+$0xFFFFFFE0];
	_ =	sdelay $0x2  }
0x441: {  	v20 =	vadd.s32 v5, v18  }
0x442: {  	v52 =	vadd.s32 v6, v18  }
0x443: {  	v53 =	vshll.u32 v19, $0x10  }
0x444: {  	v19 =	vand.u32 $0xFFFF0000, v19;
	v22 =	vmul.f32 v53, v17  }
0x445: {  	v19 =	vmul.f32 v19, v17  }
0x446: {  	[tilespmem:v20+s2+$0x0] =	vst.idx.add.f32.msk $0xffff, v22  }
0x447: {  	[tilespmem:v52+s2+$0x0] =	vst.idx.add.f32.msk $0xffff, v19  }
0x448: {  	v19 =	vld [tilespmem:s7+$0xFFFFFFF0];
	_ =	sdelay $0x2  }
0x449: {  	v20 =	vadd.s32 v7, v18  }
0x44a: {  	v54 =	vadd.s32 v8, v18  }
0x44b: {  	v55 =	vshll.u32 v19, $0x10  }
0x44c: {  	v19 =	vand.u32 $0xFFFF0000, v19;
	v22 =	vmul.f32 v55, v17  }
0x44d: {  	v19 =	vmul.f32 v19, v17  }
0x44e: {  	[tilespmem:v20+s2+$0x0] =	vst.idx.add.f32.msk $0xffff, v22  }
0x44f: {  	[tilespmem:v54+s2+$0x0] =	vst.idx.add.f32.msk $0xffff, v19  }
0x450: {  	v19 =	vld [tilespmem:s7+$0x0];
	_ =	sdelay $0x2  }
0x451: {  	v20 =	vadd.s32 v9, v18  }
0x452: {  	v56 =	vadd.s32 v10, v18  }
0x453: {  	v57 =	vshll.u32 v19, $0x10  }
0x454: {  	v19 =	vand.u32 $0xFFFF0000, v19;
	v22 =	vmul.f32 v57, v17  }
0x455: {  	v19 =	vmul.f32 v19, v17  }
0x456: {  	[tilespmem:v20+s2+$0x0] =	vst.idx.add.f32.msk $0xffff, v22  }
0x457: {  	[tilespmem:v56+s2+$0x0] =	vst.idx.add.f32.msk $0xffff, v19  }
0x458: {  	v19 =	vld [tilespmem:s7+$0x10];
	_ =	sdelay $0x2  }
0x459: {  	v20 =	vadd.s32 v11, v18  }
0x45a: {  	v58 =	vadd.s32 v12, v18  }
0x45b: {  	v59 =	vshll.u32 v19, $0x10  }
0x45c: {  	v19 =	vand.u32 $0xFFFF0000, v19;
	v22 =	vmul.f32 v59, v17  }
0x45d: {  	v19 =	vmul.f32 v19, v17  }
0x45e: {  	[tilespmem:v20+s2+$0x0] =	vst.idx.add.f32.msk $0xffff, v22  }
0x45f: {  	[tilespmem:v58+s2+$0x0] =	vst.idx.add.f32.msk $0xffff, v19  }
0x460: {  	v19 =	vld [tilespmem:s7+$0x20];
	_ =	sdelay $0x2  }
0x461: {  	v20 =	vadd.s32 v13, v18  }
0x462: {  	v60 =	vadd.s32 v14, v18  }
0x463: {  	v61 =	vshll.u32 v19, $0x10  }
0x464: {  	v19 =	vand.u32 $0xFFFF0000, v19;
	v22 =	vmul.f32 v61, v17  }
0x465: {  	v19 =	vmul.f32 v19, v17  }
0x466: {  	[tilespmem:v20+s2+$0x0] =	vst.idx.add.f32.msk $0xffff, v22  }
0x467: {  	[tilespmem:v60+s2+$0x0] =	vst.idx.add.f32.msk $0xffff, v19  }
0x468: {  	v19 =	vld [tilespmem:s7+$0x30];
	_ =	sdelay $0x2  }
0x469: {  	v20 =	vadd.s32 v15, v18;
	_ =	sdelay $0x1  }
0x46a: {  	s18 =	sadd.s32 $0x1, s9;
	v18 =	vadd.s32 v16, v18;
	v62 =	vshll.u32 v19, $0x10  }
0x46b: {  	v63 =	vand.u32 $0xFFFF0000, v19;
	v19 =	vmov s18;
	v21 =	vmul.f32 v62, v17;
	_ =	sdelay $0x1  }
0x46c: {  	s8 =	simm.s32 $0x2;
	v17 =	vmul.f32 v63, v17;
	[tilespmem:v20+s2+$0x0] =	vst.idx.add.f32.msk $0xffff, v21  }
.LBB2_15:
0x46d: {  	p0 =	sne.s32 s8, $0x7  }
0x46e: {  	[tilespmem:v18+s2+$0x0] =	vst.idx.add.f32.msk $0xffff, v17;
	s7 =	sadd.s32 $0x80, s7;
	s18 =	smov.u32 s8;
	s8 =	sadd.s32 $0x1, s8  }
0x46f: {  	v18 =	vld.idx.msk [tilespmem:v19+s12+$0x0], $0xffff;
	_ =	sdelay $0x1  }
0x470: {  	v20 =	vld [tilespmem:s7+$0xFFFFFFC0]  }
0x471: {  	v17 =	vld.idx.msk [tilespmem:v19+s11+$0x0], $0xffff;
	_ =	sdelay $0x2  }
0x472: {  	v19 =	vadd.s32 v1, v18  }
0x473: {  	v22 =	vadd.s32 v2, v18;
	v21 =	vshll.u32 v20, $0x10;
	v20 =	vand.u32 $0xFFFF0000, v20;
	_ =	sdelay $0x1  }
0x474: {  	v21 =	vmul.f32 v21, v17;
	v20 =	vmul.f32 v20, v17;
	_ =	sdelay $0x1  }
0x475: {  	[tilespmem:v19+s2+$0x0] =	vst.idx.add.f32.msk $0xffff, v21  }
0x476: {  	[tilespmem:v22+s2+$0x0] =	vst.idx.add.f32.msk $0xffff, v20  }
0x477: {  	v19 =	vld [tilespmem:s7+$0xFFFFFFD0];
	_ =	sdelay $0x2  }
0x478: {  	v20 =	vadd.s32 v3, v18  }
0x479: {  	v21 =	vadd.s32 v4, v18  }
0x47a: {  	v22 =	vshll.u32 v19, $0x10;
	v19 =	vand.u32 $0xFFFF0000, v19  }
0x47b: {  	v22 =	vmul.f32 v22, v17  }
0x47c: {  	v19 =	vmul.f32 v19, v17  }
0x47d: {  	[tilespmem:v20+s2+$0x0] =	vst.idx.add.f32.msk $0xffff, v22  }
0x47e: {  	[tilespmem:v21+s2+$0x0] =	vst.idx.add.f32.msk $0xffff, v19  }
0x47f: {  	v19 =	vld [tilespmem:s7+$0xFFFFFFE0];
	_ =	sdelay $0x2  }
0x480: {  	v20 =	vadd.s32 v5, v18  }
0x481: {  	v21 =	vadd.s32 v6, v18  }
0x482: {  	v22 =	vshll.u32 v19, $0x10;
	v19 =	vand.u32 $0xFFFF0000, v19  }
0x483: {  	v22 =	vmul.f32 v22, v17  }
0x484: {  	v19 =	vmul.f32 v19, v17  }
0x485: {  	[tilespmem:v20+s2+$0x0] =	vst.idx.add.f32.msk $0xffff, v22  }
0x486: {  	[tilespmem:v21+s2+$0x0] =	vst.idx.add.f32.msk $0xffff, v19  }
0x487: {  	v19 =	vld [tilespmem:s7+$0xFFFFFFF0];
	_ =	sdelay $0x2  }
0x488: {  	v20 =	vadd.s32 v7, v18  }
0x489: {  	v21 =	vadd.s32 v8, v18  }
0x48a: {  	v22 =	vshll.u32 v19, $0x10;
	v19 =	vand.u32 $0xFFFF0000, v19  }
0x48b: {  	v22 =	vmul.f32 v22, v17  }
0x48c: {  	v19 =	vmul.f32 v19, v17  }
0x48d: {  	[tilespmem:v20+s2+$0x0] =	vst.idx.add.f32.msk $0xffff, v22  }
0x48e: {  	[tilespmem:v21+s2+$0x0] =	vst.idx.add.f32.msk $0xffff, v19  }
0x48f: {  	v19 =	vld [tilespmem:s7+$0x0];
	_ =	sdelay $0x2  }
0x490: {  	v20 =	vadd.s32 v9, v18  }
0x491: {  	v21 =	vadd.s32 v10, v18  }
0x492: {  	v22 =	vshll.u32 v19, $0x10;
	v19 =	vand.u32 $0xFFFF0000, v19  }
0x493: {  	v22 =	vmul.f32 v22, v17  }
0x494: {  	v19 =	vmul.f32 v19, v17  }
0x495: {  	[tilespmem:v20+s2+$0x0] =	vst.idx.add.f32.msk $0xffff, v22  }
0x496: {  	[tilespmem:v21+s2+$0x0] =	vst.idx.add.f32.msk $0xffff, v19  }
0x497: {  	v19 =	vld [tilespmem:s7+$0x10];
	_ =	sdelay $0x2  }
0x498: {  	v20 =	vadd.s32 v11, v18  }
0x499: {  	v21 =	vadd.s32 v12, v18  }
0x49a: {  	v22 =	vshll.u32 v19, $0x10;
	v19 =	vand.u32 $0xFFFF0000, v19  }
0x49b: {  	v22 =	vmul.f32 v22, v17  }
0x49c: {  	v19 =	vmul.f32 v19, v17  }
0x49d: {  	[tilespmem:v20+s2+$0x0] =	vst.idx.add.f32.msk $0xffff, v22  }
0x49e: {  	[tilespmem:v21+s2+$0x0] =	vst.idx.add.f32.msk $0xffff, v19  }
0x49f: {  	v19 =	vld [tilespmem:s7+$0x20];
	_ =	sdelay $0x2  }
0x4a0: {  	v20 =	vadd.s32 v13, v18  }
0x4a1: {  	v21 =	vadd.s32 v14, v18  }
0x4a2: {  	v22 =	vshll.u32 v19, $0x10;
	v19 =	vand.u32 $0xFFFF0000, v19  }
0x4a3: {  	v22 =	vmul.f32 v22, v17  }
0x4a4: {  	v19 =	vmul.f32 v19, v17  }
0x4a5: {  	[tilespmem:v20+s2+$0x0] =	vst.idx.add.f32.msk $0xffff, v22  }
0x4a6: {  	[tilespmem:v21+s2+$0x0] =	vst.idx.add.f32.msk $0xffff, v19  }
0x4a7: {  	v20 =	vld [tilespmem:s7+$0x30];
	_ =	sdelay $0x2  }
0x4a8: {  	v21 =	vadd.s32 v15, v18  }
.Ltmp6:
0x4a9: {  	s18 =	sadd.s32 s18, s9;
	v18 =	vadd.s32 v16, v18;
	(pc) =	sbr.rel @p0 .LBB2_15-.Ltmp6, $4  }
0x4aa: {  	v19 =	vmov s18;
	v22 =	vshll.u32 v20, $0x10;
	v20 =	vand.u32 $0xFFFF0000, v20  }
0x4ab: {  	v22 =	vmul.f32 v22, v17  }
0x4ac: {  	v17 =	vmul.f32 v20, v17  }
0x4ad: {  	[tilespmem:v21+s2+$0x0] =	vst.idx.add.f32.msk $0xffff, v22  }
0x4ae: {  	_ =	sdelay $0x3  }
0x4af: {  	[tilespmem:v18+s2+$0x0] =	vst.idx.add.f32.msk $0xffff, v17  }
0x4b0: {  	v17 =	vld.idx.msk [tilespmem:v19+s12+$0x0], $0xffff  }
0x4b1: {  	s7 =	sadd.s32 $0x80, s7  }
0x4b2: {  	v18 =	vld [tilespmem:s7+$0xFFFFFFC0]  }
0x4b3: {  	v19 =	vld.idx.msk [tilespmem:v19+s11+$0x0], $0xffff;
	_ =	sdelay $0x1  }
0x4b4: {  	v20 =	vadd.s32 v1, v17  }
0x4b5: {  	v21 =	vadd.s32 v2, v17  }
0x4b6: {  	v22 =	vshll.u32 v18, $0x10  }
0x4b7: {  	v18 =	vand.u32 $0xFFFF0000, v18;
	v22 =	vmul.f32 v22, v19  }
0x4b8: {  	v18 =	vmul.f32 v18, v19  }
0x4b9: {  	[tilespmem:v20+s2+$0x0] =	vst.idx.add.f32.msk $0xffff, v22  }
0x4ba: {  	[tilespmem:v21+s2+$0x0] =	vst.idx.add.f32.msk $0xffff, v18  }
0x4bb: {  	v18 =	vld [tilespmem:s7+$0xFFFFFFD0];
	_ =	sdelay $0x2  }
0x4bc: {  	v20 =	vadd.s32 v3, v17  }
0x4bd: {  	v35 =	vadd.s32 v4, v17  }
0x4be: {  	v36 =	vshll.u32 v18, $0x10  }
0x4bf: {  	v18 =	vand.u32 $0xFFFF0000, v18;
	v22 =	vmul.f32 v36, v19  }
0x4c0: {  	v18 =	vmul.f32 v18, v19  }
0x4c1: {  	[tilespmem:v20+s2+$0x0] =	vst.idx.add.f32.msk $0xffff, v22  }
0x4c2: {  	[tilespmem:v35+s2+$0x0] =	vst.idx.add.f32.msk $0xffff, v18  }
0x4c3: {  	v18 =	vld [tilespmem:s7+$0xFFFFFFE0];
	_ =	sdelay $0x2  }
0x4c4: {  	v20 =	vadd.s32 v5, v17  }
0x4c5: {  	v37 =	vadd.s32 v6, v17  }
0x4c6: {  	v38 =	vshll.u32 v18, $0x10  }
0x4c7: {  	v18 =	vand.u32 $0xFFFF0000, v18;
	v22 =	vmul.f32 v38, v19  }
0x4c8: {  	v18 =	vmul.f32 v18, v19  }
0x4c9: {  	[tilespmem:v20+s2+$0x0] =	vst.idx.add.f32.msk $0xffff, v22  }
0x4ca: {  	[tilespmem:v37+s2+$0x0] =	vst.idx.add.f32.msk $0xffff, v18  }
0x4cb: {  	v18 =	vld [tilespmem:s7+$0xFFFFFFF0];
	_ =	sdelay $0x2  }
0x4cc: {  	v20 =	vadd.s32 v7, v17  }
0x4cd: {  	v39 =	vadd.s32 v8, v17  }
0x4ce: {  	v40 =	vshll.u32 v18, $0x10  }
0x4cf: {  	v18 =	vand.u32 $0xFFFF0000, v18;
	v22 =	vmul.f32 v40, v19  }
0x4d0: {  	v18 =	vmul.f32 v18, v19  }
0x4d1: {  	[tilespmem:v20+s2+$0x0] =	vst.idx.add.f32.msk $0xffff, v22  }
0x4d2: {  	[tilespmem:v39+s2+$0x0] =	vst.idx.add.f32.msk $0xffff, v18  }
0x4d3: {  	v18 =	vld [tilespmem:s7+$0x0];
	_ =	sdelay $0x2  }
0x4d4: {  	v20 =	vadd.s32 v9, v17  }
0x4d5: {  	v41 =	vadd.s32 v10, v17  }
0x4d6: {  	v42 =	vshll.u32 v18, $0x10  }
0x4d7: {  	v18 =	vand.u32 $0xFFFF0000, v18;
	v22 =	vmul.f32 v42, v19  }
0x4d8: {  	v18 =	vmul.f32 v18, v19  }
0x4d9: {  	[tilespmem:v20+s2+$0x0] =	vst.idx.add.f32.msk $0xffff, v22  }
0x4da: {  	[tilespmem:v41+s2+$0x0] =	vst.idx.add.f32.msk $0xffff, v18  }
0x4db: {  	v18 =	vld [tilespmem:s7+$0x10];
	_ =	sdelay $0x2  }
0x4dc: {  	v20 =	vadd.s32 v11, v17  }
0x4dd: {  	v43 =	vadd.s32 v12, v17  }
0x4de: {  	v44 =	vshll.u32 v18, $0x10  }
0x4df: {  	v18 =	vand.u32 $0xFFFF0000, v18;
	v22 =	vmul.f32 v44, v19  }
0x4e0: {  	v18 =	vmul.f32 v18, v19  }
0x4e1: {  	[tilespmem:v20+s2+$0x0] =	vst.idx.add.f32.msk $0xffff, v22  }
0x4e2: {  	[tilespmem:v43+s2+$0x0] =	vst.idx.add.f32.msk $0xffff, v18  }
0x4e3: {  	v18 =	vld [tilespmem:s7+$0x20];
	_ =	sdelay $0x2  }
0x4e4: {  	v20 =	vadd.s32 v13, v17  }
0x4e5: {  	v45 =	vadd.s32 v14, v17  }
0x4e6: {  	v46 =	vshll.u32 v18, $0x10  }
0x4e7: {  	v18 =	vand.u32 $0xFFFF0000, v18;
	v22 =	vmul.f32 v46, v19  }
0x4e8: {  	v18 =	vmul.f32 v18, v19  }
0x4e9: {  	[tilespmem:v20+s2+$0x0] =	vst.idx.add.f32.msk $0xffff, v22  }
0x4ea: {  	[tilespmem:v45+s2+$0x0] =	vst.idx.add.f32.msk $0xffff, v18  }
0x4eb: {  	v18 =	vld [tilespmem:s7+$0x30];
	_ =	sdelay $0x2  }
0x4ec: {  	v20 =	vadd.s32 v15, v17  }
0x4ed: {  	v17 =	vadd.s32 v16, v17  }
0x4ee: {  	v47 =	vshll.u32 v18, $0x10  }
0x4ef: {  	v18 =	vand.u32 $0xFFFF0000, v18;
	v21 =	vmul.f32 v47, v19  }
0x4f0: {  	v18 =	vmul.f32 v18, v19  }
0x4f1: {  	s18 =	sadd.s32 $0x0, s4;
	[tilespmem:v20+s2+$0x0] =	vst.idx.add.f32.msk $0xffff, v21  }
0x4f2: {  	s8 =	sadd.s32 $0x11300, s6;
	[tilespmem:v17+s2+$0x0] =	vst.idx.add.f32.msk $0xffff, v18;
	v17 =	vmov s18  }
0x4f3: {  	[tilespmem:s23], [sflag:$0x6] =	stream.indirect.gather [hbm4b:s3+s10], $0x80, s8, s10, $0xb8;
	[tilespmem:$0x19100] =	vst v63  }
0x4f4: {  	_ =	swait.ge [sflag:s0], $0x400  }
0x4f5: {  	[sflag:s0] =	ssyncset.done $0x0  }
0x4f6: {  	[sflag:s0] =	ssyncadd.s32 $0xFFFFFC00  }
0x4f7: {  	v18 =	vld.idx.msk [tilespmem:v17+s12+$0x0], $0xffff  }
0x4f8: {  	s7 =	simm.s32 $0x18D40  }
0x4f9: {  	v19 =	vld [tilespmem:s7+$0xFFFFFFC0]  }
0x4fa: {  	v17 =	vld.idx.msk [tilespmem:v17+s11+$0x0], $0xffff;
	_ =	sdelay $0x1  }
0x4fb: {  	v20 =	vadd.s32 v1, v18  }
0x4fc: {  	v48 =	vadd.s32 v2, v18  }
0x4fd: {  	v49 =	vshll.u32 v19, $0x10  }
0x4fe: {  	v19 =	vand.u32 $0xFFFF0000, v19;
	v22 =	vmul.f32 v49, v17  }
0x4ff: {  	v19 =	vmul.f32 v19, v17  }
0x500: {  	[tilespmem:v20+s2+$0x0] =	vst.idx.add.f32.msk $0xffff, v22  }
0x501: {  	[tilespmem:v48+s2+$0x0] =	vst.idx.add.f32.msk $0xffff, v19  }
0x502: {  	v19 =	vld [tilespmem:s7+$0xFFFFFFD0];
	_ =	sdelay $0x2  }
0x503: {  	v20 =	vadd.s32 v3, v18  }
0x504: {  	v50 =	vadd.s32 v4, v18  }
0x505: {  	v51 =	vshll.u32 v19, $0x10  }
0x506: {  	v19 =	vand.u32 $0xFFFF0000, v19;
	v22 =	vmul.f32 v51, v17  }
0x507: {  	v19 =	vmul.f32 v19, v17  }
0x508: {  	[tilespmem:v20+s2+$0x0] =	vst.idx.add.f32.msk $0xffff, v22  }
0x509: {  	[tilespmem:v50+s2+$0x0] =	vst.idx.add.f32.msk $0xffff, v19  }
0x50a: {  	v19 =	vld [tilespmem:s7+$0xFFFFFFE0];
	_ =	sdelay $0x2  }
0x50b: {  	v20 =	vadd.s32 v5, v18  }
0x50c: {  	v52 =	vadd.s32 v6, v18  }
0x50d: {  	v53 =	vshll.u32 v19, $0x10  }
0x50e: {  	v19 =	vand.u32 $0xFFFF0000, v19;
	v22 =	vmul.f32 v53, v17  }
0x50f: {  	v19 =	vmul.f32 v19, v17  }
0x510: {  	[tilespmem:v20+s2+$0x0] =	vst.idx.add.f32.msk $0xffff, v22  }
0x511: {  	[tilespmem:v52+s2+$0x0] =	vst.idx.add.f32.msk $0xffff, v19  }
0x512: {  	v19 =	vld [tilespmem:s7+$0xFFFFFFF0];
	_ =	sdelay $0x2  }
0x513: {  	v20 =	vadd.s32 v7, v18  }
0x514: {  	v54 =	vadd.s32 v8, v18  }
0x515: {  	v55 =	vshll.u32 v19, $0x10  }
0x516: {  	v19 =	vand.u32 $0xFFFF0000, v19;
	v22 =	vmul.f32 v55, v17  }
0x517: {  	v19 =	vmul.f32 v19, v17  }
0x518: {  	[tilespmem:v20+s2+$0x0] =	vst.idx.add.f32.msk $0xffff, v22  }
0x519: {  	[tilespmem:v54+s2+$0x0] =	vst.idx.add.f32.msk $0xffff, v19  }
0x51a: {  	v19 =	vld [tilespmem:s7+$0x0];
	_ =	sdelay $0x2  }
0x51b: {  	v20 =	vadd.s32 v9, v18  }
0x51c: {  	v56 =	vadd.s32 v10, v18  }
0x51d: {  	v57 =	vshll.u32 v19, $0x10  }
0x51e: {  	v19 =	vand.u32 $0xFFFF0000, v19;
	v22 =	vmul.f32 v57, v17  }
0x51f: {  	v19 =	vmul.f32 v19, v17  }
0x520: {  	[tilespmem:v20+s2+$0x0] =	vst.idx.add.f32.msk $0xffff, v22  }
0x521: {  	[tilespmem:v56+s2+$0x0] =	vst.idx.add.f32.msk $0xffff, v19  }
0x522: {  	v19 =	vld [tilespmem:s7+$0x10];
	_ =	sdelay $0x2  }
0x523: {  	v20 =	vadd.s32 v11, v18  }
0x524: {  	v58 =	vadd.s32 v12, v18  }
0x525: {  	v59 =	vshll.u32 v19, $0x10  }
0x526: {  	v19 =	vand.u32 $0xFFFF0000, v19;
	v22 =	vmul.f32 v59, v17  }
0x527: {  	v19 =	vmul.f32 v19, v17  }
0x528: {  	[tilespmem:v20+s2+$0x0] =	vst.idx.add.f32.msk $0xffff, v22  }
0x529: {  	[tilespmem:v58+s2+$0x0] =	vst.idx.add.f32.msk $0xffff, v19  }
0x52a: {  	v19 =	vld [tilespmem:s7+$0x20];
	_ =	sdelay $0x2  }
0x52b: {  	v20 =	vadd.s32 v13, v18  }
0x52c: {  	v60 =	vadd.s32 v14, v18  }
0x52d: {  	v61 =	vshll.u32 v19, $0x10  }
0x52e: {  	v19 =	vand.u32 $0xFFFF0000, v19;
	v22 =	vmul.f32 v61, v17  }
0x52f: {  	v19 =	vmul.f32 v19, v17  }
0x530: {  	[tilespmem:v20+s2+$0x0] =	vst.idx.add.f32.msk $0xffff, v22  }
0x531: {  	[tilespmem:v60+s2+$0x0] =	vst.idx.add.f32.msk $0xffff, v19  }
0x532: {  	v19 =	vld [tilespmem:s7+$0x30];
	_ =	sdelay $0x2  }
0x533: {  	v20 =	vadd.s32 v15, v18;
	_ =	sdelay $0x1  }
0x534: {  	s18 =	sadd.s32 $0x1, s4;
	v18 =	vadd.s32 v16, v18;
	v62 =	vshll.u32 v19, $0x10  }
0x535: {  	v63 =	vand.u32 $0xFFFF0000, v19;
	v19 =	vmov s18;
	v21 =	vmul.f32 v62, v17;
	_ =	sdelay $0x1  }
0x536: {  	s8 =	simm.s32 $0x2;
	v17 =	vmul.f32 v63, v17;
	[tilespmem:v20+s2+$0x0] =	vst.idx.add.f32.msk $0xffff, v21  }
.LBB2_17:
0x537: {  	p0 =	sne.s32 s8, $0x7  }
0x538: {  	[tilespmem:v18+s2+$0x0] =	vst.idx.add.f32.msk $0xffff, v17;
	s7 =	sadd.s32 $0x80, s7;
	s18 =	smov.u32 s8;
	s8 =	sadd.s32 $0x1, s8  }
0x539: {  	v18 =	vld.idx.msk [tilespmem:v19+s12+$0x0], $0xffff;
	_ =	sdelay $0x1  }
0x53a: {  	v20 =	vld [tilespmem:s7+$0xFFFFFFC0]  }
0x53b: {  	v17 =	vld.idx.msk [tilespmem:v19+s11+$0x0], $0xffff;
	_ =	sdelay $0x2  }
0x53c: {  	v19 =	vadd.s32 v1, v18  }
0x53d: {  	v22 =	vadd.s32 v2, v18;
	v21 =	vshll.u32 v20, $0x10;
	v20 =	vand.u32 $0xFFFF0000, v20;
	_ =	sdelay $0x1  }
0x53e: {  	v21 =	vmul.f32 v21, v17;
	v20 =	vmul.f32 v20, v17;
	_ =	sdelay $0x1  }
0x53f: {  	[tilespmem:v19+s2+$0x0] =	vst.idx.add.f32.msk $0xffff, v21  }
0x540: {  	[tilespmem:v22+s2+$0x0] =	vst.idx.add.f32.msk $0xffff, v20  }
0x541: {  	v19 =	vld [tilespmem:s7+$0xFFFFFFD0];
	_ =	sdelay $0x2  }
0x542: {  	v20 =	vadd.s32 v3, v18  }
0x543: {  	v21 =	vadd.s32 v4, v18  }
0x544: {  	v22 =	vshll.u32 v19, $0x10;
	v19 =	vand.u32 $0xFFFF0000, v19  }
0x545: {  	v22 =	vmul.f32 v22, v17  }
0x546: {  	v19 =	vmul.f32 v19, v17  }
0x547: {  	[tilespmem:v20+s2+$0x0] =	vst.idx.add.f32.msk $0xffff, v22  }
0x548: {  	[tilespmem:v21+s2+$0x0] =	vst.idx.add.f32.msk $0xffff, v19  }
0x549: {  	v19 =	vld [tilespmem:s7+$0xFFFFFFE0];
	_ =	sdelay $0x2  }
0x54a: {  	v20 =	vadd.s32 v5, v18  }
0x54b: {  	v21 =	vadd.s32 v6, v18  }
0x54c: {  	v22 =	vshll.u32 v19, $0x10;
	v19 =	vand.u32 $0xFFFF0000, v19  }
0x54d: {  	v22 =	vmul.f32 v22, v17  }
0x54e: {  	v19 =	vmul.f32 v19, v17  }
0x54f: {  	[tilespmem:v20+s2+$0x0] =	vst.idx.add.f32.msk $0xffff, v22  }
0x550: {  	[tilespmem:v21+s2+$0x0] =	vst.idx.add.f32.msk $0xffff, v19  }
0x551: {  	v19 =	vld [tilespmem:s7+$0xFFFFFFF0];
	_ =	sdelay $0x2  }
0x552: {  	v20 =	vadd.s32 v7, v18  }
0x553: {  	v21 =	vadd.s32 v8, v18  }
0x554: {  	v22 =	vshll.u32 v19, $0x10;
	v19 =	vand.u32 $0xFFFF0000, v19  }
0x555: {  	v22 =	vmul.f32 v22, v17  }
0x556: {  	v19 =	vmul.f32 v19, v17  }
0x557: {  	[tilespmem:v20+s2+$0x0] =	vst.idx.add.f32.msk $0xffff, v22  }
0x558: {  	[tilespmem:v21+s2+$0x0] =	vst.idx.add.f32.msk $0xffff, v19  }
0x559: {  	v19 =	vld [tilespmem:s7+$0x0];
	_ =	sdelay $0x2  }
0x55a: {  	v20 =	vadd.s32 v9, v18  }
0x55b: {  	v21 =	vadd.s32 v10, v18  }
0x55c: {  	v22 =	vshll.u32 v19, $0x10;
	v19 =	vand.u32 $0xFFFF0000, v19  }
0x55d: {  	v22 =	vmul.f32 v22, v17  }
0x55e: {  	v19 =	vmul.f32 v19, v17  }
0x55f: {  	[tilespmem:v20+s2+$0x0] =	vst.idx.add.f32.msk $0xffff, v22  }
0x560: {  	[tilespmem:v21+s2+$0x0] =	vst.idx.add.f32.msk $0xffff, v19  }
0x561: {  	v19 =	vld [tilespmem:s7+$0x10];
	_ =	sdelay $0x2  }
0x562: {  	v20 =	vadd.s32 v11, v18  }
0x563: {  	v21 =	vadd.s32 v12, v18  }
0x564: {  	v22 =	vshll.u32 v19, $0x10;
	v19 =	vand.u32 $0xFFFF0000, v19  }
0x565: {  	v22 =	vmul.f32 v22, v17  }
0x566: {  	v19 =	vmul.f32 v19, v17  }
0x567: {  	[tilespmem:v20+s2+$0x0] =	vst.idx.add.f32.msk $0xffff, v22  }
0x568: {  	[tilespmem:v21+s2+$0x0] =	vst.idx.add.f32.msk $0xffff, v19  }
0x569: {  	v19 =	vld [tilespmem:s7+$0x20];
	_ =	sdelay $0x2  }
0x56a: {  	v20 =	vadd.s32 v13, v18  }
0x56b: {  	v21 =	vadd.s32 v14, v18  }
0x56c: {  	v22 =	vshll.u32 v19, $0x10;
	v19 =	vand.u32 $0xFFFF0000, v19  }
0x56d: {  	v22 =	vmul.f32 v22, v17  }
0x56e: {  	v19 =	vmul.f32 v19, v17  }
0x56f: {  	[tilespmem:v20+s2+$0x0] =	vst.idx.add.f32.msk $0xffff, v22  }
0x570: {  	[tilespmem:v21+s2+$0x0] =	vst.idx.add.f32.msk $0xffff, v19  }
0x571: {  	v20 =	vld [tilespmem:s7+$0x30];
	_ =	sdelay $0x2  }
0x572: {  	v21 =	vadd.s32 v15, v18  }
.Ltmp7:
0x573: {  	s18 =	sadd.s32 s18, s4;
	v18 =	vadd.s32 v16, v18;
	(pc) =	sbr.rel @p0 .LBB2_17-.Ltmp7, $4  }
0x574: {  	v19 =	vmov s18;
	v22 =	vshll.u32 v20, $0x10;
	v20 =	vand.u32 $0xFFFF0000, v20  }
0x575: {  	v22 =	vmul.f32 v22, v17  }
0x576: {  	v17 =	vmul.f32 v20, v17  }
0x577: {  	[tilespmem:v21+s2+$0x0] =	vst.idx.add.f32.msk $0xffff, v22  }
0x578: {  	_ =	sdelay $0x3  }
0x579: {  	[tilespmem:v18+s2+$0x0] =	vst.idx.add.f32.msk $0xffff, v17  }
0x57a: {  	v17 =	vld.idx.msk [tilespmem:v19+s12+$0x0], $0xffff  }
0x57b: {  	s7 =	sadd.s32 $0x80, s7  }
0x57c: {  	v18 =	vld [tilespmem:s7+$0xFFFFFFC0]  }
0x57d: {  	v19 =	vld.idx.msk [tilespmem:v19+s11+$0x0], $0xffff;
	_ =	sdelay $0x1  }
0x57e: {  	v20 =	vadd.s32 v1, v17  }
0x57f: {  	v21 =	vadd.s32 v2, v17  }
0x580: {  	v22 =	vshll.u32 v18, $0x10  }
0x581: {  	v18 =	vand.u32 $0xFFFF0000, v18;
	v22 =	vmul.f32 v22, v19  }
0x582: {  	v18 =	vmul.f32 v18, v19  }
0x583: {  	[tilespmem:v20+s2+$0x0] =	vst.idx.add.f32.msk $0xffff, v22  }
0x584: {  	[tilespmem:v21+s2+$0x0] =	vst.idx.add.f32.msk $0xffff, v18  }
0x585: {  	v18 =	vld [tilespmem:s7+$0xFFFFFFD0];
	_ =	sdelay $0x2  }
0x586: {  	v44 =	vadd.s32 v3, v17  }
0x587: {  	v45 =	vadd.s32 v4, v17  }
0x588: {  	v46 =	vshll.u32 v18, $0x10  }
0x589: {  	v18 =	vand.u32 $0xFFFF0000, v18;
	v22 =	vmul.f32 v46, v19  }
0x58a: {  	v18 =	vmul.f32 v18, v19  }
0x58b: {  	[tilespmem:v44+s2+$0x0] =	vst.idx.add.f32.msk $0xffff, v22  }
0x58c: {  	[tilespmem:v45+s2+$0x0] =	vst.idx.add.f32.msk $0xffff, v18  }
0x58d: {  	v18 =	vld [tilespmem:s7+$0xFFFFFFE0];
	_ =	sdelay $0x2  }
0x58e: {  	v47 =	vadd.s32 v5, v17  }
0x58f: {  	v48 =	vadd.s32 v6, v17  }
0x590: {  	v49 =	vshll.u32 v18, $0x10  }
0x591: {  	v18 =	vand.u32 $0xFFFF0000, v18;
	v22 =	vmul.f32 v49, v19  }
0x592: {  	v18 =	vmul.f32 v18, v19  }
0x593: {  	[tilespmem:v47+s2+$0x0] =	vst.idx.add.f32.msk $0xffff, v22  }
0x594: {  	[tilespmem:v48+s2+$0x0] =	vst.idx.add.f32.msk $0xffff, v18  }
0x595: {  	v18 =	vld [tilespmem:s7+$0xFFFFFFF0];
	_ =	sdelay $0x2  }
0x596: {  	v50 =	vadd.s32 v7, v17  }
0x597: {  	v51 =	vadd.s32 v8, v17  }
0x598: {  	v52 =	vshll.u32 v18, $0x10  }
0x599: {  	v18 =	vand.u32 $0xFFFF0000, v18;
	v22 =	vmul.f32 v52, v19  }
0x59a: {  	v18 =	vmul.f32 v18, v19  }
0x59b: {  	[tilespmem:v50+s2+$0x0] =	vst.idx.add.f32.msk $0xffff, v22  }
0x59c: {  	[tilespmem:v51+s2+$0x0] =	vst.idx.add.f32.msk $0xffff, v18  }
0x59d: {  	v18 =	vld [tilespmem:s7+$0x0];
	_ =	sdelay $0x2  }
0x59e: {  	v53 =	vadd.s32 v9, v17  }
0x59f: {  	v54 =	vadd.s32 v10, v17  }
0x5a0: {  	v55 =	vshll.u32 v18, $0x10  }
0x5a1: {  	v18 =	vand.u32 $0xFFFF0000, v18;
	v22 =	vmul.f32 v55, v19  }
0x5a2: {  	v18 =	vmul.f32 v18, v19  }
0x5a3: {  	[tilespmem:v53+s2+$0x0] =	vst.idx.add.f32.msk $0xffff, v22  }
0x5a4: {  	[tilespmem:v54+s2+$0x0] =	vst.idx.add.f32.msk $0xffff, v18  }
0x5a5: {  	v18 =	vld [tilespmem:s7+$0x10];
	_ =	sdelay $0x2  }
0x5a6: {  	v56 =	vadd.s32 v11, v17  }
0x5a7: {  	v57 =	vadd.s32 v12, v17  }
0x5a8: {  	v58 =	vshll.u32 v18, $0x10  }
0x5a9: {  	v18 =	vand.u32 $0xFFFF0000, v18;
	v22 =	vmul.f32 v58, v19  }
0x5aa: {  	v18 =	vmul.f32 v18, v19  }
0x5ab: {  	[tilespmem:v56+s2+$0x0] =	vst.idx.add.f32.msk $0xffff, v22  }
0x5ac: {  	[tilespmem:v57+s2+$0x0] =	vst.idx.add.f32.msk $0xffff, v18  }
0x5ad: {  	v18 =	vld [tilespmem:s7+$0x20];
	_ =	sdelay $0x2  }
0x5ae: {  	v59 =	vadd.s32 v13, v17  }
0x5af: {  	v60 =	vadd.s32 v14, v17  }
0x5b0: {  	v61 =	vshll.u32 v18, $0x10  }
0x5b1: {  	v18 =	vand.u32 $0xFFFF0000, v18;
	v22 =	vmul.f32 v61, v19  }
0x5b2: {  	v18 =	vmul.f32 v18, v19  }
0x5b3: {  	[tilespmem:v59+s2+$0x0] =	vst.idx.add.f32.msk $0xffff, v22  }
0x5b4: {  	[tilespmem:v60+s2+$0x0] =	vst.idx.add.f32.msk $0xffff, v18  }
0x5b5: {  	v18 =	vld [tilespmem:s7+$0x30];
	_ =	sdelay $0x2  }
0x5b6: {  	v62 =	vadd.s32 v15, v17  }
0x5b7: {  	s5 =	sadd.s32 $0x1, s5;
	v17 =	vadd.s32 v16, v17  }
0x5b8: {  	p0 =	sne.s32 s5, $0x1C;
	v63 =	vshll.u32 v18, $0x10  }
.Ltmp8:
0x5b9: {  	v18 =	vand.u32 $0xFFFF0000, v18;
	v21 =	vmul.f32 v63, v19;
	(pc) =	sbr.rel @p0 .LBB2_4-.Ltmp8, $4  }
0x5ba: {  	s6 =	sadd.s32 $0x11380, s6;
	s20 =	sadd.s32 $0x38, s20;
	v18 =	vmul.f32 v18, v19  }
0x5bb: {  	s22 =	sadd.s32 $0x38, s22;
	s24 =	sadd.s32 $0x38, s24;
	s14 =	sadd.s32 $0x38, s14;
	[tilespmem:v62+s2+$0x0] =	vst.idx.add.f32.msk $0xffff, v21  }
0x5bc: {  	s16 =	sadd.s32 $0x38, s16;
	s9 =	sadd.s32 $0x38, s9;
	s4 =	sadd.s32 $0x38, s4;
	[tilespmem:v17+s2+$0x0] =	vst.idx.add.f32.msk $0xffff, v18  }
0x5bd: {  	[tilespmem:s25], [sflag:$0x7] =	stream.indirect.gather [hbm4b:s3+s10], $0x80, s6, s10, $0xb8;
	[tilespmem:$0x19100] =	vst v63  }
0x5be: {  	_ =	swait.ge [sflag:s26], $0x400  }
0x5bf: {  	[sflag:s26] =	ssyncset.done $0x0  }
0x5c0: {  	[sflag:s26] =	ssyncadd.s32 $0xFFFFFC00  }
0x5c1: {  	_ =	swait.ge [sflag:s28], $0x400  }
0x5c2: {  	[sflag:s28] =	ssyncset.done $0x0  }
0x5c3: {  	[sflag:s28] =	ssyncadd.s32 $0xFFFFFC00  }
0x5c4: {  	_ =	swait.ge [sflag:s29], $0x400  }
0x5c5: {  	[sflag:s29] =	ssyncset.done $0x0  }
0x5c6: {  	[sflag:s29] =	ssyncadd.s32 $0xFFFFFC00  }
0x5c7: {  	_ =	swait.ge [sflag:s30], $0x400  }
0x5c8: {  	[sflag:s30] =	ssyncset.done $0x0  }
0x5c9: {  	[sflag:s30] =	ssyncadd.s32 $0xFFFFFC00  }
0x5ca: {  	_ =	swait.ge [sflag:s31], $0x400  }
0x5cb: {  	[sflag:s31] =	ssyncset.done $0x0  }
0x5cc: {  	[sflag:s31] =	ssyncadd.s32 $0xFFFFFC00  }
0x5cd: {  	_ =	swait.ge [sflag:s1], $0x400  }
0x5ce: {  	[sflag:s1] =	ssyncset.done $0x0  }
0x5cf: {  	[sflag:s1] =	ssyncadd.s32 $0xFFFFFC00  }
0x5d0: {  	_ =	swait.ge [sflag:s0], $0x400  }
0x5d1: {  	s5 =	simm.s32 $0x80;
	[sflag:s0] =	ssyncset.done $0x0  }
0x5d2: {  	s6 =	simm.s32 $0x400;
	s4 =	rddreg [dreg:$0x5];
	[sflag:s0] =	ssyncadd.s32 $0xFFFFFC00  }
0x5d3: {  	[hbm4b:s4+s5] =	stream.strided.scatter [tilespmem:s2], [sflag:$0x8], $0x10000, s6, s5, $0x38;
	[tilespmem:$0x19100] =	vst v63  }
0x5d4: {  	_ =	swait.ge [sflag:s10], $0x10000  }
0x5d5: {  	s22 =	rddreg [dreg:$0x7]  }
0x5d6: {  	s24 =	rddreg [dreg:$0x6];
	s5 =	sadd.s32 $0x1, s22  }
0x5d7: {  	p0 =	sne.s32 s5, s24  }
.Ltmp9:
0x5d8: {  	_ = 	snop;
	(pc) =	sbr.rel @p0 .LBB2_1-.Ltmp9, $3  }
0x5d9: {  	_ =	sdelay $0x1  }
0x5da: {  	[sflag:s10] =	ssyncset.done $0x0  }
0x5db: {  	[sflag:s10] =	ssyncadd.s32 $0xFFFF0000  }
0x5dc: {  	_ =	sfence.sel $0x180000  }
0x5dd: {  	[bflag:$0x0] =	sbarrier.arrive $0xFFFF  }
0x5de: {  	_ =	strace $0x9000004A  }
0x5df: {  	s0 =	stileid.u32;
	[bflag:$0x2] =	sbarrier.arrive $0xFFFF  }
0x5e0: {  	p0 =	sne.s32 s0, $0x0;
	s0 =	rddreg [dreg:$0x1]  }
0x5e1: {  	s0 =	sadd.s32 @!p0 $0x100000, s0  }
0x5e2: {  	[sflag:s0] =	ssyncadd.tile.s32 @!p0 $0x1;
	_ =	shalt  }
.Lfunc_end2:
_tile_overlayer_lowered:
.L_overlay_start_2:
0x5e3: {  	(tag) =	ssettag $0x2  }
0x5e4: {  	s0 =	rddreg [dreg:$0x0];
	s2 =	stileid.u32  }
0x5e5: {  	s1 =	rddreg [dreg:$0x1];
	p0 =	sne.s32 s2, $0x0  }
0x5e6: {  	s3 =	rddreg [dreg:$0x2];
	[bflag:$0x3] =	sbarrier.arrive $0xFFFF;
	s2 =	simm.s32 @!p0 $0x1C08  }
0x5e7: {  	[timem:s3], [sflag:s2] =	dma.local @!p0 [hbm:s0], s1  }
0x5e8: {  	s0 =	simm.s32 @!p0 $0x8  }
0x5e9: {  	_ =	swait.ge @!p0 [sflag:s0], s1  }
0x5ea: {  	s1 =	ssub.s32 @!p0 $0x0, s1;
	[sflag:s0] =	ssyncset.done @!p0 $0x0  }
0x5eb: {  	[sflag:s0] =	ssyncadd.s32 @!p0 s1  }
0x5ec: {  	[bflag:$0x3] =	sbarrier.arrive $0xFFFF  }
0x5ed: {  	_ =	shalt  }

</sc_bundles>
